<compile_context>
chip_gen: v7x
topology: tpu7x:2x2x1
jax: 0.10.2.dev20260603
libtpu: 0.0.44.dev20260713+nightly
codegen_flags: <defaults>
</compile_context>

<pallas_src>
import functools

import jax
import jax.numpy as jnp
from jax import lax
from jax.experimental import pallas as pl
from jax.experimental.pallas import tpu as pltpu
from jax.experimental.pallas import tpu_sc as plsc

N = 10000
E = 320000
DIM = 128
HDIM = 64
H = 8
HH = 4
HD = 16

C = 128
NCHUNKS = E // C
NCORES = 2
NSUB = 16
CPT = (NCHUNKS + NSUB - 1) // NSUB

_SC_PARAMS = pltpu.CompilerParams(
    use_tc_tiling_on_sc=False, needs_layout_passes=False)



_PROJ_BLK = 1000


def _proj_body(x_ref, wq, bq, wk, bk, wv, bv, q_out, k_out, v_out):
    xb = x_ref[...]
    dn = (((1,), (1,)), ((), ()))
    q = lax.dot_general(xb, wq[...], dn,
                        preferred_element_type=jnp.float32) + bq[...]
    k = lax.dot_general(xb, wk[...], dn,
                        preferred_element_type=jnp.float32) + bk[...]
    v = lax.dot_general(xb, wv[...], dn,
                        preferred_element_type=jnp.float32) + bv[...]
    q_out[...] = jnp.stack([q[:, :HDIM], q[:, HDIM:]])
    k_out[...] = jnp.stack([k[:, :HDIM], k[:, HDIM:]])
    v_out[...] = jnp.stack([v[:, :HDIM], v[:, HDIM:]])


def _project(x, Wq, bq, Wk, bk, Wv, bv):
    full = pl.BlockSpec((DIM, DIM), lambda i: (0, 0))
    brow = pl.BlockSpec((1, DIM), lambda i: (0, 0))
    blk = pl.BlockSpec((_PROJ_BLK, DIM), lambda i: (i, 0))
    sblk = pl.BlockSpec((NCORES, _PROJ_BLK, HDIM), lambda i: (0, i, 0))
    ssds = jax.ShapeDtypeStruct((NCORES, N, HDIM), jnp.float32)
    return pl.pallas_call(
        _proj_body,
        grid=(N // _PROJ_BLK,),
        in_specs=[blk, full, brow, full, brow, full, brow],
        out_specs=[sblk] * 3,
        out_shape=[ssds] * 3,
    )(x, Wq, bq.reshape(1, DIM), Wk, bk.reshape(1, DIM), Wv, bv.reshape(1, DIM))



def _scores_body(ktab_hbm, qtab_hbm, ei_hbm, zero4_hbm,
                 score_hbm, sum_hbm,
                 ei_a, ei_b, kr_a, kr_b, qr_a, qr_b, scores_v, sum_acc,
                 sem):
    cid = lax.axis_index("c")
    sid = lax.axis_index("s")

    EI = (ei_a, ei_b)
    KR = (kr_a, kr_b)
    QR = (qr_a, qr_b)

    @pl.when(sid == 0)
    def _zero():
        pltpu.sync_copy(zero4_hbm, sum_acc)

    plsc.subcore_barrier()

    lanes = lax.iota(jnp.int32, HD)

    def load_idx(chunk, p):
        pltpu.sync_copy(ei_hbm.at[:, pl.ds(chunk * C, C)], EI[p])

    def issue_gathers(p):
        dk = pltpu.async_copy(ktab_hbm.at[cid].at[EI[p].at[0]], KR[p], sem)
        dq = pltpu.async_copy(qtab_hbm.at[cid].at[EI[p].at[1]], QR[p], sem)
        return dk, dq

    row_off = lanes >> 2
    col_idx = lanes & (HH - 1)
    lane_masks = [lanes == j for j in range(HD)]

    def compute(p):
        krows, qrows = KR[p], QR[p]

        def quad_body(qd, c2):
            e0 = qd * 4
            res = jnp.zeros((HD,), jnp.float32)
            for ej in range(4):
                for h in range(HH):
                    kv = krows[e0 + ej, pl.ds(h * HD, HD)]
                    qv = qrows[e0 + ej, pl.ds(h * HD, HD)]
                    tot = jnp.sum(kv * qv)
                    res = jnp.where(lane_masks[ej * HH + h],
                                    jnp.full((HD,), tot, jnp.float32),
                                    res)
            plsc.store_scatter(scores_v.at[pl.ds(e0, 4)],
                               [row_off, col_idx], res)
            return c2

        lax.fori_loop(0, C // 4, quad_body, 0)

    def do_writes(chunk, p):
        base = chunk * C
        pltpu.sync_copy(scores_v, score_hbm.at[cid, pl.ds(base, C)])
        pltpu.sync_copy(scores_v, sum_acc.at[EI[p].at[1]], add=True)

    load_idx(sid, 0)
    dk0, dq0 = issue_gathers(0)
    dk0.wait()
    dq0.wait()

    def dbl_body(i2, carry):
        for p in (0, 1):
            i = i2 * 2 + p
            cur = i * NSUB + sid
            nxt = cur + NSUB

            @pl.when(nxt < NCHUNKS)
            def _steady(p=p, cur=cur, nxt=nxt):
                load_idx(nxt, 1 - p)
                dk, dq = issue_gathers(1 - p)
                compute(p)
                do_writes(cur, p)
                dk.wait()
                dq.wait()

            @pl.when((cur < NCHUNKS) & (nxt >= NCHUNKS))
            def _tail(p=p, cur=cur):
                compute(p)
                do_writes(cur, p)
        return carry

    lax.fori_loop(0, (CPT + 1) // 2, dbl_body, 0)

    plsc.subcore_barrier()

    @pl.when(sid == 0)
    def _out():
        pltpu.sync_copy(sum_acc, sum_hbm.at[cid])


def _scores_call_build(mesh):
    return pl.kernel(
    _scores_body,
    out_type=(jax.ShapeDtypeStruct((NCORES, E, HH), jnp.float32),
              jax.ShapeDtypeStruct((NCORES, N, HH), jnp.float32)),
    mesh=mesh,
    compiler_params=_SC_PARAMS,
    scratch_types=[
        pltpu.VMEM((2, C), jnp.int32),
        pltpu.VMEM((2, C), jnp.int32),
        pltpu.VMEM((C, HDIM), jnp.float32),
        pltpu.VMEM((C, HDIM), jnp.float32),
        pltpu.VMEM((C, HDIM), jnp.float32),
        pltpu.VMEM((C, HDIM), jnp.float32),
        pltpu.VMEM((C, HH), jnp.float32),
        pltpu.VMEM_SHARED((N, HH), jnp.float32),
        pltpu.SemaphoreType.DMA,
    ],
    )



def _inv_body(p_ref, inv_ref):
    inv_ref[...] = 1.0 / p_ref[...]


def _inv_sum(sums):
    return pl.pallas_call(
        _inv_body,
        out_shape=jax.ShapeDtypeStruct((NCORES, N, HH), jnp.float32),
    )(sums)



def _agg_body(vtab_hbm, ei_hbm, score_hbm, inv_hbm, zero64_hbm,
              outpart_hbm,
              ei_a, ei_b, vr_a, vr_b, sc_a, sc_b, inv_t, out_acc,
              sem):
    cid = lax.axis_index("c")
    sid = lax.axis_index("s")

    EI = (ei_a, ei_b)
    VR = (vr_a, vr_b)
    SCV = (sc_a, sc_b)

    @pl.when(sid == 0)
    def _zero():
        pltpu.sync_copy(zero64_hbm, out_acc)

    pltpu.sync_copy(inv_hbm.at[cid], inv_t)
    plsc.subcore_barrier()

    lanes = lax.iota(jnp.int32, HD)
    row_off = lanes >> 2
    col_idx = lanes & (HH - 1)

    def load_idx(chunk, p):
        pltpu.sync_copy(ei_hbm.at[:, pl.ds(chunk * C, C)], EI[p])

    def issue_gathers(chunk, p):
        dv = pltpu.async_copy(vtab_hbm.at[cid].at[EI[p].at[0]], VR[p], sem)
        dscore = pltpu.async_copy(score_hbm.at[cid, pl.ds(chunk * C, C)],
                                  SCV[p], sem)
        return dv, dscore

    def compute(p):
        vrows, scores_v = VR[p], SCV[p]
        ei = EI[p]

        def group_body(g, c2):
            dvec = ei[1, pl.ds(g * HD, HD)]
            for jq in range(HD // 4):
                e0 = g * HD + 4 * jq
                rowi = jnp.zeros((HD,), jnp.int32)
                for ej in range(4):
                    mask = (lanes >= ej * HH) & (lanes < (ej + 1) * HH)
                    rowi = jnp.where(
                        mask,
                        jnp.full((HD,), dvec[4 * jq + ej], jnp.int32),
                        rowi)
                rowv = jnp.full((HD,), e0, jnp.int32) + row_off
                sv = plsc.load_gather(scores_v, [rowv, col_idx])
                iv = plsc.load_gather(inv_t, [rowi, col_idx])
                w = sv * iv
                for ej in range(4):
                    for h in range(HH):
                        ws = jnp.full((HD,), w[ej * HH + h], jnp.float32)
                        vrows[e0 + ej, pl.ds(h * HD, HD)] = (
                            vrows[e0 + ej, pl.ds(h * HD, HD)] * ws)
            return c2

        lax.fori_loop(0, C // HD, group_body, 0)

    def do_writes(p):
        pltpu.sync_copy(VR[p], out_acc.at[EI[p].at[1]], add=True)

    def chunk_body(i, carry):
        cur = i * NSUB + sid

        @pl.when(cur < NCHUNKS)
        def _():
            load_idx(cur, 0)
            dv, dscore = issue_gathers(cur, 0)
            dv.wait()
            dscore.wait()
            compute(0)
            do_writes(0)

        return carry

    lax.fori_loop(0, CPT, chunk_body, 0)

    plsc.subcore_barrier()

    @pl.when(sid == 0)
    def _out():
        pltpu.sync_copy(out_acc, outpart_hbm.at[cid])


def _agg_call_build(mesh):
    return pl.kernel(
    _agg_body,
    out_type=jax.ShapeDtypeStruct((NCORES, N, HDIM), jnp.float32),
    mesh=mesh,
    compiler_params=_SC_PARAMS,
    scratch_types=[
        pltpu.VMEM((2, C), jnp.int32),
        pltpu.VMEM((2, C), jnp.int32),
        pltpu.VMEM((C, HDIM), jnp.float32),
        pltpu.VMEM((C, HDIM), jnp.float32),
        pltpu.VMEM((C, HH), jnp.float32),
        pltpu.VMEM((C, HH), jnp.float32),
        pltpu.VMEM((N, HH), jnp.float32),
        pltpu.VMEM_SHARED((N, HDIM), jnp.float32),
        pltpu.SemaphoreType.DMA,
    ],
    )



def _comb_body(p_ref, o_ref):
    o_ref[...] = jnp.concatenate([p_ref[0], p_ref[1]], axis=1)


def _combine(outpart):
    return pl.pallas_call(
        _comb_body,
        out_shape=jax.ShapeDtypeStruct((N, DIM), jnp.float32),
    )(outpart)


@functools.lru_cache(maxsize=None)
def _sc_calls():
    mesh = plsc.VectorSubcoreMesh(
        core_axis_name="c", subcore_axis_name="s",
        num_cores=NCORES, num_subcores=NSUB)
    return _scores_call_build(mesh), _agg_call_build(mesh)


def kernel(x, edge_index, Wq, bq, Wk, bk, Wv, bv):
    _scores_call, _agg_call = _sc_calls()
    qtab, ktab, vtab = _project(x, Wq, bq, Wk, bk, Wv, bv)
    zeros4 = jnp.zeros((N, HH), jnp.float32)
    zeros64 = jnp.zeros((N, HDIM), jnp.float32)
    score, sums = _scores_call(ktab, qtab, edge_index, zeros4)
    inv = _inv_sum(sums)
    outpart = _agg_call(vtab, edge_index, score, inv, zeros64)
    return _combine(outpart)

# --- scband reference (transcript-rebuilt; emitter-appended) ---
"""Pipeline reference for scband-self-attention-model-52097953300852 (READ-ONLY COPY).

The authoritative reference and input builder live on the scoring server;
editing this copy changes nothing except your own understanding.
"""

import jax, jax.numpy as jnp
import numpy as np

N = 10000
E = 320000
IN_DIM = 128
OUT_DIM = 128
NUM_HEADS = 8
HEAD_DIM = OUT_DIM // NUM_HEADS


def setup_inputs(seed: int = 0) -> dict:
    key = jax.random.key(seed)
    ks = jax.random.split(key, 8)
    x = jax.random.normal(ks[0], (N, IN_DIM), dtype=jnp.float32)
    edge_index = jax.random.randint(ks[1], (2, E), 0, N, dtype=jnp.int32)
    s = 1.0 / np.sqrt(IN_DIM)
    Wq = jax.random.uniform(ks[2], (OUT_DIM, IN_DIM), dtype=jnp.float32, minval=-s, maxval=s)
    bq = jax.random.uniform(ks[3], (OUT_DIM,), dtype=jnp.float32, minval=-s, maxval=s)
    Wk = jax.random.uniform(ks[4], (OUT_DIM, IN_DIM), dtype=jnp.float32, minval=-s, maxval=s)
    bk = jax.random.uniform(ks[5], (OUT_DIM,), dtype=jnp.float32, minval=-s, maxval=s)
    Wv = jax.random.uniform(ks[6], (OUT_DIM, IN_DIM), dtype=jnp.float32, minval=-s, maxval=s)
    bv = jax.random.uniform(ks[7], (OUT_DIM,), dtype=jnp.float32, minval=-s, maxval=s)
    return {"x": x, "edge_index": edge_index, "Wq": Wq, "bq": bq, "Wk": Wk, "bk": bk, "Wv": Wv, "bv": bv}


def reference(x, edge_index, Wq, bq, Wk, bk, Wv, bv):
    # Linear projections
    Q = (x @ Wq.T + bq).reshape(-1, NUM_HEADS, HEAD_DIM)
    K = (x @ Wk.T + bk).reshape(-1, NUM_HEADS, HEAD_DIM)
    V = (x @ Wv.T + bv).reshape(-1, NUM_HEADS, HEAD_DIM)
    src = edge_index[0]
    dst = edge_index[1]
    # apply_edges v_dot_u: per-edge, per-head score = dot(K[src], Q[dst])
    score = jnp.sum(K[src] * Q[dst], axis=-1)  # [E, H]
    # recv sum over incoming edges per dst node
    score_sum = jax.ops.segment_sum(score, dst, num_segments=N)  # [N, H]
    # normalize edge scores by destination's score sum
    score_normalized = score / score_sum[dst]  # [E, H]
    # update_all u_mul_e + sum: weighted aggregation of source V into dst
    V_weighted_sum = jax.ops.segment_sum(V[src] * score_normalized[:, :, None], dst, num_segments=N)  # [N, H, D]
    return V_weighted_sum.reshape(-1, OUT_DIM)

if __name__ == "__main__":
    import jax
    _d = setup_inputs()
    print(jax.jit(kernel)(*tuple(_d.values())))

</pallas_src>

<mosaic_0001>
#map = affine_map<(d0, d1) -> (0, 0, 0)>
#map1 = affine_map<(d0, d1) -> (0, 0)>
module attributes {stable_mosaic.version = 14 : i64} {
  func.func @_scores_body(%arg0: i32, %arg1: i32, %arg2: memref<2x10000x64xf32, #tpu.memory_space<hbm>>, %arg3: memref<2x10000x64xf32, #tpu.memory_space<hbm>>, %arg4: memref<2x320000xi32, #tpu.memory_space<hbm>>, %arg5: memref<10000x4xf32, #tpu.memory_space<hbm>>, %arg6: memref<2x320000x4xf32, #tpu.memory_space<hbm>>, %arg7: memref<2x10000x4xf32, #tpu.memory_space<hbm>>, %arg8: memref<2x128xi32, #tpu.memory_space<vmem>>, %arg9: memref<2x128xi32, #tpu.memory_space<vmem>>, %arg10: memref<128x64xf32, #tpu.memory_space<vmem>>, %arg11: memref<128x64xf32, #tpu.memory_space<vmem>>, %arg12: memref<128x64xf32, #tpu.memory_space<vmem>>, %arg13: memref<128x64xf32, #tpu.memory_space<vmem>>, %arg14: memref<128x4xf32, #tpu.memory_space<vmem>>, %arg15: memref<10000x4xf32, #tpu.memory_space<vmem_shared>>, %arg16: memref<!tpu.dma_semaphore, #tpu.memory_space<semaphore_mem>>) attributes {dimension_semantics = [#tpu.dimension_semantics<core_parallel>, #tpu.dimension_semantics<subcore_parallel>], iteration_bounds = array<i64: 2, 16>, scalar_prefetch = 0 : i64, scratch_operands = 9 : i64, tpu.core_type = #tpu.core_type<sc_vector_subcore>, window_params = [{transform_indices = #map}, {transform_indices = #map}, {transform_indices = #map1}, {transform_indices = #map1}, {transform_indices = #map}, {transform_indices = #map}]} {
    %eq3A = arith.constant 0 : i32
    %eq3A_0 = arith.cmpi eq, %arg1, %eq3A : i32
    %convert_element_type3A = arith.extui %eq3A_0 : i1 to i32
    %cond3A = arith.constant 0 : i32
    %cond3A_1 = arith.cmpi ne, %convert_element_type3A, %cond3A : i32
    scf.if %cond3A_1 {
      "tpu.region"() ({
        %run_scoped3A = tpu.sem_alloc : memref<!tpu.dma_semaphore, #tpu.memory_space<semaphore_mem>>
        tpu.enqueue_dma source(%arg5 : memref<10000x4xf32, #tpu.memory_space<hbm>>) target(%arg15 : memref<10000x4xf32, #tpu.memory_space<vmem_shared>>) target_semaphore(%run_scoped3A : memref<!tpu.dma_semaphore, #tpu.memory_space<semaphore_mem>>)
        tpu.wait_dma2 semaphore(%run_scoped3A : memref<!tpu.dma_semaphore, #tpu.memory_space<semaphore_mem>>) src(%arg5 : memref<10000x4xf32, #tpu.memory_space<hbm>>) dst(%arg15 : memref<10000x4xf32, #tpu.memory_space<vmem_shared>>)
        tpu.yield
      }) : () -> ()
    } else {
    }
    %barrier3A = arith.constant 0 : index
    tpu.barrier barrier_id(%barrier3A)
    %iota3A = tpu.iota {dimensions = array<i32: 0>} : vector<16xi32>
    %shift_right_arithmetic3A = arith.constant 2 : i32
    %shift_right_arithmetic3A_2 = vector.broadcast %shift_right_arithmetic3A : i32 to vector<16xi32>
    %shift_right_arithmetic3A_3 = arith.shrsi %iota3A, %shift_right_arithmetic3A_2 : vector<16xi32>
    %and3A = arith.constant 3 : i32
    %and3A_4 = vector.broadcast %and3A : i32 to vector<16xi32>
    %and3A_5 = arith.andi %iota3A, %and3A_4 : vector<16xi32>
    %eq3A_6 = arith.constant 0 : i32
    %eq3A_7 = vector.broadcast %eq3A_6 : i32 to vector<16xi32>
    %eq3A_8 = arith.cmpi eq, %iota3A, %eq3A_7 : vector<16xi32>
    %eq3A_9 = arith.constant 1 : i32
    %eq3A_10 = vector.broadcast %eq3A_9 : i32 to vector<16xi32>
    %eq3A_11 = arith.cmpi eq, %iota3A, %eq3A_10 : vector<16xi32>
    %eq3A_12 = arith.constant 2 : i32
    %eq3A_13 = vector.broadcast %eq3A_12 : i32 to vector<16xi32>
    %eq3A_14 = arith.cmpi eq, %iota3A, %eq3A_13 : vector<16xi32>
    %eq3A_15 = arith.constant 3 : i32
    %eq3A_16 = vector.broadcast %eq3A_15 : i32 to vector<16xi32>
    %eq3A_17 = arith.cmpi eq, %iota3A, %eq3A_16 : vector<16xi32>
    %eq3A_18 = arith.constant 4 : i32
    %eq3A_19 = vector.broadcast %eq3A_18 : i32 to vector<16xi32>
    %eq3A_20 = arith.cmpi eq, %iota3A, %eq3A_19 : vector<16xi32>
    %eq3A_21 = arith.constant 5 : i32
    %eq3A_22 = vector.broadcast %eq3A_21 : i32 to vector<16xi32>
    %eq3A_23 = arith.cmpi eq, %iota3A, %eq3A_22 : vector<16xi32>
    %eq3A_24 = arith.constant 6 : i32
    %eq3A_25 = vector.broadcast %eq3A_24 : i32 to vector<16xi32>
    %eq3A_26 = arith.cmpi eq, %iota3A, %eq3A_25 : vector<16xi32>
    %eq3A_27 = arith.constant 7 : i32
    %eq3A_28 = vector.broadcast %eq3A_27 : i32 to vector<16xi32>
    %eq3A_29 = arith.cmpi eq, %iota3A, %eq3A_28 : vector<16xi32>
    %eq3A_30 = arith.constant 8 : i32
    %eq3A_31 = vector.broadcast %eq3A_30 : i32 to vector<16xi32>
    %eq3A_32 = arith.cmpi eq, %iota3A, %eq3A_31 : vector<16xi32>
    %eq3A_33 = arith.constant 9 : i32
    %eq3A_34 = vector.broadcast %eq3A_33 : i32 to vector<16xi32>
    %eq3A_35 = arith.cmpi eq, %iota3A, %eq3A_34 : vector<16xi32>
    %eq3A_36 = arith.constant 10 : i32
    %eq3A_37 = vector.broadcast %eq3A_36 : i32 to vector<16xi32>
    %eq3A_38 = arith.cmpi eq, %iota3A, %eq3A_37 : vector<16xi32>
    %eq3A_39 = arith.constant 11 : i32
    %eq3A_40 = vector.broadcast %eq3A_39 : i32 to vector<16xi32>
    %eq3A_41 = arith.cmpi eq, %iota3A, %eq3A_40 : vector<16xi32>
    %eq3A_42 = arith.constant 12 : i32
    %eq3A_43 = vector.broadcast %eq3A_42 : i32 to vector<16xi32>
    %eq3A_44 = arith.cmpi eq, %iota3A, %eq3A_43 : vector<16xi32>
    %eq3A_45 = arith.constant 13 : i32
    %eq3A_46 = vector.broadcast %eq3A_45 : i32 to vector<16xi32>
    %eq3A_47 = arith.cmpi eq, %iota3A, %eq3A_46 : vector<16xi32>
    %eq3A_48 = arith.constant 14 : i32
    %eq3A_49 = vector.broadcast %eq3A_48 : i32 to vector<16xi32>
    %eq3A_50 = arith.cmpi eq, %iota3A, %eq3A_49 : vector<16xi32>
    %eq3A_51 = arith.constant 15 : i32
    %eq3A_52 = vector.broadcast %eq3A_51 : i32 to vector<16xi32>
    %eq3A_53 = arith.cmpi eq, %iota3A, %eq3A_52 : vector<16xi32>
    %mul3A = arith.constant 128 : i32
    %mul3A_54 = arith.muli %arg1, %mul3A : i32
    "tpu.region"() ({
      %run_scoped3A = tpu.sem_alloc : memref<!tpu.dma_semaphore, #tpu.memory_space<semaphore_mem>>
      %dma_start3A_108 = arith.constant 0 : i32
      %dma_start3A_109 = tpu.memref_slice %arg4[%dma_start3A_108, %mul3A_54] : memref<2x320000xi32, #tpu.memory_space<hbm>> -> memref<2x128xi32, #tpu.memory_space<hbm>>
      %dma_start3A_110 = arith.constant 0 : i32
      %dma_start3A_111 = tpu.memref_slice %arg4[%dma_start3A_110, %mul3A_54] : memref<2x320000xi32, #tpu.memory_space<hbm>> -> memref<2x128xi32, #tpu.memory_space<hbm>>
      tpu.enqueue_dma source(%dma_start3A_111 : memref<2x128xi32, #tpu.memory_space<hbm>>) target(%arg8 : memref<2x128xi32, #tpu.memory_space<vmem>>) target_semaphore(%run_scoped3A : memref<!tpu.dma_semaphore, #tpu.memory_space<semaphore_mem>>)
      %dma_wait3A_112 = arith.constant 0 : i32
      %dma_wait3A_113 = tpu.memref_slice %arg4[%dma_wait3A_112, %mul3A_54] : memref<2x320000xi32, #tpu.memory_space<hbm>> -> memref<2x128xi32, #tpu.memory_space<hbm>>
      %dma_wait3A_114 = arith.constant 0 : i32
      %dma_wait3A_115 = tpu.memref_slice %arg4[%dma_wait3A_114, %mul3A_54] : memref<2x320000xi32, #tpu.memory_space<hbm>> -> memref<2x128xi32, #tpu.memory_space<hbm>>
      tpu.wait_dma2 semaphore(%run_scoped3A : memref<!tpu.dma_semaphore, #tpu.memory_space<semaphore_mem>>) src(%dma_wait3A_115 : memref<2x128xi32, #tpu.memory_space<hbm>>) dst(%arg8 : memref<2x128xi32, #tpu.memory_space<vmem>>)
      tpu.yield
    }) : () -> ()
    %dma_start3A = arith.constant 0 : i32
    %dma_start3A_55 = arith.constant 0 : i32
    %dma_start3A_56 = tpu.memref_slice %arg8[%dma_start3A, %dma_start3A_55] : memref<2x128xi32, #tpu.memory_space<vmem>> -> memref<1x128xi32, #tpu.memory_space<vmem>>
    %dma_start3A_57 = tpu.memref_squeeze %dma_start3A_56 : memref<1x128xi32, #tpu.memory_space<vmem>> -> memref<128xi32, #tpu.memory_space<vmem>>
    %dma_start3A_58 = arith.constant 0 : i32
    %dma_start3A_59 = arith.constant 0 : i32
    %dma_start3A_60 = tpu.memref_slice %arg2[%arg0, %dma_start3A_58, %dma_start3A_59] : memref<2x10000x64xf32, #tpu.memory_space<hbm>> -> memref<1x10000x64xf32, #tpu.memory_space<hbm>>
    %dma_start3A_61 = tpu.memref_squeeze %dma_start3A_60 : memref<1x10000x64xf32, #tpu.memory_space<hbm>> -> memref<10000x64xf32, #tpu.memory_space<hbm>>
    %dma_start3A_62 = arith.constant 0 : i32
    %dma_start3A_63 = arith.constant 0 : i32
    %dma_start3A_64 = tpu.memref_slice %dma_start3A_61[%dma_start3A_62, %dma_start3A_63] : memref<10000x64xf32, #tpu.memory_space<hbm>> -> memref<10000x64xf32, #tpu.memory_space<hbm>>
    tpu.enqueue_indirect_dma source(%dma_start3A_64 : memref<10000x64xf32, #tpu.memory_space<hbm>>) target(%arg10 : memref<128x64xf32, #tpu.memory_space<vmem>>) offsets(%dma_start3A_57 : memref<128xi32, #tpu.memory_space<vmem>>) semaphore(%arg16 : memref<!tpu.dma_semaphore, #tpu.memory_space<semaphore_mem>>)
    %dma_start3A_65 = arith.constant 1 : i32
    %dma_start3A_66 = arith.constant 0 : i32
    %dma_start3A_67 = tpu.memref_slice %arg8[%dma_start3A_65, %dma_start3A_66] : memref<2x128xi32, #tpu.memory_space<vmem>> -> memref<1x128xi32, #tpu.memory_space<vmem>>
    %dma_start3A_68 = tpu.memref_squeeze %dma_start3A_67 : memref<1x128xi32, #tpu.memory_space<vmem>> -> memref<128xi32, #tpu.memory_space<vmem>>
    %dma_start3A_69 = arith.constant 0 : i32
    %dma_start3A_70 = arith.constant 0 : i32
    %dma_start3A_71 = tpu.memref_slice %arg3[%arg0, %dma_start3A_69, %dma_start3A_70] : memref<2x10000x64xf32, #tpu.memory_space<hbm>> -> memref<1x10000x64xf32, #tpu.memory_space<hbm>>
    %dma_start3A_72 = tpu.memref_squeeze %dma_start3A_71 : memref<1x10000x64xf32, #tpu.memory_space<hbm>> -> memref<10000x64xf32, #tpu.memory_space<hbm>>
    %dma_start3A_73 = arith.constant 0 : i32
    %dma_start3A_74 = arith.constant 0 : i32
    %dma_start3A_75 = tpu.memref_slice %dma_start3A_72[%dma_start3A_73, %dma_start3A_74] : memref<10000x64xf32, #tpu.memory_space<hbm>> -> memref<10000x64xf32, #tpu.memory_space<hbm>>
    tpu.enqueue_indirect_dma source(%dma_start3A_75 : memref<10000x64xf32, #tpu.memory_space<hbm>>) target(%arg12 : memref<128x64xf32, #tpu.memory_space<vmem>>) offsets(%dma_start3A_68 : memref<128xi32, #tpu.memory_space<vmem>>) semaphore(%arg16 : memref<!tpu.dma_semaphore, #tpu.memory_space<semaphore_mem>>)
    %dma_wait3A = arith.constant 0 : i32
    %dma_wait3A_76 = arith.constant 0 : i32
    %dma_wait3A_77 = tpu.memref_slice %arg8[%dma_wait3A, %dma_wait3A_76] : memref<2x128xi32, #tpu.memory_space<vmem>> -> memref<1x128xi32, #tpu.memory_space<vmem>>
    %dma_wait3A_78 = tpu.memref_squeeze %dma_wait3A_77 : memref<1x128xi32, #tpu.memory_space<vmem>> -> memref<128xi32, #tpu.memory_space<vmem>>
    %dma_wait3A_79 = arith.constant 0 : i32
    %dma_wait3A_80 = arith.constant 0 : i32
    %dma_wait3A_81 = tpu.memref_slice %arg2[%arg0, %dma_wait3A_79, %dma_wait3A_80] : memref<2x10000x64xf32, #tpu.memory_space<hbm>> -> memref<1x10000x64xf32, #tpu.memory_space<hbm>>
    %dma_wait3A_82 = tpu.memref_squeeze %dma_wait3A_81 : memref<1x10000x64xf32, #tpu.memory_space<hbm>> -> memref<10000x64xf32, #tpu.memory_space<hbm>>
    %dma_wait3A_83 = arith.constant 0 : i32
    %dma_wait3A_84 = arith.constant 0 : i32
    %dma_wait3A_85 = tpu.memref_slice %dma_wait3A_82[%dma_wait3A_83, %dma_wait3A_84] : memref<10000x64xf32, #tpu.memory_space<hbm>> -> memref<10000x64xf32, #tpu.memory_space<hbm>>
    tpu.wait_indirect_dma semaphore(%arg16 : memref<!tpu.dma_semaphore, #tpu.memory_space<semaphore_mem>>) src(%dma_wait3A_85 : memref<10000x64xf32, #tpu.memory_space<hbm>>) dst(%arg10 : memref<128x64xf32, #tpu.memory_space<vmem>>)
    %dma_wait3A_86 = arith.constant 1 : i32
    %dma_wait3A_87 = arith.constant 0 : i32
    %dma_wait3A_88 = tpu.memref_slice %arg8[%dma_wait3A_86, %dma_wait3A_87] : memref<2x128xi32, #tpu.memory_space<vmem>> -> memref<1x128xi32, #tpu.memory_space<vmem>>
    %dma_wait3A_89 = tpu.memref_squeeze %dma_wait3A_88 : memref<1x128xi32, #tpu.memory_space<vmem>> -> memref<128xi32, #tpu.memory_space<vmem>>
    %dma_wait3A_90 = arith.constant 0 : i32
    %dma_wait3A_91 = arith.constant 0 : i32
    %dma_wait3A_92 = tpu.memref_slice %arg3[%arg0, %dma_wait3A_90, %dma_wait3A_91] : memref<2x10000x64xf32, #tpu.memory_space<hbm>> -> memref<1x10000x64xf32, #tpu.memory_space<hbm>>
    %dma_wait3A_93 = tpu.memref_squeeze %dma_wait3A_92 : memref<1x10000x64xf32, #tpu.memory_space<hbm>> -> memref<10000x64xf32, #tpu.memory_space<hbm>>
    %dma_wait3A_94 = arith.constant 0 : i32
    %dma_wait3A_95 = arith.constant 0 : i32
    %dma_wait3A_96 = tpu.memref_slice %dma_wait3A_93[%dma_wait3A_94, %dma_wait3A_95] : memref<10000x64xf32, #tpu.memory_space<hbm>> -> memref<10000x64xf32, #tpu.memory_space<hbm>>
    tpu.wait_indirect_dma semaphore(%arg16 : memref<!tpu.dma_semaphore, #tpu.memory_space<semaphore_mem>>) src(%dma_wait3A_96 : memref<10000x64xf32, #tpu.memory_space<hbm>>) dst(%arg12 : memref<128x64xf32, #tpu.memory_space<vmem>>)
    %scan3A = arith.constant 0 : i32
    %scan3A_97 = arith.constant 0 : i32
    %scan3A_98 = arith.constant 79 : i32
    %scan3A_99 = arith.addi %scan3A_97, %scan3A_98 : i32
    %scan3A_100 = arith.constant 1 : i32
    scf.for %scan3A_108 = %scan3A_97 to %scan3A_99 step %scan3A_100  : i32 {
      %mul3A_109 = arith.constant 2 : i32
      %mul3A_110 = arith.muli %scan3A_108, %mul3A_109 : i32
      %add3A = arith.constant 0 : i32
      %add3A_111 = arith.addi %mul3A_110, %add3A : i32
      %mul3A_112 = arith.constant 16 : i32
      %mul3A_113 = arith.muli %add3A_111, %mul3A_112 : i32
      %add3A_114 = arith.addi %mul3A_113, %arg1 : i32
      %add3A_115 = arith.constant 16 : i32
      %add3A_116 = arith.addi %add3A_114, %add3A_115 : i32
      %lt3A = arith.constant 2500 : i32
      %lt3A_117 = arith.cmpi slt, %add3A_116, %lt3A : i32
      %convert_element_type3A_118 = arith.extui %lt3A_117 : i1 to i32
      %cond3A_119 = arith.constant 0 : i32
      %cond3A_120 = arith.cmpi ne, %convert_element_type3A_118, %cond3A_119 : i32
      scf.if %cond3A_120 {
        %mul3A_150 = arith.constant 128 : i32
        %mul3A_151 = arith.muli %add3A_116, %mul3A_150 : i32
        "tpu.region"() ({
          %run_scoped3A_204 = tpu.sem_alloc : memref<!tpu.dma_semaphore, #tpu.memory_space<semaphore_mem>>
          %dma_start3A_205 = arith.constant 0 : i32
          %dma_start3A_206 = tpu.memref_slice %arg4[%dma_start3A_205, %mul3A_151] : memref<2x320000xi32, #tpu.memory_space<hbm>> -> memref<2x128xi32, #tpu.memory_space<hbm>>
          %dma_start3A_207 = arith.constant 0 : i32
          %dma_start3A_208 = tpu.memref_slice %arg4[%dma_start3A_207, %mul3A_151] : memref<2x320000xi32, #tpu.memory_space<hbm>> -> memref<2x128xi32, #tpu.memory_space<hbm>>
          tpu.enqueue_dma source(%dma_start3A_208 : memref<2x128xi32, #tpu.memory_space<hbm>>) target(%arg9 : memref<2x128xi32, #tpu.memory_space<vmem>>) target_semaphore(%run_scoped3A_204 : memref<!tpu.dma_semaphore, #tpu.memory_space<semaphore_mem>>)
          %dma_wait3A_209 = arith.constant 0 : i32
          %dma_wait3A_210 = tpu.memref_slice %arg4[%dma_wait3A_209, %mul3A_151] : memref<2x320000xi32, #tpu.memory_space<hbm>> -> memref<2x128xi32, #tpu.memory_space<hbm>>
          %dma_wait3A_211 = arith.constant 0 : i32
          %dma_wait3A_212 = tpu.memref_slice %arg4[%dma_wait3A_211, %mul3A_151] : memref<2x320000xi32, #tpu.memory_space<hbm>> -> memref<2x128xi32, #tpu.memory_space<hbm>>
          tpu.wait_dma2 semaphore(%run_scoped3A_204 : memref<!tpu.dma_semaphore, #tpu.memory_space<semaphore_mem>>) src(%dma_wait3A_212 : memref<2x128xi32, #tpu.memory_space<hbm>>) dst(%arg9 : memref<2x128xi32, #tpu.memory_space<vmem>>)
          tpu.yield
        }) : () -> ()
        %dma_start3A_152 = arith.constant 0 : i32
        %dma_start3A_153 = arith.constant 0 : i32
        %dma_start3A_154 = tpu.memref_slice %arg9[%dma_start3A_152, %dma_start3A_153] : memref<2x128xi32, #tpu.memory_space<vmem>> -> memref<1x128xi32, #tpu.memory_space<vmem>>
        %dma_start3A_155 = tpu.memref_squeeze %dma_start3A_154 : memref<1x128xi32, #tpu.memory_space<vmem>> -> memref<128xi32, #tpu.memory_space<vmem>>
        %dma_start3A_156 = arith.constant 0 : i32
        %dma_start3A_157 = arith.constant 0 : i32
        %dma_start3A_158 = tpu.memref_slice %arg2[%arg0, %dma_start3A_156, %dma_start3A_157] : memref<2x10000x64xf32, #tpu.memory_space<hbm>> -> memref<1x10000x64xf32, #tpu.memory_space<hbm>>
        %dma_start3A_159 = tpu.memref_squeeze %dma_start3A_158 : memref<1x10000x64xf32, #tpu.memory_space<hbm>> -> memref<10000x64xf32, #tpu.memory_space<hbm>>
        %dma_start3A_160 = arith.constant 0 : i32
        %dma_start3A_161 = arith.constant 0 : i32
        %dma_start3A_162 = tpu.memref_slice %dma_start3A_159[%dma_start3A_160, %dma_start3A_161] : memref<10000x64xf32, #tpu.memory_space<hbm>> -> memref<10000x64xf32, #tpu.memory_space<hbm>>
        tpu.enqueue_indirect_dma source(%dma_start3A_162 : memref<10000x64xf32, #tpu.memory_space<hbm>>) target(%arg11 : memref<128x64xf32, #tpu.memory_space<vmem>>) offsets(%dma_start3A_155 : memref<128xi32, #tpu.memory_space<vmem>>) semaphore(%arg16 : memref<!tpu.dma_semaphore, #tpu.memory_space<semaphore_mem>>)
        %dma_start3A_163 = arith.constant 1 : i32
        %dma_start3A_164 = arith.constant 0 : i32
        %dma_start3A_165 = tpu.memref_slice %arg9[%dma_start3A_163, %dma_start3A_164] : memref<2x128xi32, #tpu.memory_space<vmem>> -> memref<1x128xi32, #tpu.memory_space<vmem>>
        %dma_start3A_166 = tpu.memref_squeeze %dma_start3A_165 : memref<1x128xi32, #tpu.memory_space<vmem>> -> memref<128xi32, #tpu.memory_space<vmem>>
        %dma_start3A_167 = arith.constant 0 : i32
        %dma_start3A_168 = arith.constant 0 : i32
        %dma_start3A_169 = tpu.memref_slice %arg3[%arg0, %dma_start3A_167, %dma_start3A_168] : memref<2x10000x64xf32, #tpu.memory_space<hbm>> -> memref<1x10000x64xf32, #tpu.memory_space<hbm>>
        %dma_start3A_170 = tpu.memref_squeeze %dma_start3A_169 : memref<1x10000x64xf32, #tpu.memory_space<hbm>> -> memref<10000x64xf32, #tpu.memory_space<hbm>>
        %dma_start3A_171 = arith.constant 0 : i32
        %dma_start3A_172 = arith.constant 0 : i32
        %dma_start3A_173 = tpu.memref_slice %dma_start3A_170[%dma_start3A_171, %dma_start3A_172] : memref<10000x64xf32, #tpu.memory_space<hbm>> -> memref<10000x64xf32, #tpu.memory_space<hbm>>
        tpu.enqueue_indirect_dma source(%dma_start3A_173 : memref<10000x64xf32, #tpu.memory_space<hbm>>) target(%arg13 : memref<128x64xf32, #tpu.memory_space<vmem>>) offsets(%dma_start3A_166 : memref<128xi32, #tpu.memory_space<vmem>>) semaphore(%arg16 : memref<!tpu.dma_semaphore, #tpu.memory_space<semaphore_mem>>)
        %scan3A_174 = arith.constant 0 : i32
        %scan3A_175 = arith.constant 0 : i32
        %scan3A_176 = arith.constant 32 : i32
        %scan3A_177 = arith.addi %scan3A_175, %scan3A_176 : i32
        %scan3A_178 = arith.constant 1 : i32
        scf.for %scan3A_204 = %scan3A_175 to %scan3A_177 step %scan3A_178  : i32 {
          %mul3A_205 = arith.constant 4 : i32
          %mul3A_206 = arith.muli %scan3A_204, %mul3A_205 : i32
          %broadcast_in_dim3A = arith.constant 0.000000e+00 : f32
          %broadcast_in_dim3A_207 = vector.broadcast %broadcast_in_dim3A : f32 to vector<16xf32>
          %add3A_208 = arith.constant 0 : i32
          %add3A_209 = arith.addi %mul3A_206, %add3A_208 : i32
          %get3A = arith.index_cast %add3A_209 : i32 to index
          %get3A_210 = arith.constant 0 : index
          %get3A_211 = tpu.vector_load %arg10[%get3A, %get3A_210] {strides = array<i32>} : memref<128x64xf32, #tpu.memory_space<vmem>>, vector<16xf32>,
          %add3A_212 = arith.constant 0 : i32
          %add3A_213 = arith.addi %mul3A_206, %add3A_212 : i32
          %get3A_214 = arith.index_cast %add3A_213 : i32 to index
          %get3A_215 = arith.constant 0 : index
          %get3A_216 = tpu.vector_load %arg12[%get3A_214, %get3A_215] {strides = array<i32>} : memref<128x64xf32, #tpu.memory_space<vmem>>, vector<16xf32>,
          %mul3A_217 = arith.mulf %get3A_211, %get3A_216 : vector<16xf32>
          %reduce_sum3A = arith.constant true
          %reduce_sum3A_218 = vector.broadcast %reduce_sum3A : i1 to vector<16xi1>
          %reduce_sum3A_219 = tpu.scan <sum>, %mul3A_217 masked %reduce_sum3A_218 : vector<16xf32>, vector<16xi1> -> vector<16xf32>
          %reduce_sum3A_220 = vector.extract %reduce_sum3A_219[15] : f32 from vector<16xf32>
          %broadcast_in_dim3A_221 = vector.broadcast %reduce_sum3A_220 : f32 to vector<16xf32>
          %select_n3A = arith.select %eq3A_8, %broadcast_in_dim3A_221, %broadcast_in_dim3A_207 : vector<16xi1>, vector<16xf32>
          %add3A_222 = arith.constant 0 : i32
          %add3A_223 = arith.addi %mul3A_206, %add3A_222 : i32
          %get3A_224 = arith.index_cast %add3A_223 : i32 to index
          %get3A_225 = arith.constant 16 : index
          %get3A_226 = tpu.vector_load %arg10[%get3A_224, %get3A_225] {strides = array<i32>} : memref<128x64xf32, #tpu.memory_space<vmem>>, vector<16xf32>,
          %add3A_227 = arith.constant 0 : i32
          %add3A_228 = arith.addi %mul3A_206, %add3A_227 : i32
          %get3A_229 = arith.index_cast %add3A_228 : i32 to index
          %get3A_230 = arith.constant 16 : index
          %get3A_231 = tpu.vector_load %arg12[%get3A_229, %get3A_230] {strides = array<i32>} : memref<128x64xf32, #tpu.memory_space<vmem>>, vector<16xf32>,
          %mul3A_232 = arith.mulf %get3A_226, %get3A_231 : vector<16xf32>
          %reduce_sum3A_233 = arith.constant true
          %reduce_sum3A_234 = vector.broadcast %reduce_sum3A_233 : i1 to vector<16xi1>
          %reduce_sum3A_235 = tpu.scan <sum>, %mul3A_232 masked %reduce_sum3A_234 : vector<16xf32>, vector<16xi1> -> vector<16xf32>
          %reduce_sum3A_236 = vector.extract %reduce_sum3A_235[15] : f32 from vector<16xf32>
          %broadcast_in_dim3A_237 = vector.broadcast %reduce_sum3A_236 : f32 to vector<16xf32>
          %select_n3A_238 = arith.select %eq3A_11, %broadcast_in_dim3A_237, %select_n3A : vector<16xi1>, vector<16xf32>
          %add3A_239 = arith.constant 0 : i32
          %add3A_240 = arith.addi %mul3A_206, %add3A_239 : i32
          %get3A_241 = arith.index_cast %add3A_240 : i32 to index
          %get3A_242 = arith.constant 32 : index
          %get3A_243 = tpu.vector_load %arg10[%get3A_241, %get3A_242] {strides = array<i32>} : memref<128x64xf32, #tpu.memory_space<vmem>>, vector<16xf32>,
          %add3A_244 = arith.constant 0 : i32
          %add3A_245 = arith.addi %mul3A_206, %add3A_244 : i32
          %get3A_246 = arith.index_cast %add3A_245 : i32 to index
          %get3A_247 = arith.constant 32 : index
          %get3A_248 = tpu.vector_load %arg12[%get3A_246, %get3A_247] {strides = array<i32>} : memref<128x64xf32, #tpu.memory_space<vmem>>, vector<16xf32>,
          %mul3A_249 = arith.mulf %get3A_243, %get3A_248 : vector<16xf32>
          %reduce_sum3A_250 = arith.constant true
          %reduce_sum3A_251 = vector.broadcast %reduce_sum3A_250 : i1 to vector<16xi1>
          %reduce_sum3A_252 = tpu.scan <sum>, %mul3A_249 masked %reduce_sum3A_251 : vector<16xf32>, vector<16xi1> -> vector<16xf32>
          %reduce_sum3A_253 = vector.extract %reduce_sum3A_252[15] : f32 from vector<16xf32>
          %broadcast_in_dim3A_254 = vector.broadcast %reduce_sum3A_253 : f32 to vector<16xf32>
          %select_n3A_255 = arith.select %eq3A_14, %broadcast_in_dim3A_254, %select_n3A_238 : vector<16xi1>, vector<16xf32>
          %add3A_256 = arith.constant 0 : i32
          %add3A_257 = arith.addi %mul3A_206, %add3A_256 : i32
          %get3A_258 = arith.index_cast %add3A_257 : i32 to index
          %get3A_259 = arith.constant 48 : index
          %get3A_260 = tpu.vector_load %arg10[%get3A_258, %get3A_259] {strides = array<i32>} : memref<128x64xf32, #tpu.memory_space<vmem>>, vector<16xf32>,
          %add3A_261 = arith.constant 0 : i32
          %add3A_262 = arith.addi %mul3A_206, %add3A_261 : i32
          %get3A_263 = arith.index_cast %add3A_262 : i32 to index
          %get3A_264 = arith.constant 48 : index
          %get3A_265 = tpu.vector_load %arg12[%get3A_263, %get3A_264] {strides = array<i32>} : memref<128x64xf32, #tpu.memory_space<vmem>>, vector<16xf32>,
          %mul3A_266 = arith.mulf %get3A_260, %get3A_265 : vector<16xf32>
          %reduce_sum3A_267 = arith.constant true
          %reduce_sum3A_268 = vector.broadcast %reduce_sum3A_267 : i1 to vector<16xi1>
          %reduce_sum3A_269 = tpu.scan <sum>, %mul3A_266 masked %reduce_sum3A_268 : vector<16xf32>, vector<16xi1> -> vector<16xf32>
          %reduce_sum3A_270 = vector.extract %reduce_sum3A_269[15] : f32 from vector<16xf32>
          %broadcast_in_dim3A_271 = vector.broadcast %reduce_sum3A_270 : f32 to vector<16xf32>
          %select_n3A_272 = arith.select %eq3A_17, %broadcast_in_dim3A_271, %select_n3A_255 : vector<16xi1>, vector<16xf32>
          %add3A_273 = arith.constant 1 : i32
          %add3A_274 = arith.addi %mul3A_206, %add3A_273 : i32
          %get3A_275 = arith.index_cast %add3A_274 : i32 to index
          %get3A_276 = arith.constant 0 : index
          %get3A_277 = tpu.vector_load %arg10[%get3A_275, %get3A_276] {strides = array<i32>} : memref<128x64xf32, #tpu.memory_space<vmem>>, vector<16xf32>,
          %add3A_278 = arith.constant 1 : i32
          %add3A_279 = arith.addi %mul3A_206, %add3A_278 : i32
          %get3A_280 = arith.index_cast %add3A_279 : i32 to index
          %get3A_281 = arith.constant 0 : index
          %get3A_282 = tpu.vector_load %arg12[%get3A_280, %get3A_281] {strides = array<i32>} : memref<128x64xf32, #tpu.memory_space<vmem>>, vector<16xf32>,
          %mul3A_283 = arith.mulf %get3A_277, %get3A_282 : vector<16xf32>
          %reduce_sum3A_284 = arith.constant true
          %reduce_sum3A_285 = vector.broadcast %reduce_sum3A_284 : i1 to vector<16xi1>
          %reduce_sum3A_286 = tpu.scan <sum>, %mul3A_283 masked %reduce_sum3A_285 : vector<16xf32>, vector<16xi1> -> vector<16xf32>
          %reduce_sum3A_287 = vector.extract %reduce_sum3A_286[15] : f32 from vector<16xf32>
          %broadcast_in_dim3A_288 = vector.broadcast %reduce_sum3A_287 : f32 to vector<16xf32>
          %select_n3A_289 = arith.select %eq3A_20, %broadcast_in_dim3A_288, %select_n3A_272 : vector<16xi1>, vector<16xf32>
          %add3A_290 = arith.constant 1 : i32
          %add3A_291 = arith.addi %mul3A_206, %add3A_290 : i32
          %get3A_292 = arith.index_cast %add3A_291 : i32 to index
          %get3A_293 = arith.constant 16 : index
          %get3A_294 = tpu.vector_load %arg10[%get3A_292, %get3A_293] {strides = array<i32>} : memref<128x64xf32, #tpu.memory_space<vmem>>, vector<16xf32>,
          %add3A_295 = arith.constant 1 : i32
          %add3A_296 = arith.addi %mul3A_206, %add3A_295 : i32
          %get3A_297 = arith.index_cast %add3A_296 : i32 to index
          %get3A_298 = arith.constant 16 : index
          %get3A_299 = tpu.vector_load %arg12[%get3A_297, %get3A_298] {strides = array<i32>} : memref<128x64xf32, #tpu.memory_space<vmem>>, vector<16xf32>,
          %mul3A_300 = arith.mulf %get3A_294, %get3A_299 : vector<16xf32>
          %reduce_sum3A_301 = arith.constant true
          %reduce_sum3A_302 = vector.broadcast %reduce_sum3A_301 : i1 to vector<16xi1>
          %reduce_sum3A_303 = tpu.scan <sum>, %mul3A_300 masked %reduce_sum3A_302 : vector<16xf32>, vector<16xi1> -> vector<16xf32>
          %reduce_sum3A_304 = vector.extract %reduce_sum3A_303[15] : f32 from vector<16xf32>
          %broadcast_in_dim3A_305 = vector.broadcast %reduce_sum3A_304 : f32 to vector<16xf32>
          %select_n3A_306 = arith.select %eq3A_23, %broadcast_in_dim3A_305, %select_n3A_289 : vector<16xi1>, vector<16xf32>
          %add3A_307 = arith.constant 1 : i32
          %add3A_308 = arith.addi %mul3A_206, %add3A_307 : i32
          %get3A_309 = arith.index_cast %add3A_308 : i32 to index
          %get3A_310 = arith.constant 32 : index
          %get3A_311 = tpu.vector_load %arg10[%get3A_309, %get3A_310] {strides = array<i32>} : memref<128x64xf32, #tpu.memory_space<vmem>>, vector<16xf32>,
          %add3A_312 = arith.constant 1 : i32
          %add3A_313 = arith.addi %mul3A_206, %add3A_312 : i32
          %get3A_314 = arith.index_cast %add3A_313 : i32 to index
          %get3A_315 = arith.constant 32 : index
          %get3A_316 = tpu.vector_load %arg12[%get3A_314, %get3A_315] {strides = array<i32>} : memref<128x64xf32, #tpu.memory_space<vmem>>, vector<16xf32>,
          %mul3A_317 = arith.mulf %get3A_311, %get3A_316 : vector<16xf32>
          %reduce_sum3A_318 = arith.constant true
          %reduce_sum3A_319 = vector.broadcast %reduce_sum3A_318 : i1 to vector<16xi1>
          %reduce_sum3A_320 = tpu.scan <sum>, %mul3A_317 masked %reduce_sum3A_319 : vector<16xf32>, vector<16xi1> -> vector<16xf32>
          %reduce_sum3A_321 = vector.extract %reduce_sum3A_320[15] : f32 from vector<16xf32>
          %broadcast_in_dim3A_322 = vector.broadcast %reduce_sum3A_321 : f32 to vector<16xf32>
          %select_n3A_323 = arith.select %eq3A_26, %broadcast_in_dim3A_322, %select_n3A_306 : vector<16xi1>, vector<16xf32>
          %add3A_324 = arith.constant 1 : i32
          %add3A_325 = arith.addi %mul3A_206, %add3A_324 : i32
          %get3A_326 = arith.index_cast %add3A_325 : i32 to index
          %get3A_327 = arith.constant 48 : index
          %get3A_328 = tpu.vector_load %arg10[%get3A_326, %get3A_327] {strides = array<i32>} : memref<128x64xf32, #tpu.memory_space<vmem>>, vector<16xf32>,
          %add3A_329 = arith.constant 1 : i32
          %add3A_330 = arith.addi %mul3A_206, %add3A_329 : i32
          %get3A_331 = arith.index_cast %add3A_330 : i32 to index
          %get3A_332 = arith.constant 48 : index
          %get3A_333 = tpu.vector_load %arg12[%get3A_331, %get3A_332] {strides = array<i32>} : memref<128x64xf32, #tpu.memory_space<vmem>>, vector<16xf32>,
          %mul3A_334 = arith.mulf %get3A_328, %get3A_333 : vector<16xf32>
          %reduce_sum3A_335 = arith.constant true
          %reduce_sum3A_336 = vector.broadcast %reduce_sum3A_335 : i1 to vector<16xi1>
          %reduce_sum3A_337 = tpu.scan <sum>, %mul3A_334 masked %reduce_sum3A_336 : vector<16xf32>, vector<16xi1> -> vector<16xf32>
          %reduce_sum3A_338 = vector.extract %reduce_sum3A_337[15] : f32 from vector<16xf32>
          %broadcast_in_dim3A_339 = vector.broadcast %reduce_sum3A_338 : f32 to vector<16xf32>
          %select_n3A_340 = arith.select %eq3A_29, %broadcast_in_dim3A_339, %select_n3A_323 : vector<16xi1>, vector<16xf32>
          %add3A_341 = arith.constant 2 : i32
          %add3A_342 = arith.addi %mul3A_206, %add3A_341 : i32
          %get3A_343 = arith.index_cast %add3A_342 : i32 to index
          %get3A_344 = arith.constant 0 : index
          %get3A_345 = tpu.vector_load %arg10[%get3A_343, %get3A_344] {strides = array<i32>} : memref<128x64xf32, #tpu.memory_space<vmem>>, vector<16xf32>,
          %add3A_346 = arith.constant 2 : i32
          %add3A_347 = arith.addi %mul3A_206, %add3A_346 : i32
          %get3A_348 = arith.index_cast %add3A_347 : i32 to index
          %get3A_349 = arith.constant 0 : index
          %get3A_350 = tpu.vector_load %arg12[%get3A_348, %get3A_349] {strides = array<i32>} : memref<128x64xf32, #tpu.memory_space<vmem>>, vector<16xf32>,
          %mul3A_351 = arith.mulf %get3A_345, %get3A_350 : vector<16xf32>
          %reduce_sum3A_352 = arith.constant true
          %reduce_sum3A_353 = vector.broadcast %reduce_sum3A_352 : i1 to vector<16xi1>
          %reduce_sum3A_354 = tpu.scan <sum>, %mul3A_351 masked %reduce_sum3A_353 : vector<16xf32>, vector<16xi1> -> vector<16xf32>
          %reduce_sum3A_355 = vector.extract %reduce_sum3A_354[15] : f32 from vector<16xf32>
          %broadcast_in_dim3A_356 = vector.broadcast %reduce_sum3A_355 : f32 to vector<16xf32>
          %select_n3A_357 = arith.select %eq3A_32, %broadcast_in_dim3A_356, %select_n3A_340 : vector<16xi1>, vector<16xf32>
          %add3A_358 = arith.constant 2 : i32
          %add3A_359 = arith.addi %mul3A_206, %add3A_358 : i32
          %get3A_360 = arith.index_cast %add3A_359 : i32 to index
          %get3A_361 = arith.constant 16 : index
          %get3A_362 = tpu.vector_load %arg10[%get3A_360, %get3A_361] {strides = array<i32>} : memref<128x64xf32, #tpu.memory_space<vmem>>, vector<16xf32>,
          %add3A_363 = arith.constant 2 : i32
          %add3A_364 = arith.addi %mul3A_206, %add3A_363 : i32
          %get3A_365 = arith.index_cast %add3A_364 : i32 to index
          %get3A_366 = arith.constant 16 : index
          %get3A_367 = tpu.vector_load %arg12[%get3A_365, %get3A_366] {strides = array<i32>} : memref<128x64xf32, #tpu.memory_space<vmem>>, vector<16xf32>,
          %mul3A_368 = arith.mulf %get3A_362, %get3A_367 : vector<16xf32>
          %reduce_sum3A_369 = arith.constant true
          %reduce_sum3A_370 = vector.broadcast %reduce_sum3A_369 : i1 to vector<16xi1>
          %reduce_sum3A_371 = tpu.scan <sum>, %mul3A_368 masked %reduce_sum3A_370 : vector<16xf32>, vector<16xi1> -> vector<16xf32>
          %reduce_sum3A_372 = vector.extract %reduce_sum3A_371[15] : f32 from vector<16xf32>
          %broadcast_in_dim3A_373 = vector.broadcast %reduce_sum3A_372 : f32 to vector<16xf32>
          %select_n3A_374 = arith.select %eq3A_35, %broadcast_in_dim3A_373, %select_n3A_357 : vector<16xi1>, vector<16xf32>
          %add3A_375 = arith.constant 2 : i32
          %add3A_376 = arith.addi %mul3A_206, %add3A_375 : i32
          %get3A_377 = arith.index_cast %add3A_376 : i32 to index
          %get3A_378 = arith.constant 32 : index
          %get3A_379 = tpu.vector_load %arg10[%get3A_377, %get3A_378] {strides = array<i32>} : memref<128x64xf32, #tpu.memory_space<vmem>>, vector<16xf32>,
          %add3A_380 = arith.constant 2 : i32
          %add3A_381 = arith.addi %mul3A_206, %add3A_380 : i32
          %get3A_382 = arith.index_cast %add3A_381 : i32 to index
          %get3A_383 = arith.constant 32 : index
          %get3A_384 = tpu.vector_load %arg12[%get3A_382, %get3A_383] {strides = array<i32>} : memref<128x64xf32, #tpu.memory_space<vmem>>, vector<16xf32>,
          %mul3A_385 = arith.mulf %get3A_379, %get3A_384 : vector<16xf32>
          %reduce_sum3A_386 = arith.constant true
          %reduce_sum3A_387 = vector.broadcast %reduce_sum3A_386 : i1 to vector<16xi1>
          %reduce_sum3A_388 = tpu.scan <sum>, %mul3A_385 masked %reduce_sum3A_387 : vector<16xf32>, vector<16xi1> -> vector<16xf32>
          %reduce_sum3A_389 = vector.extract %reduce_sum3A_388[15] : f32 from vector<16xf32>
          %broadcast_in_dim3A_390 = vector.broadcast %reduce_sum3A_389 : f32 to vector<16xf32>
          %select_n3A_391 = arith.select %eq3A_38, %broadcast_in_dim3A_390, %select_n3A_374 : vector<16xi1>, vector<16xf32>
          %add3A_392 = arith.constant 2 : i32
          %add3A_393 = arith.addi %mul3A_206, %add3A_392 : i32
          %get3A_394 = arith.index_cast %add3A_393 : i32 to index
          %get3A_395 = arith.constant 48 : index
          %get3A_396 = tpu.vector_load %arg10[%get3A_394, %get3A_395] {strides = array<i32>} : memref<128x64xf32, #tpu.memory_space<vmem>>, vector<16xf32>,
          %add3A_397 = arith.constant 2 : i32
          %add3A_398 = arith.addi %mul3A_206, %add3A_397 : i32
          %get3A_399 = arith.index_cast %add3A_398 : i32 to index
          %get3A_400 = arith.constant 48 : index
          %get3A_401 = tpu.vector_load %arg12[%get3A_399, %get3A_400] {strides = array<i32>} : memref<128x64xf32, #tpu.memory_space<vmem>>, vector<16xf32>,
          %mul3A_402 = arith.mulf %get3A_396, %get3A_401 : vector<16xf32>
          %reduce_sum3A_403 = arith.constant true
          %reduce_sum3A_404 = vector.broadcast %reduce_sum3A_403 : i1 to vector<16xi1>
          %reduce_sum3A_405 = tpu.scan <sum>, %mul3A_402 masked %reduce_sum3A_404 : vector<16xf32>, vector<16xi1> -> vector<16xf32>
          %reduce_sum3A_406 = vector.extract %reduce_sum3A_405[15] : f32 from vector<16xf32>
          %broadcast_in_dim3A_407 = vector.broadcast %reduce_sum3A_406 : f32 to vector<16xf32>
          %select_n3A_408 = arith.select %eq3A_41, %broadcast_in_dim3A_407, %select_n3A_391 : vector<16xi1>, vector<16xf32>
          %add3A_409 = arith.constant 3 : i32
          %add3A_410 = arith.addi %mul3A_206, %add3A_409 : i32
          %get3A_411 = arith.index_cast %add3A_410 : i32 to index
          %get3A_412 = arith.constant 0 : index
          %get3A_413 = tpu.vector_load %arg10[%get3A_411, %get3A_412] {strides = array<i32>} : memref<128x64xf32, #tpu.memory_space<vmem>>, vector<16xf32>,
          %add3A_414 = arith.constant 3 : i32
          %add3A_415 = arith.addi %mul3A_206, %add3A_414 : i32
          %get3A_416 = arith.index_cast %add3A_415 : i32 to index
          %get3A_417 = arith.constant 0 : index
          %get3A_418 = tpu.vector_load %arg12[%get3A_416, %get3A_417] {strides = array<i32>} : memref<128x64xf32, #tpu.memory_space<vmem>>, vector<16xf32>,
          %mul3A_419 = arith.mulf %get3A_413, %get3A_418 : vector<16xf32>
          %reduce_sum3A_420 = arith.constant true
          %reduce_sum3A_421 = vector.broadcast %reduce_sum3A_420 : i1 to vector<16xi1>
          %reduce_sum3A_422 = tpu.scan <sum>, %mul3A_419 masked %reduce_sum3A_421 : vector<16xf32>, vector<16xi1> -> vector<16xf32>
          %reduce_sum3A_423 = vector.extract %reduce_sum3A_422[15] : f32 from vector<16xf32>
          %broadcast_in_dim3A_424 = vector.broadcast %reduce_sum3A_423 : f32 to vector<16xf32>
          %select_n3A_425 = arith.select %eq3A_44, %broadcast_in_dim3A_424, %select_n3A_408 : vector<16xi1>, vector<16xf32>
          %add3A_426 = arith.constant 3 : i32
          %add3A_427 = arith.addi %mul3A_206, %add3A_426 : i32
          %get3A_428 = arith.index_cast %add3A_427 : i32 to index
          %get3A_429 = arith.constant 16 : index
          %get3A_430 = tpu.vector_load %arg10[%get3A_428, %get3A_429] {strides = array<i32>} : memref<128x64xf32, #tpu.memory_space<vmem>>, vector<16xf32>,
          %add3A_431 = arith.constant 3 : i32
          %add3A_432 = arith.addi %mul3A_206, %add3A_431 : i32
          %get3A_433 = arith.index_cast %add3A_432 : i32 to index
          %get3A_434 = arith.constant 16 : index
          %get3A_435 = tpu.vector_load %arg12[%get3A_433, %get3A_434] {strides = array<i32>} : memref<128x64xf32, #tpu.memory_space<vmem>>, vector<16xf32>,
          %mul3A_436 = arith.mulf %get3A_430, %get3A_435 : vector<16xf32>
          %reduce_sum3A_437 = arith.constant true
          %reduce_sum3A_438 = vector.broadcast %reduce_sum3A_437 : i1 to vector<16xi1>
          %reduce_sum3A_439 = tpu.scan <sum>, %mul3A_436 masked %reduce_sum3A_438 : vector<16xf32>, vector<16xi1> -> vector<16xf32>
          %reduce_sum3A_440 = vector.extract %reduce_sum3A_439[15] : f32 from vector<16xf32>
          %broadcast_in_dim3A_441 = vector.broadcast %reduce_sum3A_440 : f32 to vector<16xf32>
          %select_n3A_442 = arith.select %eq3A_47, %broadcast_in_dim3A_441, %select_n3A_425 : vector<16xi1>, vector<16xf32>
          %add3A_443 = arith.constant 3 : i32
          %add3A_444 = arith.addi %mul3A_206, %add3A_443 : i32
          %get3A_445 = arith.index_cast %add3A_444 : i32 to index
          %get3A_446 = arith.constant 32 : index
          %get3A_447 = tpu.vector_load %arg10[%get3A_445, %get3A_446] {strides = array<i32>} : memref<128x64xf32, #tpu.memory_space<vmem>>, vector<16xf32>,
          %add3A_448 = arith.constant 3 : i32
          %add3A_449 = arith.addi %mul3A_206, %add3A_448 : i32
          %get3A_450 = arith.index_cast %add3A_449 : i32 to index
          %get3A_451 = arith.constant 32 : index
          %get3A_452 = tpu.vector_load %arg12[%get3A_450, %get3A_451] {strides = array<i32>} : memref<128x64xf32, #tpu.memory_space<vmem>>, vector<16xf32>,
          %mul3A_453 = arith.mulf %get3A_447, %get3A_452 : vector<16xf32>
          %reduce_sum3A_454 = arith.constant true
          %reduce_sum3A_455 = vector.broadcast %reduce_sum3A_454 : i1 to vector<16xi1>
          %reduce_sum3A_456 = tpu.scan <sum>, %mul3A_453 masked %reduce_sum3A_455 : vector<16xf32>, vector<16xi1> -> vector<16xf32>
          %reduce_sum3A_457 = vector.extract %reduce_sum3A_456[15] : f32 from vector<16xf32>
          %broadcast_in_dim3A_458 = vector.broadcast %reduce_sum3A_457 : f32 to vector<16xf32>
          %select_n3A_459 = arith.select %eq3A_50, %broadcast_in_dim3A_458, %select_n3A_442 : vector<16xi1>, vector<16xf32>
          %add3A_460 = arith.constant 3 : i32
          %add3A_461 = arith.addi %mul3A_206, %add3A_460 : i32
          %get3A_462 = arith.index_cast %add3A_461 : i32 to index
          %get3A_463 = arith.constant 48 : index
          %get3A_464 = tpu.vector_load %arg10[%get3A_462, %get3A_463] {strides = array<i32>} : memref<128x64xf32, #tpu.memory_space<vmem>>, vector<16xf32>,
          %add3A_465 = arith.constant 3 : i32
          %add3A_466 = arith.addi %mul3A_206, %add3A_465 : i32
          %get3A_467 = arith.index_cast %add3A_466 : i32 to index
          %get3A_468 = arith.constant 48 : index
          %get3A_469 = tpu.vector_load %arg12[%get3A_467, %get3A_468] {strides = array<i32>} : memref<128x64xf32, #tpu.memory_space<vmem>>, vector<16xf32>,
          %mul3A_470 = arith.mulf %get3A_464, %get3A_469 : vector<16xf32>
          %reduce_sum3A_471 = arith.constant true
          %reduce_sum3A_472 = vector.broadcast %reduce_sum3A_471 : i1 to vector<16xi1>
          %reduce_sum3A_473 = tpu.scan <sum>, %mul3A_470 masked %reduce_sum3A_472 : vector<16xf32>, vector<16xi1> -> vector<16xf32>
          %reduce_sum3A_474 = vector.extract %reduce_sum3A_473[15] : f32 from vector<16xf32>
          %broadcast_in_dim3A_475 = vector.broadcast %reduce_sum3A_474 : f32 to vector<16xf32>
          %select_n3A_476 = arith.select %eq3A_53, %broadcast_in_dim3A_475, %select_n3A_459 : vector<16xi1>, vector<16xf32>
          %scatter3A = arith.constant 0 : i32
          %scatter3A_477 = tpu.memref_slice %arg14[%mul3A_206, %scatter3A] : memref<128x4xf32, #tpu.memory_space<vmem>> -> memref<4x4xf32, #tpu.memory_space<vmem>>
          tpu.vector_store_idx %scatter3A_477[%shift_right_arithmetic3A_3, %and3A_5], %select_n3A_476 : memref<4x4xf32, #tpu.memory_space<vmem>>[vector<16xi32>, vector<16xi32>], vector<16xf32>,
        }
        %scan3A_179 = arith.constant 32 : i32
        %mul3A_180 = arith.constant 128 : i32
        %mul3A_181 = arith.muli %add3A_114, %mul3A_180 : i32
        "tpu.region"() ({
          %run_scoped3A_204 = tpu.sem_alloc : memref<!tpu.dma_semaphore, #tpu.memory_space<semaphore_mem>>
          %dma_start3A_205 = arith.constant 0 : i32
          %dma_start3A_206 = tpu.memref_slice %arg6[%arg0, %mul3A_181, %dma_start3A_205] : memref<2x320000x4xf32, #tpu.memory_space<hbm>> -> memref<1x128x4xf32, #tpu.memory_space<hbm>>
          %dma_start3A_207 = tpu.memref_squeeze %dma_start3A_206 : memref<1x128x4xf32, #tpu.memory_space<hbm>> -> memref<128x4xf32, #tpu.memory_space<hbm>>
          %dma_start3A_208 = arith.constant 0 : i32
          %dma_start3A_209 = tpu.memref_slice %arg6[%arg0, %mul3A_181, %dma_start3A_208] : memref<2x320000x4xf32, #tpu.memory_space<hbm>> -> memref<1x128x4xf32, #tpu.memory_space<hbm>>
          %dma_start3A_210 = tpu.memref_squeeze %dma_start3A_209 : memref<1x128x4xf32, #tpu.memory_space<hbm>> -> memref<128x4xf32, #tpu.memory_space<hbm>>
          tpu.enqueue_dma source(%arg14 : memref<128x4xf32, #tpu.memory_space<vmem>>) target(%dma_start3A_210 : memref<128x4xf32, #tpu.memory_space<hbm>>) target_semaphore(%run_scoped3A_204 : memref<!tpu.dma_semaphore, #tpu.memory_space<semaphore_mem>>)
          %dma_wait3A_211 = arith.constant 0 : i32
          %dma_wait3A_212 = tpu.memref_slice %arg6[%arg0, %mul3A_181, %dma_wait3A_211] : memref<2x320000x4xf32, #tpu.memory_space<hbm>> -> memref<1x128x4xf32, #tpu.memory_space<hbm>>
          %dma_wait3A_213 = tpu.memref_squeeze %dma_wait3A_212 : memref<1x128x4xf32, #tpu.memory_space<hbm>> -> memref<128x4xf32, #tpu.memory_space<hbm>>
          %dma_wait3A_214 = arith.constant 0 : i32
          %dma_wait3A_215 = tpu.memref_slice %arg6[%arg0, %mul3A_181, %dma_wait3A_214] : memref<2x320000x4xf32, #tpu.memory_space<hbm>> -> memref<1x128x4xf32, #tpu.memory_space<hbm>>
          %dma_wait3A_216 = tpu.memref_squeeze %dma_wait3A_215 : memref<1x128x4xf32, #tpu.memory_space<hbm>> -> memref<128x4xf32, #tpu.memory_space<hbm>>
          tpu.wait_dma2 semaphore(%run_scoped3A_204 : memref<!tpu.dma_semaphore, #tpu.memory_space<semaphore_mem>>) src(%arg14 : memref<128x4xf32, #tpu.memory_space<vmem>>) dst(%dma_wait3A_216 : memref<128x4xf32, #tpu.memory_space<hbm>>)
          tpu.yield
        }) : () -> ()
        %run_scoped3A = arith.constant 1 : i32
        "tpu.region"() ({
          %run_scoped3A_204 = tpu.sem_alloc : memref<!tpu.dma_semaphore, #tpu.memory_space<semaphore_mem>>
          %dma_start3A_205 = arith.constant 0 : i32
          %dma_start3A_206 = tpu.memref_slice %arg8[%run_scoped3A, %dma_start3A_205] : memref<2x128xi32, #tpu.memory_space<vmem>> -> memref<1x128xi32, #tpu.memory_space<vmem>>
          %dma_start3A_207 = tpu.memref_squeeze %dma_start3A_206 : memref<1x128xi32, #tpu.memory_space<vmem>> -> memref<128xi32, #tpu.memory_space<vmem>>
          %dma_start3A_208 = arith.constant 0 : i32
          %dma_start3A_209 = arith.constant 0 : i32
          %dma_start3A_210 = tpu.memref_slice %arg15[%dma_start3A_208, %dma_start3A_209] : memref<10000x4xf32, #tpu.memory_space<vmem_shared>> -> memref<10000x4xf32, #tpu.memory_space<vmem_shared>>
          tpu.enqueue_indirect_dma source(%arg14 : memref<128x4xf32, #tpu.memory_space<vmem>>) target(%dma_start3A_210 : memref<10000x4xf32, #tpu.memory_space<vmem_shared>>) offsets(%dma_start3A_207 : memref<128xi32, #tpu.memory_space<vmem>>) semaphore(%run_scoped3A_204 : memref<!tpu.dma_semaphore, #tpu.memory_space<semaphore_mem>>) {add = true}
          %dma_wait3A_211 = arith.constant 0 : i32
          %dma_wait3A_212 = tpu.memref_slice %arg8[%run_scoped3A, %dma_wait3A_211] : memref<2x128xi32, #tpu.memory_space<vmem>> -> memref<1x128xi32, #tpu.memory_space<vmem>>
          %dma_wait3A_213 = tpu.memref_squeeze %dma_wait3A_212 : memref<1x128xi32, #tpu.memory_space<vmem>> -> memref<128xi32, #tpu.memory_space<vmem>>
          %dma_wait3A_214 = arith.constant 0 : i32
          %dma_wait3A_215 = arith.constant 0 : i32
          %dma_wait3A_216 = tpu.memref_slice %arg15[%dma_wait3A_214, %dma_wait3A_215] : memref<10000x4xf32, #tpu.memory_space<vmem_shared>> -> memref<10000x4xf32, #tpu.memory_space<vmem_shared>>
          tpu.wait_indirect_dma semaphore(%run_scoped3A_204 : memref<!tpu.dma_semaphore, #tpu.memory_space<semaphore_mem>>) src(%arg14 : memref<128x4xf32, #tpu.memory_space<vmem>>) dst(%dma_wait3A_216 : memref<10000x4xf32, #tpu.memory_space<vmem_shared>>)
          tpu.yield
        }) : () -> ()
        %dma_wait3A_182 = arith.constant 0 : i32
        %dma_wait3A_183 = arith.constant 0 : i32
        %dma_wait3A_184 = tpu.memref_slice %arg9[%dma_wait3A_182, %dma_wait3A_183] : memref<2x128xi32, #tpu.memory_space<vmem>> -> memref<1x128xi32, #tpu.memory_space<vmem>>
        %dma_wait3A_185 = tpu.memref_squeeze %dma_wait3A_184 : memref<1x128xi32, #tpu.memory_space<vmem>> -> memref<128xi32, #tpu.memory_space<vmem>>
        %dma_wait3A_186 = arith.constant 0 : i32
        %dma_wait3A_187 = arith.constant 0 : i32
        %dma_wait3A_188 = tpu.memref_slice %arg2[%arg0, %dma_wait3A_186, %dma_wait3A_187] : memref<2x10000x64xf32, #tpu.memory_space<hbm>> -> memref<1x10000x64xf32, #tpu.memory_space<hbm>>
        %dma_wait3A_189 = tpu.memref_squeeze %dma_wait3A_188 : memref<1x10000x64xf32, #tpu.memory_space<hbm>> -> memref<10000x64xf32, #tpu.memory_space<hbm>>
        %dma_wait3A_190 = arith.constant 0 : i32
        %dma_wait3A_191 = arith.constant 0 : i32
        %dma_wait3A_192 = tpu.memref_slice %dma_wait3A_189[%dma_wait3A_190, %dma_wait3A_191] : memref<10000x64xf32, #tpu.memory_space<hbm>> -> memref<10000x64xf32, #tpu.memory_space<hbm>>
        tpu.wait_indirect_dma semaphore(%arg16 : memref<!tpu.dma_semaphore, #tpu.memory_space<semaphore_mem>>) src(%dma_wait3A_192 : memref<10000x64xf32, #tpu.memory_space<hbm>>) dst(%arg11 : memref<128x64xf32, #tpu.memory_space<vmem>>)
        %dma_wait3A_193 = arith.constant 1 : i32
        %dma_wait3A_194 = arith.constant 0 : i32
        %dma_wait3A_195 = tpu.memref_slice %arg9[%dma_wait3A_193, %dma_wait3A_194] : memref<2x128xi32, #tpu.memory_space<vmem>> -> memref<1x128xi32, #tpu.memory_space<vmem>>
        %dma_wait3A_196 = tpu.memref_squeeze %dma_wait3A_195 : memref<1x128xi32, #tpu.memory_space<vmem>> -> memref<128xi32, #tpu.memory_space<vmem>>
        %dma_wait3A_197 = arith.constant 0 : i32
        %dma_wait3A_198 = arith.constant 0 : i32
        %dma_wait3A_199 = tpu.memref_slice %arg3[%arg0, %dma_wait3A_197, %dma_wait3A_198] : memref<2x10000x64xf32, #tpu.memory_space<hbm>> -> memref<1x10000x64xf32, #tpu.memory_space<hbm>>
        %dma_wait3A_200 = tpu.memref_squeeze %dma_wait3A_199 : memref<1x10000x64xf32, #tpu.memory_space<hbm>> -> memref<10000x64xf32, #tpu.memory_space<hbm>>
        %dma_wait3A_201 = arith.constant 0 : i32
        %dma_wait3A_202 = arith.constant 0 : i32
        %dma_wait3A_203 = tpu.memref_slice %dma_wait3A_200[%dma_wait3A_201, %dma_wait3A_202] : memref<10000x64xf32, #tpu.memory_space<hbm>> -> memref<10000x64xf32, #tpu.memory_space<hbm>>
        tpu.wait_indirect_dma semaphore(%arg16 : memref<!tpu.dma_semaphore, #tpu.memory_space<semaphore_mem>>) src(%dma_wait3A_203 : memref<10000x64xf32, #tpu.memory_space<hbm>>) dst(%arg13 : memref<128x64xf32, #tpu.memory_space<vmem>>)
      } else {
      }
      %lt3A_121 = arith.constant 2500 : i32
      %lt3A_122 = arith.cmpi slt, %add3A_114, %lt3A_121 : i32
      %ge3A = arith.constant 2500 : i32
      %ge3A_123 = arith.cmpi sge, %add3A_116, %ge3A : i32
      %and3A_124 = arith.andi %lt3A_122, %ge3A_123 : i1
      %convert_element_type3A_125 = arith.extui %and3A_124 : i1 to i32
      %cond3A_126 = arith.constant 0 : i32
      %cond3A_127 = arith.cmpi ne, %convert_element_type3A_125, %cond3A_126 : i32
      scf.if %cond3A_127 {
        %scan3A_150 = arith.constant 0 : i32
        %scan3A_151 = arith.constant 0 : i32
        %scan3A_152 = arith.constant 32 : i32
        %scan3A_153 = arith.addi %scan3A_151, %scan3A_152 : i32
        %scan3A_154 = arith.constant 1 : i32
        scf.for %scan3A_158 = %scan3A_151 to %scan3A_153 step %scan3A_154  : i32 {
          %mul3A_159 = arith.constant 4 : i32
          %mul3A_160 = arith.muli %scan3A_158, %mul3A_159 : i32
          %broadcast_in_dim3A = arith.constant 0.000000e+00 : f32
          %broadcast_in_dim3A_161 = vector.broadcast %broadcast_in_dim3A : f32 to vector<16xf32>
          %add3A_162 = arith.constant 0 : i32
          %add3A_163 = arith.addi %mul3A_160, %add3A_162 : i32
          %get3A = arith.index_cast %add3A_163 : i32 to index
          %get3A_164 = arith.constant 0 : index
          %get3A_165 = tpu.vector_load %arg10[%get3A, %get3A_164] {strides = array<i32>} : memref<128x64xf32, #tpu.memory_space<vmem>>, vector<16xf32>,
          %add3A_166 = arith.constant 0 : i32
          %add3A_167 = arith.addi %mul3A_160, %add3A_166 : i32
          %get3A_168 = arith.index_cast %add3A_167 : i32 to index
          %get3A_169 = arith.constant 0 : index
          %get3A_170 = tpu.vector_load %arg12[%get3A_168, %get3A_169] {strides = array<i32>} : memref<128x64xf32, #tpu.memory_space<vmem>>, vector<16xf32>,
          %mul3A_171 = arith.mulf %get3A_165, %get3A_170 : vector<16xf32>
          %reduce_sum3A = arith.constant true
          %reduce_sum3A_172 = vector.broadcast %reduce_sum3A : i1 to vector<16xi1>
          %reduce_sum3A_173 = tpu.scan <sum>, %mul3A_171 masked %reduce_sum3A_172 : vector<16xf32>, vector<16xi1> -> vector<16xf32>
          %reduce_sum3A_174 = vector.extract %reduce_sum3A_173[15] : f32 from vector<16xf32>
          %broadcast_in_dim3A_175 = vector.broadcast %reduce_sum3A_174 : f32 to vector<16xf32>
          %select_n3A = arith.select %eq3A_8, %broadcast_in_dim3A_175, %broadcast_in_dim3A_161 : vector<16xi1>, vector<16xf32>
          %add3A_176 = arith.constant 0 : i32
          %add3A_177 = arith.addi %mul3A_160, %add3A_176 : i32
          %get3A_178 = arith.index_cast %add3A_177 : i32 to index
          %get3A_179 = arith.constant 16 : index
          %get3A_180 = tpu.vector_load %arg10[%get3A_178, %get3A_179] {strides = array<i32>} : memref<128x64xf32, #tpu.memory_space<vmem>>, vector<16xf32>,
          %add3A_181 = arith.constant 0 : i32
          %add3A_182 = arith.addi %mul3A_160, %add3A_181 : i32
          %get3A_183 = arith.index_cast %add3A_182 : i32 to index
          %get3A_184 = arith.constant 16 : index
          %get3A_185 = tpu.vector_load %arg12[%get3A_183, %get3A_184] {strides = array<i32>} : memref<128x64xf32, #tpu.memory_space<vmem>>, vector<16xf32>,
          %mul3A_186 = arith.mulf %get3A_180, %get3A_185 : vector<16xf32>
          %reduce_sum3A_187 = arith.constant true
          %reduce_sum3A_188 = vector.broadcast %reduce_sum3A_187 : i1 to vector<16xi1>
          %reduce_sum3A_189 = tpu.scan <sum>, %mul3A_186 masked %reduce_sum3A_188 : vector<16xf32>, vector<16xi1> -> vector<16xf32>
          %reduce_sum3A_190 = vector.extract %reduce_sum3A_189[15] : f32 from vector<16xf32>
          %broadcast_in_dim3A_191 = vector.broadcast %reduce_sum3A_190 : f32 to vector<16xf32>
          %select_n3A_192 = arith.select %eq3A_11, %broadcast_in_dim3A_191, %select_n3A : vector<16xi1>, vector<16xf32>
          %add3A_193 = arith.constant 0 : i32
          %add3A_194 = arith.addi %mul3A_160, %add3A_193 : i32
          %get3A_195 = arith.index_cast %add3A_194 : i32 to index
          %get3A_196 = arith.constant 32 : index
          %get3A_197 = tpu.vector_load %arg10[%get3A_195, %get3A_196] {strides = array<i32>} : memref<128x64xf32, #tpu.memory_space<vmem>>, vector<16xf32>,
          %add3A_198 = arith.constant 0 : i32
          %add3A_199 = arith.addi %mul3A_160, %add3A_198 : i32
          %get3A_200 = arith.index_cast %add3A_199 : i32 to index
          %get3A_201 = arith.constant 32 : index
          %get3A_202 = tpu.vector_load %arg12[%get3A_200, %get3A_201] {strides = array<i32>} : memref<128x64xf32, #tpu.memory_space<vmem>>, vector<16xf32>,
          %mul3A_203 = arith.mulf %get3A_197, %get3A_202 : vector<16xf32>
          %reduce_sum3A_204 = arith.constant true
          %reduce_sum3A_205 = vector.broadcast %reduce_sum3A_204 : i1 to vector<16xi1>
          %reduce_sum3A_206 = tpu.scan <sum>, %mul3A_203 masked %reduce_sum3A_205 : vector<16xf32>, vector<16xi1> -> vector<16xf32>
          %reduce_sum3A_207 = vector.extract %reduce_sum3A_206[15] : f32 from vector<16xf32>
          %broadcast_in_dim3A_208 = vector.broadcast %reduce_sum3A_207 : f32 to vector<16xf32>
          %select_n3A_209 = arith.select %eq3A_14, %broadcast_in_dim3A_208, %select_n3A_192 : vector<16xi1>, vector<16xf32>
          %add3A_210 = arith.constant 0 : i32
          %add3A_211 = arith.addi %mul3A_160, %add3A_210 : i32
          %get3A_212 = arith.index_cast %add3A_211 : i32 to index
          %get3A_213 = arith.constant 48 : index
          %get3A_214 = tpu.vector_load %arg10[%get3A_212, %get3A_213] {strides = array<i32>} : memref<128x64xf32, #tpu.memory_space<vmem>>, vector<16xf32>,
          %add3A_215 = arith.constant 0 : i32
          %add3A_216 = arith.addi %mul3A_160, %add3A_215 : i32
          %get3A_217 = arith.index_cast %add3A_216 : i32 to index
          %get3A_218 = arith.constant 48 : index
          %get3A_219 = tpu.vector_load %arg12[%get3A_217, %get3A_218] {strides = array<i32>} : memref<128x64xf32, #tpu.memory_space<vmem>>, vector<16xf32>,
          %mul3A_220 = arith.mulf %get3A_214, %get3A_219 : vector<16xf32>
          %reduce_sum3A_221 = arith.constant true
          %reduce_sum3A_222 = vector.broadcast %reduce_sum3A_221 : i1 to vector<16xi1>
          %reduce_sum3A_223 = tpu.scan <sum>, %mul3A_220 masked %reduce_sum3A_222 : vector<16xf32>, vector<16xi1> -> vector<16xf32>
          %reduce_sum3A_224 = vector.extract %reduce_sum3A_223[15] : f32 from vector<16xf32>
          %broadcast_in_dim3A_225 = vector.broadcast %reduce_sum3A_224 : f32 to vector<16xf32>
          %select_n3A_226 = arith.select %eq3A_17, %broadcast_in_dim3A_225, %select_n3A_209 : vector<16xi1>, vector<16xf32>
          %add3A_227 = arith.constant 1 : i32
          %add3A_228 = arith.addi %mul3A_160, %add3A_227 : i32
          %get3A_229 = arith.index_cast %add3A_228 : i32 to index
          %get3A_230 = arith.constant 0 : index
          %get3A_231 = tpu.vector_load %arg10[%get3A_229, %get3A_230] {strides = array<i32>} : memref<128x64xf32, #tpu.memory_space<vmem>>, vector<16xf32>,
          %add3A_232 = arith.constant 1 : i32
          %add3A_233 = arith.addi %mul3A_160, %add3A_232 : i32
          %get3A_234 = arith.index_cast %add3A_233 : i32 to index
          %get3A_235 = arith.constant 0 : index
          %get3A_236 = tpu.vector_load %arg12[%get3A_234, %get3A_235] {strides = array<i32>} : memref<128x64xf32, #tpu.memory_space<vmem>>, vector<16xf32>,
          %mul3A_237 = arith.mulf %get3A_231, %get3A_236 : vector<16xf32>
          %reduce_sum3A_238 = arith.constant true
          %reduce_sum3A_239 = vector.broadcast %reduce_sum3A_238 : i1 to vector<16xi1>
          %reduce_sum3A_240 = tpu.scan <sum>, %mul3A_237 masked %reduce_sum3A_239 : vector<16xf32>, vector<16xi1> -> vector<16xf32>
          %reduce_sum3A_241 = vector.extract %reduce_sum3A_240[15] : f32 from vector<16xf32>
          %broadcast_in_dim3A_242 = vector.broadcast %reduce_sum3A_241 : f32 to vector<16xf32>
          %select_n3A_243 = arith.select %eq3A_20, %broadcast_in_dim3A_242, %select_n3A_226 : vector<16xi1>, vector<16xf32>
          %add3A_244 = arith.constant 1 : i32
          %add3A_245 = arith.addi %mul3A_160, %add3A_244 : i32
          %get3A_246 = arith.index_cast %add3A_245 : i32 to index
          %get3A_247 = arith.constant 16 : index
          %get3A_248 = tpu.vector_load %arg10[%get3A_246, %get3A_247] {strides = array<i32>} : memref<128x64xf32, #tpu.memory_space<vmem>>, vector<16xf32>,
          %add3A_249 = arith.constant 1 : i32
          %add3A_250 = arith.addi %mul3A_160, %add3A_249 : i32
          %get3A_251 = arith.index_cast %add3A_250 : i32 to index
          %get3A_252 = arith.constant 16 : index
          %get3A_253 = tpu.vector_load %arg12[%get3A_251, %get3A_252] {strides = array<i32>} : memref<128x64xf32, #tpu.memory_space<vmem>>, vector<16xf32>,
          %mul3A_254 = arith.mulf %get3A_248, %get3A_253 : vector<16xf32>
          %reduce_sum3A_255 = arith.constant true
          %reduce_sum3A_256 = vector.broadcast %reduce_sum3A_255 : i1 to vector<16xi1>
          %reduce_sum3A_257 = tpu.scan <sum>, %mul3A_254 masked %reduce_sum3A_256 : vector<16xf32>, vector<16xi1> -> vector<16xf32>
          %reduce_sum3A_258 = vector.extract %reduce_sum3A_257[15] : f32 from vector<16xf32>
          %broadcast_in_dim3A_259 = vector.broadcast %reduce_sum3A_258 : f32 to vector<16xf32>
          %select_n3A_260 = arith.select %eq3A_23, %broadcast_in_dim3A_259, %select_n3A_243 : vector<16xi1>, vector<16xf32>
          %add3A_261 = arith.constant 1 : i32
          %add3A_262 = arith.addi %mul3A_160, %add3A_261 : i32
          %get3A_263 = arith.index_cast %add3A_262 : i32 to index
          %get3A_264 = arith.constant 32 : index
          %get3A_265 = tpu.vector_load %arg10[%get3A_263, %get3A_264] {strides = array<i32>} : memref<128x64xf32, #tpu.memory_space<vmem>>, vector<16xf32>,
          %add3A_266 = arith.constant 1 : i32
          %add3A_267 = arith.addi %mul3A_160, %add3A_266 : i32
          %get3A_268 = arith.index_cast %add3A_267 : i32 to index
          %get3A_269 = arith.constant 32 : index
          %get3A_270 = tpu.vector_load %arg12[%get3A_268, %get3A_269] {strides = array<i32>} : memref<128x64xf32, #tpu.memory_space<vmem>>, vector<16xf32>,
          %mul3A_271 = arith.mulf %get3A_265, %get3A_270 : vector<16xf32>
          %reduce_sum3A_272 = arith.constant true
          %reduce_sum3A_273 = vector.broadcast %reduce_sum3A_272 : i1 to vector<16xi1>
          %reduce_sum3A_274 = tpu.scan <sum>, %mul3A_271 masked %reduce_sum3A_273 : vector<16xf32>, vector<16xi1> -> vector<16xf32>
          %reduce_sum3A_275 = vector.extract %reduce_sum3A_274[15] : f32 from vector<16xf32>
          %broadcast_in_dim3A_276 = vector.broadcast %reduce_sum3A_275 : f32 to vector<16xf32>
          %select_n3A_277 = arith.select %eq3A_26, %broadcast_in_dim3A_276, %select_n3A_260 : vector<16xi1>, vector<16xf32>
          %add3A_278 = arith.constant 1 : i32
          %add3A_279 = arith.addi %mul3A_160, %add3A_278 : i32
          %get3A_280 = arith.index_cast %add3A_279 : i32 to index
          %get3A_281 = arith.constant 48 : index
          %get3A_282 = tpu.vector_load %arg10[%get3A_280, %get3A_281] {strides = array<i32>} : memref<128x64xf32, #tpu.memory_space<vmem>>, vector<16xf32>,
          %add3A_283 = arith.constant 1 : i32
          %add3A_284 = arith.addi %mul3A_160, %add3A_283 : i32
          %get3A_285 = arith.index_cast %add3A_284 : i32 to index
          %get3A_286 = arith.constant 48 : index
          %get3A_287 = tpu.vector_load %arg12[%get3A_285, %get3A_286] {strides = array<i32>} : memref<128x64xf32, #tpu.memory_space<vmem>>, vector<16xf32>,
          %mul3A_288 = arith.mulf %get3A_282, %get3A_287 : vector<16xf32>
          %reduce_sum3A_289 = arith.constant true
          %reduce_sum3A_290 = vector.broadcast %reduce_sum3A_289 : i1 to vector<16xi1>
          %reduce_sum3A_291 = tpu.scan <sum>, %mul3A_288 masked %reduce_sum3A_290 : vector<16xf32>, vector<16xi1> -> vector<16xf32>
          %reduce_sum3A_292 = vector.extract %reduce_sum3A_291[15] : f32 from vector<16xf32>
          %broadcast_in_dim3A_293 = vector.broadcast %reduce_sum3A_292 : f32 to vector<16xf32>
          %select_n3A_294 = arith.select %eq3A_29, %broadcast_in_dim3A_293, %select_n3A_277 : vector<16xi1>, vector<16xf32>
          %add3A_295 = arith.constant 2 : i32
          %add3A_296 = arith.addi %mul3A_160, %add3A_295 : i32
          %get3A_297 = arith.index_cast %add3A_296 : i32 to index
          %get3A_298 = arith.constant 0 : index
          %get3A_299 = tpu.vector_load %arg10[%get3A_297, %get3A_298] {strides = array<i32>} : memref<128x64xf32, #tpu.memory_space<vmem>>, vector<16xf32>,
          %add3A_300 = arith.constant 2 : i32
          %add3A_301 = arith.addi %mul3A_160, %add3A_300 : i32
          %get3A_302 = arith.index_cast %add3A_301 : i32 to index
          %get3A_303 = arith.constant 0 : index
          %get3A_304 = tpu.vector_load %arg12[%get3A_302, %get3A_303] {strides = array<i32>} : memref<128x64xf32, #tpu.memory_space<vmem>>, vector<16xf32>,
          %mul3A_305 = arith.mulf %get3A_299, %get3A_304 : vector<16xf32>
          %reduce_sum3A_306 = arith.constant true
          %reduce_sum3A_307 = vector.broadcast %reduce_sum3A_306 : i1 to vector<16xi1>
          %reduce_sum3A_308 = tpu.scan <sum>, %mul3A_305 masked %reduce_sum3A_307 : vector<16xf32>, vector<16xi1> -> vector<16xf32>
          %reduce_sum3A_309 = vector.extract %reduce_sum3A_308[15] : f32 from vector<16xf32>
          %broadcast_in_dim3A_310 = vector.broadcast %reduce_sum3A_309 : f32 to vector<16xf32>
          %select_n3A_311 = arith.select %eq3A_32, %broadcast_in_dim3A_310, %select_n3A_294 : vector<16xi1>, vector<16xf32>
          %add3A_312 = arith.constant 2 : i32
          %add3A_313 = arith.addi %mul3A_160, %add3A_312 : i32
          %get3A_314 = arith.index_cast %add3A_313 : i32 to index
          %get3A_315 = arith.constant 16 : index
          %get3A_316 = tpu.vector_load %arg10[%get3A_314, %get3A_315] {strides = array<i32>} : memref<128x64xf32, #tpu.memory_space<vmem>>, vector<16xf32>,
          %add3A_317 = arith.constant 2 : i32
          %add3A_318 = arith.addi %mul3A_160, %add3A_317 : i32
          %get3A_319 = arith.index_cast %add3A_318 : i32 to index
          %get3A_320 = arith.constant 16 : index
          %get3A_321 = tpu.vector_load %arg12[%get3A_319, %get3A_320] {strides = array<i32>} : memref<128x64xf32, #tpu.memory_space<vmem>>, vector<16xf32>,
          %mul3A_322 = arith.mulf %get3A_316, %get3A_321 : vector<16xf32>
          %reduce_sum3A_323 = arith.constant true
          %reduce_sum3A_324 = vector.broadcast %reduce_sum3A_323 : i1 to vector<16xi1>
          %reduce_sum3A_325 = tpu.scan <sum>, %mul3A_322 masked %reduce_sum3A_324 : vector<16xf32>, vector<16xi1> -> vector<16xf32>
          %reduce_sum3A_326 = vector.extract %reduce_sum3A_325[15] : f32 from vector<16xf32>
          %broadcast_in_dim3A_327 = vector.broadcast %reduce_sum3A_326 : f32 to vector<16xf32>
          %select_n3A_328 = arith.select %eq3A_35, %broadcast_in_dim3A_327, %select_n3A_311 : vector<16xi1>, vector<16xf32>
          %add3A_329 = arith.constant 2 : i32
          %add3A_330 = arith.addi %mul3A_160, %add3A_329 : i32
          %get3A_331 = arith.index_cast %add3A_330 : i32 to index
          %get3A_332 = arith.constant 32 : index
          %get3A_333 = tpu.vector_load %arg10[%get3A_331, %get3A_332] {strides = array<i32>} : memref<128x64xf32, #tpu.memory_space<vmem>>, vector<16xf32>,
          %add3A_334 = arith.constant 2 : i32
          %add3A_335 = arith.addi %mul3A_160, %add3A_334 : i32
          %get3A_336 = arith.index_cast %add3A_335 : i32 to index
          %get3A_337 = arith.constant 32 : index
          %get3A_338 = tpu.vector_load %arg12[%get3A_336, %get3A_337] {strides = array<i32>} : memref<128x64xf32, #tpu.memory_space<vmem>>, vector<16xf32>,
          %mul3A_339 = arith.mulf %get3A_333, %get3A_338 : vector<16xf32>
          %reduce_sum3A_340 = arith.constant true
          %reduce_sum3A_341 = vector.broadcast %reduce_sum3A_340 : i1 to vector<16xi1>
          %reduce_sum3A_342 = tpu.scan <sum>, %mul3A_339 masked %reduce_sum3A_341 : vector<16xf32>, vector<16xi1> -> vector<16xf32>
          %reduce_sum3A_343 = vector.extract %reduce_sum3A_342[15] : f32 from vector<16xf32>
          %broadcast_in_dim3A_344 = vector.broadcast %reduce_sum3A_343 : f32 to vector<16xf32>
          %select_n3A_345 = arith.select %eq3A_38, %broadcast_in_dim3A_344, %select_n3A_328 : vector<16xi1>, vector<16xf32>
          %add3A_346 = arith.constant 2 : i32
          %add3A_347 = arith.addi %mul3A_160, %add3A_346 : i32
          %get3A_348 = arith.index_cast %add3A_347 : i32 to index
          %get3A_349 = arith.constant 48 : index
          %get3A_350 = tpu.vector_load %arg10[%get3A_348, %get3A_349] {strides = array<i32>} : memref<128x64xf32, #tpu.memory_space<vmem>>, vector<16xf32>,
          %add3A_351 = arith.constant 2 : i32
          %add3A_352 = arith.addi %mul3A_160, %add3A_351 : i32
          %get3A_353 = arith.index_cast %add3A_352 : i32 to index
          %get3A_354 = arith.constant 48 : index
          %get3A_355 = tpu.vector_load %arg12[%get3A_353, %get3A_354] {strides = array<i32>} : memref<128x64xf32, #tpu.memory_space<vmem>>, vector<16xf32>,
          %mul3A_356 = arith.mulf %get3A_350, %get3A_355 : vector<16xf32>
          %reduce_sum3A_357 = arith.constant true
          %reduce_sum3A_358 = vector.broadcast %reduce_sum3A_357 : i1 to vector<16xi1>
          %reduce_sum3A_359 = tpu.scan <sum>, %mul3A_356 masked %reduce_sum3A_358 : vector<16xf32>, vector<16xi1> -> vector<16xf32>
          %reduce_sum3A_360 = vector.extract %reduce_sum3A_359[15] : f32 from vector<16xf32>
          %broadcast_in_dim3A_361 = vector.broadcast %reduce_sum3A_360 : f32 to vector<16xf32>
          %select_n3A_362 = arith.select %eq3A_41, %broadcast_in_dim3A_361, %select_n3A_345 : vector<16xi1>, vector<16xf32>
          %add3A_363 = arith.constant 3 : i32
          %add3A_364 = arith.addi %mul3A_160, %add3A_363 : i32
          %get3A_365 = arith.index_cast %add3A_364 : i32 to index
          %get3A_366 = arith.constant 0 : index
          %get3A_367 = tpu.vector_load %arg10[%get3A_365, %get3A_366] {strides = array<i32>} : memref<128x64xf32, #tpu.memory_space<vmem>>, vector<16xf32>,
          %add3A_368 = arith.constant 3 : i32
          %add3A_369 = arith.addi %mul3A_160, %add3A_368 : i32
          %get3A_370 = arith.index_cast %add3A_369 : i32 to index
          %get3A_371 = arith.constant 0 : index
          %get3A_372 = tpu.vector_load %arg12[%get3A_370, %get3A_371] {strides = array<i32>} : memref<128x64xf32, #tpu.memory_space<vmem>>, vector<16xf32>,
          %mul3A_373 = arith.mulf %get3A_367, %get3A_372 : vector<16xf32>
          %reduce_sum3A_374 = arith.constant true
          %reduce_sum3A_375 = vector.broadcast %reduce_sum3A_374 : i1 to vector<16xi1>
          %reduce_sum3A_376 = tpu.scan <sum>, %mul3A_373 masked %reduce_sum3A_375 : vector<16xf32>, vector<16xi1> -> vector<16xf32>
          %reduce_sum3A_377 = vector.extract %reduce_sum3A_376[15] : f32 from vector<16xf32>
          %broadcast_in_dim3A_378 = vector.broadcast %reduce_sum3A_377 : f32 to vector<16xf32>
          %select_n3A_379 = arith.select %eq3A_44, %broadcast_in_dim3A_378, %select_n3A_362 : vector<16xi1>, vector<16xf32>
          %add3A_380 = arith.constant 3 : i32
          %add3A_381 = arith.addi %mul3A_160, %add3A_380 : i32
          %get3A_382 = arith.index_cast %add3A_381 : i32 to index
          %get3A_383 = arith.constant 16 : index
          %get3A_384 = tpu.vector_load %arg10[%get3A_382, %get3A_383] {strides = array<i32>} : memref<128x64xf32, #tpu.memory_space<vmem>>, vector<16xf32>,
          %add3A_385 = arith.constant 3 : i32
          %add3A_386 = arith.addi %mul3A_160, %add3A_385 : i32
          %get3A_387 = arith.index_cast %add3A_386 : i32 to index
          %get3A_388 = arith.constant 16 : index
          %get3A_389 = tpu.vector_load %arg12[%get3A_387, %get3A_388] {strides = array<i32>} : memref<128x64xf32, #tpu.memory_space<vmem>>, vector<16xf32>,
          %mul3A_390 = arith.mulf %get3A_384, %get3A_389 : vector<16xf32>
          %reduce_sum3A_391 = arith.constant true
          %reduce_sum3A_392 = vector.broadcast %reduce_sum3A_391 : i1 to vector<16xi1>
          %reduce_sum3A_393 = tpu.scan <sum>, %mul3A_390 masked %reduce_sum3A_392 : vector<16xf32>, vector<16xi1> -> vector<16xf32>
          %reduce_sum3A_394 = vector.extract %reduce_sum3A_393[15] : f32 from vector<16xf32>
          %broadcast_in_dim3A_395 = vector.broadcast %reduce_sum3A_394 : f32 to vector<16xf32>
          %select_n3A_396 = arith.select %eq3A_47, %broadcast_in_dim3A_395, %select_n3A_379 : vector<16xi1>, vector<16xf32>
          %add3A_397 = arith.constant 3 : i32
          %add3A_398 = arith.addi %mul3A_160, %add3A_397 : i32
          %get3A_399 = arith.index_cast %add3A_398 : i32 to index
          %get3A_400 = arith.constant 32 : index
          %get3A_401 = tpu.vector_load %arg10[%get3A_399, %get3A_400] {strides = array<i32>} : memref<128x64xf32, #tpu.memory_space<vmem>>, vector<16xf32>,
          %add3A_402 = arith.constant 3 : i32
          %add3A_403 = arith.addi %mul3A_160, %add3A_402 : i32
          %get3A_404 = arith.index_cast %add3A_403 : i32 to index
          %get3A_405 = arith.constant 32 : index
          %get3A_406 = tpu.vector_load %arg12[%get3A_404, %get3A_405] {strides = array<i32>} : memref<128x64xf32, #tpu.memory_space<vmem>>, vector<16xf32>,
          %mul3A_407 = arith.mulf %get3A_401, %get3A_406 : vector<16xf32>
          %reduce_sum3A_408 = arith.constant true
          %reduce_sum3A_409 = vector.broadcast %reduce_sum3A_408 : i1 to vector<16xi1>
          %reduce_sum3A_410 = tpu.scan <sum>, %mul3A_407 masked %reduce_sum3A_409 : vector<16xf32>, vector<16xi1> -> vector<16xf32>
          %reduce_sum3A_411 = vector.extract %reduce_sum3A_410[15] : f32 from vector<16xf32>
          %broadcast_in_dim3A_412 = vector.broadcast %reduce_sum3A_411 : f32 to vector<16xf32>
          %select_n3A_413 = arith.select %eq3A_50, %broadcast_in_dim3A_412, %select_n3A_396 : vector<16xi1>, vector<16xf32>
          %add3A_414 = arith.constant 3 : i32
          %add3A_415 = arith.addi %mul3A_160, %add3A_414 : i32
          %get3A_416 = arith.index_cast %add3A_415 : i32 to index
          %get3A_417 = arith.constant 48 : index
          %get3A_418 = tpu.vector_load %arg10[%get3A_416, %get3A_417] {strides = array<i32>} : memref<128x64xf32, #tpu.memory_space<vmem>>, vector<16xf32>,
          %add3A_419 = arith.constant 3 : i32
          %add3A_420 = arith.addi %mul3A_160, %add3A_419 : i32
          %get3A_421 = arith.index_cast %add3A_420 : i32 to index
          %get3A_422 = arith.constant 48 : index
          %get3A_423 = tpu.vector_load %arg12[%get3A_421, %get3A_422] {strides = array<i32>} : memref<128x64xf32, #tpu.memory_space<vmem>>, vector<16xf32>,
          %mul3A_424 = arith.mulf %get3A_418, %get3A_423 : vector<16xf32>
          %reduce_sum3A_425 = arith.constant true
          %reduce_sum3A_426 = vector.broadcast %reduce_sum3A_425 : i1 to vector<16xi1>
          %reduce_sum3A_427 = tpu.scan <sum>, %mul3A_424 masked %reduce_sum3A_426 : vector<16xf32>, vector<16xi1> -> vector<16xf32>
          %reduce_sum3A_428 = vector.extract %reduce_sum3A_427[15] : f32 from vector<16xf32>
          %broadcast_in_dim3A_429 = vector.broadcast %reduce_sum3A_428 : f32 to vector<16xf32>
          %select_n3A_430 = arith.select %eq3A_53, %broadcast_in_dim3A_429, %select_n3A_413 : vector<16xi1>, vector<16xf32>
          %scatter3A = arith.constant 0 : i32
          %scatter3A_431 = tpu.memref_slice %arg14[%mul3A_160, %scatter3A] : memref<128x4xf32, #tpu.memory_space<vmem>> -> memref<4x4xf32, #tpu.memory_space<vmem>>
          tpu.vector_store_idx %scatter3A_431[%shift_right_arithmetic3A_3, %and3A_5], %select_n3A_430 : memref<4x4xf32, #tpu.memory_space<vmem>>[vector<16xi32>, vector<16xi32>], vector<16xf32>,
        }
        %scan3A_155 = arith.constant 32 : i32
        %mul3A_156 = arith.constant 128 : i32
        %mul3A_157 = arith.muli %add3A_114, %mul3A_156 : i32
        "tpu.region"() ({
          %run_scoped3A_158 = tpu.sem_alloc : memref<!tpu.dma_semaphore, #tpu.memory_space<semaphore_mem>>
          %dma_start3A_159 = arith.constant 0 : i32
          %dma_start3A_160 = tpu.memref_slice %arg6[%arg0, %mul3A_157, %dma_start3A_159] : memref<2x320000x4xf32, #tpu.memory_space<hbm>> -> memref<1x128x4xf32, #tpu.memory_space<hbm>>
          %dma_start3A_161 = tpu.memref_squeeze %dma_start3A_160 : memref<1x128x4xf32, #tpu.memory_space<hbm>> -> memref<128x4xf32, #tpu.memory_space<hbm>>
          %dma_start3A_162 = arith.constant 0 : i32
          %dma_start3A_163 = tpu.memref_slice %arg6[%arg0, %mul3A_157, %dma_start3A_162] : memref<2x320000x4xf32, #tpu.memory_space<hbm>> -> memref<1x128x4xf32, #tpu.memory_space<hbm>>
          %dma_start3A_164 = tpu.memref_squeeze %dma_start3A_163 : memref<1x128x4xf32, #tpu.memory_space<hbm>> -> memref<128x4xf32, #tpu.memory_space<hbm>>
          tpu.enqueue_dma source(%arg14 : memref<128x4xf32, #tpu.memory_space<vmem>>) target(%dma_start3A_164 : memref<128x4xf32, #tpu.memory_space<hbm>>) target_semaphore(%run_scoped3A_158 : memref<!tpu.dma_semaphore, #tpu.memory_space<semaphore_mem>>)
          %dma_wait3A_165 = arith.constant 0 : i32
          %dma_wait3A_166 = tpu.memref_slice %arg6[%arg0, %mul3A_157, %dma_wait3A_165] : memref<2x320000x4xf32, #tpu.memory_space<hbm>> -> memref<1x128x4xf32, #tpu.memory_space<hbm>>
          %dma_wait3A_167 = tpu.memref_squeeze %dma_wait3A_166 : memref<1x128x4xf32, #tpu.memory_space<hbm>> -> memref<128x4xf32, #tpu.memory_space<hbm>>
          %dma_wait3A_168 = arith.constant 0 : i32
          %dma_wait3A_169 = tpu.memref_slice %arg6[%arg0, %mul3A_157, %dma_wait3A_168] : memref<2x320000x4xf32, #tpu.memory_space<hbm>> -> memref<1x128x4xf32, #tpu.memory_space<hbm>>
          %dma_wait3A_170 = tpu.memref_squeeze %dma_wait3A_169 : memref<1x128x4xf32, #tpu.memory_space<hbm>> -> memref<128x4xf32, #tpu.memory_space<hbm>>
          tpu.wait_dma2 semaphore(%run_scoped3A_158 : memref<!tpu.dma_semaphore, #tpu.memory_space<semaphore_mem>>) src(%arg14 : memref<128x4xf32, #tpu.memory_space<vmem>>) dst(%dma_wait3A_170 : memref<128x4xf32, #tpu.memory_space<hbm>>)
          tpu.yield
        }) : () -> ()
        %run_scoped3A = arith.constant 1 : i32
        "tpu.region"() ({
          %run_scoped3A_158 = tpu.sem_alloc : memref<!tpu.dma_semaphore, #tpu.memory_space<semaphore_mem>>
          %dma_start3A_159 = arith.constant 0 : i32
          %dma_start3A_160 = tpu.memref_slice %arg8[%run_scoped3A, %dma_start3A_159] : memref<2x128xi32, #tpu.memory_space<vmem>> -> memref<1x128xi32, #tpu.memory_space<vmem>>
          %dma_start3A_161 = tpu.memref_squeeze %dma_start3A_160 : memref<1x128xi32, #tpu.memory_space<vmem>> -> memref<128xi32, #tpu.memory_space<vmem>>
          %dma_start3A_162 = arith.constant 0 : i32
          %dma_start3A_163 = arith.constant 0 : i32
          %dma_start3A_164 = tpu.memref_slice %arg15[%dma_start3A_162, %dma_start3A_163] : memref<10000x4xf32, #tpu.memory_space<vmem_shared>> -> memref<10000x4xf32, #tpu.memory_space<vmem_shared>>
          tpu.enqueue_indirect_dma source(%arg14 : memref<128x4xf32, #tpu.memory_space<vmem>>) target(%dma_start3A_164 : memref<10000x4xf32, #tpu.memory_space<vmem_shared>>) offsets(%dma_start3A_161 : memref<128xi32, #tpu.memory_space<vmem>>) semaphore(%run_scoped3A_158 : memref<!tpu.dma_semaphore, #tpu.memory_space<semaphore_mem>>) {add = true}
          %dma_wait3A_165 = arith.constant 0 : i32
          %dma_wait3A_166 = tpu.memref_slice %arg8[%run_scoped3A, %dma_wait3A_165] : memref<2x128xi32, #tpu.memory_space<vmem>> -> memref<1x128xi32, #tpu.memory_space<vmem>>
          %dma_wait3A_167 = tpu.memref_squeeze %dma_wait3A_166 : memref<1x128xi32, #tpu.memory_space<vmem>> -> memref<128xi32, #tpu.memory_space<vmem>>
          %dma_wait3A_168 = arith.constant 0 : i32
          %dma_wait3A_169 = arith.constant 0 : i32
          %dma_wait3A_170 = tpu.memref_slice %arg15[%dma_wait3A_168, %dma_wait3A_169] : memref<10000x4xf32, #tpu.memory_space<vmem_shared>> -> memref<10000x4xf32, #tpu.memory_space<vmem_shared>>
          tpu.wait_indirect_dma semaphore(%run_scoped3A_158 : memref<!tpu.dma_semaphore, #tpu.memory_space<semaphore_mem>>) src(%arg14 : memref<128x4xf32, #tpu.memory_space<vmem>>) dst(%dma_wait3A_170 : memref<10000x4xf32, #tpu.memory_space<vmem_shared>>)
          tpu.yield
        }) : () -> ()
      } else {
      }
      %mul3A_128 = arith.constant 2 : i32
      %mul3A_129 = arith.muli %scan3A_108, %mul3A_128 : i32
      %add3A_130 = arith.constant 1 : i32
      %add3A_131 = arith.addi %mul3A_129, %add3A_130 : i32
      %mul3A_132 = arith.constant 16 : i32
      %mul3A_133 = arith.muli %add3A_131, %mul3A_132 : i32
      %add3A_134 = arith.addi %mul3A_133, %arg1 : i32
      %add3A_135 = arith.constant 16 : i32
      %add3A_136 = arith.addi %add3A_134, %add3A_135 : i32
      %lt3A_137 = arith.constant 2500 : i32
      %lt3A_138 = arith.cmpi slt, %add3A_136, %lt3A_137 : i32
      %convert_element_type3A_139 = arith.extui %lt3A_138 : i1 to i32
      %cond3A_140 = arith.constant 0 : i32
      %cond3A_141 = arith.cmpi ne, %convert_element_type3A_139, %cond3A_140 : i32
      scf.if %cond3A_141 {
        %mul3A_150 = arith.constant 128 : i32
        %mul3A_151 = arith.muli %add3A_136, %mul3A_150 : i32
        "tpu.region"() ({
          %run_scoped3A_204 = tpu.sem_alloc : memref<!tpu.dma_semaphore, #tpu.memory_space<semaphore_mem>>
          %dma_start3A_205 = arith.constant 0 : i32
          %dma_start3A_206 = tpu.memref_slice %arg4[%dma_start3A_205, %mul3A_151] : memref<2x320000xi32, #tpu.memory_space<hbm>> -> memref<2x128xi32, #tpu.memory_space<hbm>>
          %dma_start3A_207 = arith.constant 0 : i32
          %dma_start3A_208 = tpu.memref_slice %arg4[%dma_start3A_207, %mul3A_151] : memref<2x320000xi32, #tpu.memory_space<hbm>> -> memref<2x128xi32, #tpu.memory_space<hbm>>
          tpu.enqueue_dma source(%dma_start3A_208 : memref<2x128xi32, #tpu.memory_space<hbm>>) target(%arg8 : memref<2x128xi32, #tpu.memory_space<vmem>>) target_semaphore(%run_scoped3A_204 : memref<!tpu.dma_semaphore, #tpu.memory_space<semaphore_mem>>)
          %dma_wait3A_209 = arith.constant 0 : i32
          %dma_wait3A_210 = tpu.memref_slice %arg4[%dma_wait3A_209, %mul3A_151] : memref<2x320000xi32, #tpu.memory_space<hbm>> -> memref<2x128xi32, #tpu.memory_space<hbm>>
          %dma_wait3A_211 = arith.constant 0 : i32
          %dma_wait3A_212 = tpu.memref_slice %arg4[%dma_wait3A_211, %mul3A_151] : memref<2x320000xi32, #tpu.memory_space<hbm>> -> memref<2x128xi32, #tpu.memory_space<hbm>>
          tpu.wait_dma2 semaphore(%run_scoped3A_204 : memref<!tpu.dma_semaphore, #tpu.memory_space<semaphore_mem>>) src(%dma_wait3A_212 : memref<2x128xi32, #tpu.memory_space<hbm>>) dst(%arg8 : memref<2x128xi32, #tpu.memory_space<vmem>>)
          tpu.yield
        }) : () -> ()
        %dma_start3A_152 = arith.constant 0 : i32
        %dma_start3A_153 = arith.constant 0 : i32
        %dma_start3A_154 = tpu.memref_slice %arg8[%dma_start3A_152, %dma_start3A_153] : memref<2x128xi32, #tpu.memory_space<vmem>> -> memref<1x128xi32, #tpu.memory_space<vmem>>
        %dma_start3A_155 = tpu.memref_squeeze %dma_start3A_154 : memref<1x128xi32, #tpu.memory_space<vmem>> -> memref<128xi32, #tpu.memory_space<vmem>>
        %dma_start3A_156 = arith.constant 0 : i32
        %dma_start3A_157 = arith.constant 0 : i32
        %dma_start3A_158 = tpu.memref_slice %arg2[%arg0, %dma_start3A_156, %dma_start3A_157] : memref<2x10000x64xf32, #tpu.memory_space<hbm>> -> memref<1x10000x64xf32, #tpu.memory_space<hbm>>
        %dma_start3A_159 = tpu.memref_squeeze %dma_start3A_158 : memref<1x10000x64xf32, #tpu.memory_space<hbm>> -> memref<10000x64xf32, #tpu.memory_space<hbm>>
        %dma_start3A_160 = arith.constant 0 : i32
        %dma_start3A_161 = arith.constant 0 : i32
        %dma_start3A_162 = tpu.memref_slice %dma_start3A_159[%dma_start3A_160, %dma_start3A_161] : memref<10000x64xf32, #tpu.memory_space<hbm>> -> memref<10000x64xf32, #tpu.memory_space<hbm>>
        tpu.enqueue_indirect_dma source(%dma_start3A_162 : memref<10000x64xf32, #tpu.memory_space<hbm>>) target(%arg10 : memref<128x64xf32, #tpu.memory_space<vmem>>) offsets(%dma_start3A_155 : memref<128xi32, #tpu.memory_space<vmem>>) semaphore(%arg16 : memref<!tpu.dma_semaphore, #tpu.memory_space<semaphore_mem>>)
        %dma_start3A_163 = arith.constant 1 : i32
        %dma_start3A_164 = arith.constant 0 : i32
        %dma_start3A_165 = tpu.memref_slice %arg8[%dma_start3A_163, %dma_start3A_164] : memref<2x128xi32, #tpu.memory_space<vmem>> -> memref<1x128xi32, #tpu.memory_space<vmem>>
        %dma_start3A_166 = tpu.memref_squeeze %dma_start3A_165 : memref<1x128xi32, #tpu.memory_space<vmem>> -> memref<128xi32, #tpu.memory_space<vmem>>
        %dma_start3A_167 = arith.constant 0 : i32
        %dma_start3A_168 = arith.constant 0 : i32
        %dma_start3A_169 = tpu.memref_slice %arg3[%arg0, %dma_start3A_167, %dma_start3A_168] : memref<2x10000x64xf32, #tpu.memory_space<hbm>> -> memref<1x10000x64xf32, #tpu.memory_space<hbm>>
        %dma_start3A_170 = tpu.memref_squeeze %dma_start3A_169 : memref<1x10000x64xf32, #tpu.memory_space<hbm>> -> memref<10000x64xf32, #tpu.memory_space<hbm>>
        %dma_start3A_171 = arith.constant 0 : i32
        %dma_start3A_172 = arith.constant 0 : i32
        %dma_start3A_173 = tpu.memref_slice %dma_start3A_170[%dma_start3A_171, %dma_start3A_172] : memref<10000x64xf32, #tpu.memory_space<hbm>> -> memref<10000x64xf32, #tpu.memory_space<hbm>>
        tpu.enqueue_indirect_dma source(%dma_start3A_173 : memref<10000x64xf32, #tpu.memory_space<hbm>>) target(%arg12 : memref<128x64xf32, #tpu.memory_space<vmem>>) offsets(%dma_start3A_166 : memref<128xi32, #tpu.memory_space<vmem>>) semaphore(%arg16 : memref<!tpu.dma_semaphore, #tpu.memory_space<semaphore_mem>>)
        %scan3A_174 = arith.constant 0 : i32
        %scan3A_175 = arith.constant 0 : i32
        %scan3A_176 = arith.constant 32 : i32
        %scan3A_177 = arith.addi %scan3A_175, %scan3A_176 : i32
        %scan3A_178 = arith.constant 1 : i32
        scf.for %scan3A_204 = %scan3A_175 to %scan3A_177 step %scan3A_178  : i32 {
          %mul3A_205 = arith.constant 4 : i32
          %mul3A_206 = arith.muli %scan3A_204, %mul3A_205 : i32
          %broadcast_in_dim3A = arith.constant 0.000000e+00 : f32
          %broadcast_in_dim3A_207 = vector.broadcast %broadcast_in_dim3A : f32 to vector<16xf32>
          %add3A_208 = arith.constant 0 : i32
          %add3A_209 = arith.addi %mul3A_206, %add3A_208 : i32
          %get3A = arith.index_cast %add3A_209 : i32 to index
          %get3A_210 = arith.constant 0 : index
          %get3A_211 = tpu.vector_load %arg11[%get3A, %get3A_210] {strides = array<i32>} : memref<128x64xf32, #tpu.memory_space<vmem>>, vector<16xf32>,
          %add3A_212 = arith.constant 0 : i32
          %add3A_213 = arith.addi %mul3A_206, %add3A_212 : i32
          %get3A_214 = arith.index_cast %add3A_213 : i32 to index
          %get3A_215 = arith.constant 0 : index
          %get3A_216 = tpu.vector_load %arg13[%get3A_214, %get3A_215] {strides = array<i32>} : memref<128x64xf32, #tpu.memory_space<vmem>>, vector<16xf32>,
          %mul3A_217 = arith.mulf %get3A_211, %get3A_216 : vector<16xf32>
          %reduce_sum3A = arith.constant true
          %reduce_sum3A_218 = vector.broadcast %reduce_sum3A : i1 to vector<16xi1>
          %reduce_sum3A_219 = tpu.scan <sum>, %mul3A_217 masked %reduce_sum3A_218 : vector<16xf32>, vector<16xi1> -> vector<16xf32>
          %reduce_sum3A_220 = vector.extract %reduce_sum3A_219[15] : f32 from vector<16xf32>
          %broadcast_in_dim3A_221 = vector.broadcast %reduce_sum3A_220 : f32 to vector<16xf32>
          %select_n3A = arith.select %eq3A_8, %broadcast_in_dim3A_221, %broadcast_in_dim3A_207 : vector<16xi1>, vector<16xf32>
          %add3A_222 = arith.constant 0 : i32
          %add3A_223 = arith.addi %mul3A_206, %add3A_222 : i32
          %get3A_224 = arith.index_cast %add3A_223 : i32 to index
          %get3A_225 = arith.constant 16 : index
          %get3A_226 = tpu.vector_load %arg11[%get3A_224, %get3A_225] {strides = array<i32>} : memref<128x64xf32, #tpu.memory_space<vmem>>, vector<16xf32>,
          %add3A_227 = arith.constant 0 : i32
          %add3A_228 = arith.addi %mul3A_206, %add3A_227 : i32
          %get3A_229 = arith.index_cast %add3A_228 : i32 to index
          %get3A_230 = arith.constant 16 : index
          %get3A_231 = tpu.vector_load %arg13[%get3A_229, %get3A_230] {strides = array<i32>} : memref<128x64xf32, #tpu.memory_space<vmem>>, vector<16xf32>,
          %mul3A_232 = arith.mulf %get3A_226, %get3A_231 : vector<16xf32>
          %reduce_sum3A_233 = arith.constant true
          %reduce_sum3A_234 = vector.broadcast %reduce_sum3A_233 : i1 to vector<16xi1>
          %reduce_sum3A_235 = tpu.scan <sum>, %mul3A_232 masked %reduce_sum3A_234 : vector<16xf32>, vector<16xi1> -> vector<16xf32>
          %reduce_sum3A_236 = vector.extract %reduce_sum3A_235[15] : f32 from vector<16xf32>
          %broadcast_in_dim3A_237 = vector.broadcast %reduce_sum3A_236 : f32 to vector<16xf32>
          %select_n3A_238 = arith.select %eq3A_11, %broadcast_in_dim3A_237, %select_n3A : vector<16xi1>, vector<16xf32>
          %add3A_239 = arith.constant 0 : i32
          %add3A_240 = arith.addi %mul3A_206, %add3A_239 : i32
          %get3A_241 = arith.index_cast %add3A_240 : i32 to index
          %get3A_242 = arith.constant 32 : index
          %get3A_243 = tpu.vector_load %arg11[%get3A_241, %get3A_242] {strides = array<i32>} : memref<128x64xf32, #tpu.memory_space<vmem>>, vector<16xf32>,
          %add3A_244 = arith.constant 0 : i32
          %add3A_245 = arith.addi %mul3A_206, %add3A_244 : i32
          %get3A_246 = arith.index_cast %add3A_245 : i32 to index
          %get3A_247 = arith.constant 32 : index
          %get3A_248 = tpu.vector_load %arg13[%get3A_246, %get3A_247] {strides = array<i32>} : memref<128x64xf32, #tpu.memory_space<vmem>>, vector<16xf32>,
          %mul3A_249 = arith.mulf %get3A_243, %get3A_248 : vector<16xf32>
          %reduce_sum3A_250 = arith.constant true
          %reduce_sum3A_251 = vector.broadcast %reduce_sum3A_250 : i1 to vector<16xi1>
          %reduce_sum3A_252 = tpu.scan <sum>, %mul3A_249 masked %reduce_sum3A_251 : vector<16xf32>, vector<16xi1> -> vector<16xf32>
          %reduce_sum3A_253 = vector.extract %reduce_sum3A_252[15] : f32 from vector<16xf32>
          %broadcast_in_dim3A_254 = vector.broadcast %reduce_sum3A_253 : f32 to vector<16xf32>
          %select_n3A_255 = arith.select %eq3A_14, %broadcast_in_dim3A_254, %select_n3A_238 : vector<16xi1>, vector<16xf32>
          %add3A_256 = arith.constant 0 : i32
          %add3A_257 = arith.addi %mul3A_206, %add3A_256 : i32
          %get3A_258 = arith.index_cast %add3A_257 : i32 to index
          %get3A_259 = arith.constant 48 : index
          %get3A_260 = tpu.vector_load %arg11[%get3A_258, %get3A_259] {strides = array<i32>} : memref<128x64xf32, #tpu.memory_space<vmem>>, vector<16xf32>,
          %add3A_261 = arith.constant 0 : i32
          %add3A_262 = arith.addi %mul3A_206, %add3A_261 : i32
          %get3A_263 = arith.index_cast %add3A_262 : i32 to index
          %get3A_264 = arith.constant 48 : index
          %get3A_265 = tpu.vector_load %arg13[%get3A_263, %get3A_264] {strides = array<i32>} : memref<128x64xf32, #tpu.memory_space<vmem>>, vector<16xf32>,
          %mul3A_266 = arith.mulf %get3A_260, %get3A_265 : vector<16xf32>
          %reduce_sum3A_267 = arith.constant true
          %reduce_sum3A_268 = vector.broadcast %reduce_sum3A_267 : i1 to vector<16xi1>
          %reduce_sum3A_269 = tpu.scan <sum>, %mul3A_266 masked %reduce_sum3A_268 : vector<16xf32>, vector<16xi1> -> vector<16xf32>
          %reduce_sum3A_270 = vector.extract %reduce_sum3A_269[15] : f32 from vector<16xf32>
          %broadcast_in_dim3A_271 = vector.broadcast %reduce_sum3A_270 : f32 to vector<16xf32>
          %select_n3A_272 = arith.select %eq3A_17, %broadcast_in_dim3A_271, %select_n3A_255 : vector<16xi1>, vector<16xf32>
          %add3A_273 = arith.constant 1 : i32
          %add3A_274 = arith.addi %mul3A_206, %add3A_273 : i32
          %get3A_275 = arith.index_cast %add3A_274 : i32 to index
          %get3A_276 = arith.constant 0 : index
          %get3A_277 = tpu.vector_load %arg11[%get3A_275, %get3A_276] {strides = array<i32>} : memref<128x64xf32, #tpu.memory_space<vmem>>, vector<16xf32>,
          %add3A_278 = arith.constant 1 : i32
          %add3A_279 = arith.addi %mul3A_206, %add3A_278 : i32
          %get3A_280 = arith.index_cast %add3A_279 : i32 to index
          %get3A_281 = arith.constant 0 : index
          %get3A_282 = tpu.vector_load %arg13[%get3A_280, %get3A_281] {strides = array<i32>} : memref<128x64xf32, #tpu.memory_space<vmem>>, vector<16xf32>,
          %mul3A_283 = arith.mulf %get3A_277, %get3A_282 : vector<16xf32>
          %reduce_sum3A_284 = arith.constant true
          %reduce_sum3A_285 = vector.broadcast %reduce_sum3A_284 : i1 to vector<16xi1>
          %reduce_sum3A_286 = tpu.scan <sum>, %mul3A_283 masked %reduce_sum3A_285 : vector<16xf32>, vector<16xi1> -> vector<16xf32>
          %reduce_sum3A_287 = vector.extract %reduce_sum3A_286[15] : f32 from vector<16xf32>
          %broadcast_in_dim3A_288 = vector.broadcast %reduce_sum3A_287 : f32 to vector<16xf32>
          %select_n3A_289 = arith.select %eq3A_20, %broadcast_in_dim3A_288, %select_n3A_272 : vector<16xi1>, vector<16xf32>
          %add3A_290 = arith.constant 1 : i32
          %add3A_291 = arith.addi %mul3A_206, %add3A_290 : i32
          %get3A_292 = arith.index_cast %add3A_291 : i32 to index
          %get3A_293 = arith.constant 16 : index
          %get3A_294 = tpu.vector_load %arg11[%get3A_292, %get3A_293] {strides = array<i32>} : memref<128x64xf32, #tpu.memory_space<vmem>>, vector<16xf32>,
          %add3A_295 = arith.constant 1 : i32
          %add3A_296 = arith.addi %mul3A_206, %add3A_295 : i32
          %get3A_297 = arith.index_cast %add3A_296 : i32 to index
          %get3A_298 = arith.constant 16 : index
          %get3A_299 = tpu.vector_load %arg13[%get3A_297, %get3A_298] {strides = array<i32>} : memref<128x64xf32, #tpu.memory_space<vmem>>, vector<16xf32>,
          %mul3A_300 = arith.mulf %get3A_294, %get3A_299 : vector<16xf32>
          %reduce_sum3A_301 = arith.constant true
          %reduce_sum3A_302 = vector.broadcast %reduce_sum3A_301 : i1 to vector<16xi1>
          %reduce_sum3A_303 = tpu.scan <sum>, %mul3A_300 masked %reduce_sum3A_302 : vector<16xf32>, vector<16xi1> -> vector<16xf32>
          %reduce_sum3A_304 = vector.extract %reduce_sum3A_303[15] : f32 from vector<16xf32>
          %broadcast_in_dim3A_305 = vector.broadcast %reduce_sum3A_304 : f32 to vector<16xf32>
          %select_n3A_306 = arith.select %eq3A_23, %broadcast_in_dim3A_305, %select_n3A_289 : vector<16xi1>, vector<16xf32>
          %add3A_307 = arith.constant 1 : i32
          %add3A_308 = arith.addi %mul3A_206, %add3A_307 : i32
          %get3A_309 = arith.index_cast %add3A_308 : i32 to index
          %get3A_310 = arith.constant 32 : index
          %get3A_311 = tpu.vector_load %arg11[%get3A_309, %get3A_310] {strides = array<i32>} : memref<128x64xf32, #tpu.memory_space<vmem>>, vector<16xf32>,
          %add3A_312 = arith.constant 1 : i32
          %add3A_313 = arith.addi %mul3A_206, %add3A_312 : i32
          %get3A_314 = arith.index_cast %add3A_313 : i32 to index
          %get3A_315 = arith.constant 32 : index
          %get3A_316 = tpu.vector_load %arg13[%get3A_314, %get3A_315] {strides = array<i32>} : memref<128x64xf32, #tpu.memory_space<vmem>>, vector<16xf32>,
          %mul3A_317 = arith.mulf %get3A_311, %get3A_316 : vector<16xf32>
          %reduce_sum3A_318 = arith.constant true
          %reduce_sum3A_319 = vector.broadcast %reduce_sum3A_318 : i1 to vector<16xi1>
          %reduce_sum3A_320 = tpu.scan <sum>, %mul3A_317 masked %reduce_sum3A_319 : vector<16xf32>, vector<16xi1> -> vector<16xf32>
          %reduce_sum3A_321 = vector.extract %reduce_sum3A_320[15] : f32 from vector<16xf32>
          %broadcast_in_dim3A_322 = vector.broadcast %reduce_sum3A_321 : f32 to vector<16xf32>
          %select_n3A_323 = arith.select %eq3A_26, %broadcast_in_dim3A_322, %select_n3A_306 : vector<16xi1>, vector<16xf32>
          %add3A_324 = arith.constant 1 : i32
          %add3A_325 = arith.addi %mul3A_206, %add3A_324 : i32
          %get3A_326 = arith.index_cast %add3A_325 : i32 to index
          %get3A_327 = arith.constant 48 : index
          %get3A_328 = tpu.vector_load %arg11[%get3A_326, %get3A_327] {strides = array<i32>} : memref<128x64xf32, #tpu.memory_space<vmem>>, vector<16xf32>,
          %add3A_329 = arith.constant 1 : i32
          %add3A_330 = arith.addi %mul3A_206, %add3A_329 : i32
          %get3A_331 = arith.index_cast %add3A_330 : i32 to index
          %get3A_332 = arith.constant 48 : index
          %get3A_333 = tpu.vector_load %arg13[%get3A_331, %get3A_332] {strides = array<i32>} : memref<128x64xf32, #tpu.memory_space<vmem>>, vector<16xf32>,
          %mul3A_334 = arith.mulf %get3A_328, %get3A_333 : vector<16xf32>
          %reduce_sum3A_335 = arith.constant true
          %reduce_sum3A_336 = vector.broadcast %reduce_sum3A_335 : i1 to vector<16xi1>
          %reduce_sum3A_337 = tpu.scan <sum>, %mul3A_334 masked %reduce_sum3A_336 : vector<16xf32>, vector<16xi1> -> vector<16xf32>
          %reduce_sum3A_338 = vector.extract %reduce_sum3A_337[15] : f32 from vector<16xf32>
          %broadcast_in_dim3A_339 = vector.broadcast %reduce_sum3A_338 : f32 to vector<16xf32>
          %select_n3A_340 = arith.select %eq3A_29, %broadcast_in_dim3A_339, %select_n3A_323 : vector<16xi1>, vector<16xf32>
          %add3A_341 = arith.constant 2 : i32
          %add3A_342 = arith.addi %mul3A_206, %add3A_341 : i32
          %get3A_343 = arith.index_cast %add3A_342 : i32 to index
          %get3A_344 = arith.constant 0 : index
          %get3A_345 = tpu.vector_load %arg11[%get3A_343, %get3A_344] {strides = array<i32>} : memref<128x64xf32, #tpu.memory_space<vmem>>, vector<16xf32>,
          %add3A_346 = arith.constant 2 : i32
          %add3A_347 = arith.addi %mul3A_206, %add3A_346 : i32
          %get3A_348 = arith.index_cast %add3A_347 : i32 to index
          %get3A_349 = arith.constant 0 : index
          %get3A_350 = tpu.vector_load %arg13[%get3A_348, %get3A_349] {strides = array<i32>} : memref<128x64xf32, #tpu.memory_space<vmem>>, vector<16xf32>,
          %mul3A_351 = arith.mulf %get3A_345, %get3A_350 : vector<16xf32>
          %reduce_sum3A_352 = arith.constant true
          %reduce_sum3A_353 = vector.broadcast %reduce_sum3A_352 : i1 to vector<16xi1>
          %reduce_sum3A_354 = tpu.scan <sum>, %mul3A_351 masked %reduce_sum3A_353 : vector<16xf32>, vector<16xi1> -> vector<16xf32>
          %reduce_sum3A_355 = vector.extract %reduce_sum3A_354[15] : f32 from vector<16xf32>
          %broadcast_in_dim3A_356 = vector.broadcast %reduce_sum3A_355 : f32 to vector<16xf32>
          %select_n3A_357 = arith.select %eq3A_32, %broadcast_in_dim3A_356, %select_n3A_340 : vector<16xi1>, vector<16xf32>
          %add3A_358 = arith.constant 2 : i32
          %add3A_359 = arith.addi %mul3A_206, %add3A_358 : i32
          %get3A_360 = arith.index_cast %add3A_359 : i32 to index
          %get3A_361 = arith.constant 16 : index
          %get3A_362 = tpu.vector_load %arg11[%get3A_360, %get3A_361] {strides = array<i32>} : memref<128x64xf32, #tpu.memory_space<vmem>>, vector<16xf32>,
          %add3A_363 = arith.constant 2 : i32
          %add3A_364 = arith.addi %mul3A_206, %add3A_363 : i32
          %get3A_365 = arith.index_cast %add3A_364 : i32 to index
          %get3A_366 = arith.constant 16 : index
          %get3A_367 = tpu.vector_load %arg13[%get3A_365, %get3A_366] {strides = array<i32>} : memref<128x64xf32, #tpu.memory_space<vmem>>, vector<16xf32>,
          %mul3A_368 = arith.mulf %get3A_362, %get3A_367 : vector<16xf32>
          %reduce_sum3A_369 = arith.constant true
          %reduce_sum3A_370 = vector.broadcast %reduce_sum3A_369 : i1 to vector<16xi1>
          %reduce_sum3A_371 = tpu.scan <sum>, %mul3A_368 masked %reduce_sum3A_370 : vector<16xf32>, vector<16xi1> -> vector<16xf32>
          %reduce_sum3A_372 = vector.extract %reduce_sum3A_371[15] : f32 from vector<16xf32>
          %broadcast_in_dim3A_373 = vector.broadcast %reduce_sum3A_372 : f32 to vector<16xf32>
          %select_n3A_374 = arith.select %eq3A_35, %broadcast_in_dim3A_373, %select_n3A_357 : vector<16xi1>, vector<16xf32>
          %add3A_375 = arith.constant 2 : i32
          %add3A_376 = arith.addi %mul3A_206, %add3A_375 : i32
          %get3A_377 = arith.index_cast %add3A_376 : i32 to index
          %get3A_378 = arith.constant 32 : index
          %get3A_379 = tpu.vector_load %arg11[%get3A_377, %get3A_378] {strides = array<i32>} : memref<128x64xf32, #tpu.memory_space<vmem>>, vector<16xf32>,
          %add3A_380 = arith.constant 2 : i32
          %add3A_381 = arith.addi %mul3A_206, %add3A_380 : i32
          %get3A_382 = arith.index_cast %add3A_381 : i32 to index
          %get3A_383 = arith.constant 32 : index
          %get3A_384 = tpu.vector_load %arg13[%get3A_382, %get3A_383] {strides = array<i32>} : memref<128x64xf32, #tpu.memory_space<vmem>>, vector<16xf32>,
          %mul3A_385 = arith.mulf %get3A_379, %get3A_384 : vector<16xf32>
          %reduce_sum3A_386 = arith.constant true
          %reduce_sum3A_387 = vector.broadcast %reduce_sum3A_386 : i1 to vector<16xi1>
          %reduce_sum3A_388 = tpu.scan <sum>, %mul3A_385 masked %reduce_sum3A_387 : vector<16xf32>, vector<16xi1> -> vector<16xf32>
          %reduce_sum3A_389 = vector.extract %reduce_sum3A_388[15] : f32 from vector<16xf32>
          %broadcast_in_dim3A_390 = vector.broadcast %reduce_sum3A_389 : f32 to vector<16xf32>
          %select_n3A_391 = arith.select %eq3A_38, %broadcast_in_dim3A_390, %select_n3A_374 : vector<16xi1>, vector<16xf32>
          %add3A_392 = arith.constant 2 : i32
          %add3A_393 = arith.addi %mul3A_206, %add3A_392 : i32
          %get3A_394 = arith.index_cast %add3A_393 : i32 to index
          %get3A_395 = arith.constant 48 : index
          %get3A_396 = tpu.vector_load %arg11[%get3A_394, %get3A_395] {strides = array<i32>} : memref<128x64xf32, #tpu.memory_space<vmem>>, vector<16xf32>,
          %add3A_397 = arith.constant 2 : i32
          %add3A_398 = arith.addi %mul3A_206, %add3A_397 : i32
          %get3A_399 = arith.index_cast %add3A_398 : i32 to index
          %get3A_400 = arith.constant 48 : index
          %get3A_401 = tpu.vector_load %arg13[%get3A_399, %get3A_400] {strides = array<i32>} : memref<128x64xf32, #tpu.memory_space<vmem>>, vector<16xf32>,
          %mul3A_402 = arith.mulf %get3A_396, %get3A_401 : vector<16xf32>
          %reduce_sum3A_403 = arith.constant true
          %reduce_sum3A_404 = vector.broadcast %reduce_sum3A_403 : i1 to vector<16xi1>
          %reduce_sum3A_405 = tpu.scan <sum>, %mul3A_402 masked %reduce_sum3A_404 : vector<16xf32>, vector<16xi1> -> vector<16xf32>
          %reduce_sum3A_406 = vector.extract %reduce_sum3A_405[15] : f32 from vector<16xf32>
          %broadcast_in_dim3A_407 = vector.broadcast %reduce_sum3A_406 : f32 to vector<16xf32>
          %select_n3A_408 = arith.select %eq3A_41, %broadcast_in_dim3A_407, %select_n3A_391 : vector<16xi1>, vector<16xf32>
          %add3A_409 = arith.constant 3 : i32
          %add3A_410 = arith.addi %mul3A_206, %add3A_409 : i32
          %get3A_411 = arith.index_cast %add3A_410 : i32 to index
          %get3A_412 = arith.constant 0 : index
          %get3A_413 = tpu.vector_load %arg11[%get3A_411, %get3A_412] {strides = array<i32>} : memref<128x64xf32, #tpu.memory_space<vmem>>, vector<16xf32>,
          %add3A_414 = arith.constant 3 : i32
          %add3A_415 = arith.addi %mul3A_206, %add3A_414 : i32
          %get3A_416 = arith.index_cast %add3A_415 : i32 to index
          %get3A_417 = arith.constant 0 : index
          %get3A_418 = tpu.vector_load %arg13[%get3A_416, %get3A_417] {strides = array<i32>} : memref<128x64xf32, #tpu.memory_space<vmem>>, vector<16xf32>,
          %mul3A_419 = arith.mulf %get3A_413, %get3A_418 : vector<16xf32>
          %reduce_sum3A_420 = arith.constant true
          %reduce_sum3A_421 = vector.broadcast %reduce_sum3A_420 : i1 to vector<16xi1>
          %reduce_sum3A_422 = tpu.scan <sum>, %mul3A_419 masked %reduce_sum3A_421 : vector<16xf32>, vector<16xi1> -> vector<16xf32>
          %reduce_sum3A_423 = vector.extract %reduce_sum3A_422[15] : f32 from vector<16xf32>
          %broadcast_in_dim3A_424 = vector.broadcast %reduce_sum3A_423 : f32 to vector<16xf32>
          %select_n3A_425 = arith.select %eq3A_44, %broadcast_in_dim3A_424, %select_n3A_408 : vector<16xi1>, vector<16xf32>
          %add3A_426 = arith.constant 3 : i32
          %add3A_427 = arith.addi %mul3A_206, %add3A_426 : i32
          %get3A_428 = arith.index_cast %add3A_427 : i32 to index
          %get3A_429 = arith.constant 16 : index
          %get3A_430 = tpu.vector_load %arg11[%get3A_428, %get3A_429] {strides = array<i32>} : memref<128x64xf32, #tpu.memory_space<vmem>>, vector<16xf32>,
          %add3A_431 = arith.constant 3 : i32
          %add3A_432 = arith.addi %mul3A_206, %add3A_431 : i32
          %get3A_433 = arith.index_cast %add3A_432 : i32 to index
          %get3A_434 = arith.constant 16 : index
          %get3A_435 = tpu.vector_load %arg13[%get3A_433, %get3A_434] {strides = array<i32>} : memref<128x64xf32, #tpu.memory_space<vmem>>, vector<16xf32>,
          %mul3A_436 = arith.mulf %get3A_430, %get3A_435 : vector<16xf32>
          %reduce_sum3A_437 = arith.constant true
          %reduce_sum3A_438 = vector.broadcast %reduce_sum3A_437 : i1 to vector<16xi1>
          %reduce_sum3A_439 = tpu.scan <sum>, %mul3A_436 masked %reduce_sum3A_438 : vector<16xf32>, vector<16xi1> -> vector<16xf32>
          %reduce_sum3A_440 = vector.extract %reduce_sum3A_439[15] : f32 from vector<16xf32>
          %broadcast_in_dim3A_441 = vector.broadcast %reduce_sum3A_440 : f32 to vector<16xf32>
          %select_n3A_442 = arith.select %eq3A_47, %broadcast_in_dim3A_441, %select_n3A_425 : vector<16xi1>, vector<16xf32>
          %add3A_443 = arith.constant 3 : i32
          %add3A_444 = arith.addi %mul3A_206, %add3A_443 : i32
          %get3A_445 = arith.index_cast %add3A_444 : i32 to index
          %get3A_446 = arith.constant 32 : index
          %get3A_447 = tpu.vector_load %arg11[%get3A_445, %get3A_446] {strides = array<i32>} : memref<128x64xf32, #tpu.memory_space<vmem>>, vector<16xf32>,
          %add3A_448 = arith.constant 3 : i32
          %add3A_449 = arith.addi %mul3A_206, %add3A_448 : i32
          %get3A_450 = arith.index_cast %add3A_449 : i32 to index
          %get3A_451 = arith.constant 32 : index
          %get3A_452 = tpu.vector_load %arg13[%get3A_450, %get3A_451] {strides = array<i32>} : memref<128x64xf32, #tpu.memory_space<vmem>>, vector<16xf32>,
          %mul3A_453 = arith.mulf %get3A_447, %get3A_452 : vector<16xf32>
          %reduce_sum3A_454 = arith.constant true
          %reduce_sum3A_455 = vector.broadcast %reduce_sum3A_454 : i1 to vector<16xi1>
          %reduce_sum3A_456 = tpu.scan <sum>, %mul3A_453 masked %reduce_sum3A_455 : vector<16xf32>, vector<16xi1> -> vector<16xf32>
          %reduce_sum3A_457 = vector.extract %reduce_sum3A_456[15] : f32 from vector<16xf32>
          %broadcast_in_dim3A_458 = vector.broadcast %reduce_sum3A_457 : f32 to vector<16xf32>
          %select_n3A_459 = arith.select %eq3A_50, %broadcast_in_dim3A_458, %select_n3A_442 : vector<16xi1>, vector<16xf32>
          %add3A_460 = arith.constant 3 : i32
          %add3A_461 = arith.addi %mul3A_206, %add3A_460 : i32
          %get3A_462 = arith.index_cast %add3A_461 : i32 to index
          %get3A_463 = arith.constant 48 : index
          %get3A_464 = tpu.vector_load %arg11[%get3A_462, %get3A_463] {strides = array<i32>} : memref<128x64xf32, #tpu.memory_space<vmem>>, vector<16xf32>,
          %add3A_465 = arith.constant 3 : i32
          %add3A_466 = arith.addi %mul3A_206, %add3A_465 : i32
          %get3A_467 = arith.index_cast %add3A_466 : i32 to index
          %get3A_468 = arith.constant 48 : index
          %get3A_469 = tpu.vector_load %arg13[%get3A_467, %get3A_468] {strides = array<i32>} : memref<128x64xf32, #tpu.memory_space<vmem>>, vector<16xf32>,
          %mul3A_470 = arith.mulf %get3A_464, %get3A_469 : vector<16xf32>
          %reduce_sum3A_471 = arith.constant true
          %reduce_sum3A_472 = vector.broadcast %reduce_sum3A_471 : i1 to vector<16xi1>
          %reduce_sum3A_473 = tpu.scan <sum>, %mul3A_470 masked %reduce_sum3A_472 : vector<16xf32>, vector<16xi1> -> vector<16xf32>
          %reduce_sum3A_474 = vector.extract %reduce_sum3A_473[15] : f32 from vector<16xf32>
          %broadcast_in_dim3A_475 = vector.broadcast %reduce_sum3A_474 : f32 to vector<16xf32>
          %select_n3A_476 = arith.select %eq3A_53, %broadcast_in_dim3A_475, %select_n3A_459 : vector<16xi1>, vector<16xf32>
          %scatter3A = arith.constant 0 : i32
          %scatter3A_477 = tpu.memref_slice %arg14[%mul3A_206, %scatter3A] : memref<128x4xf32, #tpu.memory_space<vmem>> -> memref<4x4xf32, #tpu.memory_space<vmem>>
          tpu.vector_store_idx %scatter3A_477[%shift_right_arithmetic3A_3, %and3A_5], %select_n3A_476 : memref<4x4xf32, #tpu.memory_space<vmem>>[vector<16xi32>, vector<16xi32>], vector<16xf32>,
        }
        %scan3A_179 = arith.constant 32 : i32
        %mul3A_180 = arith.constant 128 : i32
        %mul3A_181 = arith.muli %add3A_134, %mul3A_180 : i32
        "tpu.region"() ({
          %run_scoped3A_204 = tpu.sem_alloc : memref<!tpu.dma_semaphore, #tpu.memory_space<semaphore_mem>>
          %dma_start3A_205 = arith.constant 0 : i32
          %dma_start3A_206 = tpu.memref_slice %arg6[%arg0, %mul3A_181, %dma_start3A_205] : memref<2x320000x4xf32, #tpu.memory_space<hbm>> -> memref<1x128x4xf32, #tpu.memory_space<hbm>>
          %dma_start3A_207 = tpu.memref_squeeze %dma_start3A_206 : memref<1x128x4xf32, #tpu.memory_space<hbm>> -> memref<128x4xf32, #tpu.memory_space<hbm>>
          %dma_start3A_208 = arith.constant 0 : i32
          %dma_start3A_209 = tpu.memref_slice %arg6[%arg0, %mul3A_181, %dma_start3A_208] : memref<2x320000x4xf32, #tpu.memory_space<hbm>> -> memref<1x128x4xf32, #tpu.memory_space<hbm>>
          %dma_start3A_210 = tpu.memref_squeeze %dma_start3A_209 : memref<1x128x4xf32, #tpu.memory_space<hbm>> -> memref<128x4xf32, #tpu.memory_space<hbm>>
          tpu.enqueue_dma source(%arg14 : memref<128x4xf32, #tpu.memory_space<vmem>>) target(%dma_start3A_210 : memref<128x4xf32, #tpu.memory_space<hbm>>) target_semaphore(%run_scoped3A_204 : memref<!tpu.dma_semaphore, #tpu.memory_space<semaphore_mem>>)
          %dma_wait3A_211 = arith.constant 0 : i32
          %dma_wait3A_212 = tpu.memref_slice %arg6[%arg0, %mul3A_181, %dma_wait3A_211] : memref<2x320000x4xf32, #tpu.memory_space<hbm>> -> memref<1x128x4xf32, #tpu.memory_space<hbm>>
          %dma_wait3A_213 = tpu.memref_squeeze %dma_wait3A_212 : memref<1x128x4xf32, #tpu.memory_space<hbm>> -> memref<128x4xf32, #tpu.memory_space<hbm>>
          %dma_wait3A_214 = arith.constant 0 : i32
          %dma_wait3A_215 = tpu.memref_slice %arg6[%arg0, %mul3A_181, %dma_wait3A_214] : memref<2x320000x4xf32, #tpu.memory_space<hbm>> -> memref<1x128x4xf32, #tpu.memory_space<hbm>>
          %dma_wait3A_216 = tpu.memref_squeeze %dma_wait3A_215 : memref<1x128x4xf32, #tpu.memory_space<hbm>> -> memref<128x4xf32, #tpu.memory_space<hbm>>
          tpu.wait_dma2 semaphore(%run_scoped3A_204 : memref<!tpu.dma_semaphore, #tpu.memory_space<semaphore_mem>>) src(%arg14 : memref<128x4xf32, #tpu.memory_space<vmem>>) dst(%dma_wait3A_216 : memref<128x4xf32, #tpu.memory_space<hbm>>)
          tpu.yield
        }) : () -> ()
        %run_scoped3A = arith.constant 1 : i32
        "tpu.region"() ({
          %run_scoped3A_204 = tpu.sem_alloc : memref<!tpu.dma_semaphore, #tpu.memory_space<semaphore_mem>>
          %dma_start3A_205 = arith.constant 0 : i32
          %dma_start3A_206 = tpu.memref_slice %arg9[%run_scoped3A, %dma_start3A_205] : memref<2x128xi32, #tpu.memory_space<vmem>> -> memref<1x128xi32, #tpu.memory_space<vmem>>
          %dma_start3A_207 = tpu.memref_squeeze %dma_start3A_206 : memref<1x128xi32, #tpu.memory_space<vmem>> -> memref<128xi32, #tpu.memory_space<vmem>>
          %dma_start3A_208 = arith.constant 0 : i32
          %dma_start3A_209 = arith.constant 0 : i32
          %dma_start3A_210 = tpu.memref_slice %arg15[%dma_start3A_208, %dma_start3A_209] : memref<10000x4xf32, #tpu.memory_space<vmem_shared>> -> memref<10000x4xf32, #tpu.memory_space<vmem_shared>>
          tpu.enqueue_indirect_dma source(%arg14 : memref<128x4xf32, #tpu.memory_space<vmem>>) target(%dma_start3A_210 : memref<10000x4xf32, #tpu.memory_space<vmem_shared>>) offsets(%dma_start3A_207 : memref<128xi32, #tpu.memory_space<vmem>>) semaphore(%run_scoped3A_204 : memref<!tpu.dma_semaphore, #tpu.memory_space<semaphore_mem>>) {add = true}
          %dma_wait3A_211 = arith.constant 0 : i32
          %dma_wait3A_212 = tpu.memref_slice %arg9[%run_scoped3A, %dma_wait3A_211] : memref<2x128xi32, #tpu.memory_space<vmem>> -> memref<1x128xi32, #tpu.memory_space<vmem>>
          %dma_wait3A_213 = tpu.memref_squeeze %dma_wait3A_212 : memref<1x128xi32, #tpu.memory_space<vmem>> -> memref<128xi32, #tpu.memory_space<vmem>>
          %dma_wait3A_214 = arith.constant 0 : i32
          %dma_wait3A_215 = arith.constant 0 : i32
          %dma_wait3A_216 = tpu.memref_slice %arg15[%dma_wait3A_214, %dma_wait3A_215] : memref<10000x4xf32, #tpu.memory_space<vmem_shared>> -> memref<10000x4xf32, #tpu.memory_space<vmem_shared>>
          tpu.wait_indirect_dma semaphore(%run_scoped3A_204 : memref<!tpu.dma_semaphore, #tpu.memory_space<semaphore_mem>>) src(%arg14 : memref<128x4xf32, #tpu.memory_space<vmem>>) dst(%dma_wait3A_216 : memref<10000x4xf32, #tpu.memory_space<vmem_shared>>)
          tpu.yield
        }) : () -> ()
        %dma_wait3A_182 = arith.constant 0 : i32
        %dma_wait3A_183 = arith.constant 0 : i32
        %dma_wait3A_184 = tpu.memref_slice %arg8[%dma_wait3A_182, %dma_wait3A_183] : memref<2x128xi32, #tpu.memory_space<vmem>> -> memref<1x128xi32, #tpu.memory_space<vmem>>
        %dma_wait3A_185 = tpu.memref_squeeze %dma_wait3A_184 : memref<1x128xi32, #tpu.memory_space<vmem>> -> memref<128xi32, #tpu.memory_space<vmem>>
        %dma_wait3A_186 = arith.constant 0 : i32
        %dma_wait3A_187 = arith.constant 0 : i32
        %dma_wait3A_188 = tpu.memref_slice %arg2[%arg0, %dma_wait3A_186, %dma_wait3A_187] : memref<2x10000x64xf32, #tpu.memory_space<hbm>> -> memref<1x10000x64xf32, #tpu.memory_space<hbm>>
        %dma_wait3A_189 = tpu.memref_squeeze %dma_wait3A_188 : memref<1x10000x64xf32, #tpu.memory_space<hbm>> -> memref<10000x64xf32, #tpu.memory_space<hbm>>
        %dma_wait3A_190 = arith.constant 0 : i32
        %dma_wait3A_191 = arith.constant 0 : i32
        %dma_wait3A_192 = tpu.memref_slice %dma_wait3A_189[%dma_wait3A_190, %dma_wait3A_191] : memref<10000x64xf32, #tpu.memory_space<hbm>> -> memref<10000x64xf32, #tpu.memory_space<hbm>>
        tpu.wait_indirect_dma semaphore(%arg16 : memref<!tpu.dma_semaphore, #tpu.memory_space<semaphore_mem>>) src(%dma_wait3A_192 : memref<10000x64xf32, #tpu.memory_space<hbm>>) dst(%arg10 : memref<128x64xf32, #tpu.memory_space<vmem>>)
        %dma_wait3A_193 = arith.constant 1 : i32
        %dma_wait3A_194 = arith.constant 0 : i32
        %dma_wait3A_195 = tpu.memref_slice %arg8[%dma_wait3A_193, %dma_wait3A_194] : memref<2x128xi32, #tpu.memory_space<vmem>> -> memref<1x128xi32, #tpu.memory_space<vmem>>
        %dma_wait3A_196 = tpu.memref_squeeze %dma_wait3A_195 : memref<1x128xi32, #tpu.memory_space<vmem>> -> memref<128xi32, #tpu.memory_space<vmem>>
        %dma_wait3A_197 = arith.constant 0 : i32
        %dma_wait3A_198 = arith.constant 0 : i32
        %dma_wait3A_199 = tpu.memref_slice %arg3[%arg0, %dma_wait3A_197, %dma_wait3A_198] : memref<2x10000x64xf32, #tpu.memory_space<hbm>> -> memref<1x10000x64xf32, #tpu.memory_space<hbm>>
        %dma_wait3A_200 = tpu.memref_squeeze %dma_wait3A_199 : memref<1x10000x64xf32, #tpu.memory_space<hbm>> -> memref<10000x64xf32, #tpu.memory_space<hbm>>
        %dma_wait3A_201 = arith.constant 0 : i32
        %dma_wait3A_202 = arith.constant 0 : i32
        %dma_wait3A_203 = tpu.memref_slice %dma_wait3A_200[%dma_wait3A_201, %dma_wait3A_202] : memref<10000x64xf32, #tpu.memory_space<hbm>> -> memref<10000x64xf32, #tpu.memory_space<hbm>>
        tpu.wait_indirect_dma semaphore(%arg16 : memref<!tpu.dma_semaphore, #tpu.memory_space<semaphore_mem>>) src(%dma_wait3A_203 : memref<10000x64xf32, #tpu.memory_space<hbm>>) dst(%arg12 : memref<128x64xf32, #tpu.memory_space<vmem>>)
      } else {
      }
      %lt3A_142 = arith.constant 2500 : i32
      %lt3A_143 = arith.cmpi slt, %add3A_134, %lt3A_142 : i32
      %ge3A_144 = arith.constant 2500 : i32
      %ge3A_145 = arith.cmpi sge, %add3A_136, %ge3A_144 : i32
      %and3A_146 = arith.andi %lt3A_143, %ge3A_145 : i1
      %convert_element_type3A_147 = arith.extui %and3A_146 : i1 to i32
      %cond3A_148 = arith.constant 0 : i32
      %cond3A_149 = arith.cmpi ne, %convert_element_type3A_147, %cond3A_148 : i32
      scf.if %cond3A_149 {
        %scan3A_150 = arith.constant 0 : i32
        %scan3A_151 = arith.constant 0 : i32
        %scan3A_152 = arith.constant 32 : i32
        %scan3A_153 = arith.addi %scan3A_151, %scan3A_152 : i32
        %scan3A_154 = arith.constant 1 : i32
        scf.for %scan3A_158 = %scan3A_151 to %scan3A_153 step %scan3A_154  : i32 {
          %mul3A_159 = arith.constant 4 : i32
          %mul3A_160 = arith.muli %scan3A_158, %mul3A_159 : i32
          %broadcast_in_dim3A = arith.constant 0.000000e+00 : f32
          %broadcast_in_dim3A_161 = vector.broadcast %broadcast_in_dim3A : f32 to vector<16xf32>
          %add3A_162 = arith.constant 0 : i32
          %add3A_163 = arith.addi %mul3A_160, %add3A_162 : i32
          %get3A = arith.index_cast %add3A_163 : i32 to index
          %get3A_164 = arith.constant 0 : index
          %get3A_165 = tpu.vector_load %arg11[%get3A, %get3A_164] {strides = array<i32>} : memref<128x64xf32, #tpu.memory_space<vmem>>, vector<16xf32>,
          %add3A_166 = arith.constant 0 : i32
          %add3A_167 = arith.addi %mul3A_160, %add3A_166 : i32
          %get3A_168 = arith.index_cast %add3A_167 : i32 to index
          %get3A_169 = arith.constant 0 : index
          %get3A_170 = tpu.vector_load %arg13[%get3A_168, %get3A_169] {strides = array<i32>} : memref<128x64xf32, #tpu.memory_space<vmem>>, vector<16xf32>,
          %mul3A_171 = arith.mulf %get3A_165, %get3A_170 : vector<16xf32>
          %reduce_sum3A = arith.constant true
          %reduce_sum3A_172 = vector.broadcast %reduce_sum3A : i1 to vector<16xi1>
          %reduce_sum3A_173 = tpu.scan <sum>, %mul3A_171 masked %reduce_sum3A_172 : vector<16xf32>, vector<16xi1> -> vector<16xf32>
          %reduce_sum3A_174 = vector.extract %reduce_sum3A_173[15] : f32 from vector<16xf32>
          %broadcast_in_dim3A_175 = vector.broadcast %reduce_sum3A_174 : f32 to vector<16xf32>
          %select_n3A = arith.select %eq3A_8, %broadcast_in_dim3A_175, %broadcast_in_dim3A_161 : vector<16xi1>, vector<16xf32>
          %add3A_176 = arith.constant 0 : i32
          %add3A_177 = arith.addi %mul3A_160, %add3A_176 : i32
          %get3A_178 = arith.index_cast %add3A_177 : i32 to index
          %get3A_179 = arith.constant 16 : index
          %get3A_180 = tpu.vector_load %arg11[%get3A_178, %get3A_179] {strides = array<i32>} : memref<128x64xf32, #tpu.memory_space<vmem>>, vector<16xf32>,
          %add3A_181 = arith.constant 0 : i32
          %add3A_182 = arith.addi %mul3A_160, %add3A_181 : i32
          %get3A_183 = arith.index_cast %add3A_182 : i32 to index
          %get3A_184 = arith.constant 16 : index
          %get3A_185 = tpu.vector_load %arg13[%get3A_183, %get3A_184] {strides = array<i32>} : memref<128x64xf32, #tpu.memory_space<vmem>>, vector<16xf32>,
          %mul3A_186 = arith.mulf %get3A_180, %get3A_185 : vector<16xf32>
          %reduce_sum3A_187 = arith.constant true
          %reduce_sum3A_188 = vector.broadcast %reduce_sum3A_187 : i1 to vector<16xi1>
          %reduce_sum3A_189 = tpu.scan <sum>, %mul3A_186 masked %reduce_sum3A_188 : vector<16xf32>, vector<16xi1> -> vector<16xf32>
          %reduce_sum3A_190 = vector.extract %reduce_sum3A_189[15] : f32 from vector<16xf32>
          %broadcast_in_dim3A_191 = vector.broadcast %reduce_sum3A_190 : f32 to vector<16xf32>
          %select_n3A_192 = arith.select %eq3A_11, %broadcast_in_dim3A_191, %select_n3A : vector<16xi1>, vector<16xf32>
          %add3A_193 = arith.constant 0 : i32
          %add3A_194 = arith.addi %mul3A_160, %add3A_193 : i32
          %get3A_195 = arith.index_cast %add3A_194 : i32 to index
          %get3A_196 = arith.constant 32 : index
          %get3A_197 = tpu.vector_load %arg11[%get3A_195, %get3A_196] {strides = array<i32>} : memref<128x64xf32, #tpu.memory_space<vmem>>, vector<16xf32>,
          %add3A_198 = arith.constant 0 : i32
          %add3A_199 = arith.addi %mul3A_160, %add3A_198 : i32
          %get3A_200 = arith.index_cast %add3A_199 : i32 to index
          %get3A_201 = arith.constant 32 : index
          %get3A_202 = tpu.vector_load %arg13[%get3A_200, %get3A_201] {strides = array<i32>} : memref<128x64xf32, #tpu.memory_space<vmem>>, vector<16xf32>,
          %mul3A_203 = arith.mulf %get3A_197, %get3A_202 : vector<16xf32>
          %reduce_sum3A_204 = arith.constant true
          %reduce_sum3A_205 = vector.broadcast %reduce_sum3A_204 : i1 to vector<16xi1>
          %reduce_sum3A_206 = tpu.scan <sum>, %mul3A_203 masked %reduce_sum3A_205 : vector<16xf32>, vector<16xi1> -> vector<16xf32>
          %reduce_sum3A_207 = vector.extract %reduce_sum3A_206[15] : f32 from vector<16xf32>
          %broadcast_in_dim3A_208 = vector.broadcast %reduce_sum3A_207 : f32 to vector<16xf32>
          %select_n3A_209 = arith.select %eq3A_14, %broadcast_in_dim3A_208, %select_n3A_192 : vector<16xi1>, vector<16xf32>
          %add3A_210 = arith.constant 0 : i32
          %add3A_211 = arith.addi %mul3A_160, %add3A_210 : i32
          %get3A_212 = arith.index_cast %add3A_211 : i32 to index
          %get3A_213 = arith.constant 48 : index
          %get3A_214 = tpu.vector_load %arg11[%get3A_212, %get3A_213] {strides = array<i32>} : memref<128x64xf32, #tpu.memory_space<vmem>>, vector<16xf32>,
          %add3A_215 = arith.constant 0 : i32
          %add3A_216 = arith.addi %mul3A_160, %add3A_215 : i32
          %get3A_217 = arith.index_cast %add3A_216 : i32 to index
          %get3A_218 = arith.constant 48 : index
          %get3A_219 = tpu.vector_load %arg13[%get3A_217, %get3A_218] {strides = array<i32>} : memref<128x64xf32, #tpu.memory_space<vmem>>, vector<16xf32>,
          %mul3A_220 = arith.mulf %get3A_214, %get3A_219 : vector<16xf32>
          %reduce_sum3A_221 = arith.constant true
          %reduce_sum3A_222 = vector.broadcast %reduce_sum3A_221 : i1 to vector<16xi1>
          %reduce_sum3A_223 = tpu.scan <sum>, %mul3A_220 masked %reduce_sum3A_222 : vector<16xf32>, vector<16xi1> -> vector<16xf32>
          %reduce_sum3A_224 = vector.extract %reduce_sum3A_223[15] : f32 from vector<16xf32>
          %broadcast_in_dim3A_225 = vector.broadcast %reduce_sum3A_224 : f32 to vector<16xf32>
          %select_n3A_226 = arith.select %eq3A_17, %broadcast_in_dim3A_225, %select_n3A_209 : vector<16xi1>, vector<16xf32>
          %add3A_227 = arith.constant 1 : i32
          %add3A_228 = arith.addi %mul3A_160, %add3A_227 : i32
          %get3A_229 = arith.index_cast %add3A_228 : i32 to index
          %get3A_230 = arith.constant 0 : index
          %get3A_231 = tpu.vector_load %arg11[%get3A_229, %get3A_230] {strides = array<i32>} : memref<128x64xf32, #tpu.memory_space<vmem>>, vector<16xf32>,
          %add3A_232 = arith.constant 1 : i32
          %add3A_233 = arith.addi %mul3A_160, %add3A_232 : i32
          %get3A_234 = arith.index_cast %add3A_233 : i32 to index
          %get3A_235 = arith.constant 0 : index
          %get3A_236 = tpu.vector_load %arg13[%get3A_234, %get3A_235] {strides = array<i32>} : memref<128x64xf32, #tpu.memory_space<vmem>>, vector<16xf32>,
          %mul3A_237 = arith.mulf %get3A_231, %get3A_236 : vector<16xf32>
          %reduce_sum3A_238 = arith.constant true
          %reduce_sum3A_239 = vector.broadcast %reduce_sum3A_238 : i1 to vector<16xi1>
          %reduce_sum3A_240 = tpu.scan <sum>, %mul3A_237 masked %reduce_sum3A_239 : vector<16xf32>, vector<16xi1> -> vector<16xf32>
          %reduce_sum3A_241 = vector.extract %reduce_sum3A_240[15] : f32 from vector<16xf32>
          %broadcast_in_dim3A_242 = vector.broadcast %reduce_sum3A_241 : f32 to vector<16xf32>
          %select_n3A_243 = arith.select %eq3A_20, %broadcast_in_dim3A_242, %select_n3A_226 : vector<16xi1>, vector<16xf32>
          %add3A_244 = arith.constant 1 : i32
          %add3A_245 = arith.addi %mul3A_160, %add3A_244 : i32
          %get3A_246 = arith.index_cast %add3A_245 : i32 to index
          %get3A_247 = arith.constant 16 : index
          %get3A_248 = tpu.vector_load %arg11[%get3A_246, %get3A_247] {strides = array<i32>} : memref<128x64xf32, #tpu.memory_space<vmem>>, vector<16xf32>,
          %add3A_249 = arith.constant 1 : i32
          %add3A_250 = arith.addi %mul3A_160, %add3A_249 : i32
          %get3A_251 = arith.index_cast %add3A_250 : i32 to index
          %get3A_252 = arith.constant 16 : index
          %get3A_253 = tpu.vector_load %arg13[%get3A_251, %get3A_252] {strides = array<i32>} : memref<128x64xf32, #tpu.memory_space<vmem>>, vector<16xf32>,
          %mul3A_254 = arith.mulf %get3A_248, %get3A_253 : vector<16xf32>
          %reduce_sum3A_255 = arith.constant true
          %reduce_sum3A_256 = vector.broadcast %reduce_sum3A_255 : i1 to vector<16xi1>
          %reduce_sum3A_257 = tpu.scan <sum>, %mul3A_254 masked %reduce_sum3A_256 : vector<16xf32>, vector<16xi1> -> vector<16xf32>
          %reduce_sum3A_258 = vector.extract %reduce_sum3A_257[15] : f32 from vector<16xf32>
          %broadcast_in_dim3A_259 = vector.broadcast %reduce_sum3A_258 : f32 to vector<16xf32>
          %select_n3A_260 = arith.select %eq3A_23, %broadcast_in_dim3A_259, %select_n3A_243 : vector<16xi1>, vector<16xf32>
          %add3A_261 = arith.constant 1 : i32
          %add3A_262 = arith.addi %mul3A_160, %add3A_261 : i32
          %get3A_263 = arith.index_cast %add3A_262 : i32 to index
          %get3A_264 = arith.constant 32 : index
          %get3A_265 = tpu.vector_load %arg11[%get3A_263, %get3A_264] {strides = array<i32>} : memref<128x64xf32, #tpu.memory_space<vmem>>, vector<16xf32>,
          %add3A_266 = arith.constant 1 : i32
          %add3A_267 = arith.addi %mul3A_160, %add3A_266 : i32
          %get3A_268 = arith.index_cast %add3A_267 : i32 to index
          %get3A_269 = arith.constant 32 : index
          %get3A_270 = tpu.vector_load %arg13[%get3A_268, %get3A_269] {strides = array<i32>} : memref<128x64xf32, #tpu.memory_space<vmem>>, vector<16xf32>,
          %mul3A_271 = arith.mulf %get3A_265, %get3A_270 : vector<16xf32>
          %reduce_sum3A_272 = arith.constant true
          %reduce_sum3A_273 = vector.broadcast %reduce_sum3A_272 : i1 to vector<16xi1>
          %reduce_sum3A_274 = tpu.scan <sum>, %mul3A_271 masked %reduce_sum3A_273 : vector<16xf32>, vector<16xi1> -> vector<16xf32>
          %reduce_sum3A_275 = vector.extract %reduce_sum3A_274[15] : f32 from vector<16xf32>
          %broadcast_in_dim3A_276 = vector.broadcast %reduce_sum3A_275 : f32 to vector<16xf32>
          %select_n3A_277 = arith.select %eq3A_26, %broadcast_in_dim3A_276, %select_n3A_260 : vector<16xi1>, vector<16xf32>
          %add3A_278 = arith.constant 1 : i32
          %add3A_279 = arith.addi %mul3A_160, %add3A_278 : i32
          %get3A_280 = arith.index_cast %add3A_279 : i32 to index
          %get3A_281 = arith.constant 48 : index
          %get3A_282 = tpu.vector_load %arg11[%get3A_280, %get3A_281] {strides = array<i32>} : memref<128x64xf32, #tpu.memory_space<vmem>>, vector<16xf32>,
          %add3A_283 = arith.constant 1 : i32
          %add3A_284 = arith.addi %mul3A_160, %add3A_283 : i32
          %get3A_285 = arith.index_cast %add3A_284 : i32 to index
          %get3A_286 = arith.constant 48 : index
          %get3A_287 = tpu.vector_load %arg13[%get3A_285, %get3A_286] {strides = array<i32>} : memref<128x64xf32, #tpu.memory_space<vmem>>, vector<16xf32>,
          %mul3A_288 = arith.mulf %get3A_282, %get3A_287 : vector<16xf32>
          %reduce_sum3A_289 = arith.constant true
          %reduce_sum3A_290 = vector.broadcast %reduce_sum3A_289 : i1 to vector<16xi1>
          %reduce_sum3A_291 = tpu.scan <sum>, %mul3A_288 masked %reduce_sum3A_290 : vector<16xf32>, vector<16xi1> -> vector<16xf32>
          %reduce_sum3A_292 = vector.extract %reduce_sum3A_291[15] : f32 from vector<16xf32>
          %broadcast_in_dim3A_293 = vector.broadcast %reduce_sum3A_292 : f32 to vector<16xf32>
          %select_n3A_294 = arith.select %eq3A_29, %broadcast_in_dim3A_293, %select_n3A_277 : vector<16xi1>, vector<16xf32>
          %add3A_295 = arith.constant 2 : i32
          %add3A_296 = arith.addi %mul3A_160, %add3A_295 : i32
          %get3A_297 = arith.index_cast %add3A_296 : i32 to index
          %get3A_298 = arith.constant 0 : index
          %get3A_299 = tpu.vector_load %arg11[%get3A_297, %get3A_298] {strides = array<i32>} : memref<128x64xf32, #tpu.memory_space<vmem>>, vector<16xf32>,
          %add3A_300 = arith.constant 2 : i32
          %add3A_301 = arith.addi %mul3A_160, %add3A_300 : i32
          %get3A_302 = arith.index_cast %add3A_301 : i32 to index
          %get3A_303 = arith.constant 0 : index
          %get3A_304 = tpu.vector_load %arg13[%get3A_302, %get3A_303] {strides = array<i32>} : memref<128x64xf32, #tpu.memory_space<vmem>>, vector<16xf32>,
          %mul3A_305 = arith.mulf %get3A_299, %get3A_304 : vector<16xf32>
          %reduce_sum3A_306 = arith.constant true
          %reduce_sum3A_307 = vector.broadcast %reduce_sum3A_306 : i1 to vector<16xi1>
          %reduce_sum3A_308 = tpu.scan <sum>, %mul3A_305 masked %reduce_sum3A_307 : vector<16xf32>, vector<16xi1> -> vector<16xf32>
          %reduce_sum3A_309 = vector.extract %reduce_sum3A_308[15] : f32 from vector<16xf32>
          %broadcast_in_dim3A_310 = vector.broadcast %reduce_sum3A_309 : f32 to vector<16xf32>
          %select_n3A_311 = arith.select %eq3A_32, %broadcast_in_dim3A_310, %select_n3A_294 : vector<16xi1>, vector<16xf32>
          %add3A_312 = arith.constant 2 : i32
          %add3A_313 = arith.addi %mul3A_160, %add3A_312 : i32
          %get3A_314 = arith.index_cast %add3A_313 : i32 to index
          %get3A_315 = arith.constant 16 : index
          %get3A_316 = tpu.vector_load %arg11[%get3A_314, %get3A_315] {strides = array<i32>} : memref<128x64xf32, #tpu.memory_space<vmem>>, vector<16xf32>,
          %add3A_317 = arith.constant 2 : i32
          %add3A_318 = arith.addi %mul3A_160, %add3A_317 : i32
          %get3A_319 = arith.index_cast %add3A_318 : i32 to index
          %get3A_320 = arith.constant 16 : index
          %get3A_321 = tpu.vector_load %arg13[%get3A_319, %get3A_320] {strides = array<i32>} : memref<128x64xf32, #tpu.memory_space<vmem>>, vector<16xf32>,
          %mul3A_322 = arith.mulf %get3A_316, %get3A_321 : vector<16xf32>
          %reduce_sum3A_323 = arith.constant true
          %reduce_sum3A_324 = vector.broadcast %reduce_sum3A_323 : i1 to vector<16xi1>
          %reduce_sum3A_325 = tpu.scan <sum>, %mul3A_322 masked %reduce_sum3A_324 : vector<16xf32>, vector<16xi1> -> vector<16xf32>
          %reduce_sum3A_326 = vector.extract %reduce_sum3A_325[15] : f32 from vector<16xf32>
          %broadcast_in_dim3A_327 = vector.broadcast %reduce_sum3A_326 : f32 to vector<16xf32>
          %select_n3A_328 = arith.select %eq3A_35, %broadcast_in_dim3A_327, %select_n3A_311 : vector<16xi1>, vector<16xf32>
          %add3A_329 = arith.constant 2 : i32
          %add3A_330 = arith.addi %mul3A_160, %add3A_329 : i32
          %get3A_331 = arith.index_cast %add3A_330 : i32 to index
          %get3A_332 = arith.constant 32 : index
          %get3A_333 = tpu.vector_load %arg11[%get3A_331, %get3A_332] {strides = array<i32>} : memref<128x64xf32, #tpu.memory_space<vmem>>, vector<16xf32>,
          %add3A_334 = arith.constant 2 : i32
          %add3A_335 = arith.addi %mul3A_160, %add3A_334 : i32
          %get3A_336 = arith.index_cast %add3A_335 : i32 to index
          %get3A_337 = arith.constant 32 : index
          %get3A_338 = tpu.vector_load %arg13[%get3A_336, %get3A_337] {strides = array<i32>} : memref<128x64xf32, #tpu.memory_space<vmem>>, vector<16xf32>,
          %mul3A_339 = arith.mulf %get3A_333, %get3A_338 : vector<16xf32>
          %reduce_sum3A_340 = arith.constant true
          %reduce_sum3A_341 = vector.broadcast %reduce_sum3A_340 : i1 to vector<16xi1>
          %reduce_sum3A_342 = tpu.scan <sum>, %mul3A_339 masked %reduce_sum3A_341 : vector<16xf32>, vector<16xi1> -> vector<16xf32>
          %reduce_sum3A_343 = vector.extract %reduce_sum3A_342[15] : f32 from vector<16xf32>
          %broadcast_in_dim3A_344 = vector.broadcast %reduce_sum3A_343 : f32 to vector<16xf32>
          %select_n3A_345 = arith.select %eq3A_38, %broadcast_in_dim3A_344, %select_n3A_328 : vector<16xi1>, vector<16xf32>
          %add3A_346 = arith.constant 2 : i32
          %add3A_347 = arith.addi %mul3A_160, %add3A_346 : i32
          %get3A_348 = arith.index_cast %add3A_347 : i32 to index
          %get3A_349 = arith.constant 48 : index
          %get3A_350 = tpu.vector_load %arg11[%get3A_348, %get3A_349] {strides = array<i32>} : memref<128x64xf32, #tpu.memory_space<vmem>>, vector<16xf32>,
          %add3A_351 = arith.constant 2 : i32
          %add3A_352 = arith.addi %mul3A_160, %add3A_351 : i32
          %get3A_353 = arith.index_cast %add3A_352 : i32 to index
          %get3A_354 = arith.constant 48 : index
          %get3A_355 = tpu.vector_load %arg13[%get3A_353, %get3A_354] {strides = array<i32>} : memref<128x64xf32, #tpu.memory_space<vmem>>, vector<16xf32>,
          %mul3A_356 = arith.mulf %get3A_350, %get3A_355 : vector<16xf32>
          %reduce_sum3A_357 = arith.constant true
          %reduce_sum3A_358 = vector.broadcast %reduce_sum3A_357 : i1 to vector<16xi1>
          %reduce_sum3A_359 = tpu.scan <sum>, %mul3A_356 masked %reduce_sum3A_358 : vector<16xf32>, vector<16xi1> -> vector<16xf32>
          %reduce_sum3A_360 = vector.extract %reduce_sum3A_359[15] : f32 from vector<16xf32>
          %broadcast_in_dim3A_361 = vector.broadcast %reduce_sum3A_360 : f32 to vector<16xf32>
          %select_n3A_362 = arith.select %eq3A_41, %broadcast_in_dim3A_361, %select_n3A_345 : vector<16xi1>, vector<16xf32>
          %add3A_363 = arith.constant 3 : i32
          %add3A_364 = arith.addi %mul3A_160, %add3A_363 : i32
          %get3A_365 = arith.index_cast %add3A_364 : i32 to index
          %get3A_366 = arith.constant 0 : index
          %get3A_367 = tpu.vector_load %arg11[%get3A_365, %get3A_366] {strides = array<i32>} : memref<128x64xf32, #tpu.memory_space<vmem>>, vector<16xf32>,
          %add3A_368 = arith.constant 3 : i32
          %add3A_369 = arith.addi %mul3A_160, %add3A_368 : i32
          %get3A_370 = arith.index_cast %add3A_369 : i32 to index
          %get3A_371 = arith.constant 0 : index
          %get3A_372 = tpu.vector_load %arg13[%get3A_370, %get3A_371] {strides = array<i32>} : memref<128x64xf32, #tpu.memory_space<vmem>>, vector<16xf32>,
          %mul3A_373 = arith.mulf %get3A_367, %get3A_372 : vector<16xf32>
          %reduce_sum3A_374 = arith.constant true
          %reduce_sum3A_375 = vector.broadcast %reduce_sum3A_374 : i1 to vector<16xi1>
          %reduce_sum3A_376 = tpu.scan <sum>, %mul3A_373 masked %reduce_sum3A_375 : vector<16xf32>, vector<16xi1> -> vector<16xf32>
          %reduce_sum3A_377 = vector.extract %reduce_sum3A_376[15] : f32 from vector<16xf32>
          %broadcast_in_dim3A_378 = vector.broadcast %reduce_sum3A_377 : f32 to vector<16xf32>
          %select_n3A_379 = arith.select %eq3A_44, %broadcast_in_dim3A_378, %select_n3A_362 : vector<16xi1>, vector<16xf32>
          %add3A_380 = arith.constant 3 : i32
          %add3A_381 = arith.addi %mul3A_160, %add3A_380 : i32
          %get3A_382 = arith.index_cast %add3A_381 : i32 to index
          %get3A_383 = arith.constant 16 : index
          %get3A_384 = tpu.vector_load %arg11[%get3A_382, %get3A_383] {strides = array<i32>} : memref<128x64xf32, #tpu.memory_space<vmem>>, vector<16xf32>,
          %add3A_385 = arith.constant 3 : i32
          %add3A_386 = arith.addi %mul3A_160, %add3A_385 : i32
          %get3A_387 = arith.index_cast %add3A_386 : i32 to index
          %get3A_388 = arith.constant 16 : index
          %get3A_389 = tpu.vector_load %arg13[%get3A_387, %get3A_388] {strides = array<i32>} : memref<128x64xf32, #tpu.memory_space<vmem>>, vector<16xf32>,
          %mul3A_390 = arith.mulf %get3A_384, %get3A_389 : vector<16xf32>
          %reduce_sum3A_391 = arith.constant true
          %reduce_sum3A_392 = vector.broadcast %reduce_sum3A_391 : i1 to vector<16xi1>
          %reduce_sum3A_393 = tpu.scan <sum>, %mul3A_390 masked %reduce_sum3A_392 : vector<16xf32>, vector<16xi1> -> vector<16xf32>
          %reduce_sum3A_394 = vector.extract %reduce_sum3A_393[15] : f32 from vector<16xf32>
          %broadcast_in_dim3A_395 = vector.broadcast %reduce_sum3A_394 : f32 to vector<16xf32>
          %select_n3A_396 = arith.select %eq3A_47, %broadcast_in_dim3A_395, %select_n3A_379 : vector<16xi1>, vector<16xf32>
          %add3A_397 = arith.constant 3 : i32
          %add3A_398 = arith.addi %mul3A_160, %add3A_397 : i32
          %get3A_399 = arith.index_cast %add3A_398 : i32 to index
          %get3A_400 = arith.constant 32 : index
          %get3A_401 = tpu.vector_load %arg11[%get3A_399, %get3A_400] {strides = array<i32>} : memref<128x64xf32, #tpu.memory_space<vmem>>, vector<16xf32>,
          %add3A_402 = arith.constant 3 : i32
          %add3A_403 = arith.addi %mul3A_160, %add3A_402 : i32
          %get3A_404 = arith.index_cast %add3A_403 : i32 to index
          %get3A_405 = arith.constant 32 : index
          %get3A_406 = tpu.vector_load %arg13[%get3A_404, %get3A_405] {strides = array<i32>} : memref<128x64xf32, #tpu.memory_space<vmem>>, vector<16xf32>,
          %mul3A_407 = arith.mulf %get3A_401, %get3A_406 : vector<16xf32>
          %reduce_sum3A_408 = arith.constant true
          %reduce_sum3A_409 = vector.broadcast %reduce_sum3A_408 : i1 to vector<16xi1>
          %reduce_sum3A_410 = tpu.scan <sum>, %mul3A_407 masked %reduce_sum3A_409 : vector<16xf32>, vector<16xi1> -> vector<16xf32>
          %reduce_sum3A_411 = vector.extract %reduce_sum3A_410[15] : f32 from vector<16xf32>
          %broadcast_in_dim3A_412 = vector.broadcast %reduce_sum3A_411 : f32 to vector<16xf32>
          %select_n3A_413 = arith.select %eq3A_50, %broadcast_in_dim3A_412, %select_n3A_396 : vector<16xi1>, vector<16xf32>
          %add3A_414 = arith.constant 3 : i32
          %add3A_415 = arith.addi %mul3A_160, %add3A_414 : i32
          %get3A_416 = arith.index_cast %add3A_415 : i32 to index
          %get3A_417 = arith.constant 48 : index
          %get3A_418 = tpu.vector_load %arg11[%get3A_416, %get3A_417] {strides = array<i32>} : memref<128x64xf32, #tpu.memory_space<vmem>>, vector<16xf32>,
          %add3A_419 = arith.constant 3 : i32
          %add3A_420 = arith.addi %mul3A_160, %add3A_419 : i32
          %get3A_421 = arith.index_cast %add3A_420 : i32 to index
          %get3A_422 = arith.constant 48 : index
          %get3A_423 = tpu.vector_load %arg13[%get3A_421, %get3A_422] {strides = array<i32>} : memref<128x64xf32, #tpu.memory_space<vmem>>, vector<16xf32>,
          %mul3A_424 = arith.mulf %get3A_418, %get3A_423 : vector<16xf32>
          %reduce_sum3A_425 = arith.constant true
          %reduce_sum3A_426 = vector.broadcast %reduce_sum3A_425 : i1 to vector<16xi1>
          %reduce_sum3A_427 = tpu.scan <sum>, %mul3A_424 masked %reduce_sum3A_426 : vector<16xf32>, vector<16xi1> -> vector<16xf32>
          %reduce_sum3A_428 = vector.extract %reduce_sum3A_427[15] : f32 from vector<16xf32>
          %broadcast_in_dim3A_429 = vector.broadcast %reduce_sum3A_428 : f32 to vector<16xf32>
          %select_n3A_430 = arith.select %eq3A_53, %broadcast_in_dim3A_429, %select_n3A_413 : vector<16xi1>, vector<16xf32>
          %scatter3A = arith.constant 0 : i32
          %scatter3A_431 = tpu.memref_slice %arg14[%mul3A_160, %scatter3A] : memref<128x4xf32, #tpu.memory_space<vmem>> -> memref<4x4xf32, #tpu.memory_space<vmem>>
          tpu.vector_store_idx %scatter3A_431[%shift_right_arithmetic3A_3, %and3A_5], %select_n3A_430 : memref<4x4xf32, #tpu.memory_space<vmem>>[vector<16xi32>, vector<16xi32>], vector<16xf32>,
        }
        %scan3A_155 = arith.constant 32 : i32
        %mul3A_156 = arith.constant 128 : i32
        %mul3A_157 = arith.muli %add3A_134, %mul3A_156 : i32
        "tpu.region"() ({
          %run_scoped3A_158 = tpu.sem_alloc : memref<!tpu.dma_semaphore, #tpu.memory_space<semaphore_mem>>
          %dma_start3A_159 = arith.constant 0 : i32
          %dma_start3A_160 = tpu.memref_slice %arg6[%arg0, %mul3A_157, %dma_start3A_159] : memref<2x320000x4xf32, #tpu.memory_space<hbm>> -> memref<1x128x4xf32, #tpu.memory_space<hbm>>
          %dma_start3A_161 = tpu.memref_squeeze %dma_start3A_160 : memref<1x128x4xf32, #tpu.memory_space<hbm>> -> memref<128x4xf32, #tpu.memory_space<hbm>>
          %dma_start3A_162 = arith.constant 0 : i32
          %dma_start3A_163 = tpu.memref_slice %arg6[%arg0, %mul3A_157, %dma_start3A_162] : memref<2x320000x4xf32, #tpu.memory_space<hbm>> -> memref<1x128x4xf32, #tpu.memory_space<hbm>>
          %dma_start3A_164 = tpu.memref_squeeze %dma_start3A_163 : memref<1x128x4xf32, #tpu.memory_space<hbm>> -> memref<128x4xf32, #tpu.memory_space<hbm>>
          tpu.enqueue_dma source(%arg14 : memref<128x4xf32, #tpu.memory_space<vmem>>) target(%dma_start3A_164 : memref<128x4xf32, #tpu.memory_space<hbm>>) target_semaphore(%run_scoped3A_158 : memref<!tpu.dma_semaphore, #tpu.memory_space<semaphore_mem>>)
          %dma_wait3A_165 = arith.constant 0 : i32
          %dma_wait3A_166 = tpu.memref_slice %arg6[%arg0, %mul3A_157, %dma_wait3A_165] : memref<2x320000x4xf32, #tpu.memory_space<hbm>> -> memref<1x128x4xf32, #tpu.memory_space<hbm>>
          %dma_wait3A_167 = tpu.memref_squeeze %dma_wait3A_166 : memref<1x128x4xf32, #tpu.memory_space<hbm>> -> memref<128x4xf32, #tpu.memory_space<hbm>>
          %dma_wait3A_168 = arith.constant 0 : i32
          %dma_wait3A_169 = tpu.memref_slice %arg6[%arg0, %mul3A_157, %dma_wait3A_168] : memref<2x320000x4xf32, #tpu.memory_space<hbm>> -> memref<1x128x4xf32, #tpu.memory_space<hbm>>
          %dma_wait3A_170 = tpu.memref_squeeze %dma_wait3A_169 : memref<1x128x4xf32, #tpu.memory_space<hbm>> -> memref<128x4xf32, #tpu.memory_space<hbm>>
          tpu.wait_dma2 semaphore(%run_scoped3A_158 : memref<!tpu.dma_semaphore, #tpu.memory_space<semaphore_mem>>) src(%arg14 : memref<128x4xf32, #tpu.memory_space<vmem>>) dst(%dma_wait3A_170 : memref<128x4xf32, #tpu.memory_space<hbm>>)
          tpu.yield
        }) : () -> ()
        %run_scoped3A = arith.constant 1 : i32
        "tpu.region"() ({
          %run_scoped3A_158 = tpu.sem_alloc : memref<!tpu.dma_semaphore, #tpu.memory_space<semaphore_mem>>
          %dma_start3A_159 = arith.constant 0 : i32
          %dma_start3A_160 = tpu.memref_slice %arg9[%run_scoped3A, %dma_start3A_159] : memref<2x128xi32, #tpu.memory_space<vmem>> -> memref<1x128xi32, #tpu.memory_space<vmem>>
          %dma_start3A_161 = tpu.memref_squeeze %dma_start3A_160 : memref<1x128xi32, #tpu.memory_space<vmem>> -> memref<128xi32, #tpu.memory_space<vmem>>
          %dma_start3A_162 = arith.constant 0 : i32
          %dma_start3A_163 = arith.constant 0 : i32
          %dma_start3A_164 = tpu.memref_slice %arg15[%dma_start3A_162, %dma_start3A_163] : memref<10000x4xf32, #tpu.memory_space<vmem_shared>> -> memref<10000x4xf32, #tpu.memory_space<vmem_shared>>
          tpu.enqueue_indirect_dma source(%arg14 : memref<128x4xf32, #tpu.memory_space<vmem>>) target(%dma_start3A_164 : memref<10000x4xf32, #tpu.memory_space<vmem_shared>>) offsets(%dma_start3A_161 : memref<128xi32, #tpu.memory_space<vmem>>) semaphore(%run_scoped3A_158 : memref<!tpu.dma_semaphore, #tpu.memory_space<semaphore_mem>>) {add = true}
          %dma_wait3A_165 = arith.constant 0 : i32
          %dma_wait3A_166 = tpu.memref_slice %arg9[%run_scoped3A, %dma_wait3A_165] : memref<2x128xi32, #tpu.memory_space<vmem>> -> memref<1x128xi32, #tpu.memory_space<vmem>>
          %dma_wait3A_167 = tpu.memref_squeeze %dma_wait3A_166 : memref<1x128xi32, #tpu.memory_space<vmem>> -> memref<128xi32, #tpu.memory_space<vmem>>
          %dma_wait3A_168 = arith.constant 0 : i32
          %dma_wait3A_169 = arith.constant 0 : i32
          %dma_wait3A_170 = tpu.memref_slice %arg15[%dma_wait3A_168, %dma_wait3A_169] : memref<10000x4xf32, #tpu.memory_space<vmem_shared>> -> memref<10000x4xf32, #tpu.memory_space<vmem_shared>>
          tpu.wait_indirect_dma semaphore(%run_scoped3A_158 : memref<!tpu.dma_semaphore, #tpu.memory_space<semaphore_mem>>) src(%arg14 : memref<128x4xf32, #tpu.memory_space<vmem>>) dst(%dma_wait3A_170 : memref<10000x4xf32, #tpu.memory_space<vmem_shared>>)
          tpu.yield
        }) : () -> ()
      } else {
      }
    }
    %scan3A_101 = arith.constant 79 : i32
    %barrier3A_102 = arith.constant 0 : index
    tpu.barrier barrier_id(%barrier3A_102)
    %eq3A_103 = arith.constant 0 : i32
    %eq3A_104 = arith.cmpi eq, %arg1, %eq3A_103 : i32
    %convert_element_type3A_105 = arith.extui %eq3A_104 : i1 to i32
    %cond3A_106 = arith.constant 0 : i32
    %cond3A_107 = arith.cmpi ne, %convert_element_type3A_105, %cond3A_106 : i32
    scf.if %cond3A_107 {
      "tpu.region"() ({
        %run_scoped3A = tpu.sem_alloc : memref<!tpu.dma_semaphore, #tpu.memory_space<semaphore_mem>>
        %dma_start3A_108 = arith.constant 0 : i32
        %dma_start3A_109 = arith.constant 0 : i32
        %dma_start3A_110 = tpu.memref_slice %arg7[%arg0, %dma_start3A_108, %dma_start3A_109] : memref<2x10000x4xf32, #tpu.memory_space<hbm>> -> memref<1x10000x4xf32, #tpu.memory_space<hbm>>
        %dma_start3A_111 = tpu.memref_squeeze %dma_start3A_110 : memref<1x10000x4xf32, #tpu.memory_space<hbm>> -> memref<10000x4xf32, #tpu.memory_space<hbm>>
        tpu.enqueue_dma source(%arg15 : memref<10000x4xf32, #tpu.memory_space<vmem_shared>>) target(%dma_start3A_111 : memref<10000x4xf32, #tpu.memory_space<hbm>>) target_semaphore(%run_scoped3A : memref<!tpu.dma_semaphore, #tpu.memory_space<semaphore_mem>>)
        %dma_wait3A_112 = arith.constant 0 : i32
        %dma_wait3A_113 = arith.constant 0 : i32
        %dma_wait3A_114 = tpu.memref_slice %arg7[%arg0, %dma_wait3A_112, %dma_wait3A_113] : memref<2x10000x4xf32, #tpu.memory_space<hbm>> -> memref<1x10000x4xf32, #tpu.memory_space<hbm>>
        %dma_wait3A_115 = tpu.memref_squeeze %dma_wait3A_114 : memref<1x10000x4xf32, #tpu.memory_space<hbm>> -> memref<10000x4xf32, #tpu.memory_space<hbm>>
        tpu.wait_dma2 semaphore(%run_scoped3A : memref<!tpu.dma_semaphore, #tpu.memory_space<semaphore_mem>>) src(%arg15 : memref<10000x4xf32, #tpu.memory_space<vmem_shared>>) dst(%dma_wait3A_115 : memref<10000x4xf32, #tpu.memory_space<hbm>>)
        tpu.yield
      }) : () -> ()
    } else {
    }
    return
  }
}

#map = affine_map<(d0, d1) -> (0, 0, 0)>
#map1 = affine_map<(d0, d1) -> (0, 0)>
module attributes {stable_mosaic.version = 14 : i64} {
  func.func @_agg_body(%arg0: i32, %arg1: i32, %arg2: memref<2x10000x64xf32, #tpu.memory_space<hbm>>, %arg3: memref<2x320000xi32, #tpu.memory_space<hbm>>, %arg4: memref<2x320000x4xf32, #tpu.memory_space<hbm>>, %arg5: memref<2x10000x4xf32, #tpu.memory_space<hbm>>, %arg6: memref<10000x64xf32, #tpu.memory_space<hbm>>, %arg7: memref<2x10000x64xf32, #tpu.memory_space<hbm>>, %arg8: memref<2x128xi32, #tpu.memory_space<vmem>>, %arg9: memref<2x128xi32, #tpu.memory_space<vmem>>, %arg10: memref<128x64xf32, #tpu.memory_space<vmem>>, %arg11: memref<128x64xf32, #tpu.memory_space<vmem>>, %arg12: memref<128x4xf32, #tpu.memory_space<vmem>>, %arg13: memref<128x4xf32, #tpu.memory_space<vmem>>, %arg14: memref<10000x4xf32, #tpu.memory_space<vmem>>, %arg15: memref<10000x64xf32, #tpu.memory_space<vmem_shared>>, %arg16: memref<!tpu.dma_semaphore, #tpu.memory_space<semaphore_mem>>) attributes {dimension_semantics = [#tpu.dimension_semantics<core_parallel>, #tpu.dimension_semantics<subcore_parallel>], iteration_bounds = array<i64: 2, 16>, scalar_prefetch = 0 : i64, scratch_operands = 9 : i64, tpu.core_type = #tpu.core_type<sc_vector_subcore>, window_params = [{transform_indices = #map}, {transform_indices = #map1}, {transform_indices = #map}, {transform_indices = #map}, {transform_indices = #map1}, {transform_indices = #map}]} {
    %eq3A = arith.constant 0 : i32
    %eq3A_0 = arith.cmpi eq, %arg1, %eq3A : i32
    %convert_element_type3A = arith.extui %eq3A_0 : i1 to i32
    %cond3A = arith.constant 0 : i32
    %cond3A_1 = arith.cmpi ne, %convert_element_type3A, %cond3A : i32
    scf.if %cond3A_1 {
      "tpu.region"() ({
        %run_scoped3A = tpu.sem_alloc : memref<!tpu.dma_semaphore, #tpu.memory_space<semaphore_mem>>
        tpu.enqueue_dma source(%arg6 : memref<10000x64xf32, #tpu.memory_space<hbm>>) target(%arg15 : memref<10000x64xf32, #tpu.memory_space<vmem_shared>>) target_semaphore(%run_scoped3A : memref<!tpu.dma_semaphore, #tpu.memory_space<semaphore_mem>>)
        tpu.wait_dma2 semaphore(%run_scoped3A : memref<!tpu.dma_semaphore, #tpu.memory_space<semaphore_mem>>) src(%arg6 : memref<10000x64xf32, #tpu.memory_space<hbm>>) dst(%arg15 : memref<10000x64xf32, #tpu.memory_space<vmem_shared>>)
        tpu.yield
      }) : () -> ()
    } else {
    }
    "tpu.region"() ({
      %run_scoped3A = tpu.sem_alloc : memref<!tpu.dma_semaphore, #tpu.memory_space<semaphore_mem>>
      %dma_start3A = arith.constant 0 : i32
      %dma_start3A_17 = arith.constant 0 : i32
      %dma_start3A_18 = tpu.memref_slice %arg5[%arg0, %dma_start3A, %dma_start3A_17] : memref<2x10000x4xf32, #tpu.memory_space<hbm>> -> memref<1x10000x4xf32, #tpu.memory_space<hbm>>
      %dma_start3A_19 = tpu.memref_squeeze %dma_start3A_18 : memref<1x10000x4xf32, #tpu.memory_space<hbm>> -> memref<10000x4xf32, #tpu.memory_space<hbm>>
      %dma_start3A_20 = arith.constant 0 : i32
      %dma_start3A_21 = arith.constant 0 : i32
      %dma_start3A_22 = tpu.memref_slice %arg5[%arg0, %dma_start3A_20, %dma_start3A_21] : memref<2x10000x4xf32, #tpu.memory_space<hbm>> -> memref<1x10000x4xf32, #tpu.memory_space<hbm>>
      %dma_start3A_23 = tpu.memref_squeeze %dma_start3A_22 : memref<1x10000x4xf32, #tpu.memory_space<hbm>> -> memref<10000x4xf32, #tpu.memory_space<hbm>>
      tpu.enqueue_dma source(%dma_start3A_23 : memref<10000x4xf32, #tpu.memory_space<hbm>>) target(%arg14 : memref<10000x4xf32, #tpu.memory_space<vmem>>) target_semaphore(%run_scoped3A : memref<!tpu.dma_semaphore, #tpu.memory_space<semaphore_mem>>)
      %dma_wait3A = arith.constant 0 : i32
      %dma_wait3A_24 = arith.constant 0 : i32
      %dma_wait3A_25 = tpu.memref_slice %arg5[%arg0, %dma_wait3A, %dma_wait3A_24] : memref<2x10000x4xf32, #tpu.memory_space<hbm>> -> memref<1x10000x4xf32, #tpu.memory_space<hbm>>
      %dma_wait3A_26 = tpu.memref_squeeze %dma_wait3A_25 : memref<1x10000x4xf32, #tpu.memory_space<hbm>> -> memref<10000x4xf32, #tpu.memory_space<hbm>>
      %dma_wait3A_27 = arith.constant 0 : i32
      %dma_wait3A_28 = arith.constant 0 : i32
      %dma_wait3A_29 = tpu.memref_slice %arg5[%arg0, %dma_wait3A_27, %dma_wait3A_28] : memref<2x10000x4xf32, #tpu.memory_space<hbm>> -> memref<1x10000x4xf32, #tpu.memory_space<hbm>>
      %dma_wait3A_30 = tpu.memref_squeeze %dma_wait3A_29 : memref<1x10000x4xf32, #tpu.memory_space<hbm>> -> memref<10000x4xf32, #tpu.memory_space<hbm>>
      tpu.wait_dma2 semaphore(%run_scoped3A : memref<!tpu.dma_semaphore, #tpu.memory_space<semaphore_mem>>) src(%dma_wait3A_30 : memref<10000x4xf32, #tpu.memory_space<hbm>>) dst(%arg14 : memref<10000x4xf32, #tpu.memory_space<vmem>>)
      tpu.yield
    }) : () -> ()
    %barrier3A = arith.constant 0 : index
    tpu.barrier barrier_id(%barrier3A)
    %iota3A = tpu.iota {dimensions = array<i32: 0>} : vector<16xi32>
    %shift_right_arithmetic3A = arith.constant 2 : i32
    %shift_right_arithmetic3A_2 = vector.broadcast %shift_right_arithmetic3A : i32 to vector<16xi32>
    %shift_right_arithmetic3A_3 = arith.shrsi %iota3A, %shift_right_arithmetic3A_2 : vector<16xi32>
    %and3A = arith.constant 3 : i32
    %and3A_4 = vector.broadcast %and3A : i32 to vector<16xi32>
    %and3A_5 = arith.andi %iota3A, %and3A_4 : vector<16xi32>
    %scan3A = arith.constant 0 : i32
    %scan3A_6 = arith.constant 0 : i32
    %scan3A_7 = arith.constant 157 : i32
    %scan3A_8 = arith.addi %scan3A_6, %scan3A_7 : i32
    %scan3A_9 = arith.constant 1 : i32
    scf.for %scan3A_17 = %scan3A_6 to %scan3A_8 step %scan3A_9  : i32 {
      %mul3A = arith.constant 16 : i32
      %mul3A_18 = arith.muli %scan3A_17, %mul3A : i32
      %add3A = arith.addi %mul3A_18, %arg1 : i32
      %lt3A = arith.constant 2500 : i32
      %lt3A_19 = arith.cmpi slt, %add3A, %lt3A : i32
      %convert_element_type3A_20 = arith.extui %lt3A_19 : i1 to i32
      %cond3A_21 = arith.constant 0 : i32
      %cond3A_22 = arith.cmpi ne, %convert_element_type3A_20, %cond3A_21 : i32
      scf.if %cond3A_22 {
        %mul3A_23 = arith.constant 128 : i32
        %mul3A_24 = arith.muli %add3A, %mul3A_23 : i32
        "tpu.region"() ({
          %run_scoped3A_65 = tpu.sem_alloc : memref<!tpu.dma_semaphore, #tpu.memory_space<semaphore_mem>>
          %dma_start3A_66 = arith.constant 0 : i32
          %dma_start3A_67 = tpu.memref_slice %arg3[%dma_start3A_66, %mul3A_24] : memref<2x320000xi32, #tpu.memory_space<hbm>> -> memref<2x128xi32, #tpu.memory_space<hbm>>
          %dma_start3A_68 = arith.constant 0 : i32
          %dma_start3A_69 = tpu.memref_slice %arg3[%dma_start3A_68, %mul3A_24] : memref<2x320000xi32, #tpu.memory_space<hbm>> -> memref<2x128xi32, #tpu.memory_space<hbm>>
          tpu.enqueue_dma source(%dma_start3A_69 : memref<2x128xi32, #tpu.memory_space<hbm>>) target(%arg8 : memref<2x128xi32, #tpu.memory_space<vmem>>) target_semaphore(%run_scoped3A_65 : memref<!tpu.dma_semaphore, #tpu.memory_space<semaphore_mem>>)
          %dma_wait3A_70 = arith.constant 0 : i32
          %dma_wait3A_71 = tpu.memref_slice %arg3[%dma_wait3A_70, %mul3A_24] : memref<2x320000xi32, #tpu.memory_space<hbm>> -> memref<2x128xi32, #tpu.memory_space<hbm>>
          %dma_wait3A_72 = arith.constant 0 : i32
          %dma_wait3A_73 = tpu.memref_slice %arg3[%dma_wait3A_72, %mul3A_24] : memref<2x320000xi32, #tpu.memory_space<hbm>> -> memref<2x128xi32, #tpu.memory_space<hbm>>
          tpu.wait_dma2 semaphore(%run_scoped3A_65 : memref<!tpu.dma_semaphore, #tpu.memory_space<semaphore_mem>>) src(%dma_wait3A_73 : memref<2x128xi32, #tpu.memory_space<hbm>>) dst(%arg8 : memref<2x128xi32, #tpu.memory_space<vmem>>)
          tpu.yield
        }) : () -> ()
        %dma_start3A = arith.constant 0 : i32
        %dma_start3A_25 = arith.constant 0 : i32
        %dma_start3A_26 = tpu.memref_slice %arg8[%dma_start3A, %dma_start3A_25] : memref<2x128xi32, #tpu.memory_space<vmem>> -> memref<1x128xi32, #tpu.memory_space<vmem>>
        %dma_start3A_27 = tpu.memref_squeeze %dma_start3A_26 : memref<1x128xi32, #tpu.memory_space<vmem>> -> memref<128xi32, #tpu.memory_space<vmem>>
        %dma_start3A_28 = arith.constant 0 : i32
        %dma_start3A_29 = arith.constant 0 : i32
        %dma_start3A_30 = tpu.memref_slice %arg2[%arg0, %dma_start3A_28, %dma_start3A_29] : memref<2x10000x64xf32, #tpu.memory_space<hbm>> -> memref<1x10000x64xf32, #tpu.memory_space<hbm>>
        %dma_start3A_31 = tpu.memref_squeeze %dma_start3A_30 : memref<1x10000x64xf32, #tpu.memory_space<hbm>> -> memref<10000x64xf32, #tpu.memory_space<hbm>>
        %dma_start3A_32 = arith.constant 0 : i32
        %dma_start3A_33 = arith.constant 0 : i32
        %dma_start3A_34 = tpu.memref_slice %dma_start3A_31[%dma_start3A_32, %dma_start3A_33] : memref<10000x64xf32, #tpu.memory_space<hbm>> -> memref<10000x64xf32, #tpu.memory_space<hbm>>
        tpu.enqueue_indirect_dma source(%dma_start3A_34 : memref<10000x64xf32, #tpu.memory_space<hbm>>) target(%arg10 : memref<128x64xf32, #tpu.memory_space<vmem>>) offsets(%dma_start3A_27 : memref<128xi32, #tpu.memory_space<vmem>>) semaphore(%arg16 : memref<!tpu.dma_semaphore, #tpu.memory_space<semaphore_mem>>)
        %mul3A_35 = arith.constant 128 : i32
        %mul3A_36 = arith.muli %add3A, %mul3A_35 : i32
        %dma_start3A_37 = arith.constant 0 : i32
        %dma_start3A_38 = tpu.memref_slice %arg4[%arg0, %mul3A_36, %dma_start3A_37] : memref<2x320000x4xf32, #tpu.memory_space<hbm>> -> memref<1x128x4xf32, #tpu.memory_space<hbm>>
        %dma_start3A_39 = tpu.memref_squeeze %dma_start3A_38 : memref<1x128x4xf32, #tpu.memory_space<hbm>> -> memref<128x4xf32, #tpu.memory_space<hbm>>
        %dma_start3A_40 = arith.constant 0 : i32
        %dma_start3A_41 = tpu.memref_slice %arg4[%arg0, %mul3A_36, %dma_start3A_40] : memref<2x320000x4xf32, #tpu.memory_space<hbm>> -> memref<1x128x4xf32, #tpu.memory_space<hbm>>
        %dma_start3A_42 = tpu.memref_squeeze %dma_start3A_41 : memref<1x128x4xf32, #tpu.memory_space<hbm>> -> memref<128x4xf32, #tpu.memory_space<hbm>>
        tpu.enqueue_dma source(%dma_start3A_42 : memref<128x4xf32, #tpu.memory_space<hbm>>) target(%arg12 : memref<128x4xf32, #tpu.memory_space<vmem>>) target_semaphore(%arg16 : memref<!tpu.dma_semaphore, #tpu.memory_space<semaphore_mem>>)
        %dma_wait3A = arith.constant 0 : i32
        %dma_wait3A_43 = arith.constant 0 : i32
        %dma_wait3A_44 = tpu.memref_slice %arg8[%dma_wait3A, %dma_wait3A_43] : memref<2x128xi32, #tpu.memory_space<vmem>> -> memref<1x128xi32, #tpu.memory_space<vmem>>
        %dma_wait3A_45 = tpu.memref_squeeze %dma_wait3A_44 : memref<1x128xi32, #tpu.memory_space<vmem>> -> memref<128xi32, #tpu.memory_space<vmem>>
        %dma_wait3A_46 = arith.constant 0 : i32
        %dma_wait3A_47 = arith.constant 0 : i32
        %dma_wait3A_48 = tpu.memref_slice %arg2[%arg0, %dma_wait3A_46, %dma_wait3A_47] : memref<2x10000x64xf32, #tpu.memory_space<hbm>> -> memref<1x10000x64xf32, #tpu.memory_space<hbm>>
        %dma_wait3A_49 = tpu.memref_squeeze %dma_wait3A_48 : memref<1x10000x64xf32, #tpu.memory_space<hbm>> -> memref<10000x64xf32, #tpu.memory_space<hbm>>
        %dma_wait3A_50 = arith.constant 0 : i32
        %dma_wait3A_51 = arith.constant 0 : i32
        %dma_wait3A_52 = tpu.memref_slice %dma_wait3A_49[%dma_wait3A_50, %dma_wait3A_51] : memref<10000x64xf32, #tpu.memory_space<hbm>> -> memref<10000x64xf32, #tpu.memory_space<hbm>>
        tpu.wait_indirect_dma semaphore(%arg16 : memref<!tpu.dma_semaphore, #tpu.memory_space<semaphore_mem>>) src(%dma_wait3A_52 : memref<10000x64xf32, #tpu.memory_space<hbm>>) dst(%arg10 : memref<128x64xf32, #tpu.memory_space<vmem>>)
        %dma_wait3A_53 = arith.constant 0 : i32
        %dma_wait3A_54 = tpu.memref_slice %arg4[%arg0, %mul3A_36, %dma_wait3A_53] : memref<2x320000x4xf32, #tpu.memory_space<hbm>> -> memref<1x128x4xf32, #tpu.memory_space<hbm>>
        %dma_wait3A_55 = tpu.memref_squeeze %dma_wait3A_54 : memref<1x128x4xf32, #tpu.memory_space<hbm>> -> memref<128x4xf32, #tpu.memory_space<hbm>>
        %dma_wait3A_56 = arith.constant 0 : i32
        %dma_wait3A_57 = tpu.memref_slice %arg4[%arg0, %mul3A_36, %dma_wait3A_56] : memref<2x320000x4xf32, #tpu.memory_space<hbm>> -> memref<1x128x4xf32, #tpu.memory_space<hbm>>
        %dma_wait3A_58 = tpu.memref_squeeze %dma_wait3A_57 : memref<1x128x4xf32, #tpu.memory_space<hbm>> -> memref<128x4xf32, #tpu.memory_space<hbm>>
        tpu.wait_dma2 semaphore(%arg16 : memref<!tpu.dma_semaphore, #tpu.memory_space<semaphore_mem>>) src(%dma_wait3A_58 : memref<128x4xf32, #tpu.memory_space<hbm>>) dst(%arg12 : memref<128x4xf32, #tpu.memory_space<vmem>>)
        %scan3A_59 = arith.constant 0 : i32
        %scan3A_60 = arith.constant 0 : i32
        %scan3A_61 = arith.constant 8 : i32
        %scan3A_62 = arith.addi %scan3A_60, %scan3A_61 : i32
        %scan3A_63 = arith.constant 1 : i32
        scf.for %scan3A_65 = %scan3A_60 to %scan3A_62 step %scan3A_63  : i32 {
          %mul3A_66 = arith.constant 16 : i32
          %mul3A_67 = arith.muli %scan3A_65, %mul3A_66 : i32
          %get3A = arith.constant 1 : i32
          %get3A_68 = arith.index_cast %get3A : i32 to index
          %get3A_69 = arith.index_cast %mul3A_67 : i32 to index
          %get3A_70 = tpu.vector_load %arg8[%get3A_68, %get3A_69] {strides = array<i32>} : memref<2x128xi32, #tpu.memory_space<vmem>>, vector<16xi32>,
          %mul3A_71 = arith.constant 16 : i32
          %mul3A_72 = arith.muli %scan3A_65, %mul3A_71 : i32
          %add3A_73 = arith.constant 0 : i32
          %add3A_74 = arith.addi %mul3A_72, %add3A_73 : i32
          %broadcast_in_dim3A = arith.constant 0 : i32
          %broadcast_in_dim3A_75 = vector.broadcast %broadcast_in_dim3A : i32 to vector<16xi32>
          %ge3A = arith.constant 0 : i32
          %ge3A_76 = vector.broadcast %ge3A : i32 to vector<16xi32>
          %ge3A_77 = arith.cmpi sge, %iota3A, %ge3A_76 : vector<16xi32>
          %lt3A_78 = arith.constant 4 : i32
          %lt3A_79 = vector.broadcast %lt3A_78 : i32 to vector<16xi32>
          %lt3A_80 = arith.cmpi slt, %iota3A, %lt3A_79 : vector<16xi32>
          %and3A_81 = arith.andi %ge3A_77, %lt3A_80 : vector<16xi1>
          %slice3A = vector.extract_strided_slice %get3A_70 {offsets = [0], sizes = [1], strides = [1]} : vector<16xi32> to vector<1xi32>
          %squeeze3A = vector.extract %slice3A[0] : i32 from vector<1xi32>
          %broadcast_in_dim3A_82 = vector.broadcast %squeeze3A : i32 to vector<16xi32>
          %select_n3A = arith.select %and3A_81, %broadcast_in_dim3A_82, %broadcast_in_dim3A_75 : vector<16xi1>, vector<16xi32>
          %ge3A_83 = arith.constant 4 : i32
          %ge3A_84 = vector.broadcast %ge3A_83 : i32 to vector<16xi32>
          %ge3A_85 = arith.cmpi sge, %iota3A, %ge3A_84 : vector<16xi32>
          %lt3A_86 = arith.constant 8 : i32
          %lt3A_87 = vector.broadcast %lt3A_86 : i32 to vector<16xi32>
          %lt3A_88 = arith.cmpi slt, %iota3A, %lt3A_87 : vector<16xi32>
          %and3A_89 = arith.andi %ge3A_85, %lt3A_88 : vector<16xi1>
          %slice3A_90 = vector.extract_strided_slice %get3A_70 {offsets = [1], sizes = [1], strides = [1]} : vector<16xi32> to vector<1xi32>
          %squeeze3A_91 = vector.extract %slice3A_90[0] : i32 from vector<1xi32>
          %broadcast_in_dim3A_92 = vector.broadcast %squeeze3A_91 : i32 to vector<16xi32>
          %select_n3A_93 = arith.select %and3A_89, %broadcast_in_dim3A_92, %select_n3A : vector<16xi1>, vector<16xi32>
          %ge3A_94 = arith.constant 8 : i32
          %ge3A_95 = vector.broadcast %ge3A_94 : i32 to vector<16xi32>
          %ge3A_96 = arith.cmpi sge, %iota3A, %ge3A_95 : vector<16xi32>
          %lt3A_97 = arith.constant 12 : i32
          %lt3A_98 = vector.broadcast %lt3A_97 : i32 to vector<16xi32>
          %lt3A_99 = arith.cmpi slt, %iota3A, %lt3A_98 : vector<16xi32>
          %and3A_100 = arith.andi %ge3A_96, %lt3A_99 : vector<16xi1>
          %slice3A_101 = vector.extract_strided_slice %get3A_70 {offsets = [2], sizes = [1], strides = [1]} : vector<16xi32> to vector<1xi32>
          %squeeze3A_102 = vector.extract %slice3A_101[0] : i32 from vector<1xi32>
          %broadcast_in_dim3A_103 = vector.broadcast %squeeze3A_102 : i32 to vector<16xi32>
          %select_n3A_104 = arith.select %and3A_100, %broadcast_in_dim3A_103, %select_n3A_93 : vector<16xi1>, vector<16xi32>
          %ge3A_105 = arith.constant 12 : i32
          %ge3A_106 = vector.broadcast %ge3A_105 : i32 to vector<16xi32>
          %ge3A_107 = arith.cmpi sge, %iota3A, %ge3A_106 : vector<16xi32>
          %lt3A_108 = arith.constant 16 : i32
          %lt3A_109 = vector.broadcast %lt3A_108 : i32 to vector<16xi32>
          %lt3A_110 = arith.cmpi slt, %iota3A, %lt3A_109 : vector<16xi32>
          %and3A_111 = arith.andi %ge3A_107, %lt3A_110 : vector<16xi1>
          %slice3A_112 = vector.extract_strided_slice %get3A_70 {offsets = [3], sizes = [1], strides = [1]} : vector<16xi32> to vector<1xi32>
          %squeeze3A_113 = vector.extract %slice3A_112[0] : i32 from vector<1xi32>
          %broadcast_in_dim3A_114 = vector.broadcast %squeeze3A_113 : i32 to vector<16xi32>
          %select_n3A_115 = arith.select %and3A_111, %broadcast_in_dim3A_114, %select_n3A_104 : vector<16xi1>, vector<16xi32>
          %broadcast_in_dim3A_116 = vector.broadcast %add3A_74 : i32 to vector<16xi32>
          %add3A_117 = arith.addi %broadcast_in_dim3A_116, %shift_right_arithmetic3A_3 : vector<16xi32>
          %gather3A = tpu.vector_load_idx %arg12[%add3A_117, %and3A_5] : memref<128x4xf32, #tpu.memory_space<vmem>>[vector<16xi32>, vector<16xi32>], vector<16xf32>,
          %gather3A_118 = tpu.vector_load_idx %arg14[%select_n3A_115, %and3A_5] : memref<10000x4xf32, #tpu.memory_space<vmem>>[vector<16xi32>, vector<16xi32>], vector<16xf32>,
          %mul3A_119 = arith.mulf %gather3A, %gather3A_118 : vector<16xf32>
          %slice3A_120 = vector.extract_strided_slice %mul3A_119 {offsets = [0], sizes = [1], strides = [1]} : vector<16xf32> to vector<1xf32>
          %squeeze3A_121 = vector.extract %slice3A_120[0] : f32 from vector<1xf32>
          %broadcast_in_dim3A_122 = vector.broadcast %squeeze3A_121 : f32 to vector<16xf32>
          %add3A_123 = arith.constant 0 : i32
          %add3A_124 = arith.addi %add3A_74, %add3A_123 : i32
          %get3A_125 = arith.index_cast %add3A_124 : i32 to index
          %get3A_126 = arith.constant 0 : index
          %get3A_127 = tpu.vector_load %arg10[%get3A_125, %get3A_126] {strides = array<i32>} : memref<128x64xf32, #tpu.memory_space<vmem>>, vector<16xf32>,
          %mul3A_128 = arith.mulf %get3A_127, %broadcast_in_dim3A_122 : vector<16xf32>
          %add3A_129 = arith.constant 0 : i32
          %add3A_130 = arith.addi %add3A_74, %add3A_129 : i32
          %swap3A = arith.index_cast %add3A_130 : i32 to index
          %swap3A_131 = arith.constant 0 : index
          %swap3A_132 = tpu.vector_load %arg10[%swap3A, %swap3A_131] {strides = array<i32>} : memref<128x64xf32, #tpu.memory_space<vmem>>, vector<16xf32>,
          tpu.vector_store %arg10[%swap3A, %swap3A_131], %mul3A_128 {strides = array<i32>} : memref<128x64xf32, #tpu.memory_space<vmem>>, vector<16xf32>,
          %slice3A_133 = vector.extract_strided_slice %mul3A_119 {offsets = [1], sizes = [1], strides = [1]} : vector<16xf32> to vector<1xf32>
          %squeeze3A_134 = vector.extract %slice3A_133[0] : f32 from vector<1xf32>
          %broadcast_in_dim3A_135 = vector.broadcast %squeeze3A_134 : f32 to vector<16xf32>
          %add3A_136 = arith.constant 0 : i32
          %add3A_137 = arith.addi %add3A_74, %add3A_136 : i32
          %get3A_138 = arith.index_cast %add3A_137 : i32 to index
          %get3A_139 = arith.constant 16 : index
          %get3A_140 = tpu.vector_load %arg10[%get3A_138, %get3A_139] {strides = array<i32>} : memref<128x64xf32, #tpu.memory_space<vmem>>, vector<16xf32>,
          %mul3A_141 = arith.mulf %get3A_140, %broadcast_in_dim3A_135 : vector<16xf32>
          %add3A_142 = arith.constant 0 : i32
          %add3A_143 = arith.addi %add3A_74, %add3A_142 : i32
          %swap3A_144 = arith.index_cast %add3A_143 : i32 to index
          %swap3A_145 = arith.constant 16 : index
          %swap3A_146 = tpu.vector_load %arg10[%swap3A_144, %swap3A_145] {strides = array<i32>} : memref<128x64xf32, #tpu.memory_space<vmem>>, vector<16xf32>,
          tpu.vector_store %arg10[%swap3A_144, %swap3A_145], %mul3A_141 {strides = array<i32>} : memref<128x64xf32, #tpu.memory_space<vmem>>, vector<16xf32>,
          %slice3A_147 = vector.extract_strided_slice %mul3A_119 {offsets = [2], sizes = [1], strides = [1]} : vector<16xf32> to vector<1xf32>
          %squeeze3A_148 = vector.extract %slice3A_147[0] : f32 from vector<1xf32>
          %broadcast_in_dim3A_149 = vector.broadcast %squeeze3A_148 : f32 to vector<16xf32>
          %add3A_150 = arith.constant 0 : i32
          %add3A_151 = arith.addi %add3A_74, %add3A_150 : i32
          %get3A_152 = arith.index_cast %add3A_151 : i32 to index
          %get3A_153 = arith.constant 32 : index
          %get3A_154 = tpu.vector_load %arg10[%get3A_152, %get3A_153] {strides = array<i32>} : memref<128x64xf32, #tpu.memory_space<vmem>>, vector<16xf32>,
          %mul3A_155 = arith.mulf %get3A_154, %broadcast_in_dim3A_149 : vector<16xf32>
          %add3A_156 = arith.constant 0 : i32
          %add3A_157 = arith.addi %add3A_74, %add3A_156 : i32
          %swap3A_158 = arith.index_cast %add3A_157 : i32 to index
          %swap3A_159 = arith.constant 32 : index
          %swap3A_160 = tpu.vector_load %arg10[%swap3A_158, %swap3A_159] {strides = array<i32>} : memref<128x64xf32, #tpu.memory_space<vmem>>, vector<16xf32>,
          tpu.vector_store %arg10[%swap3A_158, %swap3A_159], %mul3A_155 {strides = array<i32>} : memref<128x64xf32, #tpu.memory_space<vmem>>, vector<16xf32>,
          %slice3A_161 = vector.extract_strided_slice %mul3A_119 {offsets = [3], sizes = [1], strides = [1]} : vector<16xf32> to vector<1xf32>
          %squeeze3A_162 = vector.extract %slice3A_161[0] : f32 from vector<1xf32>
          %broadcast_in_dim3A_163 = vector.broadcast %squeeze3A_162 : f32 to vector<16xf32>
          %add3A_164 = arith.constant 0 : i32
          %add3A_165 = arith.addi %add3A_74, %add3A_164 : i32
          %get3A_166 = arith.index_cast %add3A_165 : i32 to index
          %get3A_167 = arith.constant 48 : index
          %get3A_168 = tpu.vector_load %arg10[%get3A_166, %get3A_167] {strides = array<i32>} : memref<128x64xf32, #tpu.memory_space<vmem>>, vector<16xf32>,
          %mul3A_169 = arith.mulf %get3A_168, %broadcast_in_dim3A_163 : vector<16xf32>
          %add3A_170 = arith.constant 0 : i32
          %add3A_171 = arith.addi %add3A_74, %add3A_170 : i32
          %swap3A_172 = arith.index_cast %add3A_171 : i32 to index
          %swap3A_173 = arith.constant 48 : index
          %swap3A_174 = tpu.vector_load %arg10[%swap3A_172, %swap3A_173] {strides = array<i32>} : memref<128x64xf32, #tpu.memory_space<vmem>>, vector<16xf32>,
          tpu.vector_store %arg10[%swap3A_172, %swap3A_173], %mul3A_169 {strides = array<i32>} : memref<128x64xf32, #tpu.memory_space<vmem>>, vector<16xf32>,
          %slice3A_175 = vector.extract_strided_slice %mul3A_119 {offsets = [4], sizes = [1], strides = [1]} : vector<16xf32> to vector<1xf32>
          %squeeze3A_176 = vector.extract %slice3A_175[0] : f32 from vector<1xf32>
          %broadcast_in_dim3A_177 = vector.broadcast %squeeze3A_176 : f32 to vector<16xf32>
          %add3A_178 = arith.constant 1 : i32
          %add3A_179 = arith.addi %add3A_74, %add3A_178 : i32
          %get3A_180 = arith.index_cast %add3A_179 : i32 to index
          %get3A_181 = arith.constant 0 : index
          %get3A_182 = tpu.vector_load %arg10[%get3A_180, %get3A_181] {strides = array<i32>} : memref<128x64xf32, #tpu.memory_space<vmem>>, vector<16xf32>,
          %mul3A_183 = arith.mulf %get3A_182, %broadcast_in_dim3A_177 : vector<16xf32>
          %add3A_184 = arith.constant 1 : i32
          %add3A_185 = arith.addi %add3A_74, %add3A_184 : i32
          %swap3A_186 = arith.index_cast %add3A_185 : i32 to index
          %swap3A_187 = arith.constant 0 : index
          %swap3A_188 = tpu.vector_load %arg10[%swap3A_186, %swap3A_187] {strides = array<i32>} : memref<128x64xf32, #tpu.memory_space<vmem>>, vector<16xf32>,
          tpu.vector_store %arg10[%swap3A_186, %swap3A_187], %mul3A_183 {strides = array<i32>} : memref<128x64xf32, #tpu.memory_space<vmem>>, vector<16xf32>,
          %slice3A_189 = vector.extract_strided_slice %mul3A_119 {offsets = [5], sizes = [1], strides = [1]} : vector<16xf32> to vector<1xf32>
          %squeeze3A_190 = vector.extract %slice3A_189[0] : f32 from vector<1xf32>
          %broadcast_in_dim3A_191 = vector.broadcast %squeeze3A_190 : f32 to vector<16xf32>
          %add3A_192 = arith.constant 1 : i32
          %add3A_193 = arith.addi %add3A_74, %add3A_192 : i32
          %get3A_194 = arith.index_cast %add3A_193 : i32 to index
          %get3A_195 = arith.constant 16 : index
          %get3A_196 = tpu.vector_load %arg10[%get3A_194, %get3A_195] {strides = array<i32>} : memref<128x64xf32, #tpu.memory_space<vmem>>, vector<16xf32>,
          %mul3A_197 = arith.mulf %get3A_196, %broadcast_in_dim3A_191 : vector<16xf32>
          %add3A_198 = arith.constant 1 : i32
          %add3A_199 = arith.addi %add3A_74, %add3A_198 : i32
          %swap3A_200 = arith.index_cast %add3A_199 : i32 to index
          %swap3A_201 = arith.constant 16 : index
          %swap3A_202 = tpu.vector_load %arg10[%swap3A_200, %swap3A_201] {strides = array<i32>} : memref<128x64xf32, #tpu.memory_space<vmem>>, vector<16xf32>,
          tpu.vector_store %arg10[%swap3A_200, %swap3A_201], %mul3A_197 {strides = array<i32>} : memref<128x64xf32, #tpu.memory_space<vmem>>, vector<16xf32>,
          %slice3A_203 = vector.extract_strided_slice %mul3A_119 {offsets = [6], sizes = [1], strides = [1]} : vector<16xf32> to vector<1xf32>
          %squeeze3A_204 = vector.extract %slice3A_203[0] : f32 from vector<1xf32>
          %broadcast_in_dim3A_205 = vector.broadcast %squeeze3A_204 : f32 to vector<16xf32>
          %add3A_206 = arith.constant 1 : i32
          %add3A_207 = arith.addi %add3A_74, %add3A_206 : i32
          %get3A_208 = arith.index_cast %add3A_207 : i32 to index
          %get3A_209 = arith.constant 32 : index
          %get3A_210 = tpu.vector_load %arg10[%get3A_208, %get3A_209] {strides = array<i32>} : memref<128x64xf32, #tpu.memory_space<vmem>>, vector<16xf32>,
          %mul3A_211 = arith.mulf %get3A_210, %broadcast_in_dim3A_205 : vector<16xf32>
          %add3A_212 = arith.constant 1 : i32
          %add3A_213 = arith.addi %add3A_74, %add3A_212 : i32
          %swap3A_214 = arith.index_cast %add3A_213 : i32 to index
          %swap3A_215 = arith.constant 32 : index
          %swap3A_216 = tpu.vector_load %arg10[%swap3A_214, %swap3A_215] {strides = array<i32>} : memref<128x64xf32, #tpu.memory_space<vmem>>, vector<16xf32>,
          tpu.vector_store %arg10[%swap3A_214, %swap3A_215], %mul3A_211 {strides = array<i32>} : memref<128x64xf32, #tpu.memory_space<vmem>>, vector<16xf32>,
          %slice3A_217 = vector.extract_strided_slice %mul3A_119 {offsets = [7], sizes = [1], strides = [1]} : vector<16xf32> to vector<1xf32>
          %squeeze3A_218 = vector.extract %slice3A_217[0] : f32 from vector<1xf32>
          %broadcast_in_dim3A_219 = vector.broadcast %squeeze3A_218 : f32 to vector<16xf32>
          %add3A_220 = arith.constant 1 : i32
          %add3A_221 = arith.addi %add3A_74, %add3A_220 : i32
          %get3A_222 = arith.index_cast %add3A_221 : i32 to index
          %get3A_223 = arith.constant 48 : index
          %get3A_224 = tpu.vector_load %arg10[%get3A_222, %get3A_223] {strides = array<i32>} : memref<128x64xf32, #tpu.memory_space<vmem>>, vector<16xf32>,
          %mul3A_225 = arith.mulf %get3A_224, %broadcast_in_dim3A_219 : vector<16xf32>
          %add3A_226 = arith.constant 1 : i32
          %add3A_227 = arith.addi %add3A_74, %add3A_226 : i32
          %swap3A_228 = arith.index_cast %add3A_227 : i32 to index
          %swap3A_229 = arith.constant 48 : index
          %swap3A_230 = tpu.vector_load %arg10[%swap3A_228, %swap3A_229] {strides = array<i32>} : memref<128x64xf32, #tpu.memory_space<vmem>>, vector<16xf32>,
          tpu.vector_store %arg10[%swap3A_228, %swap3A_229], %mul3A_225 {strides = array<i32>} : memref<128x64xf32, #tpu.memory_space<vmem>>, vector<16xf32>,
          %slice3A_231 = vector.extract_strided_slice %mul3A_119 {offsets = [8], sizes = [1], strides = [1]} : vector<16xf32> to vector<1xf32>
          %squeeze3A_232 = vector.extract %slice3A_231[0] : f32 from vector<1xf32>
          %broadcast_in_dim3A_233 = vector.broadcast %squeeze3A_232 : f32 to vector<16xf32>
          %add3A_234 = arith.constant 2 : i32
          %add3A_235 = arith.addi %add3A_74, %add3A_234 : i32
          %get3A_236 = arith.index_cast %add3A_235 : i32 to index
          %get3A_237 = arith.constant 0 : index
          %get3A_238 = tpu.vector_load %arg10[%get3A_236, %get3A_237] {strides = array<i32>} : memref<128x64xf32, #tpu.memory_space<vmem>>, vector<16xf32>,
          %mul3A_239 = arith.mulf %get3A_238, %broadcast_in_dim3A_233 : vector<16xf32>
          %add3A_240 = arith.constant 2 : i32
          %add3A_241 = arith.addi %add3A_74, %add3A_240 : i32
          %swap3A_242 = arith.index_cast %add3A_241 : i32 to index
          %swap3A_243 = arith.constant 0 : index
          %swap3A_244 = tpu.vector_load %arg10[%swap3A_242, %swap3A_243] {strides = array<i32>} : memref<128x64xf32, #tpu.memory_space<vmem>>, vector<16xf32>,
          tpu.vector_store %arg10[%swap3A_242, %swap3A_243], %mul3A_239 {strides = array<i32>} : memref<128x64xf32, #tpu.memory_space<vmem>>, vector<16xf32>,
          %slice3A_245 = vector.extract_strided_slice %mul3A_119 {offsets = [9], sizes = [1], strides = [1]} : vector<16xf32> to vector<1xf32>
          %squeeze3A_246 = vector.extract %slice3A_245[0] : f32 from vector<1xf32>
          %broadcast_in_dim3A_247 = vector.broadcast %squeeze3A_246 : f32 to vector<16xf32>
          %add3A_248 = arith.constant 2 : i32
          %add3A_249 = arith.addi %add3A_74, %add3A_248 : i32
          %get3A_250 = arith.index_cast %add3A_249 : i32 to index
          %get3A_251 = arith.constant 16 : index
          %get3A_252 = tpu.vector_load %arg10[%get3A_250, %get3A_251] {strides = array<i32>} : memref<128x64xf32, #tpu.memory_space<vmem>>, vector<16xf32>,
          %mul3A_253 = arith.mulf %get3A_252, %broadcast_in_dim3A_247 : vector<16xf32>
          %add3A_254 = arith.constant 2 : i32
          %add3A_255 = arith.addi %add3A_74, %add3A_254 : i32
          %swap3A_256 = arith.index_cast %add3A_255 : i32 to index
          %swap3A_257 = arith.constant 16 : index
          %swap3A_258 = tpu.vector_load %arg10[%swap3A_256, %swap3A_257] {strides = array<i32>} : memref<128x64xf32, #tpu.memory_space<vmem>>, vector<16xf32>,
          tpu.vector_store %arg10[%swap3A_256, %swap3A_257], %mul3A_253 {strides = array<i32>} : memref<128x64xf32, #tpu.memory_space<vmem>>, vector<16xf32>,
          %slice3A_259 = vector.extract_strided_slice %mul3A_119 {offsets = [10], sizes = [1], strides = [1]} : vector<16xf32> to vector<1xf32>
          %squeeze3A_260 = vector.extract %slice3A_259[0] : f32 from vector<1xf32>
          %broadcast_in_dim3A_261 = vector.broadcast %squeeze3A_260 : f32 to vector<16xf32>
          %add3A_262 = arith.constant 2 : i32
          %add3A_263 = arith.addi %add3A_74, %add3A_262 : i32
          %get3A_264 = arith.index_cast %add3A_263 : i32 to index
          %get3A_265 = arith.constant 32 : index
          %get3A_266 = tpu.vector_load %arg10[%get3A_264, %get3A_265] {strides = array<i32>} : memref<128x64xf32, #tpu.memory_space<vmem>>, vector<16xf32>,
          %mul3A_267 = arith.mulf %get3A_266, %broadcast_in_dim3A_261 : vector<16xf32>
          %add3A_268 = arith.constant 2 : i32
          %add3A_269 = arith.addi %add3A_74, %add3A_268 : i32
          %swap3A_270 = arith.index_cast %add3A_269 : i32 to index
          %swap3A_271 = arith.constant 32 : index
          %swap3A_272 = tpu.vector_load %arg10[%swap3A_270, %swap3A_271] {strides = array<i32>} : memref<128x64xf32, #tpu.memory_space<vmem>>, vector<16xf32>,
          tpu.vector_store %arg10[%swap3A_270, %swap3A_271], %mul3A_267 {strides = array<i32>} : memref<128x64xf32, #tpu.memory_space<vmem>>, vector<16xf32>,
          %slice3A_273 = vector.extract_strided_slice %mul3A_119 {offsets = [11], sizes = [1], strides = [1]} : vector<16xf32> to vector<1xf32>
          %squeeze3A_274 = vector.extract %slice3A_273[0] : f32 from vector<1xf32>
          %broadcast_in_dim3A_275 = vector.broadcast %squeeze3A_274 : f32 to vector<16xf32>
          %add3A_276 = arith.constant 2 : i32
          %add3A_277 = arith.addi %add3A_74, %add3A_276 : i32
          %get3A_278 = arith.index_cast %add3A_277 : i32 to index
          %get3A_279 = arith.constant 48 : index
          %get3A_280 = tpu.vector_load %arg10[%get3A_278, %get3A_279] {strides = array<i32>} : memref<128x64xf32, #tpu.memory_space<vmem>>, vector<16xf32>,
          %mul3A_281 = arith.mulf %get3A_280, %broadcast_in_dim3A_275 : vector<16xf32>
          %add3A_282 = arith.constant 2 : i32
          %add3A_283 = arith.addi %add3A_74, %add3A_282 : i32
          %swap3A_284 = arith.index_cast %add3A_283 : i32 to index
          %swap3A_285 = arith.constant 48 : index
          %swap3A_286 = tpu.vector_load %arg10[%swap3A_284, %swap3A_285] {strides = array<i32>} : memref<128x64xf32, #tpu.memory_space<vmem>>, vector<16xf32>,
          tpu.vector_store %arg10[%swap3A_284, %swap3A_285], %mul3A_281 {strides = array<i32>} : memref<128x64xf32, #tpu.memory_space<vmem>>, vector<16xf32>,
          %slice3A_287 = vector.extract_strided_slice %mul3A_119 {offsets = [12], sizes = [1], strides = [1]} : vector<16xf32> to vector<1xf32>
          %squeeze3A_288 = vector.extract %slice3A_287[0] : f32 from vector<1xf32>
          %broadcast_in_dim3A_289 = vector.broadcast %squeeze3A_288 : f32 to vector<16xf32>
          %add3A_290 = arith.constant 3 : i32
          %add3A_291 = arith.addi %add3A_74, %add3A_290 : i32
          %get3A_292 = arith.index_cast %add3A_291 : i32 to index
          %get3A_293 = arith.constant 0 : index
          %get3A_294 = tpu.vector_load %arg10[%get3A_292, %get3A_293] {strides = array<i32>} : memref<128x64xf32, #tpu.memory_space<vmem>>, vector<16xf32>,
          %mul3A_295 = arith.mulf %get3A_294, %broadcast_in_dim3A_289 : vector<16xf32>
          %add3A_296 = arith.constant 3 : i32
          %add3A_297 = arith.addi %add3A_74, %add3A_296 : i32
          %swap3A_298 = arith.index_cast %add3A_297 : i32 to index
          %swap3A_299 = arith.constant 0 : index
          %swap3A_300 = tpu.vector_load %arg10[%swap3A_298, %swap3A_299] {strides = array<i32>} : memref<128x64xf32, #tpu.memory_space<vmem>>, vector<16xf32>,
          tpu.vector_store %arg10[%swap3A_298, %swap3A_299], %mul3A_295 {strides = array<i32>} : memref<128x64xf32, #tpu.memory_space<vmem>>, vector<16xf32>,
          %slice3A_301 = vector.extract_strided_slice %mul3A_119 {offsets = [13], sizes = [1], strides = [1]} : vector<16xf32> to vector<1xf32>
          %squeeze3A_302 = vector.extract %slice3A_301[0] : f32 from vector<1xf32>
          %broadcast_in_dim3A_303 = vector.broadcast %squeeze3A_302 : f32 to vector<16xf32>
          %add3A_304 = arith.constant 3 : i32
          %add3A_305 = arith.addi %add3A_74, %add3A_304 : i32
          %get3A_306 = arith.index_cast %add3A_305 : i32 to index
          %get3A_307 = arith.constant 16 : index
          %get3A_308 = tpu.vector_load %arg10[%get3A_306, %get3A_307] {strides = array<i32>} : memref<128x64xf32, #tpu.memory_space<vmem>>, vector<16xf32>,
          %mul3A_309 = arith.mulf %get3A_308, %broadcast_in_dim3A_303 : vector<16xf32>
          %add3A_310 = arith.constant 3 : i32
          %add3A_311 = arith.addi %add3A_74, %add3A_310 : i32
          %swap3A_312 = arith.index_cast %add3A_311 : i32 to index
          %swap3A_313 = arith.constant 16 : index
          %swap3A_314 = tpu.vector_load %arg10[%swap3A_312, %swap3A_313] {strides = array<i32>} : memref<128x64xf32, #tpu.memory_space<vmem>>, vector<16xf32>,
          tpu.vector_store %arg10[%swap3A_312, %swap3A_313], %mul3A_309 {strides = array<i32>} : memref<128x64xf32, #tpu.memory_space<vmem>>, vector<16xf32>,
          %slice3A_315 = vector.extract_strided_slice %mul3A_119 {offsets = [14], sizes = [1], strides = [1]} : vector<16xf32> to vector<1xf32>
          %squeeze3A_316 = vector.extract %slice3A_315[0] : f32 from vector<1xf32>
          %broadcast_in_dim3A_317 = vector.broadcast %squeeze3A_316 : f32 to vector<16xf32>
          %add3A_318 = arith.constant 3 : i32
          %add3A_319 = arith.addi %add3A_74, %add3A_318 : i32
          %get3A_320 = arith.index_cast %add3A_319 : i32 to index
          %get3A_321 = arith.constant 32 : index
          %get3A_322 = tpu.vector_load %arg10[%get3A_320, %get3A_321] {strides = array<i32>} : memref<128x64xf32, #tpu.memory_space<vmem>>, vector<16xf32>,
          %mul3A_323 = arith.mulf %get3A_322, %broadcast_in_dim3A_317 : vector<16xf32>
          %add3A_324 = arith.constant 3 : i32
          %add3A_325 = arith.addi %add3A_74, %add3A_324 : i32
          %swap3A_326 = arith.index_cast %add3A_325 : i32 to index
          %swap3A_327 = arith.constant 32 : index
          %swap3A_328 = tpu.vector_load %arg10[%swap3A_326, %swap3A_327] {strides = array<i32>} : memref<128x64xf32, #tpu.memory_space<vmem>>, vector<16xf32>,
          tpu.vector_store %arg10[%swap3A_326, %swap3A_327], %mul3A_323 {strides = array<i32>} : memref<128x64xf32, #tpu.memory_space<vmem>>, vector<16xf32>,
          %slice3A_329 = vector.extract_strided_slice %mul3A_119 {offsets = [15], sizes = [1], strides = [1]} : vector<16xf32> to vector<1xf32>
          %squeeze3A_330 = vector.extract %slice3A_329[0] : f32 from vector<1xf32>
          %broadcast_in_dim3A_331 = vector.broadcast %squeeze3A_330 : f32 to vector<16xf32>
          %add3A_332 = arith.constant 3 : i32
          %add3A_333 = arith.addi %add3A_74, %add3A_332 : i32
          %get3A_334 = arith.index_cast %add3A_333 : i32 to index
          %get3A_335 = arith.constant 48 : index
          %get3A_336 = tpu.vector_load %arg10[%get3A_334, %get3A_335] {strides = array<i32>} : memref<128x64xf32, #tpu.memory_space<vmem>>, vector<16xf32>,
          %mul3A_337 = arith.mulf %get3A_336, %broadcast_in_dim3A_331 : vector<16xf32>
          %add3A_338 = arith.constant 3 : i32
          %add3A_339 = arith.addi %add3A_74, %add3A_338 : i32
          %swap3A_340 = arith.index_cast %add3A_339 : i32 to index
          %swap3A_341 = arith.constant 48 : index
          %swap3A_342 = tpu.vector_load %arg10[%swap3A_340, %swap3A_341] {strides = array<i32>} : memref<128x64xf32, #tpu.memory_space<vmem>>, vector<16xf32>,
          tpu.vector_store %arg10[%swap3A_340, %swap3A_341], %mul3A_337 {strides = array<i32>} : memref<128x64xf32, #tpu.memory_space<vmem>>, vector<16xf32>,
          %mul3A_343 = arith.constant 16 : i32
          %mul3A_344 = arith.muli %scan3A_65, %mul3A_343 : i32
          %add3A_345 = arith.constant 4 : i32
          %add3A_346 = arith.addi %mul3A_344, %add3A_345 : i32
          %broadcast_in_dim3A_347 = arith.constant 0 : i32
          %broadcast_in_dim3A_348 = vector.broadcast %broadcast_in_dim3A_347 : i32 to vector<16xi32>
          %ge3A_349 = arith.constant 0 : i32
          %ge3A_350 = vector.broadcast %ge3A_349 : i32 to vector<16xi32>
          %ge3A_351 = arith.cmpi sge, %iota3A, %ge3A_350 : vector<16xi32>
          %lt3A_352 = arith.constant 4 : i32
          %lt3A_353 = vector.broadcast %lt3A_352 : i32 to vector<16xi32>
          %lt3A_354 = arith.cmpi slt, %iota3A, %lt3A_353 : vector<16xi32>
          %and3A_355 = arith.andi %ge3A_351, %lt3A_354 : vector<16xi1>
          %slice3A_356 = vector.extract_strided_slice %get3A_70 {offsets = [4], sizes = [1], strides = [1]} : vector<16xi32> to vector<1xi32>
          %squeeze3A_357 = vector.extract %slice3A_356[0] : i32 from vector<1xi32>
          %broadcast_in_dim3A_358 = vector.broadcast %squeeze3A_357 : i32 to vector<16xi32>
          %select_n3A_359 = arith.select %and3A_355, %broadcast_in_dim3A_358, %broadcast_in_dim3A_348 : vector<16xi1>, vector<16xi32>
          %ge3A_360 = arith.constant 4 : i32
          %ge3A_361 = vector.broadcast %ge3A_360 : i32 to vector<16xi32>
          %ge3A_362 = arith.cmpi sge, %iota3A, %ge3A_361 : vector<16xi32>
          %lt3A_363 = arith.constant 8 : i32
          %lt3A_364 = vector.broadcast %lt3A_363 : i32 to vector<16xi32>
          %lt3A_365 = arith.cmpi slt, %iota3A, %lt3A_364 : vector<16xi32>
          %and3A_366 = arith.andi %ge3A_362, %lt3A_365 : vector<16xi1>
          %slice3A_367 = vector.extract_strided_slice %get3A_70 {offsets = [5], sizes = [1], strides = [1]} : vector<16xi32> to vector<1xi32>
          %squeeze3A_368 = vector.extract %slice3A_367[0] : i32 from vector<1xi32>
          %broadcast_in_dim3A_369 = vector.broadcast %squeeze3A_368 : i32 to vector<16xi32>
          %select_n3A_370 = arith.select %and3A_366, %broadcast_in_dim3A_369, %select_n3A_359 : vector<16xi1>, vector<16xi32>
          %ge3A_371 = arith.constant 8 : i32
          %ge3A_372 = vector.broadcast %ge3A_371 : i32 to vector<16xi32>
          %ge3A_373 = arith.cmpi sge, %iota3A, %ge3A_372 : vector<16xi32>
          %lt3A_374 = arith.constant 12 : i32
          %lt3A_375 = vector.broadcast %lt3A_374 : i32 to vector<16xi32>
          %lt3A_376 = arith.cmpi slt, %iota3A, %lt3A_375 : vector<16xi32>
          %and3A_377 = arith.andi %ge3A_373, %lt3A_376 : vector<16xi1>
          %slice3A_378 = vector.extract_strided_slice %get3A_70 {offsets = [6], sizes = [1], strides = [1]} : vector<16xi32> to vector<1xi32>
          %squeeze3A_379 = vector.extract %slice3A_378[0] : i32 from vector<1xi32>
          %broadcast_in_dim3A_380 = vector.broadcast %squeeze3A_379 : i32 to vector<16xi32>
          %select_n3A_381 = arith.select %and3A_377, %broadcast_in_dim3A_380, %select_n3A_370 : vector<16xi1>, vector<16xi32>
          %ge3A_382 = arith.constant 12 : i32
          %ge3A_383 = vector.broadcast %ge3A_382 : i32 to vector<16xi32>
          %ge3A_384 = arith.cmpi sge, %iota3A, %ge3A_383 : vector<16xi32>
          %lt3A_385 = arith.constant 16 : i32
          %lt3A_386 = vector.broadcast %lt3A_385 : i32 to vector<16xi32>
          %lt3A_387 = arith.cmpi slt, %iota3A, %lt3A_386 : vector<16xi32>
          %and3A_388 = arith.andi %ge3A_384, %lt3A_387 : vector<16xi1>
          %slice3A_389 = vector.extract_strided_slice %get3A_70 {offsets = [7], sizes = [1], strides = [1]} : vector<16xi32> to vector<1xi32>
          %squeeze3A_390 = vector.extract %slice3A_389[0] : i32 from vector<1xi32>
          %broadcast_in_dim3A_391 = vector.broadcast %squeeze3A_390 : i32 to vector<16xi32>
          %select_n3A_392 = arith.select %and3A_388, %broadcast_in_dim3A_391, %select_n3A_381 : vector<16xi1>, vector<16xi32>
          %broadcast_in_dim3A_393 = vector.broadcast %add3A_346 : i32 to vector<16xi32>
          %add3A_394 = arith.addi %broadcast_in_dim3A_393, %shift_right_arithmetic3A_3 : vector<16xi32>
          %gather3A_395 = tpu.vector_load_idx %arg12[%add3A_394, %and3A_5] : memref<128x4xf32, #tpu.memory_space<vmem>>[vector<16xi32>, vector<16xi32>], vector<16xf32>,
          %gather3A_396 = tpu.vector_load_idx %arg14[%select_n3A_392, %and3A_5] : memref<10000x4xf32, #tpu.memory_space<vmem>>[vector<16xi32>, vector<16xi32>], vector<16xf32>,
          %mul3A_397 = arith.mulf %gather3A_395, %gather3A_396 : vector<16xf32>
          %slice3A_398 = vector.extract_strided_slice %mul3A_397 {offsets = [0], sizes = [1], strides = [1]} : vector<16xf32> to vector<1xf32>
          %squeeze3A_399 = vector.extract %slice3A_398[0] : f32 from vector<1xf32>
          %broadcast_in_dim3A_400 = vector.broadcast %squeeze3A_399 : f32 to vector<16xf32>
          %add3A_401 = arith.constant 0 : i32
          %add3A_402 = arith.addi %add3A_346, %add3A_401 : i32
          %get3A_403 = arith.index_cast %add3A_402 : i32 to index
          %get3A_404 = arith.constant 0 : index
          %get3A_405 = tpu.vector_load %arg10[%get3A_403, %get3A_404] {strides = array<i32>} : memref<128x64xf32, #tpu.memory_space<vmem>>, vector<16xf32>,
          %mul3A_406 = arith.mulf %get3A_405, %broadcast_in_dim3A_400 : vector<16xf32>
          %add3A_407 = arith.constant 0 : i32
          %add3A_408 = arith.addi %add3A_346, %add3A_407 : i32
          %swap3A_409 = arith.index_cast %add3A_408 : i32 to index
          %swap3A_410 = arith.constant 0 : index
          %swap3A_411 = tpu.vector_load %arg10[%swap3A_409, %swap3A_410] {strides = array<i32>} : memref<128x64xf32, #tpu.memory_space<vmem>>, vector<16xf32>,
          tpu.vector_store %arg10[%swap3A_409, %swap3A_410], %mul3A_406 {strides = array<i32>} : memref<128x64xf32, #tpu.memory_space<vmem>>, vector<16xf32>,
          %slice3A_412 = vector.extract_strided_slice %mul3A_397 {offsets = [1], sizes = [1], strides = [1]} : vector<16xf32> to vector<1xf32>
          %squeeze3A_413 = vector.extract %slice3A_412[0] : f32 from vector<1xf32>
          %broadcast_in_dim3A_414 = vector.broadcast %squeeze3A_413 : f32 to vector<16xf32>
          %add3A_415 = arith.constant 0 : i32
          %add3A_416 = arith.addi %add3A_346, %add3A_415 : i32
          %get3A_417 = arith.index_cast %add3A_416 : i32 to index
          %get3A_418 = arith.constant 16 : index
          %get3A_419 = tpu.vector_load %arg10[%get3A_417, %get3A_418] {strides = array<i32>} : memref<128x64xf32, #tpu.memory_space<vmem>>, vector<16xf32>,
          %mul3A_420 = arith.mulf %get3A_419, %broadcast_in_dim3A_414 : vector<16xf32>
          %add3A_421 = arith.constant 0 : i32
          %add3A_422 = arith.addi %add3A_346, %add3A_421 : i32
          %swap3A_423 = arith.index_cast %add3A_422 : i32 to index
          %swap3A_424 = arith.constant 16 : index
          %swap3A_425 = tpu.vector_load %arg10[%swap3A_423, %swap3A_424] {strides = array<i32>} : memref<128x64xf32, #tpu.memory_space<vmem>>, vector<16xf32>,
          tpu.vector_store %arg10[%swap3A_423, %swap3A_424], %mul3A_420 {strides = array<i32>} : memref<128x64xf32, #tpu.memory_space<vmem>>, vector<16xf32>,
          %slice3A_426 = vector.extract_strided_slice %mul3A_397 {offsets = [2], sizes = [1], strides = [1]} : vector<16xf32> to vector<1xf32>
          %squeeze3A_427 = vector.extract %slice3A_426[0] : f32 from vector<1xf32>
          %broadcast_in_dim3A_428 = vector.broadcast %squeeze3A_427 : f32 to vector<16xf32>
          %add3A_429 = arith.constant 0 : i32
          %add3A_430 = arith.addi %add3A_346, %add3A_429 : i32
          %get3A_431 = arith.index_cast %add3A_430 : i32 to index
          %get3A_432 = arith.constant 32 : index
          %get3A_433 = tpu.vector_load %arg10[%get3A_431, %get3A_432] {strides = array<i32>} : memref<128x64xf32, #tpu.memory_space<vmem>>, vector<16xf32>,
          %mul3A_434 = arith.mulf %get3A_433, %broadcast_in_dim3A_428 : vector<16xf32>
          %add3A_435 = arith.constant 0 : i32
          %add3A_436 = arith.addi %add3A_346, %add3A_435 : i32
          %swap3A_437 = arith.index_cast %add3A_436 : i32 to index
          %swap3A_438 = arith.constant 32 : index
          %swap3A_439 = tpu.vector_load %arg10[%swap3A_437, %swap3A_438] {strides = array<i32>} : memref<128x64xf32, #tpu.memory_space<vmem>>, vector<16xf32>,
          tpu.vector_store %arg10[%swap3A_437, %swap3A_438], %mul3A_434 {strides = array<i32>} : memref<128x64xf32, #tpu.memory_space<vmem>>, vector<16xf32>,
          %slice3A_440 = vector.extract_strided_slice %mul3A_397 {offsets = [3], sizes = [1], strides = [1]} : vector<16xf32> to vector<1xf32>
          %squeeze3A_441 = vector.extract %slice3A_440[0] : f32 from vector<1xf32>
          %broadcast_in_dim3A_442 = vector.broadcast %squeeze3A_441 : f32 to vector<16xf32>
          %add3A_443 = arith.constant 0 : i32
          %add3A_444 = arith.addi %add3A_346, %add3A_443 : i32
          %get3A_445 = arith.index_cast %add3A_444 : i32 to index
          %get3A_446 = arith.constant 48 : index
          %get3A_447 = tpu.vector_load %arg10[%get3A_445, %get3A_446] {strides = array<i32>} : memref<128x64xf32, #tpu.memory_space<vmem>>, vector<16xf32>,
          %mul3A_448 = arith.mulf %get3A_447, %broadcast_in_dim3A_442 : vector<16xf32>
          %add3A_449 = arith.constant 0 : i32
          %add3A_450 = arith.addi %add3A_346, %add3A_449 : i32
          %swap3A_451 = arith.index_cast %add3A_450 : i32 to index
          %swap3A_452 = arith.constant 48 : index
          %swap3A_453 = tpu.vector_load %arg10[%swap3A_451, %swap3A_452] {strides = array<i32>} : memref<128x64xf32, #tpu.memory_space<vmem>>, vector<16xf32>,
          tpu.vector_store %arg10[%swap3A_451, %swap3A_452], %mul3A_448 {strides = array<i32>} : memref<128x64xf32, #tpu.memory_space<vmem>>, vector<16xf32>,
          %slice3A_454 = vector.extract_strided_slice %mul3A_397 {offsets = [4], sizes = [1], strides = [1]} : vector<16xf32> to vector<1xf32>
          %squeeze3A_455 = vector.extract %slice3A_454[0] : f32 from vector<1xf32>
          %broadcast_in_dim3A_456 = vector.broadcast %squeeze3A_455 : f32 to vector<16xf32>
          %add3A_457 = arith.constant 1 : i32
          %add3A_458 = arith.addi %add3A_346, %add3A_457 : i32
          %get3A_459 = arith.index_cast %add3A_458 : i32 to index
          %get3A_460 = arith.constant 0 : index
          %get3A_461 = tpu.vector_load %arg10[%get3A_459, %get3A_460] {strides = array<i32>} : memref<128x64xf32, #tpu.memory_space<vmem>>, vector<16xf32>,
          %mul3A_462 = arith.mulf %get3A_461, %broadcast_in_dim3A_456 : vector<16xf32>
          %add3A_463 = arith.constant 1 : i32
          %add3A_464 = arith.addi %add3A_346, %add3A_463 : i32
          %swap3A_465 = arith.index_cast %add3A_464 : i32 to index
          %swap3A_466 = arith.constant 0 : index
          %swap3A_467 = tpu.vector_load %arg10[%swap3A_465, %swap3A_466] {strides = array<i32>} : memref<128x64xf32, #tpu.memory_space<vmem>>, vector<16xf32>,
          tpu.vector_store %arg10[%swap3A_465, %swap3A_466], %mul3A_462 {strides = array<i32>} : memref<128x64xf32, #tpu.memory_space<vmem>>, vector<16xf32>,
          %slice3A_468 = vector.extract_strided_slice %mul3A_397 {offsets = [5], sizes = [1], strides = [1]} : vector<16xf32> to vector<1xf32>
          %squeeze3A_469 = vector.extract %slice3A_468[0] : f32 from vector<1xf32>
          %broadcast_in_dim3A_470 = vector.broadcast %squeeze3A_469 : f32 to vector<16xf32>
          %add3A_471 = arith.constant 1 : i32
          %add3A_472 = arith.addi %add3A_346, %add3A_471 : i32
          %get3A_473 = arith.index_cast %add3A_472 : i32 to index
          %get3A_474 = arith.constant 16 : index
          %get3A_475 = tpu.vector_load %arg10[%get3A_473, %get3A_474] {strides = array<i32>} : memref<128x64xf32, #tpu.memory_space<vmem>>, vector<16xf32>,
          %mul3A_476 = arith.mulf %get3A_475, %broadcast_in_dim3A_470 : vector<16xf32>
          %add3A_477 = arith.constant 1 : i32
          %add3A_478 = arith.addi %add3A_346, %add3A_477 : i32
          %swap3A_479 = arith.index_cast %add3A_478 : i32 to index
          %swap3A_480 = arith.constant 16 : index
          %swap3A_481 = tpu.vector_load %arg10[%swap3A_479, %swap3A_480] {strides = array<i32>} : memref<128x64xf32, #tpu.memory_space<vmem>>, vector<16xf32>,
          tpu.vector_store %arg10[%swap3A_479, %swap3A_480], %mul3A_476 {strides = array<i32>} : memref<128x64xf32, #tpu.memory_space<vmem>>, vector<16xf32>,
          %slice3A_482 = vector.extract_strided_slice %mul3A_397 {offsets = [6], sizes = [1], strides = [1]} : vector<16xf32> to vector<1xf32>
          %squeeze3A_483 = vector.extract %slice3A_482[0] : f32 from vector<1xf32>
          %broadcast_in_dim3A_484 = vector.broadcast %squeeze3A_483 : f32 to vector<16xf32>
          %add3A_485 = arith.constant 1 : i32
          %add3A_486 = arith.addi %add3A_346, %add3A_485 : i32
          %get3A_487 = arith.index_cast %add3A_486 : i32 to index
          %get3A_488 = arith.constant 32 : index
          %get3A_489 = tpu.vector_load %arg10[%get3A_487, %get3A_488] {strides = array<i32>} : memref<128x64xf32, #tpu.memory_space<vmem>>, vector<16xf32>,
          %mul3A_490 = arith.mulf %get3A_489, %broadcast_in_dim3A_484 : vector<16xf32>
          %add3A_491 = arith.constant 1 : i32
          %add3A_492 = arith.addi %add3A_346, %add3A_491 : i32
          %swap3A_493 = arith.index_cast %add3A_492 : i32 to index
          %swap3A_494 = arith.constant 32 : index
          %swap3A_495 = tpu.vector_load %arg10[%swap3A_493, %swap3A_494] {strides = array<i32>} : memref<128x64xf32, #tpu.memory_space<vmem>>, vector<16xf32>,
          tpu.vector_store %arg10[%swap3A_493, %swap3A_494], %mul3A_490 {strides = array<i32>} : memref<128x64xf32, #tpu.memory_space<vmem>>, vector<16xf32>,
          %slice3A_496 = vector.extract_strided_slice %mul3A_397 {offsets = [7], sizes = [1], strides = [1]} : vector<16xf32> to vector<1xf32>
          %squeeze3A_497 = vector.extract %slice3A_496[0] : f32 from vector<1xf32>
          %broadcast_in_dim3A_498 = vector.broadcast %squeeze3A_497 : f32 to vector<16xf32>
          %add3A_499 = arith.constant 1 : i32
          %add3A_500 = arith.addi %add3A_346, %add3A_499 : i32
          %get3A_501 = arith.index_cast %add3A_500 : i32 to index
          %get3A_502 = arith.constant 48 : index
          %get3A_503 = tpu.vector_load %arg10[%get3A_501, %get3A_502] {strides = array<i32>} : memref<128x64xf32, #tpu.memory_space<vmem>>, vector<16xf32>,
          %mul3A_504 = arith.mulf %get3A_503, %broadcast_in_dim3A_498 : vector<16xf32>
          %add3A_505 = arith.constant 1 : i32
          %add3A_506 = arith.addi %add3A_346, %add3A_505 : i32
          %swap3A_507 = arith.index_cast %add3A_506 : i32 to index
          %swap3A_508 = arith.constant 48 : index
          %swap3A_509 = tpu.vector_load %arg10[%swap3A_507, %swap3A_508] {strides = array<i32>} : memref<128x64xf32, #tpu.memory_space<vmem>>, vector<16xf32>,
          tpu.vector_store %arg10[%swap3A_507, %swap3A_508], %mul3A_504 {strides = array<i32>} : memref<128x64xf32, #tpu.memory_space<vmem>>, vector<16xf32>,
          %slice3A_510 = vector.extract_strided_slice %mul3A_397 {offsets = [8], sizes = [1], strides = [1]} : vector<16xf32> to vector<1xf32>
          %squeeze3A_511 = vector.extract %slice3A_510[0] : f32 from vector<1xf32>
          %broadcast_in_dim3A_512 = vector.broadcast %squeeze3A_511 : f32 to vector<16xf32>
          %add3A_513 = arith.constant 2 : i32
          %add3A_514 = arith.addi %add3A_346, %add3A_513 : i32
          %get3A_515 = arith.index_cast %add3A_514 : i32 to index
          %get3A_516 = arith.constant 0 : index
          %get3A_517 = tpu.vector_load %arg10[%get3A_515, %get3A_516] {strides = array<i32>} : memref<128x64xf32, #tpu.memory_space<vmem>>, vector<16xf32>,
          %mul3A_518 = arith.mulf %get3A_517, %broadcast_in_dim3A_512 : vector<16xf32>
          %add3A_519 = arith.constant 2 : i32
          %add3A_520 = arith.addi %add3A_346, %add3A_519 : i32
          %swap3A_521 = arith.index_cast %add3A_520 : i32 to index
          %swap3A_522 = arith.constant 0 : index
          %swap3A_523 = tpu.vector_load %arg10[%swap3A_521, %swap3A_522] {strides = array<i32>} : memref<128x64xf32, #tpu.memory_space<vmem>>, vector<16xf32>,
          tpu.vector_store %arg10[%swap3A_521, %swap3A_522], %mul3A_518 {strides = array<i32>} : memref<128x64xf32, #tpu.memory_space<vmem>>, vector<16xf32>,
          %slice3A_524 = vector.extract_strided_slice %mul3A_397 {offsets = [9], sizes = [1], strides = [1]} : vector<16xf32> to vector<1xf32>
          %squeeze3A_525 = vector.extract %slice3A_524[0] : f32 from vector<1xf32>
          %broadcast_in_dim3A_526 = vector.broadcast %squeeze3A_525 : f32 to vector<16xf32>
          %add3A_527 = arith.constant 2 : i32
          %add3A_528 = arith.addi %add3A_346, %add3A_527 : i32
          %get3A_529 = arith.index_cast %add3A_528 : i32 to index
          %get3A_530 = arith.constant 16 : index
          %get3A_531 = tpu.vector_load %arg10[%get3A_529, %get3A_530] {strides = array<i32>} : memref<128x64xf32, #tpu.memory_space<vmem>>, vector<16xf32>,
          %mul3A_532 = arith.mulf %get3A_531, %broadcast_in_dim3A_526 : vector<16xf32>
          %add3A_533 = arith.constant 2 : i32
          %add3A_534 = arith.addi %add3A_346, %add3A_533 : i32
          %swap3A_535 = arith.index_cast %add3A_534 : i32 to index
          %swap3A_536 = arith.constant 16 : index
          %swap3A_537 = tpu.vector_load %arg10[%swap3A_535, %swap3A_536] {strides = array<i32>} : memref<128x64xf32, #tpu.memory_space<vmem>>, vector<16xf32>,
          tpu.vector_store %arg10[%swap3A_535, %swap3A_536], %mul3A_532 {strides = array<i32>} : memref<128x64xf32, #tpu.memory_space<vmem>>, vector<16xf32>,
          %slice3A_538 = vector.extract_strided_slice %mul3A_397 {offsets = [10], sizes = [1], strides = [1]} : vector<16xf32> to vector<1xf32>
          %squeeze3A_539 = vector.extract %slice3A_538[0] : f32 from vector<1xf32>
          %broadcast_in_dim3A_540 = vector.broadcast %squeeze3A_539 : f32 to vector<16xf32>
          %add3A_541 = arith.constant 2 : i32
          %add3A_542 = arith.addi %add3A_346, %add3A_541 : i32
          %get3A_543 = arith.index_cast %add3A_542 : i32 to index
          %get3A_544 = arith.constant 32 : index
          %get3A_545 = tpu.vector_load %arg10[%get3A_543, %get3A_544] {strides = array<i32>} : memref<128x64xf32, #tpu.memory_space<vmem>>, vector<16xf32>,
          %mul3A_546 = arith.mulf %get3A_545, %broadcast_in_dim3A_540 : vector<16xf32>
          %add3A_547 = arith.constant 2 : i32
          %add3A_548 = arith.addi %add3A_346, %add3A_547 : i32
          %swap3A_549 = arith.index_cast %add3A_548 : i32 to index
          %swap3A_550 = arith.constant 32 : index
          %swap3A_551 = tpu.vector_load %arg10[%swap3A_549, %swap3A_550] {strides = array<i32>} : memref<128x64xf32, #tpu.memory_space<vmem>>, vector<16xf32>,
          tpu.vector_store %arg10[%swap3A_549, %swap3A_550], %mul3A_546 {strides = array<i32>} : memref<128x64xf32, #tpu.memory_space<vmem>>, vector<16xf32>,
          %slice3A_552 = vector.extract_strided_slice %mul3A_397 {offsets = [11], sizes = [1], strides = [1]} : vector<16xf32> to vector<1xf32>
          %squeeze3A_553 = vector.extract %slice3A_552[0] : f32 from vector<1xf32>
          %broadcast_in_dim3A_554 = vector.broadcast %squeeze3A_553 : f32 to vector<16xf32>
          %add3A_555 = arith.constant 2 : i32
          %add3A_556 = arith.addi %add3A_346, %add3A_555 : i32
          %get3A_557 = arith.index_cast %add3A_556 : i32 to index
          %get3A_558 = arith.constant 48 : index
          %get3A_559 = tpu.vector_load %arg10[%get3A_557, %get3A_558] {strides = array<i32>} : memref<128x64xf32, #tpu.memory_space<vmem>>, vector<16xf32>,
          %mul3A_560 = arith.mulf %get3A_559, %broadcast_in_dim3A_554 : vector<16xf32>
          %add3A_561 = arith.constant 2 : i32
          %add3A_562 = arith.addi %add3A_346, %add3A_561 : i32
          %swap3A_563 = arith.index_cast %add3A_562 : i32 to index
          %swap3A_564 = arith.constant 48 : index
          %swap3A_565 = tpu.vector_load %arg10[%swap3A_563, %swap3A_564] {strides = array<i32>} : memref<128x64xf32, #tpu.memory_space<vmem>>, vector<16xf32>,
          tpu.vector_store %arg10[%swap3A_563, %swap3A_564], %mul3A_560 {strides = array<i32>} : memref<128x64xf32, #tpu.memory_space<vmem>>, vector<16xf32>,
          %slice3A_566 = vector.extract_strided_slice %mul3A_397 {offsets = [12], sizes = [1], strides = [1]} : vector<16xf32> to vector<1xf32>
          %squeeze3A_567 = vector.extract %slice3A_566[0] : f32 from vector<1xf32>
          %broadcast_in_dim3A_568 = vector.broadcast %squeeze3A_567 : f32 to vector<16xf32>
          %add3A_569 = arith.constant 3 : i32
          %add3A_570 = arith.addi %add3A_346, %add3A_569 : i32
          %get3A_571 = arith.index_cast %add3A_570 : i32 to index
          %get3A_572 = arith.constant 0 : index
          %get3A_573 = tpu.vector_load %arg10[%get3A_571, %get3A_572] {strides = array<i32>} : memref<128x64xf32, #tpu.memory_space<vmem>>, vector<16xf32>,
          %mul3A_574 = arith.mulf %get3A_573, %broadcast_in_dim3A_568 : vector<16xf32>
          %add3A_575 = arith.constant 3 : i32
          %add3A_576 = arith.addi %add3A_346, %add3A_575 : i32
          %swap3A_577 = arith.index_cast %add3A_576 : i32 to index
          %swap3A_578 = arith.constant 0 : index
          %swap3A_579 = tpu.vector_load %arg10[%swap3A_577, %swap3A_578] {strides = array<i32>} : memref<128x64xf32, #tpu.memory_space<vmem>>, vector<16xf32>,
          tpu.vector_store %arg10[%swap3A_577, %swap3A_578], %mul3A_574 {strides = array<i32>} : memref<128x64xf32, #tpu.memory_space<vmem>>, vector<16xf32>,
          %slice3A_580 = vector.extract_strided_slice %mul3A_397 {offsets = [13], sizes = [1], strides = [1]} : vector<16xf32> to vector<1xf32>
          %squeeze3A_581 = vector.extract %slice3A_580[0] : f32 from vector<1xf32>
          %broadcast_in_dim3A_582 = vector.broadcast %squeeze3A_581 : f32 to vector<16xf32>
          %add3A_583 = arith.constant 3 : i32
          %add3A_584 = arith.addi %add3A_346, %add3A_583 : i32
          %get3A_585 = arith.index_cast %add3A_584 : i32 to index
          %get3A_586 = arith.constant 16 : index
          %get3A_587 = tpu.vector_load %arg10[%get3A_585, %get3A_586] {strides = array<i32>} : memref<128x64xf32, #tpu.memory_space<vmem>>, vector<16xf32>,
          %mul3A_588 = arith.mulf %get3A_587, %broadcast_in_dim3A_582 : vector<16xf32>
          %add3A_589 = arith.constant 3 : i32
          %add3A_590 = arith.addi %add3A_346, %add3A_589 : i32
          %swap3A_591 = arith.index_cast %add3A_590 : i32 to index
          %swap3A_592 = arith.constant 16 : index
          %swap3A_593 = tpu.vector_load %arg10[%swap3A_591, %swap3A_592] {strides = array<i32>} : memref<128x64xf32, #tpu.memory_space<vmem>>, vector<16xf32>,
          tpu.vector_store %arg10[%swap3A_591, %swap3A_592], %mul3A_588 {strides = array<i32>} : memref<128x64xf32, #tpu.memory_space<vmem>>, vector<16xf32>,
          %slice3A_594 = vector.extract_strided_slice %mul3A_397 {offsets = [14], sizes = [1], strides = [1]} : vector<16xf32> to vector<1xf32>
          %squeeze3A_595 = vector.extract %slice3A_594[0] : f32 from vector<1xf32>
          %broadcast_in_dim3A_596 = vector.broadcast %squeeze3A_595 : f32 to vector<16xf32>
          %add3A_597 = arith.constant 3 : i32
          %add3A_598 = arith.addi %add3A_346, %add3A_597 : i32
          %get3A_599 = arith.index_cast %add3A_598 : i32 to index
          %get3A_600 = arith.constant 32 : index
          %get3A_601 = tpu.vector_load %arg10[%get3A_599, %get3A_600] {strides = array<i32>} : memref<128x64xf32, #tpu.memory_space<vmem>>, vector<16xf32>,
          %mul3A_602 = arith.mulf %get3A_601, %broadcast_in_dim3A_596 : vector<16xf32>
          %add3A_603 = arith.constant 3 : i32
          %add3A_604 = arith.addi %add3A_346, %add3A_603 : i32
          %swap3A_605 = arith.index_cast %add3A_604 : i32 to index
          %swap3A_606 = arith.constant 32 : index
          %swap3A_607 = tpu.vector_load %arg10[%swap3A_605, %swap3A_606] {strides = array<i32>} : memref<128x64xf32, #tpu.memory_space<vmem>>, vector<16xf32>,
          tpu.vector_store %arg10[%swap3A_605, %swap3A_606], %mul3A_602 {strides = array<i32>} : memref<128x64xf32, #tpu.memory_space<vmem>>, vector<16xf32>,
          %slice3A_608 = vector.extract_strided_slice %mul3A_397 {offsets = [15], sizes = [1], strides = [1]} : vector<16xf32> to vector<1xf32>
          %squeeze3A_609 = vector.extract %slice3A_608[0] : f32 from vector<1xf32>
          %broadcast_in_dim3A_610 = vector.broadcast %squeeze3A_609 : f32 to vector<16xf32>
          %add3A_611 = arith.constant 3 : i32
          %add3A_612 = arith.addi %add3A_346, %add3A_611 : i32
          %get3A_613 = arith.index_cast %add3A_612 : i32 to index
          %get3A_614 = arith.constant 48 : index
          %get3A_615 = tpu.vector_load %arg10[%get3A_613, %get3A_614] {strides = array<i32>} : memref<128x64xf32, #tpu.memory_space<vmem>>, vector<16xf32>,
          %mul3A_616 = arith.mulf %get3A_615, %broadcast_in_dim3A_610 : vector<16xf32>
          %add3A_617 = arith.constant 3 : i32
          %add3A_618 = arith.addi %add3A_346, %add3A_617 : i32
          %swap3A_619 = arith.index_cast %add3A_618 : i32 to index
          %swap3A_620 = arith.constant 48 : index
          %swap3A_621 = tpu.vector_load %arg10[%swap3A_619, %swap3A_620] {strides = array<i32>} : memref<128x64xf32, #tpu.memory_space<vmem>>, vector<16xf32>,
          tpu.vector_store %arg10[%swap3A_619, %swap3A_620], %mul3A_616 {strides = array<i32>} : memref<128x64xf32, #tpu.memory_space<vmem>>, vector<16xf32>,
          %mul3A_622 = arith.constant 16 : i32
          %mul3A_623 = arith.muli %scan3A_65, %mul3A_622 : i32
          %add3A_624 = arith.constant 8 : i32
          %add3A_625 = arith.addi %mul3A_623, %add3A_624 : i32
          %broadcast_in_dim3A_626 = arith.constant 0 : i32
          %broadcast_in_dim3A_627 = vector.broadcast %broadcast_in_dim3A_626 : i32 to vector<16xi32>
          %ge3A_628 = arith.constant 0 : i32
          %ge3A_629 = vector.broadcast %ge3A_628 : i32 to vector<16xi32>
          %ge3A_630 = arith.cmpi sge, %iota3A, %ge3A_629 : vector<16xi32>
          %lt3A_631 = arith.constant 4 : i32
          %lt3A_632 = vector.broadcast %lt3A_631 : i32 to vector<16xi32>
          %lt3A_633 = arith.cmpi slt, %iota3A, %lt3A_632 : vector<16xi32>
          %and3A_634 = arith.andi %ge3A_630, %lt3A_633 : vector<16xi1>
          %slice3A_635 = vector.extract_strided_slice %get3A_70 {offsets = [8], sizes = [1], strides = [1]} : vector<16xi32> to vector<1xi32>
          %squeeze3A_636 = vector.extract %slice3A_635[0] : i32 from vector<1xi32>
          %broadcast_in_dim3A_637 = vector.broadcast %squeeze3A_636 : i32 to vector<16xi32>
          %select_n3A_638 = arith.select %and3A_634, %broadcast_in_dim3A_637, %broadcast_in_dim3A_627 : vector<16xi1>, vector<16xi32>
          %ge3A_639 = arith.constant 4 : i32
          %ge3A_640 = vector.broadcast %ge3A_639 : i32 to vector<16xi32>
          %ge3A_641 = arith.cmpi sge, %iota3A, %ge3A_640 : vector<16xi32>
          %lt3A_642 = arith.constant 8 : i32
          %lt3A_643 = vector.broadcast %lt3A_642 : i32 to vector<16xi32>
          %lt3A_644 = arith.cmpi slt, %iota3A, %lt3A_643 : vector<16xi32>
          %and3A_645 = arith.andi %ge3A_641, %lt3A_644 : vector<16xi1>
          %slice3A_646 = vector.extract_strided_slice %get3A_70 {offsets = [9], sizes = [1], strides = [1]} : vector<16xi32> to vector<1xi32>
          %squeeze3A_647 = vector.extract %slice3A_646[0] : i32 from vector<1xi32>
          %broadcast_in_dim3A_648 = vector.broadcast %squeeze3A_647 : i32 to vector<16xi32>
          %select_n3A_649 = arith.select %and3A_645, %broadcast_in_dim3A_648, %select_n3A_638 : vector<16xi1>, vector<16xi32>
          %ge3A_650 = arith.constant 8 : i32
          %ge3A_651 = vector.broadcast %ge3A_650 : i32 to vector<16xi32>
          %ge3A_652 = arith.cmpi sge, %iota3A, %ge3A_651 : vector<16xi32>
          %lt3A_653 = arith.constant 12 : i32
          %lt3A_654 = vector.broadcast %lt3A_653 : i32 to vector<16xi32>
          %lt3A_655 = arith.cmpi slt, %iota3A, %lt3A_654 : vector<16xi32>
          %and3A_656 = arith.andi %ge3A_652, %lt3A_655 : vector<16xi1>
          %slice3A_657 = vector.extract_strided_slice %get3A_70 {offsets = [10], sizes = [1], strides = [1]} : vector<16xi32> to vector<1xi32>
          %squeeze3A_658 = vector.extract %slice3A_657[0] : i32 from vector<1xi32>
          %broadcast_in_dim3A_659 = vector.broadcast %squeeze3A_658 : i32 to vector<16xi32>
          %select_n3A_660 = arith.select %and3A_656, %broadcast_in_dim3A_659, %select_n3A_649 : vector<16xi1>, vector<16xi32>
          %ge3A_661 = arith.constant 12 : i32
          %ge3A_662 = vector.broadcast %ge3A_661 : i32 to vector<16xi32>
          %ge3A_663 = arith.cmpi sge, %iota3A, %ge3A_662 : vector<16xi32>
          %lt3A_664 = arith.constant 16 : i32
          %lt3A_665 = vector.broadcast %lt3A_664 : i32 to vector<16xi32>
          %lt3A_666 = arith.cmpi slt, %iota3A, %lt3A_665 : vector<16xi32>
          %and3A_667 = arith.andi %ge3A_663, %lt3A_666 : vector<16xi1>
          %slice3A_668 = vector.extract_strided_slice %get3A_70 {offsets = [11], sizes = [1], strides = [1]} : vector<16xi32> to vector<1xi32>
          %squeeze3A_669 = vector.extract %slice3A_668[0] : i32 from vector<1xi32>
          %broadcast_in_dim3A_670 = vector.broadcast %squeeze3A_669 : i32 to vector<16xi32>
          %select_n3A_671 = arith.select %and3A_667, %broadcast_in_dim3A_670, %select_n3A_660 : vector<16xi1>, vector<16xi32>
          %broadcast_in_dim3A_672 = vector.broadcast %add3A_625 : i32 to vector<16xi32>
          %add3A_673 = arith.addi %broadcast_in_dim3A_672, %shift_right_arithmetic3A_3 : vector<16xi32>
          %gather3A_674 = tpu.vector_load_idx %arg12[%add3A_673, %and3A_5] : memref<128x4xf32, #tpu.memory_space<vmem>>[vector<16xi32>, vector<16xi32>], vector<16xf32>,
          %gather3A_675 = tpu.vector_load_idx %arg14[%select_n3A_671, %and3A_5] : memref<10000x4xf32, #tpu.memory_space<vmem>>[vector<16xi32>, vector<16xi32>], vector<16xf32>,
          %mul3A_676 = arith.mulf %gather3A_674, %gather3A_675 : vector<16xf32>
          %slice3A_677 = vector.extract_strided_slice %mul3A_676 {offsets = [0], sizes = [1], strides = [1]} : vector<16xf32> to vector<1xf32>
          %squeeze3A_678 = vector.extract %slice3A_677[0] : f32 from vector<1xf32>
          %broadcast_in_dim3A_679 = vector.broadcast %squeeze3A_678 : f32 to vector<16xf32>
          %add3A_680 = arith.constant 0 : i32
          %add3A_681 = arith.addi %add3A_625, %add3A_680 : i32
          %get3A_682 = arith.index_cast %add3A_681 : i32 to index
          %get3A_683 = arith.constant 0 : index
          %get3A_684 = tpu.vector_load %arg10[%get3A_682, %get3A_683] {strides = array<i32>} : memref<128x64xf32, #tpu.memory_space<vmem>>, vector<16xf32>,
          %mul3A_685 = arith.mulf %get3A_684, %broadcast_in_dim3A_679 : vector<16xf32>
          %add3A_686 = arith.constant 0 : i32
          %add3A_687 = arith.addi %add3A_625, %add3A_686 : i32
          %swap3A_688 = arith.index_cast %add3A_687 : i32 to index
          %swap3A_689 = arith.constant 0 : index
          %swap3A_690 = tpu.vector_load %arg10[%swap3A_688, %swap3A_689] {strides = array<i32>} : memref<128x64xf32, #tpu.memory_space<vmem>>, vector<16xf32>,
          tpu.vector_store %arg10[%swap3A_688, %swap3A_689], %mul3A_685 {strides = array<i32>} : memref<128x64xf32, #tpu.memory_space<vmem>>, vector<16xf32>,
          %slice3A_691 = vector.extract_strided_slice %mul3A_676 {offsets = [1], sizes = [1], strides = [1]} : vector<16xf32> to vector<1xf32>
          %squeeze3A_692 = vector.extract %slice3A_691[0] : f32 from vector<1xf32>
          %broadcast_in_dim3A_693 = vector.broadcast %squeeze3A_692 : f32 to vector<16xf32>
          %add3A_694 = arith.constant 0 : i32
          %add3A_695 = arith.addi %add3A_625, %add3A_694 : i32
          %get3A_696 = arith.index_cast %add3A_695 : i32 to index
          %get3A_697 = arith.constant 16 : index
          %get3A_698 = tpu.vector_load %arg10[%get3A_696, %get3A_697] {strides = array<i32>} : memref<128x64xf32, #tpu.memory_space<vmem>>, vector<16xf32>,
          %mul3A_699 = arith.mulf %get3A_698, %broadcast_in_dim3A_693 : vector<16xf32>
          %add3A_700 = arith.constant 0 : i32
          %add3A_701 = arith.addi %add3A_625, %add3A_700 : i32
          %swap3A_702 = arith.index_cast %add3A_701 : i32 to index
          %swap3A_703 = arith.constant 16 : index
          %swap3A_704 = tpu.vector_load %arg10[%swap3A_702, %swap3A_703] {strides = array<i32>} : memref<128x64xf32, #tpu.memory_space<vmem>>, vector<16xf32>,
          tpu.vector_store %arg10[%swap3A_702, %swap3A_703], %mul3A_699 {strides = array<i32>} : memref<128x64xf32, #tpu.memory_space<vmem>>, vector<16xf32>,
          %slice3A_705 = vector.extract_strided_slice %mul3A_676 {offsets = [2], sizes = [1], strides = [1]} : vector<16xf32> to vector<1xf32>
          %squeeze3A_706 = vector.extract %slice3A_705[0] : f32 from vector<1xf32>
          %broadcast_in_dim3A_707 = vector.broadcast %squeeze3A_706 : f32 to vector<16xf32>
          %add3A_708 = arith.constant 0 : i32
          %add3A_709 = arith.addi %add3A_625, %add3A_708 : i32
          %get3A_710 = arith.index_cast %add3A_709 : i32 to index
          %get3A_711 = arith.constant 32 : index
          %get3A_712 = tpu.vector_load %arg10[%get3A_710, %get3A_711] {strides = array<i32>} : memref<128x64xf32, #tpu.memory_space<vmem>>, vector<16xf32>,
          %mul3A_713 = arith.mulf %get3A_712, %broadcast_in_dim3A_707 : vector<16xf32>
          %add3A_714 = arith.constant 0 : i32
          %add3A_715 = arith.addi %add3A_625, %add3A_714 : i32
          %swap3A_716 = arith.index_cast %add3A_715 : i32 to index
          %swap3A_717 = arith.constant 32 : index
          %swap3A_718 = tpu.vector_load %arg10[%swap3A_716, %swap3A_717] {strides = array<i32>} : memref<128x64xf32, #tpu.memory_space<vmem>>, vector<16xf32>,
          tpu.vector_store %arg10[%swap3A_716, %swap3A_717], %mul3A_713 {strides = array<i32>} : memref<128x64xf32, #tpu.memory_space<vmem>>, vector<16xf32>,
          %slice3A_719 = vector.extract_strided_slice %mul3A_676 {offsets = [3], sizes = [1], strides = [1]} : vector<16xf32> to vector<1xf32>
          %squeeze3A_720 = vector.extract %slice3A_719[0] : f32 from vector<1xf32>
          %broadcast_in_dim3A_721 = vector.broadcast %squeeze3A_720 : f32 to vector<16xf32>
          %add3A_722 = arith.constant 0 : i32
          %add3A_723 = arith.addi %add3A_625, %add3A_722 : i32
          %get3A_724 = arith.index_cast %add3A_723 : i32 to index
          %get3A_725 = arith.constant 48 : index
          %get3A_726 = tpu.vector_load %arg10[%get3A_724, %get3A_725] {strides = array<i32>} : memref<128x64xf32, #tpu.memory_space<vmem>>, vector<16xf32>,
          %mul3A_727 = arith.mulf %get3A_726, %broadcast_in_dim3A_721 : vector<16xf32>
          %add3A_728 = arith.constant 0 : i32
          %add3A_729 = arith.addi %add3A_625, %add3A_728 : i32
          %swap3A_730 = arith.index_cast %add3A_729 : i32 to index
          %swap3A_731 = arith.constant 48 : index
          %swap3A_732 = tpu.vector_load %arg10[%swap3A_730, %swap3A_731] {strides = array<i32>} : memref<128x64xf32, #tpu.memory_space<vmem>>, vector<16xf32>,
          tpu.vector_store %arg10[%swap3A_730, %swap3A_731], %mul3A_727 {strides = array<i32>} : memref<128x64xf32, #tpu.memory_space<vmem>>, vector<16xf32>,
          %slice3A_733 = vector.extract_strided_slice %mul3A_676 {offsets = [4], sizes = [1], strides = [1]} : vector<16xf32> to vector<1xf32>
          %squeeze3A_734 = vector.extract %slice3A_733[0] : f32 from vector<1xf32>
          %broadcast_in_dim3A_735 = vector.broadcast %squeeze3A_734 : f32 to vector<16xf32>
          %add3A_736 = arith.constant 1 : i32
          %add3A_737 = arith.addi %add3A_625, %add3A_736 : i32
          %get3A_738 = arith.index_cast %add3A_737 : i32 to index
          %get3A_739 = arith.constant 0 : index
          %get3A_740 = tpu.vector_load %arg10[%get3A_738, %get3A_739] {strides = array<i32>} : memref<128x64xf32, #tpu.memory_space<vmem>>, vector<16xf32>,
          %mul3A_741 = arith.mulf %get3A_740, %broadcast_in_dim3A_735 : vector<16xf32>
          %add3A_742 = arith.constant 1 : i32
          %add3A_743 = arith.addi %add3A_625, %add3A_742 : i32
          %swap3A_744 = arith.index_cast %add3A_743 : i32 to index
          %swap3A_745 = arith.constant 0 : index
          %swap3A_746 = tpu.vector_load %arg10[%swap3A_744, %swap3A_745] {strides = array<i32>} : memref<128x64xf32, #tpu.memory_space<vmem>>, vector<16xf32>,
          tpu.vector_store %arg10[%swap3A_744, %swap3A_745], %mul3A_741 {strides = array<i32>} : memref<128x64xf32, #tpu.memory_space<vmem>>, vector<16xf32>,
          %slice3A_747 = vector.extract_strided_slice %mul3A_676 {offsets = [5], sizes = [1], strides = [1]} : vector<16xf32> to vector<1xf32>
          %squeeze3A_748 = vector.extract %slice3A_747[0] : f32 from vector<1xf32>
          %broadcast_in_dim3A_749 = vector.broadcast %squeeze3A_748 : f32 to vector<16xf32>
          %add3A_750 = arith.constant 1 : i32
          %add3A_751 = arith.addi %add3A_625, %add3A_750 : i32
          %get3A_752 = arith.index_cast %add3A_751 : i32 to index
          %get3A_753 = arith.constant 16 : index
          %get3A_754 = tpu.vector_load %arg10[%get3A_752, %get3A_753] {strides = array<i32>} : memref<128x64xf32, #tpu.memory_space<vmem>>, vector<16xf32>,
          %mul3A_755 = arith.mulf %get3A_754, %broadcast_in_dim3A_749 : vector<16xf32>
          %add3A_756 = arith.constant 1 : i32
          %add3A_757 = arith.addi %add3A_625, %add3A_756 : i32
          %swap3A_758 = arith.index_cast %add3A_757 : i32 to index
          %swap3A_759 = arith.constant 16 : index
          %swap3A_760 = tpu.vector_load %arg10[%swap3A_758, %swap3A_759] {strides = array<i32>} : memref<128x64xf32, #tpu.memory_space<vmem>>, vector<16xf32>,
          tpu.vector_store %arg10[%swap3A_758, %swap3A_759], %mul3A_755 {strides = array<i32>} : memref<128x64xf32, #tpu.memory_space<vmem>>, vector<16xf32>,
          %slice3A_761 = vector.extract_strided_slice %mul3A_676 {offsets = [6], sizes = [1], strides = [1]} : vector<16xf32> to vector<1xf32>
          %squeeze3A_762 = vector.extract %slice3A_761[0] : f32 from vector<1xf32>
          %broadcast_in_dim3A_763 = vector.broadcast %squeeze3A_762 : f32 to vector<16xf32>
          %add3A_764 = arith.constant 1 : i32
          %add3A_765 = arith.addi %add3A_625, %add3A_764 : i32
          %get3A_766 = arith.index_cast %add3A_765 : i32 to index
          %get3A_767 = arith.constant 32 : index
          %get3A_768 = tpu.vector_load %arg10[%get3A_766, %get3A_767] {strides = array<i32>} : memref<128x64xf32, #tpu.memory_space<vmem>>, vector<16xf32>,
          %mul3A_769 = arith.mulf %get3A_768, %broadcast_in_dim3A_763 : vector<16xf32>
          %add3A_770 = arith.constant 1 : i32
          %add3A_771 = arith.addi %add3A_625, %add3A_770 : i32
          %swap3A_772 = arith.index_cast %add3A_771 : i32 to index
          %swap3A_773 = arith.constant 32 : index
          %swap3A_774 = tpu.vector_load %arg10[%swap3A_772, %swap3A_773] {strides = array<i32>} : memref<128x64xf32, #tpu.memory_space<vmem>>, vector<16xf32>,
          tpu.vector_store %arg10[%swap3A_772, %swap3A_773], %mul3A_769 {strides = array<i32>} : memref<128x64xf32, #tpu.memory_space<vmem>>, vector<16xf32>,
          %slice3A_775 = vector.extract_strided_slice %mul3A_676 {offsets = [7], sizes = [1], strides = [1]} : vector<16xf32> to vector<1xf32>
          %squeeze3A_776 = vector.extract %slice3A_775[0] : f32 from vector<1xf32>
          %broadcast_in_dim3A_777 = vector.broadcast %squeeze3A_776 : f32 to vector<16xf32>
          %add3A_778 = arith.constant 1 : i32
          %add3A_779 = arith.addi %add3A_625, %add3A_778 : i32
          %get3A_780 = arith.index_cast %add3A_779 : i32 to index
          %get3A_781 = arith.constant 48 : index
          %get3A_782 = tpu.vector_load %arg10[%get3A_780, %get3A_781] {strides = array<i32>} : memref<128x64xf32, #tpu.memory_space<vmem>>, vector<16xf32>,
          %mul3A_783 = arith.mulf %get3A_782, %broadcast_in_dim3A_777 : vector<16xf32>
          %add3A_784 = arith.constant 1 : i32
          %add3A_785 = arith.addi %add3A_625, %add3A_784 : i32
          %swap3A_786 = arith.index_cast %add3A_785 : i32 to index
          %swap3A_787 = arith.constant 48 : index
          %swap3A_788 = tpu.vector_load %arg10[%swap3A_786, %swap3A_787] {strides = array<i32>} : memref<128x64xf32, #tpu.memory_space<vmem>>, vector<16xf32>,
          tpu.vector_store %arg10[%swap3A_786, %swap3A_787], %mul3A_783 {strides = array<i32>} : memref<128x64xf32, #tpu.memory_space<vmem>>, vector<16xf32>,
          %slice3A_789 = vector.extract_strided_slice %mul3A_676 {offsets = [8], sizes = [1], strides = [1]} : vector<16xf32> to vector<1xf32>
          %squeeze3A_790 = vector.extract %slice3A_789[0] : f32 from vector<1xf32>
          %broadcast_in_dim3A_791 = vector.broadcast %squeeze3A_790 : f32 to vector<16xf32>
          %add3A_792 = arith.constant 2 : i32
          %add3A_793 = arith.addi %add3A_625, %add3A_792 : i32
          %get3A_794 = arith.index_cast %add3A_793 : i32 to index
          %get3A_795 = arith.constant 0 : index
          %get3A_796 = tpu.vector_load %arg10[%get3A_794, %get3A_795] {strides = array<i32>} : memref<128x64xf32, #tpu.memory_space<vmem>>, vector<16xf32>,
          %mul3A_797 = arith.mulf %get3A_796, %broadcast_in_dim3A_791 : vector<16xf32>
          %add3A_798 = arith.constant 2 : i32
          %add3A_799 = arith.addi %add3A_625, %add3A_798 : i32
          %swap3A_800 = arith.index_cast %add3A_799 : i32 to index
          %swap3A_801 = arith.constant 0 : index
          %swap3A_802 = tpu.vector_load %arg10[%swap3A_800, %swap3A_801] {strides = array<i32>} : memref<128x64xf32, #tpu.memory_space<vmem>>, vector<16xf32>,
          tpu.vector_store %arg10[%swap3A_800, %swap3A_801], %mul3A_797 {strides = array<i32>} : memref<128x64xf32, #tpu.memory_space<vmem>>, vector<16xf32>,
          %slice3A_803 = vector.extract_strided_slice %mul3A_676 {offsets = [9], sizes = [1], strides = [1]} : vector<16xf32> to vector<1xf32>
          %squeeze3A_804 = vector.extract %slice3A_803[0] : f32 from vector<1xf32>
          %broadcast_in_dim3A_805 = vector.broadcast %squeeze3A_804 : f32 to vector<16xf32>
          %add3A_806 = arith.constant 2 : i32
          %add3A_807 = arith.addi %add3A_625, %add3A_806 : i32
          %get3A_808 = arith.index_cast %add3A_807 : i32 to index
          %get3A_809 = arith.constant 16 : index
          %get3A_810 = tpu.vector_load %arg10[%get3A_808, %get3A_809] {strides = array<i32>} : memref<128x64xf32, #tpu.memory_space<vmem>>, vector<16xf32>,
          %mul3A_811 = arith.mulf %get3A_810, %broadcast_in_dim3A_805 : vector<16xf32>
          %add3A_812 = arith.constant 2 : i32
          %add3A_813 = arith.addi %add3A_625, %add3A_812 : i32
          %swap3A_814 = arith.index_cast %add3A_813 : i32 to index
          %swap3A_815 = arith.constant 16 : index
          %swap3A_816 = tpu.vector_load %arg10[%swap3A_814, %swap3A_815] {strides = array<i32>} : memref<128x64xf32, #tpu.memory_space<vmem>>, vector<16xf32>,
          tpu.vector_store %arg10[%swap3A_814, %swap3A_815], %mul3A_811 {strides = array<i32>} : memref<128x64xf32, #tpu.memory_space<vmem>>, vector<16xf32>,
          %slice3A_817 = vector.extract_strided_slice %mul3A_676 {offsets = [10], sizes = [1], strides = [1]} : vector<16xf32> to vector<1xf32>
          %squeeze3A_818 = vector.extract %slice3A_817[0] : f32 from vector<1xf32>
          %broadcast_in_dim3A_819 = vector.broadcast %squeeze3A_818 : f32 to vector<16xf32>
          %add3A_820 = arith.constant 2 : i32
          %add3A_821 = arith.addi %add3A_625, %add3A_820 : i32
          %get3A_822 = arith.index_cast %add3A_821 : i32 to index
          %get3A_823 = arith.constant 32 : index
          %get3A_824 = tpu.vector_load %arg10[%get3A_822, %get3A_823] {strides = array<i32>} : memref<128x64xf32, #tpu.memory_space<vmem>>, vector<16xf32>,
          %mul3A_825 = arith.mulf %get3A_824, %broadcast_in_dim3A_819 : vector<16xf32>
          %add3A_826 = arith.constant 2 : i32
          %add3A_827 = arith.addi %add3A_625, %add3A_826 : i32
          %swap3A_828 = arith.index_cast %add3A_827 : i32 to index
          %swap3A_829 = arith.constant 32 : index
          %swap3A_830 = tpu.vector_load %arg10[%swap3A_828, %swap3A_829] {strides = array<i32>} : memref<128x64xf32, #tpu.memory_space<vmem>>, vector<16xf32>,
          tpu.vector_store %arg10[%swap3A_828, %swap3A_829], %mul3A_825 {strides = array<i32>} : memref<128x64xf32, #tpu.memory_space<vmem>>, vector<16xf32>,
          %slice3A_831 = vector.extract_strided_slice %mul3A_676 {offsets = [11], sizes = [1], strides = [1]} : vector<16xf32> to vector<1xf32>
          %squeeze3A_832 = vector.extract %slice3A_831[0] : f32 from vector<1xf32>
          %broadcast_in_dim3A_833 = vector.broadcast %squeeze3A_832 : f32 to vector<16xf32>
          %add3A_834 = arith.constant 2 : i32
          %add3A_835 = arith.addi %add3A_625, %add3A_834 : i32
          %get3A_836 = arith.index_cast %add3A_835 : i32 to index
          %get3A_837 = arith.constant 48 : index
          %get3A_838 = tpu.vector_load %arg10[%get3A_836, %get3A_837] {strides = array<i32>} : memref<128x64xf32, #tpu.memory_space<vmem>>, vector<16xf32>,
          %mul3A_839 = arith.mulf %get3A_838, %broadcast_in_dim3A_833 : vector<16xf32>
          %add3A_840 = arith.constant 2 : i32
          %add3A_841 = arith.addi %add3A_625, %add3A_840 : i32
          %swap3A_842 = arith.index_cast %add3A_841 : i32 to index
          %swap3A_843 = arith.constant 48 : index
          %swap3A_844 = tpu.vector_load %arg10[%swap3A_842, %swap3A_843] {strides = array<i32>} : memref<128x64xf32, #tpu.memory_space<vmem>>, vector<16xf32>,
          tpu.vector_store %arg10[%swap3A_842, %swap3A_843], %mul3A_839 {strides = array<i32>} : memref<128x64xf32, #tpu.memory_space<vmem>>, vector<16xf32>,
          %slice3A_845 = vector.extract_strided_slice %mul3A_676 {offsets = [12], sizes = [1], strides = [1]} : vector<16xf32> to vector<1xf32>
          %squeeze3A_846 = vector.extract %slice3A_845[0] : f32 from vector<1xf32>
          %broadcast_in_dim3A_847 = vector.broadcast %squeeze3A_846 : f32 to vector<16xf32>
          %add3A_848 = arith.constant 3 : i32
          %add3A_849 = arith.addi %add3A_625, %add3A_848 : i32
          %get3A_850 = arith.index_cast %add3A_849 : i32 to index
          %get3A_851 = arith.constant 0 : index
          %get3A_852 = tpu.vector_load %arg10[%get3A_850, %get3A_851] {strides = array<i32>} : memref<128x64xf32, #tpu.memory_space<vmem>>, vector<16xf32>,
          %mul3A_853 = arith.mulf %get3A_852, %broadcast_in_dim3A_847 : vector<16xf32>
          %add3A_854 = arith.constant 3 : i32
          %add3A_855 = arith.addi %add3A_625, %add3A_854 : i32
          %swap3A_856 = arith.index_cast %add3A_855 : i32 to index
          %swap3A_857 = arith.constant 0 : index
          %swap3A_858 = tpu.vector_load %arg10[%swap3A_856, %swap3A_857] {strides = array<i32>} : memref<128x64xf32, #tpu.memory_space<vmem>>, vector<16xf32>,
          tpu.vector_store %arg10[%swap3A_856, %swap3A_857], %mul3A_853 {strides = array<i32>} : memref<128x64xf32, #tpu.memory_space<vmem>>, vector<16xf32>,
          %slice3A_859 = vector.extract_strided_slice %mul3A_676 {offsets = [13], sizes = [1], strides = [1]} : vector<16xf32> to vector<1xf32>
          %squeeze3A_860 = vector.extract %slice3A_859[0] : f32 from vector<1xf32>
          %broadcast_in_dim3A_861 = vector.broadcast %squeeze3A_860 : f32 to vector<16xf32>
          %add3A_862 = arith.constant 3 : i32
          %add3A_863 = arith.addi %add3A_625, %add3A_862 : i32
          %get3A_864 = arith.index_cast %add3A_863 : i32 to index
          %get3A_865 = arith.constant 16 : index
          %get3A_866 = tpu.vector_load %arg10[%get3A_864, %get3A_865] {strides = array<i32>} : memref<128x64xf32, #tpu.memory_space<vmem>>, vector<16xf32>,
          %mul3A_867 = arith.mulf %get3A_866, %broadcast_in_dim3A_861 : vector<16xf32>
          %add3A_868 = arith.constant 3 : i32
          %add3A_869 = arith.addi %add3A_625, %add3A_868 : i32
          %swap3A_870 = arith.index_cast %add3A_869 : i32 to index
          %swap3A_871 = arith.constant 16 : index
          %swap3A_872 = tpu.vector_load %arg10[%swap3A_870, %swap3A_871] {strides = array<i32>} : memref<128x64xf32, #tpu.memory_space<vmem>>, vector<16xf32>,
          tpu.vector_store %arg10[%swap3A_870, %swap3A_871], %mul3A_867 {strides = array<i32>} : memref<128x64xf32, #tpu.memory_space<vmem>>, vector<16xf32>,
          %slice3A_873 = vector.extract_strided_slice %mul3A_676 {offsets = [14], sizes = [1], strides = [1]} : vector<16xf32> to vector<1xf32>
          %squeeze3A_874 = vector.extract %slice3A_873[0] : f32 from vector<1xf32>
          %broadcast_in_dim3A_875 = vector.broadcast %squeeze3A_874 : f32 to vector<16xf32>
          %add3A_876 = arith.constant 3 : i32
          %add3A_877 = arith.addi %add3A_625, %add3A_876 : i32
          %get3A_878 = arith.index_cast %add3A_877 : i32 to index
          %get3A_879 = arith.constant 32 : index
          %get3A_880 = tpu.vector_load %arg10[%get3A_878, %get3A_879] {strides = array<i32>} : memref<128x64xf32, #tpu.memory_space<vmem>>, vector<16xf32>,
          %mul3A_881 = arith.mulf %get3A_880, %broadcast_in_dim3A_875 : vector<16xf32>
          %add3A_882 = arith.constant 3 : i32
          %add3A_883 = arith.addi %add3A_625, %add3A_882 : i32
          %swap3A_884 = arith.index_cast %add3A_883 : i32 to index
          %swap3A_885 = arith.constant 32 : index
          %swap3A_886 = tpu.vector_load %arg10[%swap3A_884, %swap3A_885] {strides = array<i32>} : memref<128x64xf32, #tpu.memory_space<vmem>>, vector<16xf32>,
          tpu.vector_store %arg10[%swap3A_884, %swap3A_885], %mul3A_881 {strides = array<i32>} : memref<128x64xf32, #tpu.memory_space<vmem>>, vector<16xf32>,
          %slice3A_887 = vector.extract_strided_slice %mul3A_676 {offsets = [15], sizes = [1], strides = [1]} : vector<16xf32> to vector<1xf32>
          %squeeze3A_888 = vector.extract %slice3A_887[0] : f32 from vector<1xf32>
          %broadcast_in_dim3A_889 = vector.broadcast %squeeze3A_888 : f32 to vector<16xf32>
          %add3A_890 = arith.constant 3 : i32
          %add3A_891 = arith.addi %add3A_625, %add3A_890 : i32
          %get3A_892 = arith.index_cast %add3A_891 : i32 to index
          %get3A_893 = arith.constant 48 : index
          %get3A_894 = tpu.vector_load %arg10[%get3A_892, %get3A_893] {strides = array<i32>} : memref<128x64xf32, #tpu.memory_space<vmem>>, vector<16xf32>,
          %mul3A_895 = arith.mulf %get3A_894, %broadcast_in_dim3A_889 : vector<16xf32>
          %add3A_896 = arith.constant 3 : i32
          %add3A_897 = arith.addi %add3A_625, %add3A_896 : i32
          %swap3A_898 = arith.index_cast %add3A_897 : i32 to index
          %swap3A_899 = arith.constant 48 : index
          %swap3A_900 = tpu.vector_load %arg10[%swap3A_898, %swap3A_899] {strides = array<i32>} : memref<128x64xf32, #tpu.memory_space<vmem>>, vector<16xf32>,
          tpu.vector_store %arg10[%swap3A_898, %swap3A_899], %mul3A_895 {strides = array<i32>} : memref<128x64xf32, #tpu.memory_space<vmem>>, vector<16xf32>,
          %mul3A_901 = arith.constant 16 : i32
          %mul3A_902 = arith.muli %scan3A_65, %mul3A_901 : i32
          %add3A_903 = arith.constant 12 : i32
          %add3A_904 = arith.addi %mul3A_902, %add3A_903 : i32
          %broadcast_in_dim3A_905 = arith.constant 0 : i32
          %broadcast_in_dim3A_906 = vector.broadcast %broadcast_in_dim3A_905 : i32 to vector<16xi32>
          %ge3A_907 = arith.constant 0 : i32
          %ge3A_908 = vector.broadcast %ge3A_907 : i32 to vector<16xi32>
          %ge3A_909 = arith.cmpi sge, %iota3A, %ge3A_908 : vector<16xi32>
          %lt3A_910 = arith.constant 4 : i32
          %lt3A_911 = vector.broadcast %lt3A_910 : i32 to vector<16xi32>
          %lt3A_912 = arith.cmpi slt, %iota3A, %lt3A_911 : vector<16xi32>
          %and3A_913 = arith.andi %ge3A_909, %lt3A_912 : vector<16xi1>
          %slice3A_914 = vector.extract_strided_slice %get3A_70 {offsets = [12], sizes = [1], strides = [1]} : vector<16xi32> to vector<1xi32>
          %squeeze3A_915 = vector.extract %slice3A_914[0] : i32 from vector<1xi32>
          %broadcast_in_dim3A_916 = vector.broadcast %squeeze3A_915 : i32 to vector<16xi32>
          %select_n3A_917 = arith.select %and3A_913, %broadcast_in_dim3A_916, %broadcast_in_dim3A_906 : vector<16xi1>, vector<16xi32>
          %ge3A_918 = arith.constant 4 : i32
          %ge3A_919 = vector.broadcast %ge3A_918 : i32 to vector<16xi32>
          %ge3A_920 = arith.cmpi sge, %iota3A, %ge3A_919 : vector<16xi32>
          %lt3A_921 = arith.constant 8 : i32
          %lt3A_922 = vector.broadcast %lt3A_921 : i32 to vector<16xi32>
          %lt3A_923 = arith.cmpi slt, %iota3A, %lt3A_922 : vector<16xi32>
          %and3A_924 = arith.andi %ge3A_920, %lt3A_923 : vector<16xi1>
          %slice3A_925 = vector.extract_strided_slice %get3A_70 {offsets = [13], sizes = [1], strides = [1]} : vector<16xi32> to vector<1xi32>
          %squeeze3A_926 = vector.extract %slice3A_925[0] : i32 from vector<1xi32>
          %broadcast_in_dim3A_927 = vector.broadcast %squeeze3A_926 : i32 to vector<16xi32>
          %select_n3A_928 = arith.select %and3A_924, %broadcast_in_dim3A_927, %select_n3A_917 : vector<16xi1>, vector<16xi32>
          %ge3A_929 = arith.constant 8 : i32
          %ge3A_930 = vector.broadcast %ge3A_929 : i32 to vector<16xi32>
          %ge3A_931 = arith.cmpi sge, %iota3A, %ge3A_930 : vector<16xi32>
          %lt3A_932 = arith.constant 12 : i32
          %lt3A_933 = vector.broadcast %lt3A_932 : i32 to vector<16xi32>
          %lt3A_934 = arith.cmpi slt, %iota3A, %lt3A_933 : vector<16xi32>
          %and3A_935 = arith.andi %ge3A_931, %lt3A_934 : vector<16xi1>
          %slice3A_936 = vector.extract_strided_slice %get3A_70 {offsets = [14], sizes = [1], strides = [1]} : vector<16xi32> to vector<1xi32>
          %squeeze3A_937 = vector.extract %slice3A_936[0] : i32 from vector<1xi32>
          %broadcast_in_dim3A_938 = vector.broadcast %squeeze3A_937 : i32 to vector<16xi32>
          %select_n3A_939 = arith.select %and3A_935, %broadcast_in_dim3A_938, %select_n3A_928 : vector<16xi1>, vector<16xi32>
          %ge3A_940 = arith.constant 12 : i32
          %ge3A_941 = vector.broadcast %ge3A_940 : i32 to vector<16xi32>
          %ge3A_942 = arith.cmpi sge, %iota3A, %ge3A_941 : vector<16xi32>
          %lt3A_943 = arith.constant 16 : i32
          %lt3A_944 = vector.broadcast %lt3A_943 : i32 to vector<16xi32>
          %lt3A_945 = arith.cmpi slt, %iota3A, %lt3A_944 : vector<16xi32>
          %and3A_946 = arith.andi %ge3A_942, %lt3A_945 : vector<16xi1>
          %slice3A_947 = vector.extract_strided_slice %get3A_70 {offsets = [15], sizes = [1], strides = [1]} : vector<16xi32> to vector<1xi32>
          %squeeze3A_948 = vector.extract %slice3A_947[0] : i32 from vector<1xi32>
          %broadcast_in_dim3A_949 = vector.broadcast %squeeze3A_948 : i32 to vector<16xi32>
          %select_n3A_950 = arith.select %and3A_946, %broadcast_in_dim3A_949, %select_n3A_939 : vector<16xi1>, vector<16xi32>
          %broadcast_in_dim3A_951 = vector.broadcast %add3A_904 : i32 to vector<16xi32>
          %add3A_952 = arith.addi %broadcast_in_dim3A_951, %shift_right_arithmetic3A_3 : vector<16xi32>
          %gather3A_953 = tpu.vector_load_idx %arg12[%add3A_952, %and3A_5] : memref<128x4xf32, #tpu.memory_space<vmem>>[vector<16xi32>, vector<16xi32>], vector<16xf32>,
          %gather3A_954 = tpu.vector_load_idx %arg14[%select_n3A_950, %and3A_5] : memref<10000x4xf32, #tpu.memory_space<vmem>>[vector<16xi32>, vector<16xi32>], vector<16xf32>,
          %mul3A_955 = arith.mulf %gather3A_953, %gather3A_954 : vector<16xf32>
          %slice3A_956 = vector.extract_strided_slice %mul3A_955 {offsets = [0], sizes = [1], strides = [1]} : vector<16xf32> to vector<1xf32>
          %squeeze3A_957 = vector.extract %slice3A_956[0] : f32 from vector<1xf32>
          %broadcast_in_dim3A_958 = vector.broadcast %squeeze3A_957 : f32 to vector<16xf32>
          %add3A_959 = arith.constant 0 : i32
          %add3A_960 = arith.addi %add3A_904, %add3A_959 : i32
          %get3A_961 = arith.index_cast %add3A_960 : i32 to index
          %get3A_962 = arith.constant 0 : index
          %get3A_963 = tpu.vector_load %arg10[%get3A_961, %get3A_962] {strides = array<i32>} : memref<128x64xf32, #tpu.memory_space<vmem>>, vector<16xf32>,
          %mul3A_964 = arith.mulf %get3A_963, %broadcast_in_dim3A_958 : vector<16xf32>
          %add3A_965 = arith.constant 0 : i32
          %add3A_966 = arith.addi %add3A_904, %add3A_965 : i32
          %swap3A_967 = arith.index_cast %add3A_966 : i32 to index
          %swap3A_968 = arith.constant 0 : index
          %swap3A_969 = tpu.vector_load %arg10[%swap3A_967, %swap3A_968] {strides = array<i32>} : memref<128x64xf32, #tpu.memory_space<vmem>>, vector<16xf32>,
          tpu.vector_store %arg10[%swap3A_967, %swap3A_968], %mul3A_964 {strides = array<i32>} : memref<128x64xf32, #tpu.memory_space<vmem>>, vector<16xf32>,
          %slice3A_970 = vector.extract_strided_slice %mul3A_955 {offsets = [1], sizes = [1], strides = [1]} : vector<16xf32> to vector<1xf32>
          %squeeze3A_971 = vector.extract %slice3A_970[0] : f32 from vector<1xf32>
          %broadcast_in_dim3A_972 = vector.broadcast %squeeze3A_971 : f32 to vector<16xf32>
          %add3A_973 = arith.constant 0 : i32
          %add3A_974 = arith.addi %add3A_904, %add3A_973 : i32
          %get3A_975 = arith.index_cast %add3A_974 : i32 to index
          %get3A_976 = arith.constant 16 : index
          %get3A_977 = tpu.vector_load %arg10[%get3A_975, %get3A_976] {strides = array<i32>} : memref<128x64xf32, #tpu.memory_space<vmem>>, vector<16xf32>,
          %mul3A_978 = arith.mulf %get3A_977, %broadcast_in_dim3A_972 : vector<16xf32>
          %add3A_979 = arith.constant 0 : i32
          %add3A_980 = arith.addi %add3A_904, %add3A_979 : i32
          %swap3A_981 = arith.index_cast %add3A_980 : i32 to index
          %swap3A_982 = arith.constant 16 : index
          %swap3A_983 = tpu.vector_load %arg10[%swap3A_981, %swap3A_982] {strides = array<i32>} : memref<128x64xf32, #tpu.memory_space<vmem>>, vector<16xf32>,
          tpu.vector_store %arg10[%swap3A_981, %swap3A_982], %mul3A_978 {strides = array<i32>} : memref<128x64xf32, #tpu.memory_space<vmem>>, vector<16xf32>,
          %slice3A_984 = vector.extract_strided_slice %mul3A_955 {offsets = [2], sizes = [1], strides = [1]} : vector<16xf32> to vector<1xf32>
          %squeeze3A_985 = vector.extract %slice3A_984[0] : f32 from vector<1xf32>
          %broadcast_in_dim3A_986 = vector.broadcast %squeeze3A_985 : f32 to vector<16xf32>
          %add3A_987 = arith.constant 0 : i32
          %add3A_988 = arith.addi %add3A_904, %add3A_987 : i32
          %get3A_989 = arith.index_cast %add3A_988 : i32 to index
          %get3A_990 = arith.constant 32 : index
          %get3A_991 = tpu.vector_load %arg10[%get3A_989, %get3A_990] {strides = array<i32>} : memref<128x64xf32, #tpu.memory_space<vmem>>, vector<16xf32>,
          %mul3A_992 = arith.mulf %get3A_991, %broadcast_in_dim3A_986 : vector<16xf32>
          %add3A_993 = arith.constant 0 : i32
          %add3A_994 = arith.addi %add3A_904, %add3A_993 : i32
          %swap3A_995 = arith.index_cast %add3A_994 : i32 to index
          %swap3A_996 = arith.constant 32 : index
          %swap3A_997 = tpu.vector_load %arg10[%swap3A_995, %swap3A_996] {strides = array<i32>} : memref<128x64xf32, #tpu.memory_space<vmem>>, vector<16xf32>,
          tpu.vector_store %arg10[%swap3A_995, %swap3A_996], %mul3A_992 {strides = array<i32>} : memref<128x64xf32, #tpu.memory_space<vmem>>, vector<16xf32>,
          %slice3A_998 = vector.extract_strided_slice %mul3A_955 {offsets = [3], sizes = [1], strides = [1]} : vector<16xf32> to vector<1xf32>
          %squeeze3A_999 = vector.extract %slice3A_998[0] : f32 from vector<1xf32>
          %broadcast_in_dim3A_1000 = vector.broadcast %squeeze3A_999 : f32 to vector<16xf32>
          %add3A_1001 = arith.constant 0 : i32
          %add3A_1002 = arith.addi %add3A_904, %add3A_1001 : i32
          %get3A_1003 = arith.index_cast %add3A_1002 : i32 to index
          %get3A_1004 = arith.constant 48 : index
          %get3A_1005 = tpu.vector_load %arg10[%get3A_1003, %get3A_1004] {strides = array<i32>} : memref<128x64xf32, #tpu.memory_space<vmem>>, vector<16xf32>,
          %mul3A_1006 = arith.mulf %get3A_1005, %broadcast_in_dim3A_1000 : vector<16xf32>
          %add3A_1007 = arith.constant 0 : i32
          %add3A_1008 = arith.addi %add3A_904, %add3A_1007 : i32
          %swap3A_1009 = arith.index_cast %add3A_1008 : i32 to index
          %swap3A_1010 = arith.constant 48 : index
          %swap3A_1011 = tpu.vector_load %arg10[%swap3A_1009, %swap3A_1010] {strides = array<i32>} : memref<128x64xf32, #tpu.memory_space<vmem>>, vector<16xf32>,
          tpu.vector_store %arg10[%swap3A_1009, %swap3A_1010], %mul3A_1006 {strides = array<i32>} : memref<128x64xf32, #tpu.memory_space<vmem>>, vector<16xf32>,
          %slice3A_1012 = vector.extract_strided_slice %mul3A_955 {offsets = [4], sizes = [1], strides = [1]} : vector<16xf32> to vector<1xf32>
          %squeeze3A_1013 = vector.extract %slice3A_1012[0] : f32 from vector<1xf32>
          %broadcast_in_dim3A_1014 = vector.broadcast %squeeze3A_1013 : f32 to vector<16xf32>
          %add3A_1015 = arith.constant 1 : i32
          %add3A_1016 = arith.addi %add3A_904, %add3A_1015 : i32
          %get3A_1017 = arith.index_cast %add3A_1016 : i32 to index
          %get3A_1018 = arith.constant 0 : index
          %get3A_1019 = tpu.vector_load %arg10[%get3A_1017, %get3A_1018] {strides = array<i32>} : memref<128x64xf32, #tpu.memory_space<vmem>>, vector<16xf32>,
          %mul3A_1020 = arith.mulf %get3A_1019, %broadcast_in_dim3A_1014 : vector<16xf32>
          %add3A_1021 = arith.constant 1 : i32
          %add3A_1022 = arith.addi %add3A_904, %add3A_1021 : i32
          %swap3A_1023 = arith.index_cast %add3A_1022 : i32 to index
          %swap3A_1024 = arith.constant 0 : index
          %swap3A_1025 = tpu.vector_load %arg10[%swap3A_1023, %swap3A_1024] {strides = array<i32>} : memref<128x64xf32, #tpu.memory_space<vmem>>, vector<16xf32>,
          tpu.vector_store %arg10[%swap3A_1023, %swap3A_1024], %mul3A_1020 {strides = array<i32>} : memref<128x64xf32, #tpu.memory_space<vmem>>, vector<16xf32>,
          %slice3A_1026 = vector.extract_strided_slice %mul3A_955 {offsets = [5], sizes = [1], strides = [1]} : vector<16xf32> to vector<1xf32>
          %squeeze3A_1027 = vector.extract %slice3A_1026[0] : f32 from vector<1xf32>
          %broadcast_in_dim3A_1028 = vector.broadcast %squeeze3A_1027 : f32 to vector<16xf32>
          %add3A_1029 = arith.constant 1 : i32
          %add3A_1030 = arith.addi %add3A_904, %add3A_1029 : i32
          %get3A_1031 = arith.index_cast %add3A_1030 : i32 to index
          %get3A_1032 = arith.constant 16 : index
          %get3A_1033 = tpu.vector_load %arg10[%get3A_1031, %get3A_1032] {strides = array<i32>} : memref<128x64xf32, #tpu.memory_space<vmem>>, vector<16xf32>,
          %mul3A_1034 = arith.mulf %get3A_1033, %broadcast_in_dim3A_1028 : vector<16xf32>
          %add3A_1035 = arith.constant 1 : i32
          %add3A_1036 = arith.addi %add3A_904, %add3A_1035 : i32
          %swap3A_1037 = arith.index_cast %add3A_1036 : i32 to index
          %swap3A_1038 = arith.constant 16 : index
          %swap3A_1039 = tpu.vector_load %arg10[%swap3A_1037, %swap3A_1038] {strides = array<i32>} : memref<128x64xf32, #tpu.memory_space<vmem>>, vector<16xf32>,
          tpu.vector_store %arg10[%swap3A_1037, %swap3A_1038], %mul3A_1034 {strides = array<i32>} : memref<128x64xf32, #tpu.memory_space<vmem>>, vector<16xf32>,
          %slice3A_1040 = vector.extract_strided_slice %mul3A_955 {offsets = [6], sizes = [1], strides = [1]} : vector<16xf32> to vector<1xf32>
          %squeeze3A_1041 = vector.extract %slice3A_1040[0] : f32 from vector<1xf32>
          %broadcast_in_dim3A_1042 = vector.broadcast %squeeze3A_1041 : f32 to vector<16xf32>
          %add3A_1043 = arith.constant 1 : i32
          %add3A_1044 = arith.addi %add3A_904, %add3A_1043 : i32
          %get3A_1045 = arith.index_cast %add3A_1044 : i32 to index
          %get3A_1046 = arith.constant 32 : index
          %get3A_1047 = tpu.vector_load %arg10[%get3A_1045, %get3A_1046] {strides = array<i32>} : memref<128x64xf32, #tpu.memory_space<vmem>>, vector<16xf32>,
          %mul3A_1048 = arith.mulf %get3A_1047, %broadcast_in_dim3A_1042 : vector<16xf32>
          %add3A_1049 = arith.constant 1 : i32
          %add3A_1050 = arith.addi %add3A_904, %add3A_1049 : i32
          %swap3A_1051 = arith.index_cast %add3A_1050 : i32 to index
          %swap3A_1052 = arith.constant 32 : index
          %swap3A_1053 = tpu.vector_load %arg10[%swap3A_1051, %swap3A_1052] {strides = array<i32>} : memref<128x64xf32, #tpu.memory_space<vmem>>, vector<16xf32>,
          tpu.vector_store %arg10[%swap3A_1051, %swap3A_1052], %mul3A_1048 {strides = array<i32>} : memref<128x64xf32, #tpu.memory_space<vmem>>, vector<16xf32>,
          %slice3A_1054 = vector.extract_strided_slice %mul3A_955 {offsets = [7], sizes = [1], strides = [1]} : vector<16xf32> to vector<1xf32>
          %squeeze3A_1055 = vector.extract %slice3A_1054[0] : f32 from vector<1xf32>
          %broadcast_in_dim3A_1056 = vector.broadcast %squeeze3A_1055 : f32 to vector<16xf32>
          %add3A_1057 = arith.constant 1 : i32
          %add3A_1058 = arith.addi %add3A_904, %add3A_1057 : i32
          %get3A_1059 = arith.index_cast %add3A_1058 : i32 to index
          %get3A_1060 = arith.constant 48 : index
          %get3A_1061 = tpu.vector_load %arg10[%get3A_1059, %get3A_1060] {strides = array<i32>} : memref<128x64xf32, #tpu.memory_space<vmem>>, vector<16xf32>,
          %mul3A_1062 = arith.mulf %get3A_1061, %broadcast_in_dim3A_1056 : vector<16xf32>
          %add3A_1063 = arith.constant 1 : i32
          %add3A_1064 = arith.addi %add3A_904, %add3A_1063 : i32
          %swap3A_1065 = arith.index_cast %add3A_1064 : i32 to index
          %swap3A_1066 = arith.constant 48 : index
          %swap3A_1067 = tpu.vector_load %arg10[%swap3A_1065, %swap3A_1066] {strides = array<i32>} : memref<128x64xf32, #tpu.memory_space<vmem>>, vector<16xf32>,
          tpu.vector_store %arg10[%swap3A_1065, %swap3A_1066], %mul3A_1062 {strides = array<i32>} : memref<128x64xf32, #tpu.memory_space<vmem>>, vector<16xf32>,
          %slice3A_1068 = vector.extract_strided_slice %mul3A_955 {offsets = [8], sizes = [1], strides = [1]} : vector<16xf32> to vector<1xf32>
          %squeeze3A_1069 = vector.extract %slice3A_1068[0] : f32 from vector<1xf32>
          %broadcast_in_dim3A_1070 = vector.broadcast %squeeze3A_1069 : f32 to vector<16xf32>
          %add3A_1071 = arith.constant 2 : i32
          %add3A_1072 = arith.addi %add3A_904, %add3A_1071 : i32
          %get3A_1073 = arith.index_cast %add3A_1072 : i32 to index
          %get3A_1074 = arith.constant 0 : index
          %get3A_1075 = tpu.vector_load %arg10[%get3A_1073, %get3A_1074] {strides = array<i32>} : memref<128x64xf32, #tpu.memory_space<vmem>>, vector<16xf32>,
          %mul3A_1076 = arith.mulf %get3A_1075, %broadcast_in_dim3A_1070 : vector<16xf32>
          %add3A_1077 = arith.constant 2 : i32
          %add3A_1078 = arith.addi %add3A_904, %add3A_1077 : i32
          %swap3A_1079 = arith.index_cast %add3A_1078 : i32 to index
          %swap3A_1080 = arith.constant 0 : index
          %swap3A_1081 = tpu.vector_load %arg10[%swap3A_1079, %swap3A_1080] {strides = array<i32>} : memref<128x64xf32, #tpu.memory_space<vmem>>, vector<16xf32>,
          tpu.vector_store %arg10[%swap3A_1079, %swap3A_1080], %mul3A_1076 {strides = array<i32>} : memref<128x64xf32, #tpu.memory_space<vmem>>, vector<16xf32>,
          %slice3A_1082 = vector.extract_strided_slice %mul3A_955 {offsets = [9], sizes = [1], strides = [1]} : vector<16xf32> to vector<1xf32>
          %squeeze3A_1083 = vector.extract %slice3A_1082[0] : f32 from vector<1xf32>
          %broadcast_in_dim3A_1084 = vector.broadcast %squeeze3A_1083 : f32 to vector<16xf32>
          %add3A_1085 = arith.constant 2 : i32
          %add3A_1086 = arith.addi %add3A_904, %add3A_1085 : i32
          %get3A_1087 = arith.index_cast %add3A_1086 : i32 to index
          %get3A_1088 = arith.constant 16 : index
          %get3A_1089 = tpu.vector_load %arg10[%get3A_1087, %get3A_1088] {strides = array<i32>} : memref<128x64xf32, #tpu.memory_space<vmem>>, vector<16xf32>,
          %mul3A_1090 = arith.mulf %get3A_1089, %broadcast_in_dim3A_1084 : vector<16xf32>
          %add3A_1091 = arith.constant 2 : i32
          %add3A_1092 = arith.addi %add3A_904, %add3A_1091 : i32
          %swap3A_1093 = arith.index_cast %add3A_1092 : i32 to index
          %swap3A_1094 = arith.constant 16 : index
          %swap3A_1095 = tpu.vector_load %arg10[%swap3A_1093, %swap3A_1094] {strides = array<i32>} : memref<128x64xf32, #tpu.memory_space<vmem>>, vector<16xf32>,
          tpu.vector_store %arg10[%swap3A_1093, %swap3A_1094], %mul3A_1090 {strides = array<i32>} : memref<128x64xf32, #tpu.memory_space<vmem>>, vector<16xf32>,
          %slice3A_1096 = vector.extract_strided_slice %mul3A_955 {offsets = [10], sizes = [1], strides = [1]} : vector<16xf32> to vector<1xf32>
          %squeeze3A_1097 = vector.extract %slice3A_1096[0] : f32 from vector<1xf32>
          %broadcast_in_dim3A_1098 = vector.broadcast %squeeze3A_1097 : f32 to vector<16xf32>
          %add3A_1099 = arith.constant 2 : i32
          %add3A_1100 = arith.addi %add3A_904, %add3A_1099 : i32
          %get3A_1101 = arith.index_cast %add3A_1100 : i32 to index
          %get3A_1102 = arith.constant 32 : index
          %get3A_1103 = tpu.vector_load %arg10[%get3A_1101, %get3A_1102] {strides = array<i32>} : memref<128x64xf32, #tpu.memory_space<vmem>>, vector<16xf32>,
          %mul3A_1104 = arith.mulf %get3A_1103, %broadcast_in_dim3A_1098 : vector<16xf32>
          %add3A_1105 = arith.constant 2 : i32
          %add3A_1106 = arith.addi %add3A_904, %add3A_1105 : i32
          %swap3A_1107 = arith.index_cast %add3A_1106 : i32 to index
          %swap3A_1108 = arith.constant 32 : index
          %swap3A_1109 = tpu.vector_load %arg10[%swap3A_1107, %swap3A_1108] {strides = array<i32>} : memref<128x64xf32, #tpu.memory_space<vmem>>, vector<16xf32>,
          tpu.vector_store %arg10[%swap3A_1107, %swap3A_1108], %mul3A_1104 {strides = array<i32>} : memref<128x64xf32, #tpu.memory_space<vmem>>, vector<16xf32>,
          %slice3A_1110 = vector.extract_strided_slice %mul3A_955 {offsets = [11], sizes = [1], strides = [1]} : vector<16xf32> to vector<1xf32>
          %squeeze3A_1111 = vector.extract %slice3A_1110[0] : f32 from vector<1xf32>
          %broadcast_in_dim3A_1112 = vector.broadcast %squeeze3A_1111 : f32 to vector<16xf32>
          %add3A_1113 = arith.constant 2 : i32
          %add3A_1114 = arith.addi %add3A_904, %add3A_1113 : i32
          %get3A_1115 = arith.index_cast %add3A_1114 : i32 to index
          %get3A_1116 = arith.constant 48 : index
          %get3A_1117 = tpu.vector_load %arg10[%get3A_1115, %get3A_1116] {strides = array<i32>} : memref<128x64xf32, #tpu.memory_space<vmem>>, vector<16xf32>,
          %mul3A_1118 = arith.mulf %get3A_1117, %broadcast_in_dim3A_1112 : vector<16xf32>
          %add3A_1119 = arith.constant 2 : i32
          %add3A_1120 = arith.addi %add3A_904, %add3A_1119 : i32
          %swap3A_1121 = arith.index_cast %add3A_1120 : i32 to index
          %swap3A_1122 = arith.constant 48 : index
          %swap3A_1123 = tpu.vector_load %arg10[%swap3A_1121, %swap3A_1122] {strides = array<i32>} : memref<128x64xf32, #tpu.memory_space<vmem>>, vector<16xf32>,
          tpu.vector_store %arg10[%swap3A_1121, %swap3A_1122], %mul3A_1118 {strides = array<i32>} : memref<128x64xf32, #tpu.memory_space<vmem>>, vector<16xf32>,
          %slice3A_1124 = vector.extract_strided_slice %mul3A_955 {offsets = [12], sizes = [1], strides = [1]} : vector<16xf32> to vector<1xf32>
          %squeeze3A_1125 = vector.extract %slice3A_1124[0] : f32 from vector<1xf32>
          %broadcast_in_dim3A_1126 = vector.broadcast %squeeze3A_1125 : f32 to vector<16xf32>
          %add3A_1127 = arith.constant 3 : i32
          %add3A_1128 = arith.addi %add3A_904, %add3A_1127 : i32
          %get3A_1129 = arith.index_cast %add3A_1128 : i32 to index
          %get3A_1130 = arith.constant 0 : index
          %get3A_1131 = tpu.vector_load %arg10[%get3A_1129, %get3A_1130] {strides = array<i32>} : memref<128x64xf32, #tpu.memory_space<vmem>>, vector<16xf32>,
          %mul3A_1132 = arith.mulf %get3A_1131, %broadcast_in_dim3A_1126 : vector<16xf32>
          %add3A_1133 = arith.constant 3 : i32
          %add3A_1134 = arith.addi %add3A_904, %add3A_1133 : i32
          %swap3A_1135 = arith.index_cast %add3A_1134 : i32 to index
          %swap3A_1136 = arith.constant 0 : index
          %swap3A_1137 = tpu.vector_load %arg10[%swap3A_1135, %swap3A_1136] {strides = array<i32>} : memref<128x64xf32, #tpu.memory_space<vmem>>, vector<16xf32>,
          tpu.vector_store %arg10[%swap3A_1135, %swap3A_1136], %mul3A_1132 {strides = array<i32>} : memref<128x64xf32, #tpu.memory_space<vmem>>, vector<16xf32>,
          %slice3A_1138 = vector.extract_strided_slice %mul3A_955 {offsets = [13], sizes = [1], strides = [1]} : vector<16xf32> to vector<1xf32>
          %squeeze3A_1139 = vector.extract %slice3A_1138[0] : f32 from vector<1xf32>
          %broadcast_in_dim3A_1140 = vector.broadcast %squeeze3A_1139 : f32 to vector<16xf32>
          %add3A_1141 = arith.constant 3 : i32
          %add3A_1142 = arith.addi %add3A_904, %add3A_1141 : i32
          %get3A_1143 = arith.index_cast %add3A_1142 : i32 to index
          %get3A_1144 = arith.constant 16 : index
          %get3A_1145 = tpu.vector_load %arg10[%get3A_1143, %get3A_1144] {strides = array<i32>} : memref<128x64xf32, #tpu.memory_space<vmem>>, vector<16xf32>,
          %mul3A_1146 = arith.mulf %get3A_1145, %broadcast_in_dim3A_1140 : vector<16xf32>
          %add3A_1147 = arith.constant 3 : i32
          %add3A_1148 = arith.addi %add3A_904, %add3A_1147 : i32
          %swap3A_1149 = arith.index_cast %add3A_1148 : i32 to index
          %swap3A_1150 = arith.constant 16 : index
          %swap3A_1151 = tpu.vector_load %arg10[%swap3A_1149, %swap3A_1150] {strides = array<i32>} : memref<128x64xf32, #tpu.memory_space<vmem>>, vector<16xf32>,
          tpu.vector_store %arg10[%swap3A_1149, %swap3A_1150], %mul3A_1146 {strides = array<i32>} : memref<128x64xf32, #tpu.memory_space<vmem>>, vector<16xf32>,
          %slice3A_1152 = vector.extract_strided_slice %mul3A_955 {offsets = [14], sizes = [1], strides = [1]} : vector<16xf32> to vector<1xf32>
          %squeeze3A_1153 = vector.extract %slice3A_1152[0] : f32 from vector<1xf32>
          %broadcast_in_dim3A_1154 = vector.broadcast %squeeze3A_1153 : f32 to vector<16xf32>
          %add3A_1155 = arith.constant 3 : i32
          %add3A_1156 = arith.addi %add3A_904, %add3A_1155 : i32
          %get3A_1157 = arith.index_cast %add3A_1156 : i32 to index
          %get3A_1158 = arith.constant 32 : index
          %get3A_1159 = tpu.vector_load %arg10[%get3A_1157, %get3A_1158] {strides = array<i32>} : memref<128x64xf32, #tpu.memory_space<vmem>>, vector<16xf32>,
          %mul3A_1160 = arith.mulf %get3A_1159, %broadcast_in_dim3A_1154 : vector<16xf32>
          %add3A_1161 = arith.constant 3 : i32
          %add3A_1162 = arith.addi %add3A_904, %add3A_1161 : i32
          %swap3A_1163 = arith.index_cast %add3A_1162 : i32 to index
          %swap3A_1164 = arith.constant 32 : index
          %swap3A_1165 = tpu.vector_load %arg10[%swap3A_1163, %swap3A_1164] {strides = array<i32>} : memref<128x64xf32, #tpu.memory_space<vmem>>, vector<16xf32>,
          tpu.vector_store %arg10[%swap3A_1163, %swap3A_1164], %mul3A_1160 {strides = array<i32>} : memref<128x64xf32, #tpu.memory_space<vmem>>, vector<16xf32>,
          %slice3A_1166 = vector.extract_strided_slice %mul3A_955 {offsets = [15], sizes = [1], strides = [1]} : vector<16xf32> to vector<1xf32>
          %squeeze3A_1167 = vector.extract %slice3A_1166[0] : f32 from vector<1xf32>
          %broadcast_in_dim3A_1168 = vector.broadcast %squeeze3A_1167 : f32 to vector<16xf32>
          %add3A_1169 = arith.constant 3 : i32
          %add3A_1170 = arith.addi %add3A_904, %add3A_1169 : i32
          %get3A_1171 = arith.index_cast %add3A_1170 : i32 to index
          %get3A_1172 = arith.constant 48 : index
          %get3A_1173 = tpu.vector_load %arg10[%get3A_1171, %get3A_1172] {strides = array<i32>} : memref<128x64xf32, #tpu.memory_space<vmem>>, vector<16xf32>,
          %mul3A_1174 = arith.mulf %get3A_1173, %broadcast_in_dim3A_1168 : vector<16xf32>
          %add3A_1175 = arith.constant 3 : i32
          %add3A_1176 = arith.addi %add3A_904, %add3A_1175 : i32
          %swap3A_1177 = arith.index_cast %add3A_1176 : i32 to index
          %swap3A_1178 = arith.constant 48 : index
          %swap3A_1179 = tpu.vector_load %arg10[%swap3A_1177, %swap3A_1178] {strides = array<i32>} : memref<128x64xf32, #tpu.memory_space<vmem>>, vector<16xf32>,
          tpu.vector_store %arg10[%swap3A_1177, %swap3A_1178], %mul3A_1174 {strides = array<i32>} : memref<128x64xf32, #tpu.memory_space<vmem>>, vector<16xf32>,
        }
        %scan3A_64 = arith.constant 8 : i32
        %run_scoped3A = arith.constant 1 : i32
        "tpu.region"() ({
          %run_scoped3A_65 = tpu.sem_alloc : memref<!tpu.dma_semaphore, #tpu.memory_space<semaphore_mem>>
          %dma_start3A_66 = arith.constant 0 : i32
          %dma_start3A_67 = tpu.memref_slice %arg8[%run_scoped3A, %dma_start3A_66] : memref<2x128xi32, #tpu.memory_space<vmem>> -> memref<1x128xi32, #tpu.memory_space<vmem>>
          %dma_start3A_68 = tpu.memref_squeeze %dma_start3A_67 : memref<1x128xi32, #tpu.memory_space<vmem>> -> memref<128xi32, #tpu.memory_space<vmem>>
          %dma_start3A_69 = arith.constant 0 : i32
          %dma_start3A_70 = arith.constant 0 : i32
          %dma_start3A_71 = tpu.memref_slice %arg15[%dma_start3A_69, %dma_start3A_70] : memref<10000x64xf32, #tpu.memory_space<vmem_shared>> -> memref<10000x64xf32, #tpu.memory_space<vmem_shared>>
          tpu.enqueue_indirect_dma source(%arg10 : memref<128x64xf32, #tpu.memory_space<vmem>>) target(%dma_start3A_71 : memref<10000x64xf32, #tpu.memory_space<vmem_shared>>) offsets(%dma_start3A_68 : memref<128xi32, #tpu.memory_space<vmem>>) semaphore(%run_scoped3A_65 : memref<!tpu.dma_semaphore, #tpu.memory_space<semaphore_mem>>) {add = true}
          %dma_wait3A_72 = arith.constant 0 : i32
          %dma_wait3A_73 = tpu.memref_slice %arg8[%run_scoped3A, %dma_wait3A_72] : memref<2x128xi32, #tpu.memory_space<vmem>> -> memref<1x128xi32, #tpu.memory_space<vmem>>
          %dma_wait3A_74 = tpu.memref_squeeze %dma_wait3A_73 : memref<1x128xi32, #tpu.memory_space<vmem>> -> memref<128xi32, #tpu.memory_space<vmem>>
          %dma_wait3A_75 = arith.constant 0 : i32
          %dma_wait3A_76 = arith.constant 0 : i32
          %dma_wait3A_77 = tpu.memref_slice %arg15[%dma_wait3A_75, %dma_wait3A_76] : memref<10000x64xf32, #tpu.memory_space<vmem_shared>> -> memref<10000x64xf32, #tpu.memory_space<vmem_shared>>
          tpu.wait_indirect_dma semaphore(%run_scoped3A_65 : memref<!tpu.dma_semaphore, #tpu.memory_space<semaphore_mem>>) src(%arg10 : memref<128x64xf32, #tpu.memory_space<vmem>>) dst(%dma_wait3A_77 : memref<10000x64xf32, #tpu.memory_space<vmem_shared>>)
          tpu.yield
        }) : () -> ()
      } else {
      }
    }
    %scan3A_10 = arith.constant 157 : i32
    %barrier3A_11 = arith.constant 0 : index
    tpu.barrier barrier_id(%barrier3A_11)
    %eq3A_12 = arith.constant 0 : i32
    %eq3A_13 = arith.cmpi eq, %arg1, %eq3A_12 : i32
    %convert_element_type3A_14 = arith.extui %eq3A_13 : i1 to i32
    %cond3A_15 = arith.constant 0 : i32
    %cond3A_16 = arith.cmpi ne, %convert_element_type3A_14, %cond3A_15 : i32
    scf.if %cond3A_16 {
      "tpu.region"() ({
        %run_scoped3A = tpu.sem_alloc : memref<!tpu.dma_semaphore, #tpu.memory_space<semaphore_mem>>
        %dma_start3A = arith.constant 0 : i32
        %dma_start3A_17 = arith.constant 0 : i32
        %dma_start3A_18 = tpu.memref_slice %arg7[%arg0, %dma_start3A, %dma_start3A_17] : memref<2x10000x64xf32, #tpu.memory_space<hbm>> -> memref<1x10000x64xf32, #tpu.memory_space<hbm>>
        %dma_start3A_19 = tpu.memref_squeeze %dma_start3A_18 : memref<1x10000x64xf32, #tpu.memory_space<hbm>> -> memref<10000x64xf32, #tpu.memory_space<hbm>>
        tpu.enqueue_dma source(%arg15 : memref<10000x64xf32, #tpu.memory_space<vmem_shared>>) target(%dma_start3A_19 : memref<10000x64xf32, #tpu.memory_space<hbm>>) target_semaphore(%run_scoped3A : memref<!tpu.dma_semaphore, #tpu.memory_space<semaphore_mem>>)
        %dma_wait3A = arith.constant 0 : i32
        %dma_wait3A_20 = arith.constant 0 : i32
        %dma_wait3A_21 = tpu.memref_slice %arg7[%arg0, %dma_wait3A, %dma_wait3A_20] : memref<2x10000x64xf32, #tpu.memory_space<hbm>> -> memref<1x10000x64xf32, #tpu.memory_space<hbm>>
        %dma_wait3A_22 = tpu.memref_squeeze %dma_wait3A_21 : memref<1x10000x64xf32, #tpu.memory_space<hbm>> -> memref<10000x64xf32, #tpu.memory_space<hbm>>
        tpu.wait_dma2 semaphore(%run_scoped3A : memref<!tpu.dma_semaphore, #tpu.memory_space<semaphore_mem>>) src(%arg15 : memref<10000x64xf32, #tpu.memory_space<vmem_shared>>) dst(%dma_wait3A_22 : memref<10000x64xf32, #tpu.memory_space<hbm>>)
        tpu.yield
      }) : () -> ()
    } else {
    }
    return
  }
}

module attributes {stable_mosaic.version = 14 : i64} {
  func.func @_proj_body(%arg0: i32, %arg1: memref<1000x128xf32, #tpu.memory_space<vmem>>, %arg2: memref<128x128xf32, #tpu.memory_space<vmem>>, %arg3: memref<1x128xf32, #tpu.memory_space<vmem>>, %arg4: memref<128x128xf32, #tpu.memory_space<vmem>>, %arg5: memref<1x128xf32, #tpu.memory_space<vmem>>, %arg6: memref<128x128xf32, #tpu.memory_space<vmem>>, %arg7: memref<1x128xf32, #tpu.memory_space<vmem>>, %arg8: memref<2x1000x64xf32, #tpu.memory_space<vmem>>, %arg9: memref<2x1000x64xf32, #tpu.memory_space<vmem>>, %arg10: memref<2x1000x64xf32, #tpu.memory_space<vmem>>) attributes {dimension_semantics = [#tpu.dimension_semantics<arbitrary>], iteration_bounds = array<i64: 10>, scalar_prefetch = 0 : i64, scratch_operands = 0 : i64, tpu.core_type = #tpu.core_type<tc>, window_params = [{transform_indices = @transform_0, window_bounds = array<i64: 1000, 128>}, {pipeline_mode = #tpu.pipeline_mode<synchronous>, transform_indices = @transform_1, window_bounds = array<i64: 128, 128>}, {pipeline_mode = #tpu.pipeline_mode<synchronous>, transform_indices = @transform_2, window_bounds = array<i64: 1, 128>}, {pipeline_mode = #tpu.pipeline_mode<synchronous>, transform_indices = @transform_3, window_bounds = array<i64: 128, 128>}, {pipeline_mode = #tpu.pipeline_mode<synchronous>, transform_indices = @transform_4, window_bounds = array<i64: 1, 128>}, {pipeline_mode = #tpu.pipeline_mode<synchronous>, transform_indices = @transform_5, window_bounds = array<i64: 128, 128>}, {pipeline_mode = #tpu.pipeline_mode<synchronous>, transform_indices = @transform_6, window_bounds = array<i64: 1, 128>}, {transform_indices = @transform_7, window_bounds = array<i64: 2, 1000, 64>}, {transform_indices = @transform_8, window_bounds = array<i64: 2, 1000, 64>}, {transform_indices = @transform_9, window_bounds = array<i64: 2, 1000, 64>}]} {
    %get3A = arith.constant 0 : index
    %get3A_0 = arith.constant 0 : index
    %get3A_1 = vector.load %arg1[%get3A, %get3A_0] : memref<1000x128xf32, #tpu.memory_space<vmem>>, vector<1000x128xf32>
    %get3A_2 = arith.constant 0 : index
    %get3A_3 = arith.constant 0 : index
    %get3A_4 = vector.load %arg2[%get3A_2, %get3A_3] : memref<128x128xf32, #tpu.memory_space<vmem>>, vector<128x128xf32>
    %dot_general3A = arith.constant dense<0.000000e+00> : vector<1000x128xf32>
    %dot_general3A_5 = tpu.matmul %get3A_1, %get3A_4, %dot_general3A {dimension_numbers = #tpu.dot_dimension_numbers<[1], [1], [0], [0], [0, 0, 1, 0], [], []>, transpose_lhs_hint = false} : vector<1000x128xf32>, vector<128x128xf32>, vector<1000x128xf32> -> vector<1000x128xf32>
    %get3A_6 = arith.constant 0 : index
    %get3A_7 = arith.constant 0 : index
    %get3A_8 = vector.load %arg3[%get3A_6, %get3A_7] : memref<1x128xf32, #tpu.memory_space<vmem>>, vector<1x128xf32>
    %add3A = vector.broadcast %get3A_8 : vector<1x128xf32> to vector<1000x128xf32>
    %add3A_9 = arith.addf %dot_general3A_5, %add3A : vector<1000x128xf32>
    %get3A_10 = arith.constant 0 : index
    %get3A_11 = arith.constant 0 : index
    %get3A_12 = vector.load %arg4[%get3A_10, %get3A_11] : memref<128x128xf32, #tpu.memory_space<vmem>>, vector<128x128xf32>
    %dot_general3A_13 = arith.constant dense<0.000000e+00> : vector<1000x128xf32>
    %dot_general3A_14 = tpu.matmul %get3A_1, %get3A_12, %dot_general3A_13 {dimension_numbers = #tpu.dot_dimension_numbers<[1], [1], [0], [0], [0, 0, 1, 0], [], []>, transpose_lhs_hint = false} : vector<1000x128xf32>, vector<128x128xf32>, vector<1000x128xf32> -> vector<1000x128xf32>
    %get3A_15 = arith.constant 0 : index
    %get3A_16 = arith.constant 0 : index
    %get3A_17 = vector.load %arg5[%get3A_15, %get3A_16] : memref<1x128xf32, #tpu.memory_space<vmem>>, vector<1x128xf32>
    %add3A_18 = vector.broadcast %get3A_17 : vector<1x128xf32> to vector<1000x128xf32>
    %add3A_19 = arith.addf %dot_general3A_14, %add3A_18 : vector<1000x128xf32>
    %get3A_20 = arith.constant 0 : index
    %get3A_21 = arith.constant 0 : index
    %get3A_22 = vector.load %arg6[%get3A_20, %get3A_21] : memref<128x128xf32, #tpu.memory_space<vmem>>, vector<128x128xf32>
    %dot_general3A_23 = arith.constant dense<0.000000e+00> : vector<1000x128xf32>
    %dot_general3A_24 = tpu.matmul %get3A_1, %get3A_22, %dot_general3A_23 {dimension_numbers = #tpu.dot_dimension_numbers<[1], [1], [0], [0], [0, 0, 1, 0], [], []>, transpose_lhs_hint = false} : vector<1000x128xf32>, vector<128x128xf32>, vector<1000x128xf32> -> vector<1000x128xf32>
    %get3A_25 = arith.constant 0 : index
    %get3A_26 = arith.constant 0 : index
    %get3A_27 = vector.load %arg7[%get3A_25, %get3A_26] : memref<1x128xf32, #tpu.memory_space<vmem>>, vector<1x128xf32>
    %add3A_28 = vector.broadcast %get3A_27 : vector<1x128xf32> to vector<1000x128xf32>
    %add3A_29 = arith.addf %dot_general3A_24, %add3A_28 : vector<1000x128xf32>
    %slice3A = vector.extract_strided_slice %add3A_9 {offsets = [0, 0], sizes = [1000, 64], strides = [1, 1]} : vector<1000x128xf32> to vector<1000x64xf32>
    %slice3A_30 = vector.extract_strided_slice %add3A_9 {offsets = [0, 64], sizes = [1000, 64], strides = [1, 1]} : vector<1000x128xf32> to vector<1000x64xf32>
    %stack3A = vector.shape_cast %slice3A : vector<1000x64xf32> to vector<1x1000x64xf32>
    %stack3A_31 = vector.shape_cast %slice3A_30 : vector<1000x64xf32> to vector<1x1000x64xf32>
    %stack3A_32 = tpu.concatenate %stack3A, %stack3A_31 in 0 : vector<1x1000x64xf32>, vector<1x1000x64xf32> -> vector<2x1000x64xf32>
    %swap3A = arith.constant 0 : index
    %swap3A_33 = arith.constant 0 : index
    %swap3A_34 = arith.constant 0 : index
    %swap3A_35 = vector.load %arg8[%swap3A, %swap3A_33, %swap3A_34] : memref<2x1000x64xf32, #tpu.memory_space<vmem>>, vector<2x1000x64xf32>
    tpu.vector_store %arg8[%swap3A, %swap3A_33, %swap3A_34], %stack3A_32 {strides = array<i32>} : memref<2x1000x64xf32, #tpu.memory_space<vmem>>, vector<2x1000x64xf32>,
    %slice3A_36 = vector.extract_strided_slice %add3A_19 {offsets = [0, 0], sizes = [1000, 64], strides = [1, 1]} : vector<1000x128xf32> to vector<1000x64xf32>
    %slice3A_37 = vector.extract_strided_slice %add3A_19 {offsets = [0, 64], sizes = [1000, 64], strides = [1, 1]} : vector<1000x128xf32> to vector<1000x64xf32>
    %stack3A_38 = vector.shape_cast %slice3A_36 : vector<1000x64xf32> to vector<1x1000x64xf32>
    %stack3A_39 = vector.shape_cast %slice3A_37 : vector<1000x64xf32> to vector<1x1000x64xf32>
    %stack3A_40 = tpu.concatenate %stack3A_38, %stack3A_39 in 0 : vector<1x1000x64xf32>, vector<1x1000x64xf32> -> vector<2x1000x64xf32>
    %swap3A_41 = arith.constant 0 : index
    %swap3A_42 = arith.constant 0 : index
    %swap3A_43 = arith.constant 0 : index
    %swap3A_44 = vector.load %arg9[%swap3A_41, %swap3A_42, %swap3A_43] : memref<2x1000x64xf32, #tpu.memory_space<vmem>>, vector<2x1000x64xf32>
    tpu.vector_store %arg9[%swap3A_41, %swap3A_42, %swap3A_43], %stack3A_40 {strides = array<i32>} : memref<2x1000x64xf32, #tpu.memory_space<vmem>>, vector<2x1000x64xf32>,
    %slice3A_45 = vector.extract_strided_slice %add3A_29 {offsets = [0, 0], sizes = [1000, 64], strides = [1, 1]} : vector<1000x128xf32> to vector<1000x64xf32>
    %slice3A_46 = vector.extract_strided_slice %add3A_29 {offsets = [0, 64], sizes = [1000, 64], strides = [1, 1]} : vector<1000x128xf32> to vector<1000x64xf32>
    %stack3A_47 = vector.shape_cast %slice3A_45 : vector<1000x64xf32> to vector<1x1000x64xf32>
    %stack3A_48 = vector.shape_cast %slice3A_46 : vector<1000x64xf32> to vector<1x1000x64xf32>
    %stack3A_49 = tpu.concatenate %stack3A_47, %stack3A_48 in 0 : vector<1x1000x64xf32>, vector<1x1000x64xf32> -> vector<2x1000x64xf32>
    %swap3A_50 = arith.constant 0 : index
    %swap3A_51 = arith.constant 0 : index
    %swap3A_52 = arith.constant 0 : index
    %swap3A_53 = vector.load %arg10[%swap3A_50, %swap3A_51, %swap3A_52] : memref<2x1000x64xf32, #tpu.memory_space<vmem>>, vector<2x1000x64xf32>
    tpu.vector_store %arg10[%swap3A_50, %swap3A_51, %swap3A_52], %stack3A_49 {strides = array<i32>} : memref<2x1000x64xf32, #tpu.memory_space<vmem>>, vector<2x1000x64xf32>,
    return
  }
  func.func @transform_0(%arg0: i32) -> (i32, i32) {
    %c0_i32 = arith.constant 0 : i32
    %c0_i32_0 = arith.constant 0 : i32
    return %arg0, %c0_i32 : i32, i32
  }
  func.func @transform_1(%arg0: i32) -> (i32, i32) {
    %c0_i32 = arith.constant 0 : i32
    %c0_i32_0 = arith.constant 0 : i32
    %c0_i32_1 = arith.constant 0 : i32
    return %c0_i32, %c0_i32_0 : i32, i32
  }
  func.func @transform_2(%arg0: i32) -> (i32, i32) {
    %c0_i32 = arith.constant 0 : i32
    %c0_i32_0 = arith.constant 0 : i32
    %c0_i32_1 = arith.constant 0 : i32
    return %c0_i32, %c0_i32_0 : i32, i32
  }
  func.func @transform_3(%arg0: i32) -> (i32, i32) {
    %c0_i32 = arith.constant 0 : i32
    %c0_i32_0 = arith.constant 0 : i32
    %c0_i32_1 = arith.constant 0 : i32
    return %c0_i32, %c0_i32_0 : i32, i32
  }
  func.func @transform_4(%arg0: i32) -> (i32, i32) {
    %c0_i32 = arith.constant 0 : i32
    %c0_i32_0 = arith.constant 0 : i32
    %c0_i32_1 = arith.constant 0 : i32
    return %c0_i32, %c0_i32_0 : i32, i32
  }
  func.func @transform_5(%arg0: i32) -> (i32, i32) {
    %c0_i32 = arith.constant 0 : i32
    %c0_i32_0 = arith.constant 0 : i32
    %c0_i32_1 = arith.constant 0 : i32
    return %c0_i32, %c0_i32_0 : i32, i32
  }
  func.func @transform_6(%arg0: i32) -> (i32, i32) {
    %c0_i32 = arith.constant 0 : i32
    %c0_i32_0 = arith.constant 0 : i32
    %c0_i32_1 = arith.constant 0 : i32
    return %c0_i32, %c0_i32_0 : i32, i32
  }
  func.func @transform_7(%arg0: i32) -> (i32, i32, i32) {
    %c0_i32 = arith.constant 0 : i32
    %c0_i32_0 = arith.constant 0 : i32
    %c0_i32_1 = arith.constant 0 : i32
    return %c0_i32, %arg0, %c0_i32_0 : i32, i32, i32
  }
  func.func @transform_8(%arg0: i32) -> (i32, i32, i32) {
    %c0_i32 = arith.constant 0 : i32
    %c0_i32_0 = arith.constant 0 : i32
    %c0_i32_1 = arith.constant 0 : i32
    return %c0_i32, %arg0, %c0_i32_0 : i32, i32, i32
  }
  func.func @transform_9(%arg0: i32) -> (i32, i32, i32) {
    %c0_i32 = arith.constant 0 : i32
    %c0_i32_0 = arith.constant 0 : i32
    %c0_i32_1 = arith.constant 0 : i32
    return %c0_i32, %arg0, %c0_i32_0 : i32, i32, i32
  }
}

module attributes {stable_mosaic.version = 14 : i64} {
  func.func @_inv_body(%arg0: memref<2x10000x4xf32, #tpu.memory_space<vmem>>, %arg1: memref<2x10000x4xf32, #tpu.memory_space<vmem>>) attributes {dimension_semantics = [], scalar_prefetch = 0 : i64, scratch_operands = 0 : i64, tpu.core_type = #tpu.core_type<tc>} {
    %get3A = arith.constant 0 : index
    %get3A_0 = arith.constant 0 : index
    %get3A_1 = arith.constant 0 : index
    %get3A_2 = vector.load %arg0[%get3A, %get3A_0, %get3A_1] : memref<2x10000x4xf32, #tpu.memory_space<vmem>>, vector<2x10000x4xf32>
    %div3A = arith.constant 1.000000e+00 : f32
    %div3A_3 = vector.broadcast %div3A : f32 to vector<2x10000x4xf32>
    %div3A_4 = arith.divf %div3A_3, %get3A_2 : vector<2x10000x4xf32>
    %swap3A = arith.constant 0 : index
    %swap3A_5 = arith.constant 0 : index
    %swap3A_6 = arith.constant 0 : index
    %swap3A_7 = vector.load %arg1[%swap3A, %swap3A_5, %swap3A_6] : memref<2x10000x4xf32, #tpu.memory_space<vmem>>, vector<2x10000x4xf32>
    tpu.vector_store %arg1[%swap3A, %swap3A_5, %swap3A_6], %div3A_4 {strides = array<i32>} : memref<2x10000x4xf32, #tpu.memory_space<vmem>>, vector<2x10000x4xf32>,
    return
  }
}

module attributes {stable_mosaic.version = 14 : i64} {
  func.func @_comb_body(%arg0: memref<2x10000x64xf32, #tpu.memory_space<vmem>>, %arg1: memref<10000x128xf32, #tpu.memory_space<vmem>>) attributes {dimension_semantics = [], scalar_prefetch = 0 : i64, scratch_operands = 0 : i64, tpu.core_type = #tpu.core_type<tc>} {
    %get3A = arith.constant 0 : index
    %get3A_0 = arith.constant 0 : index
    %get3A_1 = arith.constant 0 : index
    %get3A_2 = vector.load %arg0[%get3A, %get3A_0, %get3A_1] : memref<2x10000x64xf32, #tpu.memory_space<vmem>>, vector<1x10000x64xf32>
    %get3A_3 = vector.shape_cast %get3A_2 : vector<1x10000x64xf32> to vector<10000x64xf32>
    %get3A_4 = arith.constant 1 : index
    %get3A_5 = arith.constant 0 : index
    %get3A_6 = arith.constant 0 : index
    %get3A_7 = vector.load %arg0[%get3A_4, %get3A_5, %get3A_6] : memref<2x10000x64xf32, #tpu.memory_space<vmem>>, vector<1x10000x64xf32>
    %get3A_8 = vector.shape_cast %get3A_7 : vector<1x10000x64xf32> to vector<10000x64xf32>
    %concatenate3A = tpu.concatenate %get3A_3, %get3A_8 in 1 : vector<10000x64xf32>, vector<10000x64xf32> -> vector<10000x128xf32>
    %swap3A = arith.constant 0 : index
    %swap3A_9 = arith.constant 0 : index
    %swap3A_10 = vector.load %arg1[%swap3A, %swap3A_9] : memref<10000x128xf32, #tpu.memory_space<vmem>>, vector<10000x128xf32>
    tpu.vector_store %arg1[%swap3A, %swap3A_9], %concatenate3A {strides = array<i32>} : memref<10000x128xf32, #tpu.memory_space<vmem>>, vector<10000x128xf32>,
    return
  }
}

</mosaic_0001>

<sc_bundles>
// kernel: kernel.10.cloned.1.call-start
scs
__scs_entry_jumppad:
0x0: {  	(pc) =	sbr.rel $0x88, $3  }
0x1: {  	(tag) =	ssettag $0x0;
	lr =	simm.s32 $0x1  }
0x2: {  	[smem:$0x3F99] =	sst lr;
	_ =	strace $0xD0000000  }
0x3: {  	_ = 	snop  }
0x4: {  	_ = 	snop  }
0x5: {  	_ = 	snop  }
0x6: {  	_ = 	snop  }
0x7: {  	_ = 	snop  }
__scs_overlays_trampoline_lowered:
0x8: {  	[smem:$0x3FA8] =	sst s0  }
0x9: {  	[smem:$0x3FA9] =	sst s1  }
0xa: {  	[smem:$0x3FAA] =	sst s2  }
0xb: {  	[smem:$0x3FAB] =	sst s3  }
0xc: {  	[smem:$0x3FAC] =	sst s4  }
0xd: {  	[smem:$0x3FAD] =	sst s5  }
0xe: {  	[smem:$0x3FAE] =	sst s6  }
0xf: {  	[smem:$0x3FAF] =	sst s7  }
0x10: {  	[smem:$0x3FB0] =	sst s8  }
0x11: {  	[smem:$0x3FB1] =	sst s9;
	s0 =	simm.s32 @!p0 $0x0  }
0x12: {  	s1 =	sld [smem:$0x3F97];
	s0 =	simm.s32 @p0 $0x1  }
0x13: {  	[smem:$0x3FB2] =	sst s0;
	s0 =	simm.s32 @!p1 $0x0  }
0x14: {  	s2 =	sld [smem:$0x3F96];
	s0 =	simm.s32 @p1 $0x1  }
0x15: {  	[smem:$0x3FB3] =	sst s0;
	s0 =	simm.s32 @!p2 $0x0  }
0x16: {  	s3 =	sld [smem:$0x3FDB];
	s0 =	simm.s32 @p2 $0x1  }
0x17: {  	s4 =	simm.s32 $0x1BF5;
	[smem:$0x3FB5] =	sst s0  }
0x18: {  	s0 =	sld [smem:$0x3F98];
	_ =	swait.ge [sflag:s4], $0x0  }
0x19: {  	s7 =	sld [smem:$0x3F99]  }
0x1a: {  	s8 =	sadd.s32 $0xFFFFE003, lr  }
0x1b: {  	s9 =	sadd.s32 $0xFFFFFEF7, lr;
	s5 =	simm.s32 $0xFFFFFFFF;
	p2 =	slt.u32 s8, $0xFFFFF086  }
0x1c: {  	p1 =	slt.u32 s9, $0xF7A;
	s5 =	simm.s32 @!p2 $0x0  }
0x1d: {  	s5 =	simm.s32 @p1 $0x1;
	p0 =	seq.s32 s7, s2  }
0x1e: {  	s7 =	smul.u32 @!p0 $0xF7A, s2;
	p2 =	seq.s32 @!p0 s5, $0x0  }
0x1f: {  	s9 =	smul.u32 $0xF7A, s1;
	s8 =	simm.s32 @!p0 $0x1BF5;
	p2 =	por !p2, p0  }
0x20: {  	[sflag:s8] =	ssyncset.s32 @!p0 $0xFFFFF086;
	s6 =	sadd.s32 @!p0 s3, s7;
	s7 =	simm.s32 @!p0 $0x108  }
0x21: {  	s3 =	sadd.s32 s3, s9;
	s6 =	sadd.s32 @!p0 $0x88, s6;
	s7 =	simm.s32 @p2 $0x1082  }
0x22: {  	[simem:s7], [sflag:s8] =	dma.local @!p0 [hbm:s6], $0xF7A  }
0x23: {  	s9 =	sor.u32 $0xD0000000, s2;
	s6 =	simm.s32 $0x108;
	_ =	swait.ge @!p0 [sflag:s8], $0x0  }
0x24: {  	s3 =	sadd.s32 $0x88, s3;
	s6 =	simm.s32 @!p1 $0x1082;
	[sflag:s4] =	ssyncset.s32 $0xFFFFF086  }
0x25: {  	[simem:s6], [sflag:s4] =	dma.local [hbm:s3], $0xF7A  }
0x26: {  	[smem:$0x3F99] =	sst s1;
	(tag) =	ssettag s2;
	_ =	strace s9  }
0x27: {  	s1 =	sld [smem:$0x3FA9]  }
0x28: {  	s2 =	sld [smem:$0x3FAA]  }
0x29: {  	s4 =	sld [smem:$0x3FAC]  }
0x2a: {  	p0 =	seq.s32 s5, $0x0;
	s5 =	sld [smem:$0x3FAD]  }
0x2b: {  	s6 =	sld [smem:$0x3FAE]  }
0x2c: {  	s7 =	sld [smem:$0x3FAF]  }
0x2d: {  	s3 =	simm.s32 $0x108;
	s8 =	sld [smem:$0x3FB0]  }
0x2e: {  	s3 =	simm.s32 @!p0 $0x1082;
	s9 =	sld [smem:$0x3FB1]  }
0x2f: {  	lr =	sadd.s32 s0, s3;
	s0 =	sld [smem:$0x3FA8]  }
0x30: {  	s3 =	sld [smem:$0x3FAB]  }
0x31: {  	[smem:$0x3FB4] =	sst s10  }
0x32: {  	s10 =	sld [smem:$0x3FB2];
	_ =	sdelay $0x3  }
0x33: {  	p0 =	seq.s32 s10, $0x1;
	s10 =	sld [smem:$0x3FB4];
	_ =	sdelay $0x3  }
0x34: {  	[smem:$0x3FB4] =	sst s10  }
0x35: {  	s10 =	sld [smem:$0x3FB3];
	_ =	sdelay $0x3  }
0x36: {  	p1 =	seq.s32 s10, $0x1;
	s10 =	sld [smem:$0x3FB4];
	_ =	sdelay $0x3  }
0x37: {  	[smem:$0x3FB4] =	sst s10  }
0x38: {  	s10 =	sld [smem:$0x3FB5]  }
0x39: {  	_ = 	snop;
	(pc) =	sbr.ind lr, $3  }
0x3a: {  	_ = 	snop  }
0x3b: {  	_ = 	snop  }
0x3c: {  	p2 =	seq.s32 s10, $0x1;
	s10 =	sld [smem:$0x3FB4]  }
0x3d: {  	_ =	shalt  }
0x3e: {  	_ =	shalt  }
0x3f: {  	_ =	shalt  }
0x40: {  	_ =	shalt  }
0x41: {  	_ =	shalt  }
0x42: {  	_ =	shalt  }
0x43: {  	_ =	shalt  }
0x44: {  	_ =	shalt  }
0x45: {  	_ =	shalt  }
0x46: {  	_ =	shalt  }
0x47: {  	_ =	shalt  }
0x48: {  	_ =	shalt  }
0x49: {  	_ =	shalt  }
0x4a: {  	_ =	shalt  }
0x4b: {  	_ =	shalt  }
0x4c: {  	_ =	shalt  }
0x4d: {  	_ =	shalt  }
0x4e: {  	_ =	shalt  }
0x4f: {  	_ =	shalt  }
0x50: {  	_ =	shalt  }
0x51: {  	_ =	shalt  }
0x52: {  	_ =	shalt  }
0x53: {  	_ =	shalt  }
0x54: {  	_ =	shalt  }
0x55: {  	_ =	shalt  }
0x56: {  	_ =	shalt  }
0x57: {  	_ =	shalt  }
0x58: {  	_ =	shalt  }
0x59: {  	_ =	shalt  }
0x5a: {  	_ =	shalt  }
0x5b: {  	_ =	shalt  }
0x5c: {  	_ =	shalt  }
0x5d: {  	_ =	shalt  }
0x5e: {  	_ =	shalt  }
0x5f: {  	_ =	shalt  }
0x60: {  	_ =	shalt  }
0x61: {  	_ =	shalt  }
0x62: {  	_ =	shalt  }
0x63: {  	_ =	shalt  }
0x64: {  	_ =	shalt  }
0x65: {  	_ =	shalt  }
0x66: {  	_ =	shalt  }
0x67: {  	_ =	shalt  }
0x68: {  	_ =	shalt  }
0x69: {  	_ =	shalt  }
0x6a: {  	_ =	shalt  }
0x6b: {  	_ =	shalt  }
0x6c: {  	_ =	shalt  }
0x6d: {  	_ =	shalt  }
0x6e: {  	_ =	shalt  }
0x6f: {  	_ =	shalt  }
0x70: {  	_ =	shalt  }
0x71: {  	_ =	shalt  }
0x72: {  	_ =	shalt  }
0x73: {  	_ =	shalt  }
0x74: {  	_ =	shalt  }
0x75: {  	_ =	shalt  }
0x76: {  	_ =	shalt  }
0x77: {  	_ =	shalt  }
0x78: {  	_ =	shalt  }
0x79: {  	_ =	shalt  }
0x7a: {  	_ =	shalt  }
0x7b: {  	_ =	shalt  }
0x7c: {  	_ =	shalt  }
0x7d: {  	_ =	shalt  }
0x7e: {  	_ =	shalt  }
0x7f: {  	_ =	shalt  }
0x80: {  	_ =	shalt  }
0x81: {  	_ =	shalt  }
0x82: {  	_ =	shalt  }
0x83: {  	_ =	shalt  }
0x84: {  	_ =	shalt  }
0x85: {  	_ =	shalt  }
0x86: {  	_ =	shalt  }
0x87: {  	_ =	shalt  }
.Lfunc_end0:
.L_simem_size_0:
called_computation.1_lowered:
.L_overlay_start_0:
0x88: {  	s2 =	sld [smem:$0x3FD9]  }
0x89: {  	s3 =	sld [smem:$0x3FFE];
	_ =	sdelay $0x1  }
0x8a: {  	s1 =	srdreg.scid  }
0x8b: {  	s0 =	sand.u32 $0x1, s1  }
0x8c: {  	s17 =	sshll.u32 s0, $0xA;
	s2 =	sadd.s32 s3, s2  }
0x8d: {  	s2 =	sadd.s32 s2, s17  }
0x8e: {  	[smem:$0x3FC0] =	sst s2  }
0x8f: {  	_ = 	snop  }
0x90: {  	s2 =	sld [smem:$0x3FD0];
	(tm) =	ssettm $0x1  }
0x91: {  	s18 =	sld [smem:$0x3FFB];
	_ =	sdelay $0x3  }
0x92: {  	_ =	strace s18  }
0x93: {  	s3 =	sld [smem:$0x3FFC];
	_ =	sdelay $0x3  }
0x94: {  	_ =	strace s3  }
0x95: {  	s3 =	sld [smem:$0x3FFD];
	_ =	sdelay $0x3  }
0x96: {  	_ =	strace s3  }
0x97: {  	_ =	strace $0x8FFFFFFF  }
0x98: {  	s19 =	sld [smem:$0x3FDB];
	_ =	sdelay $0x1  }
0x99: {  	s4 =	simm.s32 $_scs_section_size  }
0x9a: {  	s5 =	simm.s32 $_size__tile_overlayer_lowered;
	s6 =	simm.s32 $_tile_overlayer_lowered  }
0x9b: {  	s22 =	simm.s32 $0x1BFF;
	s21 =	sshll.u32 s6, $0x1;
	s3 =	sadd.s32 s4, s19  }
0x9c: {  	s7 =	simm.s32 $0x0;
	s20 =	sshll.u32 s5, $0x1;
	s5 =	sadd.s32 s21, s3  }
0x9d: {  	[timem:s7], [sflag:s22] =	dma.local [hbm:s5], s20  }
0x9e: {  	_ =	swait.ge [sflag:s22], s20  }
0x9f: {  	s4 =	ssub.s32 $0x0, s20;
	[sflag:s22] =	ssyncset.done $0x0  }
0xa0: {  	[sflag:s22] =	ssyncadd.s32 s4;
	_ =	sdelay $0x1  }
0xa1: {  	s23 =	simm.s32 $0x1B8B  }
0xa2: {  	_ =	swait.ge [sflag:s23], $0x1  }
0xa3: {  	[sflag:s23] =	ssyncset.done $0x0  }
0xa4: {  	s25 =	simm.s32 $0x1B8E;
	s24 =	sld [smem:$0x3FFE];
	[sflag:s23] =	ssyncadd.s32 $0xFFFFFFFF  }
0xa5: {  	s26 =	simm.s32 $execute0_lowered;
	[smem:$0x3FD2] =	sst s25  }
0xa6: {  	s5 =	sshll.u32 s26, $0x1;
	_ =	strace $0x80000049;
	[dreg:$0x1] =	wrdreg $0xFFFFFFFF  }
0xa7: {  	s28 =	simm.s32 $_size_execute0_lowered;
	s3 =	sadd.s32 s3, s5;
	[dreg:$0x0] =	wrdreg $0x0  }
0xa8: {  	s5 =	sshll.u32 s28, $0x1;
	[dreg:$0x2] =	wrdreg s3  }
0xa9: {  	[dreg:$0x3] =	wrdreg s5  }
0xaa: {  	[dreg:$0x4] =	wrdreg $0xC0  }
0xab: {  	_ =	task [dreg:s7], $0x5FFFF  }
0xac: {  	[dreg:$0x1] =	wrdreg $0xFFFFFFFF  }
0xad: {  	[dreg:$0x0] =	wrdreg $0x60  }
0xae: {  	[dreg:$0x2] =	wrdreg s2  }
0xaf: {  	[dreg:$0x3] =	wrdreg s24  }
0xb0: {  	[dreg:$0x4] =	wrdreg $0x15D800  }
0xb1: {  	[dreg:$0x5] =	wrdreg $0x9  }
0xb2: {  	_ =	task.clear_ibuf [dreg:s7], $0x6FFFF;
	_ =	strace $0x90000049  }
0xb3: {  	s29 =	simm.s32 $0x9;
	_ =	strace $0x8000004B  }
0xb4: {  	_ =	swait.ge [sflag:s29], $0x1  }
0xb5: {  	[sflag:s29] =	ssyncadd.s32 $0xFFFFFFFF  }
0xb6: {  	_ =	strace $0x9000004B  }
0xb7: {  	_ =	sfence  }
0xb8: {  	s30 =	sld [smem:$0x0];
	_ =	sdelay $0x2  }
0xb9: {  	s31 =	sshll.u32 s1, $0xD;
	s1 =	sshrl.u32 s1, $0x2  }
0xba: {  	s3 =	sand.u32 $0x4000, s31;
	s1 =	sadd.s32 s1, s30  }
0xbb: {  	s0 =	sor.u32 s3, s0;
	s1 =	sshll.u32 s1, $0x11  }
0xbc: {  	s0 =	sor.u32 s1, s0  }
0xbd: {  	s0 =	sadd.s32 $0x8F2B, s0  }
0xbe: {  	[sflag:s0] =	ssyncadd.remote.s32 $0x1  }
0xbf: {  	_ =	sfence.sel $0xFFFF  }
0xc0: {  	[dreg:$0x0] =	wrdreg $0xFFFFFFFF;
	(pc) =	sbr.abs _section_cstart, $3  }
0xc1: {  	[dreg:$0x1] =	wrdreg $0xFFFFFFFF  }
0xc2: {  	_ =	task.clear_ibuf [dreg:s7], $0x2FFFF;
	_ =	strace $0x9FFFFFFF  }
0xc3: {  	(tm) =	ssettm $0x7FFFFFFF  }
tec
execute0_lowered:
.L_overlay_start_1:
0x0: {  	(tag) =	ssettag $0x1  }
0x1: {  	s8 =	rddreg [dreg:$0x0]  }
0x2: {  	s6 =	rddreg [dreg:$0x1]  }
0x3: {  	s1 =	rddreg [dreg:$0x2];
	s3 =	srdreg.scid  }
0x4: {  	s0 =	rddreg [dreg:$0x3];
	s2 =	simm.s32 $0x0;
	s14 =	simm.s32 $0x2  }
0x5: {  	s15 =	simm.s32 $0x4E200;
	s16 =	simm.s32 $0x3;
	s17 =	simm.s32 $0x100  }
0x6: {  	s18 =	simm.s32 $0x2100;
	s19 =	simm.s32 $0x1;
	s9 =	sand.u32 $0x1, s3  }
0x7: {  	s20 =	simm.s32 $0x80;
	s21 =	simm.s32 $0x0;
	s5 =	smul.u32 $0x2710, s9  }
0x8: {  	[smem:$0x7FF] =	sst s2;
	s3 =	sadd.s32 $0x2800, s6;
	s10 =	smul.u32 $0x13880, s9  }
0x9: {  	s4 =	sadd.s32 $0xD9800, s6;
	s11 =	ssub.s32 $0x2, s9;
	s9 =	smul.u32 $0x271000, s9  }
.Ltmp0:
0xa: {  	_ =	strace $0x8000004A;
	s13 =	sshrl.u32 s11, $0x1;
	(pc) =	sbr.rel .LBB2_1-.Ltmp0, $4  }
0xb: {  	s7 =	sadd.s32 s5, s6;
	s5 =	sadd.s32 $0x1B200, s6;
	s12 =	sadd.s32 s10, s6  }
0xc: {  	v1 =	vlaneseq.u32;
	s6 =	stileid.u32;
	s11 =	ssub.s32 s11, s13;
	s8 =	sadd.s32 s8, s10  }
0xd: {  	vm0 =	vmmov $0xf;
	vm1 =	vmmov $0xff;
	v0 =	vshrl.u32 v1, $0x2;
	s13 =	simm.s32 $0x2500;
	s7 =	sadd.s32 $0x16200, s7;
	p0 =	sne.s32 s6, $0x0  }
0xe: {  	vm2 =	vmmov $0xfff;
	v1 =	vand.u32 $0x3, v1;
	v0 =	vmul.u32 $0x8, v0;
	s10 =	sadd.s32 $0x2EC00, s12;
	s11 =	smax.u32 s11, $0x1;
	s12 =	sshrl.u32 @!p0 s1, $0x3  }
.LBB2_7:
0xf: {  	[bflag:$0x0] =	sbarrier.arrive $0xFFFF;
	s22 =	simm.s32 @!p0 $0x1C02;
	s21 =	sadd.s32 $0x1, s21  }
0x10: {  	[hbm:s10], [sflag:s22] =	dma.local @!p0 [spmem:s12], $0x13880  }
0x11: {  	p1 =	sne.s32 s21, s11  }
.Ltmp1:
0x12: {  	_ = 	snop;
	(pc) =	sbr.rel @!p1 .LBB2_8-.Ltmp1, $4  }
0x13: {  	s22 =	simm.s32 @!p0 $0x2  }
0x14: {  	_ =	swait.ge @!p0 [sflag:s22], $0x13880  }
0x15: {  	[sflag:s22] =	ssyncset.done @!p0 $0x0  }
0x16: {  	[sflag:s22] =	ssyncadd.s32 @!p0 $0xFFFEC780  }
.LBB2_1:
0x17: {  	s22 =	simm.s32 @!p0 $0x1C02  }
0x18: {  	[spmem:s12], [sflag:s22] =	dma.local @!p0 [hbm:s5], $0x13880  }
0x19: {  	s22 =	simm.s32 @!p0 $0x2  }
0x1a: {  	_ =	swait.ge @!p0 [sflag:s22], $0x13880  }
0x1b: {  	[sflag:s22] =	ssyncset.done @!p0 $0x0  }
0x1c: {  	[sflag:s22] =	ssyncadd.s32 @!p0 $0xFFFEC780  }
0x1d: {  	[tilespmem:s13], [sflag:$0x2] =	stream.linear.gather [hbm4b:s7+s2], $0x13880, $0x38;
	[tilespmem:$0x1F9C0] =	vst v63  }
.Ltmp2:
0x1e: {  	_ =	swait.ge [sflag:s14], $0x13880;
	(pc) =	sbr.rel .LBB2_2-.Ltmp2, $4  }
0x1f: {  	[sflag:s14] =	ssyncset.done $0x0  }
0x20: {  	[sflag:s14] =	ssyncadd.s32 $0xFFFEC780  }
0x21: {  	[bflag:$0x0] =	sbarrier.arrive $0xFFFF  }
0x22: {  	s22 =	simm.s32 $0x0  }
.LBB2_6:
0x23: {  	s22 =	sadd.s32 $0x1, s22  }
0x24: {  	p1 =	sne.s32 s22, $0x9D  }
.Ltmp3:
0x25: {  	_ = 	snop;
	(pc) =	sbr.rel @!p1 .LBB2_7-.Ltmp3, $1  }
0x26: {  	_ =	sdelay $0x3  }
.LBB2_2:
0x27: {  	s23 =	sshll.u32 s22, $0x4  }
0x28: {  	s25 =	sor.u32 s6, s23  }
0x29: {  	p1 =	sgt.u32 s25, $0x9C3  }
.Ltmp4:
0x2a: {  	_ = 	snop;
	(pc) =	sbr.rel @p1 .LBB2_6-.Ltmp4, $1  }
0x2b: {  	_ =	sdelay $0x3  }
0x2c: {  	s23 =	sshll.u32 s25, $0x4  }
0x2d: {  	s24 =	simm.s32 $0x0;
	s26 =	sadd.s32 s3, s23;
	s23 =	simm.s32 $0x80  }
0x2e: {  	[tilespmem:s24], [sflag:$0x3] =	stream.strided.gather [hbm4b:s26+s23], $0x100, s15, s23, $0x38;
	[tilespmem:$0x1F9C0] =	vst v63  }
0x2f: {  	s31 =	sshll.u32 s25, $0xA;
	_ =	swait.ge [sflag:s16], $0x100  }
0x30: {  	s25 =	sadd.s32 s9, s31;
	[sflag:s16] =	ssyncset.done $0x0  }
0x31: {  	s25 =	sshrl.u32 s25, $0x3;
	[sflag:s16] =	ssyncadd.s32 $0xFFFFFF00  }
0x32: {  	[tilespmem:s17], [sflag:$0x1] =	stream.indirect.gather [hbm4b:s8+s23], $0x40, s24, s23, $0xb8;
	[tilespmem:$0x1F9C0] =	vst v63  }
0x33: {  	s25 =	sadd.s32 s4, s25  }
0x34: {  	[tilespmem:s18], [sflag:$0x1] =	stream.linear.gather [hbm4b:s25+s24], $0x400, $0x38;
	[tilespmem:$0x1F9C0] =	vst v63  }
0x35: {  	_ =	swait.ge [sflag:s19], $0x2000  }
0x36: {  	[sflag:s19] =	ssyncset.done $0x0  }
0x37: {  	[sflag:s19] =	ssyncadd.s32 $0xFFFFE000  }
0x38: {  	_ =	swait.ge [sflag:s19], $0x400  }
0x39: {  	[sflag:s19] =	ssyncset.done $0x0  }
0x3a: {  	s25 =	simm.s32 $0x300;
	[sflag:s19] =	ssyncadd.s32 $0xFFFFFC00  }
.LBB2_4:
0x3b: {  	v2 =	vld [tilespmem:s23+$0x0];
	_ =	sdelay $0x4  }
0x3c: {  	v3 =	vbroadcast v2, $0x0;
	v4 =	vbroadcast v2, $0x1  }
0x3d: {  	v5 =	vbroadcast v2, $0x2  }
0x3e: {  	v6 =	vmov s24;
	v48 =	vbroadcast v2, $0x3;
	v3 =	vsel vm0, v3, v4  }
0x3f: {  	v49 =	vshll.u32 v6, $0x3;
	v3 =	vsel vm1, v3, v5  }
0x40: {  	v50 =	vor.u32 v0, v49;
	v3 =	vsel vm2, v3, v48  }
0x41: {  	v4 =	vor.u32 v1, v50;
	v3 =	vshll.u32 v3, $0x3  }
0x42: {  	v3 =	vor.u32 v1, v3;
	_ =	sdelay $0x3  }
0x43: {  	v4 =	vld.idx.msk [tilespmem:v4+s18+$0x0], $0xffff  }
0x44: {  	v3 =	vld.idx.msk [tilespmem:v3+s13+$0x0], $0xffff;
	_ =	sdelay $0x3  }
0x45: {  	v51 =	vld [tilespmem:s25+$0xFFFFFE00]  }
0x46: {  	v3 =	vmul.f32 v3, v4  }
0x47: {  	v52 =	vld [tilespmem:s25+$0xFFFFFE10]  }
0x48: {  	v4 =	vbroadcast v3, $0x0  }
0x49: {  	v54 =	vld [tilespmem:s25+$0xFFFFFE20]  }
0x4a: {  	v53 =	vbroadcast v3, $0x1;
	v4 =	vmul.f32 v4, v51  }
0x4b: {  	v56 =	vld [tilespmem:s25+$0xFFFFFE30]  }
0x4c: {  	v55 =	vbroadcast v3, $0x2;
	[tilespmem:s25+$0xFFFFFE00] =	vst v4;
	v4 =	vmul.f32 v52, v53  }
0x4d: {  	v58 =	vld [tilespmem:s25+$0xFFFFFE40]  }
0x4e: {  	v57 =	vbroadcast v3, $0x3;
	[tilespmem:s25+$0xFFFFFE10] =	vst v4;
	v4 =	vmul.f32 v54, v55  }
0x4f: {  	v60 =	vld [tilespmem:s25+$0xFFFFFE50]  }
0x50: {  	v59 =	vbroadcast v3, $0x4;
	[tilespmem:s25+$0xFFFFFE20] =	vst v4;
	v4 =	vmul.f32 v56, v57  }
0x51: {  	v62 =	vld [tilespmem:s25+$0xFFFFFE60]  }
0x52: {  	v61 =	vbroadcast v3, $0x5;
	[tilespmem:s25+$0xFFFFFE30] =	vst v4;
	v4 =	vmul.f32 v58, v59  }
0x53: {  	v8 =	vld [tilespmem:s25+$0xFFFFFE70]  }
0x54: {  	v63 =	vbroadcast v3, $0x6;
	[tilespmem:s25+$0xFFFFFE40] =	vst v4;
	v4 =	vmul.f32 v60, v61  }
0x55: {  	v10 =	vld [tilespmem:s25+$0xFFFFFE80]  }
0x56: {  	v9 =	vbroadcast v3, $0x7;
	[tilespmem:s25+$0xFFFFFE50] =	vst v4;
	v4 =	vmul.f32 v62, v63  }
0x57: {  	v12 =	vld [tilespmem:s25+$0xFFFFFE90]  }
0x58: {  	v11 =	vbroadcast v3, $0x8;
	[tilespmem:s25+$0xFFFFFE60] =	vst v4;
	v4 =	vmul.f32 v8, v9  }
0x59: {  	v14 =	vld [tilespmem:s25+$0xFFFFFEA0]  }
0x5a: {  	v13 =	vbroadcast v3, $0x9;
	[tilespmem:s25+$0xFFFFFE70] =	vst v4;
	v4 =	vmul.f32 v10, v11  }
0x5b: {  	v16 =	vld [tilespmem:s25+$0xFFFFFEB0]  }
0x5c: {  	v15 =	vbroadcast v3, $0xA;
	[tilespmem:s25+$0xFFFFFE80] =	vst v4;
	v4 =	vmul.f32 v12, v13  }
0x5d: {  	v18 =	vld [tilespmem:s25+$0xFFFFFEC0]  }
0x5e: {  	v17 =	vbroadcast v3, $0xB;
	[tilespmem:s25+$0xFFFFFE90] =	vst v4;
	v4 =	vmul.f32 v14, v15  }
0x5f: {  	v20 =	vld [tilespmem:s25+$0xFFFFFED0]  }
0x60: {  	v19 =	vbroadcast v3, $0xC;
	[tilespmem:s25+$0xFFFFFEA0] =	vst v4;
	v4 =	vmul.f32 v16, v17  }
0x61: {  	v22 =	vld [tilespmem:s25+$0xFFFFFEE0]  }
0x62: {  	v21 =	vbroadcast v3, $0xD;
	[tilespmem:s25+$0xFFFFFEB0] =	vst v4;
	v4 =	vmul.f32 v18, v19;
	_ =	sdelay $0x1  }
0x63: {  	v23 =	vbroadcast v3, $0xE;
	[tilespmem:s25+$0xFFFFFEC0] =	vst v4;
	v4 =	vmul.f32 v20, v21  }
0x64: {  	v24 =	vbroadcast v2, $0x4;
	v25 =	vbroadcast v2, $0x5  }
0x65: {  	s26 =	sadd.s32 $0x4, s24;
	v26 =	vbroadcast v2, $0x6;
	[tilespmem:s25+$0xFFFFFED0] =	vst v4;
	v4 =	vmul.f32 v22, v23  }
0x66: {  	v7 =	vld [tilespmem:s25+$0xFFFFFEF0];
	v27 =	vbroadcast v2, $0x7;
	v5 =	vsel vm0, v24, v25;
	v8 =	vmov s26  }
0x67: {  	v28 =	vshll.u32 v8, $0x3;
	[tilespmem:s25+$0xFFFFFEE0] =	vst v4;
	v4 =	vsel vm1, v5, v26  }
0x68: {  	v5 =	vor.u32 v0, v28;
	v4 =	vsel vm2, v4, v27  }
0x69: {  	v3 =	vbroadcast v3, $0xF;
	v5 =	vor.u32 v1, v5;
	v4 =	vshll.u32 v4, $0x3  }
0x6a: {  	v4 =	vor.u32 v1, v4  }
0x6b: {  	v3 =	vmul.f32 v7, v3;
	_ =	sdelay $0x1  }
0x6c: {  	[tilespmem:s25+$0xFFFFFEF0] =	vst v3  }
0x6d: {  	v3 =	vld.idx.msk [tilespmem:v5+s18+$0x0], $0xffff  }
0x6e: {  	v4 =	vld.idx.msk [tilespmem:v4+s13+$0x0], $0xffff;
	_ =	sdelay $0x3  }
0x6f: {  	v29 =	vld [tilespmem:s25+$0xFFFFFF00]  }
0x70: {  	v3 =	vmul.f32 v4, v3  }
0x71: {  	v30 =	vld [tilespmem:s25+$0xFFFFFF10]  }
0x72: {  	v4 =	vbroadcast v3, $0x0  }
0x73: {  	v32 =	vld [tilespmem:s25+$0xFFFFFF20]  }
0x74: {  	v31 =	vbroadcast v3, $0x1;
	v4 =	vmul.f32 v4, v29  }
0x75: {  	v34 =	vld [tilespmem:s25+$0xFFFFFF30]  }
0x76: {  	v33 =	vbroadcast v3, $0x2;
	[tilespmem:s25+$0xFFFFFF00] =	vst v4;
	v4 =	vmul.f32 v30, v31  }
0x77: {  	v36 =	vld [tilespmem:s25+$0xFFFFFF40]  }
0x78: {  	v35 =	vbroadcast v3, $0x3;
	[tilespmem:s25+$0xFFFFFF10] =	vst v4;
	v4 =	vmul.f32 v32, v33  }
0x79: {  	v38 =	vld [tilespmem:s25+$0xFFFFFF50]  }
0x7a: {  	v37 =	vbroadcast v3, $0x4;
	[tilespmem:s25+$0xFFFFFF20] =	vst v4;
	v4 =	vmul.f32 v34, v35  }
0x7b: {  	v40 =	vld [tilespmem:s25+$0xFFFFFF60]  }
0x7c: {  	v39 =	vbroadcast v3, $0x5;
	[tilespmem:s25+$0xFFFFFF30] =	vst v4;
	v4 =	vmul.f32 v36, v37  }
0x7d: {  	v42 =	vld [tilespmem:s25+$0xFFFFFF70]  }
0x7e: {  	v41 =	vbroadcast v3, $0x6;
	[tilespmem:s25+$0xFFFFFF40] =	vst v4;
	v4 =	vmul.f32 v38, v39  }
0x7f: {  	v44 =	vld [tilespmem:s25+$0xFFFFFF80]  }
0x80: {  	v43 =	vbroadcast v3, $0x7;
	[tilespmem:s25+$0xFFFFFF50] =	vst v4;
	v4 =	vmul.f32 v40, v41  }
0x81: {  	v46 =	vld [tilespmem:s25+$0xFFFFFF90]  }
0x82: {  	v45 =	vbroadcast v3, $0x8;
	[tilespmem:s25+$0xFFFFFF60] =	vst v4;
	v4 =	vmul.f32 v42, v43  }
0x83: {  	v48 =	vld [tilespmem:s25+$0xFFFFFFA0]  }
0x84: {  	v47 =	vbroadcast v3, $0x9;
	[tilespmem:s25+$0xFFFFFF70] =	vst v4;
	v4 =	vmul.f32 v44, v45  }
0x85: {  	v50 =	vld [tilespmem:s25+$0xFFFFFFB0]  }
0x86: {  	v49 =	vbroadcast v3, $0xA;
	[tilespmem:s25+$0xFFFFFF80] =	vst v4;
	v4 =	vmul.f32 v46, v47  }
0x87: {  	v52 =	vld [tilespmem:s25+$0xFFFFFFC0]  }
0x88: {  	v51 =	vbroadcast v3, $0xB;
	[tilespmem:s25+$0xFFFFFF90] =	vst v4;
	v4 =	vmul.f32 v48, v49  }
0x89: {  	v54 =	vld [tilespmem:s25+$0xFFFFFFD0]  }
0x8a: {  	v53 =	vbroadcast v3, $0xC;
	[tilespmem:s25+$0xFFFFFFA0] =	vst v4;
	v4 =	vmul.f32 v50, v51  }
0x8b: {  	v56 =	vld [tilespmem:s25+$0xFFFFFFE0]  }
0x8c: {  	v55 =	vbroadcast v3, $0xD;
	[tilespmem:s25+$0xFFFFFFB0] =	vst v4;
	v4 =	vmul.f32 v52, v53;
	_ =	sdelay $0x1  }
0x8d: {  	v57 =	vbroadcast v3, $0xE;
	[tilespmem:s25+$0xFFFFFFC0] =	vst v4;
	v4 =	vmul.f32 v54, v55  }
0x8e: {  	v58 =	vbroadcast v2, $0x8;
	v59 =	vbroadcast v2, $0x9  }
0x8f: {  	s30 =	sadd.s32 $0x8, s24;
	v60 =	vbroadcast v2, $0xA;
	[tilespmem:s25+$0xFFFFFFD0] =	vst v4;
	v4 =	vmul.f32 v56, v57  }
0x90: {  	v61 =	vld [tilespmem:s25+$0xFFFFFFF0];
	v62 =	vbroadcast v2, $0xB;
	v63 =	vmov s30;
	v5 =	vsel vm0, v58, v59  }
0x91: {  	v12 =	vshll.u32 v63, $0x3;
	[tilespmem:s25+$0xFFFFFFE0] =	vst v4;
	v4 =	vsel vm1, v5, v60  }
0x92: {  	v5 =	vor.u32 v0, v12;
	v4 =	vsel vm2, v4, v62  }
0x93: {  	v3 =	vbroadcast v3, $0xF;
	v5 =	vor.u32 v1, v5;
	v4 =	vshll.u32 v4, $0x3  }
0x94: {  	v4 =	vor.u32 v1, v4  }
0x95: {  	v3 =	vmul.f32 v61, v3;
	_ =	sdelay $0x1  }
0x96: {  	[tilespmem:s25+$0xFFFFFFF0] =	vst v3  }
0x97: {  	v3 =	vld.idx.msk [tilespmem:v5+s18+$0x0], $0xffff  }
0x98: {  	v4 =	vld.idx.msk [tilespmem:v4+s13+$0x0], $0xffff;
	_ =	sdelay $0x3  }
0x99: {  	v13 =	vld [tilespmem:s25+$0x0]  }
0x9a: {  	v3 =	vmul.f32 v4, v3  }
0x9b: {  	v14 =	vld [tilespmem:s25+$0x10]  }
0x9c: {  	v4 =	vbroadcast v3, $0x0  }
0x9d: {  	v16 =	vld [tilespmem:s25+$0x20]  }
0x9e: {  	v15 =	vbroadcast v3, $0x1;
	v4 =	vmul.f32 v4, v13  }
0x9f: {  	v18 =	vld [tilespmem:s25+$0x30]  }
0xa0: {  	v17 =	vbroadcast v3, $0x2;
	[tilespmem:s25+$0x0] =	vst v4;
	v4 =	vmul.f32 v14, v15  }
0xa1: {  	v20 =	vld [tilespmem:s25+$0x40]  }
0xa2: {  	v19 =	vbroadcast v3, $0x3;
	[tilespmem:s25+$0x10] =	vst v4;
	v4 =	vmul.f32 v16, v17  }
0xa3: {  	v22 =	vld [tilespmem:s25+$0x50]  }
0xa4: {  	v21 =	vbroadcast v3, $0x4;
	[tilespmem:s25+$0x20] =	vst v4;
	v4 =	vmul.f32 v18, v19  }
0xa5: {  	v24 =	vld [tilespmem:s25+$0x60]  }
0xa6: {  	v23 =	vbroadcast v3, $0x5;
	[tilespmem:s25+$0x30] =	vst v4;
	v4 =	vmul.f32 v20, v21  }
0xa7: {  	v26 =	vld [tilespmem:s25+$0x70]  }
0xa8: {  	v25 =	vbroadcast v3, $0x6;
	[tilespmem:s25+$0x40] =	vst v4;
	v4 =	vmul.f32 v22, v23  }
0xa9: {  	v28 =	vld [tilespmem:s25+$0x80]  }
0xaa: {  	v27 =	vbroadcast v3, $0x7;
	[tilespmem:s25+$0x50] =	vst v4;
	v4 =	vmul.f32 v24, v25  }
0xab: {  	v30 =	vld [tilespmem:s25+$0x90]  }
0xac: {  	v29 =	vbroadcast v3, $0x8;
	[tilespmem:s25+$0x60] =	vst v4;
	v4 =	vmul.f32 v26, v27  }
0xad: {  	v32 =	vld [tilespmem:s25+$0xA0]  }
0xae: {  	v31 =	vbroadcast v3, $0x9;
	[tilespmem:s25+$0x70] =	vst v4;
	v4 =	vmul.f32 v28, v29  }
0xaf: {  	v34 =	vld [tilespmem:s25+$0xB0]  }
0xb0: {  	v33 =	vbroadcast v3, $0xA;
	[tilespmem:s25+$0x80] =	vst v4;
	v4 =	vmul.f32 v30, v31  }
0xb1: {  	v36 =	vld [tilespmem:s25+$0xC0]  }
0xb2: {  	v35 =	vbroadcast v3, $0xB;
	[tilespmem:s25+$0x90] =	vst v4;
	v4 =	vmul.f32 v32, v33  }
0xb3: {  	v38 =	vld [tilespmem:s25+$0xD0]  }
0xb4: {  	v37 =	vbroadcast v3, $0xC;
	[tilespmem:s25+$0xA0] =	vst v4;
	v4 =	vmul.f32 v34, v35  }
0xb5: {  	v40 =	vld [tilespmem:s25+$0xE0]  }
0xb6: {  	v39 =	vbroadcast v3, $0xD;
	[tilespmem:s25+$0xB0] =	vst v4;
	v4 =	vmul.f32 v36, v37;
	_ =	sdelay $0x1  }
0xb7: {  	v41 =	vbroadcast v3, $0xE;
	[tilespmem:s25+$0xC0] =	vst v4;
	v4 =	vmul.f32 v38, v39  }
0xb8: {  	v42 =	vbroadcast v2, $0xC;
	v43 =	vbroadcast v2, $0xD  }
0xb9: {  	s31 =	sadd.s32 $0xC, s24;
	v44 =	vbroadcast v2, $0xE;
	[tilespmem:s25+$0xD0] =	vst v4;
	v4 =	vmul.f32 v40, v41  }
0xba: {  	v45 =	vld [tilespmem:s25+$0xF0];
	v2 =	vbroadcast v2, $0xF;
	v46 =	vmov s31;
	v5 =	vsel vm0, v42, v43  }
0xbb: {  	v47 =	vshll.u32 v46, $0x3;
	[tilespmem:s25+$0xE0] =	vst v4;
	v4 =	vsel vm1, v5, v44  }
0xbc: {  	v48 =	vor.u32 v0, v47;
	v2 =	vsel vm2, v4, v2  }
0xbd: {  	v3 =	vbroadcast v3, $0xF;
	v4 =	vor.u32 v1, v48;
	v2 =	vshll.u32 v2, $0x3  }
0xbe: {  	v2 =	vor.u32 v1, v2  }
0xbf: {  	v3 =	vmul.f32 v45, v3;
	_ =	sdelay $0x1  }
0xc0: {  	[tilespmem:s25+$0xF0] =	vst v3  }
0xc1: {  	v3 =	vld.idx.msk [tilespmem:v4+s18+$0x0], $0xffff  }
0xc2: {  	v2 =	vld.idx.msk [tilespmem:v2+s13+$0x0], $0xffff;
	_ =	sdelay $0x3  }
0xc3: {  	v49 =	vld [tilespmem:s25+$0x100]  }
0xc4: {  	v2 =	vmul.f32 v2, v3;
	_ =	sdelay $0x1  }
0xc5: {  	v3 =	vbroadcast v2, $0x0;
	_ =	sdelay $0x1  }
0xc6: {  	v3 =	vmul.f32 v3, v49;
	_ =	sdelay $0x1  }
0xc7: {  	[tilespmem:s25+$0x100] =	vst v3;
	v3 =	vld [tilespmem:s25+$0x110];
	_ =	sdelay $0x2  }
0xc8: {  	v50 =	vbroadcast v2, $0x1;
	_ =	sdelay $0x1  }
0xc9: {  	v3 =	vmul.f32 v3, v50;
	_ =	sdelay $0x1  }
0xca: {  	[tilespmem:s25+$0x110] =	vst v3;
	v3 =	vld [tilespmem:s25+$0x120];
	_ =	sdelay $0x2  }
0xcb: {  	v51 =	vbroadcast v2, $0x2;
	_ =	sdelay $0x1  }
0xcc: {  	v3 =	vmul.f32 v3, v51;
	_ =	sdelay $0x1  }
0xcd: {  	[tilespmem:s25+$0x120] =	vst v3;
	v3 =	vld [tilespmem:s25+$0x130];
	_ =	sdelay $0x2  }
0xce: {  	v52 =	vbroadcast v2, $0x3;
	_ =	sdelay $0x1  }
0xcf: {  	v3 =	vmul.f32 v3, v52;
	_ =	sdelay $0x1  }
0xd0: {  	[tilespmem:s25+$0x130] =	vst v3;
	v3 =	vld [tilespmem:s25+$0x140];
	_ =	sdelay $0x2  }
0xd1: {  	v53 =	vbroadcast v2, $0x4;
	_ =	sdelay $0x1  }
0xd2: {  	v3 =	vmul.f32 v3, v53;
	_ =	sdelay $0x1  }
0xd3: {  	[tilespmem:s25+$0x140] =	vst v3;
	v3 =	vld [tilespmem:s25+$0x150];
	_ =	sdelay $0x2  }
0xd4: {  	v54 =	vbroadcast v2, $0x5;
	_ =	sdelay $0x1  }
0xd5: {  	v3 =	vmul.f32 v3, v54;
	_ =	sdelay $0x1  }
0xd6: {  	[tilespmem:s25+$0x150] =	vst v3;
	v3 =	vld [tilespmem:s25+$0x160];
	_ =	sdelay $0x2  }
0xd7: {  	v55 =	vbroadcast v2, $0x6;
	_ =	sdelay $0x1  }
0xd8: {  	v3 =	vmul.f32 v3, v55;
	_ =	sdelay $0x1  }
0xd9: {  	[tilespmem:s25+$0x160] =	vst v3;
	v3 =	vld [tilespmem:s25+$0x170];
	_ =	sdelay $0x2  }
0xda: {  	v56 =	vbroadcast v2, $0x7;
	_ =	sdelay $0x1  }
0xdb: {  	v3 =	vmul.f32 v3, v56;
	_ =	sdelay $0x1  }
0xdc: {  	[tilespmem:s25+$0x170] =	vst v3;
	v3 =	vld [tilespmem:s25+$0x180];
	_ =	sdelay $0x2  }
0xdd: {  	v57 =	vbroadcast v2, $0x8;
	_ =	sdelay $0x1  }
0xde: {  	v3 =	vmul.f32 v3, v57;
	_ =	sdelay $0x1  }
0xdf: {  	[tilespmem:s25+$0x180] =	vst v3;
	v3 =	vld [tilespmem:s25+$0x190];
	_ =	sdelay $0x2  }
0xe0: {  	v58 =	vbroadcast v2, $0x9;
	_ =	sdelay $0x1  }
0xe1: {  	v3 =	vmul.f32 v3, v58;
	_ =	sdelay $0x1  }
0xe2: {  	[tilespmem:s25+$0x190] =	vst v3;
	v3 =	vld [tilespmem:s25+$0x1A0];
	_ =	sdelay $0x2  }
0xe3: {  	v59 =	vbroadcast v2, $0xA;
	_ =	sdelay $0x1  }
0xe4: {  	v3 =	vmul.f32 v3, v59;
	_ =	sdelay $0x1  }
0xe5: {  	[tilespmem:s25+$0x1A0] =	vst v3;
	v3 =	vld [tilespmem:s25+$0x1B0];
	_ =	sdelay $0x2  }
0xe6: {  	v60 =	vbroadcast v2, $0xB;
	_ =	sdelay $0x1  }
0xe7: {  	v3 =	vmul.f32 v3, v60;
	_ =	sdelay $0x1  }
0xe8: {  	[tilespmem:s25+$0x1B0] =	vst v3;
	v3 =	vld [tilespmem:s25+$0x1C0];
	_ =	sdelay $0x2  }
0xe9: {  	v61 =	vbroadcast v2, $0xC;
	_ =	sdelay $0x1  }
0xea: {  	v3 =	vmul.f32 v3, v61;
	_ =	sdelay $0x1  }
0xeb: {  	[tilespmem:s25+$0x1C0] =	vst v3;
	v3 =	vld [tilespmem:s25+$0x1D0];
	_ =	sdelay $0x2  }
0xec: {  	v62 =	vbroadcast v2, $0xD;
	_ =	sdelay $0x1  }
0xed: {  	v3 =	vmul.f32 v3, v62;
	_ =	sdelay $0x1  }
0xee: {  	[tilespmem:s25+$0x1D0] =	vst v3;
	v3 =	vld [tilespmem:s25+$0x1E0];
	_ =	sdelay $0x2  }
0xef: {  	v63 =	vbroadcast v2, $0xE;
	_ =	sdelay $0x1  }
0xf0: {  	v3 =	vmul.f32 v3, v63;
	_ =	sdelay $0x1  }
0xf1: {  	[tilespmem:s25+$0x1E0] =	vst v3;
	v3 =	vld [tilespmem:s25+$0x1F0];
	_ =	sdelay $0x1  }
0xf2: {  	p1 =	sne.s32 s24, $0x70  }
.Ltmp5:
0xf3: {  	v2 =	vbroadcast v2, $0xF;
	(pc) =	sbr.rel @p1 .LBB2_4-.Ltmp5, $3  }
0xf4: {  	_ = 	snop  }
0xf5: {  	v2 =	vmul.f32 v3, v2;
	_ =	sdelay $0x1  }
0xf6: {  	s23 =	sadd.s32 $0x10, s23;
	s24 =	sadd.s32 $0x10, s24;
	[tilespmem:s25+$0x1F0] =	vst v2;
	s25 =	sadd.s32 $0x400, s25  }
.Ltmp6:
0xf7: {  	(pc) =	sbr.rel .LBB2_6-.Ltmp6, $4  }
0xf8: {  	[spmem:s1] =	stream.indirect.scatter.add.f32 [tilespmem:s17], [sflag:$0x2], $0x40, s20, s20, $0xb8;
	[tilespmem:$0x1F9C0] =	vst v63  }
0xf9: {  	_ =	swait.ge [sflag:s14], $0x2000  }
0xfa: {  	[sflag:s14] =	ssyncset.done $0x0  }
0xfb: {  	[sflag:s14] =	ssyncadd.s32 $0xFFFFE000  }
.LBB2_8:
0xfc: {  	_ =	sfence.sel $0x180000  }
0xfd: {  	[bflag:$0x0] =	sbarrier.arrive $0xFFFF  }
0xfe: {  	_ =	strace $0x9000004A  }
0xff: {  	s0 =	sadd.s32 @!p0 $0x100000, s0;
	[bflag:$0x2] =	sbarrier.arrive $0xFFFF  }
0x100: {  	[sflag:s0] =	ssyncadd.tile.s32 @!p0 $0x1;
	_ =	shalt  }
.Lfunc_end2:
_tile_overlayer_lowered:
.L_overlay_start_2:
0x101: {  	(tag) =	ssettag $0x2  }
0x102: {  	s0 =	rddreg [dreg:$0x0];
	s2 =	stileid.u32  }
0x103: {  	s1 =	rddreg [dreg:$0x1];
	p0 =	sne.s32 s2, $0x0  }
0x104: {  	s3 =	rddreg [dreg:$0x2];
	[bflag:$0x3] =	sbarrier.arrive $0xFFFF;
	s2 =	simm.s32 @!p0 $0x1C02  }
0x105: {  	[timem:s3], [sflag:s2] =	dma.local @!p0 [hbm:s0], s1  }
0x106: {  	s0 =	simm.s32 @!p0 $0x2  }
0x107: {  	_ =	swait.ge @!p0 [sflag:s0], s1  }
0x108: {  	s1 =	ssub.s32 @!p0 $0x0, s1;
	[sflag:s0] =	ssyncset.done @!p0 $0x0  }
0x109: {  	[sflag:s0] =	ssyncadd.s32 @!p0 s1  }
0x10a: {  	[bflag:$0x3] =	sbarrier.arrive $0xFFFF  }
0x10b: {  	_ =	shalt  }

// kernel: kernel.7.cloned.1.call-start
scs
__scs_entry_jumppad:
0x0: {  	(pc) =	sbr.rel $0x88, $3  }
0x1: {  	(tag) =	ssettag $0x0;
	lr =	simm.s32 $0x1  }
0x2: {  	[smem:$0x3F99] =	sst lr;
	_ =	strace $0xD0000000  }
0x3: {  	_ = 	snop  }
0x4: {  	_ = 	snop  }
0x5: {  	_ = 	snop  }
0x6: {  	_ = 	snop  }
0x7: {  	_ = 	snop  }
__scs_overlays_trampoline_lowered:
0x8: {  	[smem:$0x3FA8] =	sst s0  }
0x9: {  	[smem:$0x3FA9] =	sst s1  }
0xa: {  	[smem:$0x3FAA] =	sst s2  }
0xb: {  	[smem:$0x3FAB] =	sst s3  }
0xc: {  	[smem:$0x3FAC] =	sst s4  }
0xd: {  	[smem:$0x3FAD] =	sst s5  }
0xe: {  	[smem:$0x3FAE] =	sst s6  }
0xf: {  	[smem:$0x3FAF] =	sst s7  }
0x10: {  	[smem:$0x3FB0] =	sst s8  }
0x11: {  	[smem:$0x3FB1] =	sst s9;
	s0 =	simm.s32 @!p0 $0x0  }
0x12: {  	s1 =	sld [smem:$0x3F97];
	s0 =	simm.s32 @p0 $0x1  }
0x13: {  	[smem:$0x3FB2] =	sst s0;
	s0 =	simm.s32 @!p1 $0x0  }
0x14: {  	s2 =	sld [smem:$0x3F96];
	s0 =	simm.s32 @p1 $0x1  }
0x15: {  	[smem:$0x3FB3] =	sst s0;
	s0 =	simm.s32 @!p2 $0x0  }
0x16: {  	s3 =	sld [smem:$0x3FDB];
	s0 =	simm.s32 @p2 $0x1  }
0x17: {  	s4 =	simm.s32 $0x1BF5;
	[smem:$0x3FB5] =	sst s0  }
0x18: {  	s0 =	sld [smem:$0x3F98];
	_ =	swait.ge [sflag:s4], $0x0  }
0x19: {  	s7 =	sld [smem:$0x3F99]  }
0x1a: {  	s8 =	sadd.s32 $0xFFFFE003, lr  }
0x1b: {  	s9 =	sadd.s32 $0xFFFFFEF7, lr;
	s5 =	simm.s32 $0xFFFFFFFF;
	p2 =	slt.u32 s8, $0xFFFFF086  }
0x1c: {  	p1 =	slt.u32 s9, $0xF7A;
	s5 =	simm.s32 @!p2 $0x0  }
0x1d: {  	s5 =	simm.s32 @p1 $0x1;
	p0 =	seq.s32 s7, s2  }
0x1e: {  	s7 =	smul.u32 @!p0 $0xF7A, s2;
	p2 =	seq.s32 @!p0 s5, $0x0  }
0x1f: {  	s9 =	smul.u32 $0xF7A, s1;
	s8 =	simm.s32 @!p0 $0x1BF5;
	p2 =	por !p2, p0  }
0x20: {  	[sflag:s8] =	ssyncset.s32 @!p0 $0xFFFFF086;
	s6 =	sadd.s32 @!p0 s3, s7;
	s7 =	simm.s32 @!p0 $0x108  }
0x21: {  	s3 =	sadd.s32 s3, s9;
	s6 =	sadd.s32 @!p0 $0x88, s6;
	s7 =	simm.s32 @p2 $0x1082  }
0x22: {  	[simem:s7], [sflag:s8] =	dma.local @!p0 [hbm:s6], $0xF7A  }
0x23: {  	s9 =	sor.u32 $0xD0000000, s2;
	s6 =	simm.s32 $0x108;
	_ =	swait.ge @!p0 [sflag:s8], $0x0  }
0x24: {  	s3 =	sadd.s32 $0x88, s3;
	s6 =	simm.s32 @!p1 $0x1082;
	[sflag:s4] =	ssyncset.s32 $0xFFFFF086  }
0x25: {  	[simem:s6], [sflag:s4] =	dma.local [hbm:s3], $0xF7A  }
0x26: {  	[smem:$0x3F99] =	sst s1;
	(tag) =	ssettag s2;
	_ =	strace s9  }
0x27: {  	s1 =	sld [smem:$0x3FA9]  }
0x28: {  	s2 =	sld [smem:$0x3FAA]  }
0x29: {  	s4 =	sld [smem:$0x3FAC]  }
0x2a: {  	p0 =	seq.s32 s5, $0x0;
	s5 =	sld [smem:$0x3FAD]  }
0x2b: {  	s6 =	sld [smem:$0x3FAE]  }
0x2c: {  	s7 =	sld [smem:$0x3FAF]  }
0x2d: {  	s3 =	simm.s32 $0x108;
	s8 =	sld [smem:$0x3FB0]  }
0x2e: {  	s3 =	simm.s32 @!p0 $0x1082;
	s9 =	sld [smem:$0x3FB1]  }
0x2f: {  	lr =	sadd.s32 s0, s3;
	s0 =	sld [smem:$0x3FA8]  }
0x30: {  	s3 =	sld [smem:$0x3FAB]  }
0x31: {  	[smem:$0x3FB4] =	sst s10  }
0x32: {  	s10 =	sld [smem:$0x3FB2];
	_ =	sdelay $0x3  }
0x33: {  	p0 =	seq.s32 s10, $0x1;
	s10 =	sld [smem:$0x3FB4];
	_ =	sdelay $0x3  }
0x34: {  	[smem:$0x3FB4] =	sst s10  }
0x35: {  	s10 =	sld [smem:$0x3FB3];
	_ =	sdelay $0x3  }
0x36: {  	p1 =	seq.s32 s10, $0x1;
	s10 =	sld [smem:$0x3FB4];
	_ =	sdelay $0x3  }
0x37: {  	[smem:$0x3FB4] =	sst s10  }
0x38: {  	s10 =	sld [smem:$0x3FB5]  }
0x39: {  	_ = 	snop;
	(pc) =	sbr.ind lr, $3  }
0x3a: {  	_ = 	snop  }
0x3b: {  	_ = 	snop  }
0x3c: {  	p2 =	seq.s32 s10, $0x1;
	s10 =	sld [smem:$0x3FB4]  }
0x3d: {  	_ =	shalt  }
0x3e: {  	_ =	shalt  }
0x3f: {  	_ =	shalt  }
0x40: {  	_ =	shalt  }
0x41: {  	_ =	shalt  }
0x42: {  	_ =	shalt  }
0x43: {  	_ =	shalt  }
0x44: {  	_ =	shalt  }
0x45: {  	_ =	shalt  }
0x46: {  	_ =	shalt  }
0x47: {  	_ =	shalt  }
0x48: {  	_ =	shalt  }
0x49: {  	_ =	shalt  }
0x4a: {  	_ =	shalt  }
0x4b: {  	_ =	shalt  }
0x4c: {  	_ =	shalt  }
0x4d: {  	_ =	shalt  }
0x4e: {  	_ =	shalt  }
0x4f: {  	_ =	shalt  }
0x50: {  	_ =	shalt  }
0x51: {  	_ =	shalt  }
0x52: {  	_ =	shalt  }
0x53: {  	_ =	shalt  }
0x54: {  	_ =	shalt  }
0x55: {  	_ =	shalt  }
0x56: {  	_ =	shalt  }
0x57: {  	_ =	shalt  }
0x58: {  	_ =	shalt  }
0x59: {  	_ =	shalt  }
0x5a: {  	_ =	shalt  }
0x5b: {  	_ =	shalt  }
0x5c: {  	_ =	shalt  }
0x5d: {  	_ =	shalt  }
0x5e: {  	_ =	shalt  }
0x5f: {  	_ =	shalt  }
0x60: {  	_ =	shalt  }
0x61: {  	_ =	shalt  }
0x62: {  	_ =	shalt  }
0x63: {  	_ =	shalt  }
0x64: {  	_ =	shalt  }
0x65: {  	_ =	shalt  }
0x66: {  	_ =	shalt  }
0x67: {  	_ =	shalt  }
0x68: {  	_ =	shalt  }
0x69: {  	_ =	shalt  }
0x6a: {  	_ =	shalt  }
0x6b: {  	_ =	shalt  }
0x6c: {  	_ =	shalt  }
0x6d: {  	_ =	shalt  }
0x6e: {  	_ =	shalt  }
0x6f: {  	_ =	shalt  }
0x70: {  	_ =	shalt  }
0x71: {  	_ =	shalt  }
0x72: {  	_ =	shalt  }
0x73: {  	_ =	shalt  }
0x74: {  	_ =	shalt  }
0x75: {  	_ =	shalt  }
0x76: {  	_ =	shalt  }
0x77: {  	_ =	shalt  }
0x78: {  	_ =	shalt  }
0x79: {  	_ =	shalt  }
0x7a: {  	_ =	shalt  }
0x7b: {  	_ =	shalt  }
0x7c: {  	_ =	shalt  }
0x7d: {  	_ =	shalt  }
0x7e: {  	_ =	shalt  }
0x7f: {  	_ =	shalt  }
0x80: {  	_ =	shalt  }
0x81: {  	_ =	shalt  }
0x82: {  	_ =	shalt  }
0x83: {  	_ =	shalt  }
0x84: {  	_ =	shalt  }
0x85: {  	_ =	shalt  }
0x86: {  	_ =	shalt  }
0x87: {  	_ =	shalt  }
.Lfunc_end0:
.L_simem_size_0:
called_computation_lowered:
.L_overlay_start_0:
0x88: {  	s2 =	sld [smem:$0x3FD9]  }
0x89: {  	s3 =	sld [smem:$0x3FFE];
	_ =	sdelay $0x1  }
0x8a: {  	s1 =	srdreg.scid  }
0x8b: {  	s0 =	sand.u32 $0x1, s1  }
0x8c: {  	s16 =	sshll.u32 s0, $0xA;
	s2 =	sadd.s32 s3, s2  }
0x8d: {  	s2 =	sadd.s32 s2, s16  }
0x8e: {  	[smem:$0x3FC0] =	sst s2  }
0x8f: {  	_ = 	snop  }
0x90: {  	(tm) =	ssettm $0x1  }
0x91: {  	s17 =	sld [smem:$0x3FFB];
	_ =	sdelay $0x3  }
0x92: {  	_ =	strace s17  }
0x93: {  	s2 =	sld [smem:$0x3FFC];
	_ =	sdelay $0x3  }
0x94: {  	_ =	strace s2  }
0x95: {  	s2 =	sld [smem:$0x3FFD];
	_ =	sdelay $0x3  }
0x96: {  	_ =	strace s2  }
0x97: {  	_ =	strace $0x8FFFFFFF  }
0x98: {  	s18 =	sld [smem:$0x3FDB];
	_ =	sdelay $0x1  }
0x99: {  	s19 =	simm.s32 $_scs_section_size  }
0x9a: {  	s4 =	simm.s32 $_size__tile_overlayer_lowered;
	s5 =	simm.s32 $_tile_overlayer_lowered  }
0x9b: {  	s22 =	simm.s32 $0x1BFF;
	s21 =	sshll.u32 s5, $0x1;
	s2 =	sadd.s32 s19, s18  }
0x9c: {  	s6 =	simm.s32 $0x0;
	s20 =	sshll.u32 s4, $0x1;
	s4 =	sadd.s32 s21, s2  }
0x9d: {  	[timem:s6], [sflag:s22] =	dma.local [hbm:s4], s20  }
0x9e: {  	_ =	swait.ge [sflag:s22], s20  }
0x9f: {  	s3 =	ssub.s32 $0x0, s20;
	[sflag:s22] =	ssyncset.done $0x0  }
0xa0: {  	[sflag:s22] =	ssyncadd.s32 s3;
	_ =	sdelay $0x1  }
0xa1: {  	s23 =	simm.s32 $0x1B8B  }
0xa2: {  	_ =	swait.ge [sflag:s23], $0x1  }
0xa3: {  	[sflag:s23] =	ssyncset.done $0x0  }
0xa4: {  	s25 =	simm.s32 $0x1B8E;
	s24 =	sld [smem:$0x3FFE];
	[sflag:s23] =	ssyncadd.s32 $0xFFFFFFFF  }
0xa5: {  	s26 =	simm.s32 $execute0_lowered;
	[smem:$0x3FD2] =	sst s25  }
0xa6: {  	s4 =	sshll.u32 s26, $0x1;
	_ =	strace $0x80000046;
	[dreg:$0x1] =	wrdreg $0xFFFFFFFF  }
0xa7: {  	s28 =	simm.s32 $_size_execute0_lowered;
	s2 =	sadd.s32 s2, s4;
	[dreg:$0x0] =	wrdreg $0x0  }
0xa8: {  	s4 =	sshll.u32 s28, $0x1;
	[dreg:$0x2] =	wrdreg s2  }
0xa9: {  	[dreg:$0x3] =	wrdreg s4  }
0xaa: {  	[dreg:$0x4] =	wrdreg $0xC0  }
0xab: {  	_ =	task [dreg:s6], $0x5FFFF  }
0xac: {  	[dreg:$0x1] =	wrdreg $0xFFFFFFFF  }
0xad: {  	[dreg:$0x0] =	wrdreg $0x60  }
0xae: {  	[dreg:$0x2] =	wrdreg s24  }
0xaf: {  	[dreg:$0x3] =	wrdreg $0x86000  }
0xb0: {  	[dreg:$0x4] =	wrdreg $0x9  }
0xb1: {  	_ =	task.clear_ibuf [dreg:s6], $0x5FFFF;
	_ =	strace $0x90000046  }
0xb2: {  	s29 =	simm.s32 $0x9;
	_ =	strace $0x80000048  }
0xb3: {  	_ =	swait.ge [sflag:s29], $0x1  }
0xb4: {  	[sflag:s29] =	ssyncadd.s32 $0xFFFFFFFF  }
0xb5: {  	_ =	strace $0x90000048  }
0xb6: {  	_ =	sfence  }
0xb7: {  	s30 =	sld [smem:$0x0];
	_ =	sdelay $0x2  }
0xb8: {  	s31 =	sshll.u32 s1, $0xD;
	s1 =	sshrl.u32 s1, $0x2  }
0xb9: {  	s3 =	sand.u32 $0x4000, s31;
	s1 =	sadd.s32 s1, s30  }
0xba: {  	s0 =	sor.u32 s3, s0;
	s1 =	sshll.u32 s1, $0x11  }
0xbb: {  	s0 =	sor.u32 s1, s0  }
0xbc: {  	s0 =	sadd.s32 $0x8F2B, s0  }
0xbd: {  	[sflag:s0] =	ssyncadd.remote.s32 $0x1  }
0xbe: {  	_ =	sfence.sel $0xFFFF  }
0xbf: {  	[dreg:$0x0] =	wrdreg $0xFFFFFFFF;
	(pc) =	sbr.abs _section_cstart, $3  }
0xc0: {  	[dreg:$0x1] =	wrdreg $0xFFFFFFFF  }
0xc1: {  	_ =	task.clear_ibuf [dreg:s6], $0x2FFFF;
	_ =	strace $0x9FFFFFFF  }
0xc2: {  	(tm) =	ssettm $0x7FFFFFFF  }
0xc3: {  	_ =	shalt  }
tec
execute0_lowered:
.L_overlay_start_1:
0x0: {  	(tag) =	ssettag $0x1  }
0x1: {  	s0 =	rddreg [dreg:$0x0]  }
0x2: {  	s1 =	rddreg [dreg:$0x1]  }
0x3: {  	s3 =	srdreg.scid;
	s2 =	simm.s32 $0x0;
	s15 =	simm.s32 $0x80  }
0x4: {  	s16 =	simm.s32 $0x4E200;
	s17 =	simm.s32 $0x2;
	s18 =	simm.s32 $0x200  }
0x5: {  	s19 =	simm.s32 $0x4200;
	s20 =	simm.s32 $0x1;
	s21 =	simm.s32 $0x100  }
0x6: {  	s22 =	simm.s32 $0x3;
	s23 =	simm.s32 $0x2200;
	s24 =	simm.s32 $0x180  }
0x7: {  	v0 =	vimm.s32 $0x13121110;
	v1 =	vimm.s32 $0x1B1A1918;
	s25 =	simm.s32 $0x6200;
	s26 =	simm.s32 $0x8200;
	s28 =	simm.s32 $0x0  }
0x8: {  	s4 =	sand.u32 $0x1, s3;
	[smem:$0x7FF] =	sst s2;
	s5 =	sadd.s32 $0x3D400, s0;
	v0 =	vunpack.c.0.s8.s32 v0;
	v1 =	vunpack.c.0.s8.s32 v1  }
0x9: {  	vm1 =	vcmask $0x1F10;
	s6 =	sadd.s32 $0xD9800, s0;
	s3 =	smul.u32 $0x13880, s4;
	_ =	strace $0x80000047  }
0xa: {  	vm0 =	vmmov $0x1;
	[dreg:$0x3] =	wrdreg s5;
	s5 =	stileid.u32;
	s8 =	ssub.s32 $0x2, s4;
	v0 =	vsel vm1, v1, v0;
	v1 =	vimm.s32 $0xBA983210  }
0xb: {  	vm2 =	vmmov $0x7;
	vm3 =	vmmov $0xf;
	s7 =	smul.u32 $0x2710, s4;
	s10 =	sshrl.u32 s8, $0x1;
	s11 =	sshll.u32 s5, $0x4;
	v1 =	vunpack.c.l.s4.s8 v1  }
.Ltmp0:
0xc: {  	vm4 =	vmmov $0x1f;
	vm5 =	vmmov $0x3f;
	vm6 =	vmmov $0x7f;
	p0 =	sne.s32 s5, $0x0;
	s9 =	sadd.s32 s3, s0;
	(pc) =	sbr.rel .LBB2_1-.Ltmp0, $4  }
0xd: {  	vm7 =	vmmov $0xff;
	vm8 =	vmmov $0x1ff;
	s3 =	sadd.s32 $0x2800, s0;
	s12 =	sadd.s32 s7, s0;
	s13 =	ssub.s32 s8, s10;
	v1 =	vunpack.c.0.s8.s32 v1  }
0xe: {  	vm9 =	vmmov $0x3ff;
	vm10 =	vmmov $0x7ff;
	vm11 =	vmmov $0xfff;
	s10 =	smul.u32 $0x271000, s4;
	s14 =	sshrl.u32 @!p0 s1, $0x3;
	s31 =	sadd.s32 s3, s11  }
0xf: {  	vm12 =	vmmov $0x1fff;
	vm13 =	vmmov $0x3fff;
	s8 =	sadd.s32 $0xB2600, s9;
	s9 =	sadd.s32 $0x16200, s9;
	s11 =	sadd.s32 $0x2A00, s0;
	v1 =	vand.u32 $0xF, v1  }
0x10: {  	vm14 =	vmmov $0x7fff;
	vm1 =	vmmov $0x3;
	s12 =	sadd.s32 $0x3FC00, s12;
	s13 =	smax.u32 s13, $0x1;
	[dreg:$0x4] =	wrdreg s31;
	v0 =	vcombine.low v1, v0  }
.LBB2_18:
0x11: {  	[bflag:$0x0] =	sbarrier.arrive $0xFFFF;
	s0 =	simm.s32 @!p0 $0x1C02;
	s28 =	sadd.s32 $0x1, s28  }
0x12: {  	[hbm:s12], [sflag:s0] =	dma.local @!p0 [spmem:s14], $0x2710  }
0x13: {  	p1 =	sne.s32 s28, s13  }
.Ltmp1:
0x14: {  	_ = 	snop;
	(pc) =	sbr.rel @!p1 .LBB2_19-.Ltmp1, $4  }
0x15: {  	s0 =	simm.s32 @!p0 $0x2  }
0x16: {  	_ =	swait.ge @!p0 [sflag:s0], $0x2710  }
0x17: {  	[sflag:s0] =	ssyncset.done @!p0 $0x0  }
0x18: {  	[sflag:s0] =	ssyncadd.s32 @!p0 $0xFFFFD8F0  }
.LBB2_1:
0x19: {  	s0 =	simm.s32 @!p0 $0x1C02;
	s4 =	rddreg [dreg:$0x3]  }
0x1a: {  	[spmem:s14], [sflag:s0] =	dma.local @!p0 [hbm:s4], $0x2710  }
0x1b: {  	s0 =	simm.s32 @!p0 $0x2  }
0x1c: {  	_ =	swait.ge @!p0 [sflag:s0], $0x2710  }
0x1d: {  	[sflag:s0] =	ssyncset.done @!p0 $0x0  }
0x1e: {  	[sflag:s0] =	ssyncadd.s32 @!p0 $0xFFFFD8F0  }
0x1f: {  	[bflag:$0x0] =	sbarrier.arrive $0xFFFF  }
0x20: {  	s31 =	rddreg [dreg:$0x4]  }
0x21: {  	[tilespmem:s2], [sflag:$0x2] =	stream.strided.gather [hbm4b:s31+s15], $0x100, s16, s15, $0x38;
	[tilespmem:$0x8FC8] =	vst v63  }
0x22: {  	_ =	swait.ge [sflag:s17], $0x100  }
0x23: {  	[sflag:s17] =	ssyncset.done $0x0  }
0x24: {  	[sflag:s17] =	ssyncadd.s32 $0xFFFFFF00  }
0x25: {  	[tilespmem:s18], [sflag:$0x1] =	stream.indirect.gather [hbm4b:s8+s15], $0x40, s2, s15, $0xb8;
	[tilespmem:$0x8FC8] =	vst v63  }
0x26: {  	_ = 	snop  }
0x27: {  	[tilespmem:s19], [sflag:$0x1] =	stream.indirect.gather [hbm4b:s9+s15], $0x40, s15, s15, $0xb8;
	[tilespmem:$0x8FC8] =	vst v63  }
0x28: {  	_ =	swait.ge [sflag:s20], $0x2000  }
.Ltmp2:
0x29: {  	[sflag:s20] =	ssyncset.done $0x0;
	(pc) =	sbr.rel .LBB2_2-.Ltmp2, $4  }
0x2a: {  	[sflag:s20] =	ssyncadd.s32 $0xFFFFE000  }
0x2b: {  	_ =	swait.ge [sflag:s20], $0x2000  }
0x2c: {  	[sflag:s20] =	ssyncset.done $0x0  }
0x2d: {  	s29 =	simm.s32 $0x0;
	[sflag:s20] =	ssyncadd.s32 $0xFFFFE000  }
.LBB2_12:
0x2e: {  	s0 =	sshll.u32 s31, $0xA  }
0x2f: {  	s0 =	sadd.s32 s10, s0  }
0x30: {  	s0 =	sshrl.u32 s0, $0x3  }
0x31: {  	s0 =	sadd.s32 s6, s0  }
0x32: {  	[hbm4b:s0+s2] =	stream.linear.scatter [tilespmem:s26], [sflag:$0x3], $0x400, $0x38;
	[tilespmem:$0x8FC8] =	vst v63  }
0x33: {  	_ =	swait.ge [sflag:s22], $0x400  }
0x34: {  	[sflag:s22] =	ssyncset.done $0x0  }
0x35: {  	[sflag:s22] =	ssyncadd.s32 $0xFFFFFC00  }
0x36: {  	[spmem:s1] =	stream.indirect.scatter.add.f32 [tilespmem:s26], [sflag:$0x3], $0x4, s15, s15, $0xb8;
	[tilespmem:$0x8FC8] =	vst v63  }
0x37: {  	_ =	swait.ge [sflag:s22], $0x200  }
0x38: {  	[sflag:s22] =	ssyncset.done $0x0  }
0x39: {  	[sflag:s22] =	ssyncadd.s32 $0xFFFFFE00  }
.LBB2_17:
0x3a: {  	s29 =	sadd.s32 $0x1, s29  }
0x3b: {  	p1 =	sne.s32 s29, $0x4F  }
.Ltmp3:
0x3c: {  	_ = 	snop;
	(pc) =	sbr.rel @!p1 .LBB2_18-.Ltmp3, $1  }
0x3d: {  	_ =	sdelay $0x3  }
.LBB2_2:
0x3e: {  	s0 =	sshll.u32 s29, $0x5  }
0x3f: {  	s31 =	sor.u32 s5, s0  }
0x40: {  	s30 =	sor.u32 $0x10, s31  }
0x41: {  	p1 =	sgt.u32 s30, $0x9C3  }
.Ltmp4:
0x42: {  	_ = 	snop;
	(pc) =	sbr.rel @p1 .LBB2_9-.Ltmp4, $1  }
0x43: {  	_ =	sdelay $0x3  }
0x44: {  	s0 =	sshll.u32 s30, $0x4  }
0x45: {  	s0 =	sadd.s32 s3, s0  }
0x46: {  	[tilespmem:s21], [sflag:$0x3] =	stream.strided.gather [hbm4b:s0+s15], $0x100, s16, s15, $0x38;
	[tilespmem:$0x8FC8] =	vst v63  }
0x47: {  	_ =	swait.ge [sflag:s22], $0x100  }
0x48: {  	[sflag:s22] =	ssyncset.done $0x0  }
0x49: {  	[sflag:s22] =	ssyncadd.s32 $0xFFFFFF00  }
0x4a: {  	[tilespmem:s23], [sflag:$0x1] =	stream.indirect.gather [hbm4b:s8+s15], $0x40, s21, s15, $0xb8;
	[tilespmem:$0x8FC8] =	vst v63  }
0x4b: {  	s4 =	simm.s32 $0x8200;
	s0 =	simm.s32 $0x0  }
0x4c: {  	[tilespmem:s25], [sflag:$0x1] =	stream.indirect.gather [hbm4b:s9+s15], $0x40, s24, s15, $0xb8;
	[tilespmem:$0x8FC8] =	vst v63  }
.LBB2_4:
0x4d: {  	s7 =	sshra.s32 s0, $0x2  }
0x4e: {  	v1 =	vld [tilespmem:s7+$0x200]  }
0x4f: {  	v2 =	vld [tilespmem:s7+$0x4200]  }
0x50: {  	v3 =	vld [tilespmem:s7+$0x210]  }
0x51: {  	v4 =	vld [tilespmem:s7+$0x4210]  }
0x52: {  	v5 =	vld [tilespmem:s7+$0x220]  }
0x53: {  	v6 =	vld [tilespmem:s7+$0x4220]  }
0x54: {  	v7 =	vld [tilespmem:s7+$0x230]  }
0x55: {  	v8 =	vld [tilespmem:s7+$0x4230]  }
0x56: {  	v9 =	vld [tilespmem:s7+$0x240]  }
0x57: {  	v10 =	vld [tilespmem:s7+$0x4240]  }
0x58: {  	v11 =	vld [tilespmem:s7+$0x250]  }
0x59: {  	v12 =	vld [tilespmem:s7+$0x4250]  }
0x5a: {  	v13 =	vld [tilespmem:s7+$0x260]  }
0x5b: {  	v14 =	vld [tilespmem:s7+$0x4260]  }
0x5c: {  	v15 =	vld [tilespmem:s7+$0x270]  }
0x5d: {  	v16 =	vld [tilespmem:s7+$0x4270]  }
0x5e: {  	v17 =	vld [tilespmem:s7+$0x280]  }
0x5f: {  	v18 =	vld [tilespmem:s7+$0x4280]  }
0x60: {  	v19 =	vld [tilespmem:s7+$0x290]  }
0x61: {  	v20 =	vld [tilespmem:s7+$0x4290]  }
0x62: {  	v35 =	vld [tilespmem:s7+$0x42A0];
	v1 =	vmul.f32 v2, v1  }
0x63: {  	v36 =	vld [tilespmem:s7+$0x2B0];
	v3 =	vmul.f32 v4, v3  }
0x64: {  	v37 =	vld [tilespmem:s7+$0x42B0];
	(xrf2) =	vadd.scan.msk.f32 $0xffff, v1;
	v1 =	vmul.f32 v6, v5  }
0x65: {  	v38 =	vld [tilespmem:s7+$0x2C0];
	(xrf2) =	vadd.scan.msk.f32 $0xffff, v3;
	v3 =	vmul.f32 v8, v7  }
0x66: {  	v39 =	vld [tilespmem:s7+$0x42C0];
	(xrf2) =	vadd.scan.msk.f32 $0xffff, v1;
	v1 =	vmul.f32 v10, v9  }
0x67: {  	v2 =	vld [tilespmem:s7+$0x2A0];
	(xrf2) =	vadd.scan.msk.f32 $0xffff, v3;
	v3 =	vmul.f32 v12, v11  }
0x68: {  	v40 =	vld [tilespmem:s7+$0x2D0];
	(xrf2) =	vadd.scan.msk.f32 $0xffff, v1;
	v1 =	vmul.f32 v14, v13  }
0x69: {  	v41 =	vld [tilespmem:s7+$0x42D0];
	(xrf2) =	vadd.scan.msk.f32 $0xffff, v3;
	v3 =	vmul.f32 v16, v15  }
0x6a: {  	v42 =	vld [tilespmem:s7+$0x2E0];
	(xrf2) =	vadd.scan.msk.f32 $0xffff, v1;
	v1 =	vmul.f32 v18, v17  }
0x6b: {  	v43 =	vld [tilespmem:s7+$0x42E0];
	(xrf2) =	vadd.scan.msk.f32 $0xffff, v3;
	v3 =	vmul.f32 v20, v19  }
0x6c: {  	v45 =	vld [tilespmem:s7+$0x42F0];
	(xrf2) =	vadd.scan.msk.f32 $0xffff, v1;
	v1 =	vmul.f32 v35, v2  }
0x6d: {  	v2 =	vmul.f32 v37, v36;
	(xrf2) =	vadd.scan.msk.f32 $0xffff, v3;
	v3 =	vld [tilespmem:s7+$0x2F0]  }
0x6e: {  	v44, _, _ =	vpop (xrf2);
	(xrf2) =	vadd.scan.msk.f32 $0xffff, v1;
	v1 =	vmul.f32 v39, v38  }
0x6f: {  	v47 =	vmul.f32 v41, v40;
	v46, _, _ =	vpop (xrf2);
	(xrf2) =	vadd.scan.msk.f32 $0xffff, v2  }
0x70: {  	v2 =	vbroadcast v44, $0xF;
	v48, _, _ =	vpop (xrf2);
	(xrf2) =	vadd.scan.msk.f32 $0xffff, v1;
	v1 =	vbroadcast v46, $0xF  }
0x71: {  	v49 =	vmul.f32 v43, v42;
	v50, _, _ =	vpop (xrf2);
	(xrf2) =	vadd.scan.msk.f32 $0xffff, v47;
	v51 =	vbroadcast v48, $0xF  }
0x72: {  	v1 =	vsel vm0, v2, v1;
	v2 =	vbroadcast v50, $0xF;
	v52, _, _ =	vpop (xrf2);
	v3 =	vmul.f32 v45, v3  }
0x73: {  	(xrf2) =	vadd.scan.msk.f32 $0xffff, v49;
	v53, _, _ =	vpop (xrf2);
	v1 =	vsel vm1, v1, v51;
	v54 =	vbroadcast v52, $0xF  }
0x74: {  	v55, _, _ =	vpop (xrf2);
	v1 =	vsel vm2, v1, v2;
	v2 =	vbroadcast v53, $0xF  }
0x75: {  	v1 =	vsel vm3, v1, v54;
	v56 =	vbroadcast v55, $0xF;
	v57, _, _ =	vpop (xrf2)  }
0x76: {  	(xrf2) =	vadd.scan.msk.f32 $0xffff, v3;
	v3, _, _ =	vpop (xrf2);
	v1 =	vsel vm4, v1, v2;
	v2 =	vbroadcast v57, $0xF  }
0x77: {  	v58, _, _ =	vpop (xrf2);
	v1 =	vsel vm5, v1, v56;
	v3 =	vbroadcast v3, $0xF  }
0x78: {  	v59, _, _ =	vpop (xrf2);
	v1 =	vsel vm6, v1, v2;
	v2 =	vbroadcast v58, $0xF  }
0x79: {  	v60, _, _ =	vpop (xrf2);
	v1 =	vsel vm7, v1, v3;
	v3 =	vbroadcast v59, $0xF  }
0x7a: {  	v61, _, _ =	vpop (xrf2);
	v1 =	vsel vm8, v1, v2;
	v2 =	vbroadcast v60, $0xF  }
0x7b: {  	v62, _, _ =	vpop (xrf2);
	v1 =	vsel vm9, v1, v3  }
0x7c: {  	v3 =	vbroadcast v61, $0xF;
	v1 =	vsel vm10, v1, v2;
	v2 =	vbroadcast v62, $0xF  }
0x7d: {  	p1 =	seq.s32 s0, $0x7C00;
	v63, _, _ =	vpop (xrf2)  }
.Ltmp5:
0x7e: {  	v1 =	vsel vm11, v1, v3;
	v3 =	vbroadcast v63, $0xF;
	(pc) =	sbr.rel @!p1 .LBB2_4-.Ltmp5, $4  }
0x7f: {  	v1 =	vsel vm12, v1, v2  }
0x80: {  	v1 =	vsel vm13, v1, v3;
	v2, _, _ =	vpop (xrf2)  }
0x81: {  	v1 =	vsel vm14, v1, v2  }
0x82: {  	s0 =	sadd.s32 $0x400, s0;
	[tilespmem:v0+s4+$0x0] =	vst.idx.msk $0xffff, v1;
	s4 =	sadd.s32 $0x20, s4  }
0x83: {  	s0 =	sshll.u32 s31, $0xA  }
0x84: {  	s0 =	sadd.s32 s10, s0  }
0x85: {  	s0 =	sshrl.u32 s0, $0x3  }
0x86: {  	s0 =	sadd.s32 s6, s0  }
0x87: {  	[hbm4b:s0+s2] =	stream.linear.scatter [tilespmem:s26], [sflag:$0x3], $0x400, $0x38;
	[tilespmem:$0x8FC8] =	vst v63  }
0x88: {  	_ =	swait.ge [sflag:s22], $0x400  }
0x89: {  	[sflag:s22] =	ssyncset.done $0x0  }
0x8a: {  	[sflag:s22] =	ssyncadd.s32 $0xFFFFFC00  }
0x8b: {  	[spmem:s1] =	stream.indirect.scatter.add.f32 [tilespmem:s26], [sflag:$0x3], $0x4, s15, s15, $0xb8;
	[tilespmem:$0x8FC8] =	vst v63  }
0x8c: {  	_ =	swait.ge [sflag:s22], $0x200  }
0x8d: {  	[sflag:s22] =	ssyncset.done $0x0  }
0x8e: {  	[sflag:s22] =	ssyncadd.s32 $0xFFFFFE00  }
0x8f: {  	p1 =	sgt.u32 s31, $0x9A3;
	_ =	swait.ge [sflag:s20], $0x2000  }
.Ltmp6:
0x90: {  	[sflag:s20] =	ssyncset.done $0x0;
	(pc) =	sbr.rel @p1 .LBB2_13-.Ltmp6, $4  }
0x91: {  	[sflag:s20] =	ssyncadd.s32 $0xFFFFE000  }
0x92: {  	_ =	swait.ge [sflag:s20], $0x2000  }
0x93: {  	[sflag:s20] =	ssyncset.done $0x0  }
0x94: {  	[sflag:s20] =	ssyncadd.s32 $0xFFFFE000  }
0x95: {  	s0 =	sshll.u32 s31, $0x4  }
0x96: {  	s31 =	simm.s32 $0x0;
	s0 =	sadd.s32 s0, s11  }
0x97: {  	[tilespmem:s31], [sflag:$0x3] =	stream.strided.gather [hbm4b:s0+s15], $0x100, s16, s15, $0x38;
	[tilespmem:$0x8FC8] =	vst v63  }
0x98: {  	_ =	swait.ge [sflag:s22], $0x100  }
0x99: {  	[sflag:s22] =	ssyncset.done $0x0  }
0x9a: {  	[sflag:s22] =	ssyncadd.s32 $0xFFFFFF00  }
0x9b: {  	[tilespmem:s18], [sflag:$0x1] =	stream.indirect.gather [hbm4b:s8+s15], $0x40, s31, s15, $0xb8;
	[tilespmem:$0x8FC8] =	vst v63  }
0x9c: {  	s0 =	simm.s32 $0x8200  }
0x9d: {  	[tilespmem:s19], [sflag:$0x1] =	stream.indirect.gather [hbm4b:s9+s15], $0x40, s15, s15, $0xb8;
	[tilespmem:$0x8FC8] =	vst v63  }
.LBB2_7:
0x9e: {  	s4 =	sshra.s32 s31, $0x2  }
0x9f: {  	v1 =	vld [tilespmem:s4+$0x2200]  }
0xa0: {  	v2 =	vld [tilespmem:s4+$0x6200]  }
0xa1: {  	v3 =	vld [tilespmem:s4+$0x2210]  }
0xa2: {  	v4 =	vld [tilespmem:s4+$0x6210]  }
0xa3: {  	v5 =	vld [tilespmem:s4+$0x2220]  }
0xa4: {  	v6 =	vld [tilespmem:s4+$0x6220]  }
0xa5: {  	v7 =	vld [tilespmem:s4+$0x2230]  }
0xa6: {  	v8 =	vld [tilespmem:s4+$0x6230]  }
0xa7: {  	v9 =	vld [tilespmem:s4+$0x2240]  }
0xa8: {  	v10 =	vld [tilespmem:s4+$0x6240]  }
0xa9: {  	v11 =	vld [tilespmem:s4+$0x2250]  }
0xaa: {  	v12 =	vld [tilespmem:s4+$0x6250]  }
0xab: {  	v13 =	vld [tilespmem:s4+$0x2260]  }
0xac: {  	v14 =	vld [tilespmem:s4+$0x6260]  }
0xad: {  	v15 =	vld [tilespmem:s4+$0x2270]  }
0xae: {  	v16 =	vld [tilespmem:s4+$0x6270]  }
0xaf: {  	v17 =	vld [tilespmem:s4+$0x2280]  }
0xb0: {  	v18 =	vld [tilespmem:s4+$0x6280]  }
0xb1: {  	v19 =	vld [tilespmem:s4+$0x2290]  }
0xb2: {  	v20 =	vld [tilespmem:s4+$0x6290]  }
0xb3: {  	v35 =	vld [tilespmem:s4+$0x62A0];
	v1 =	vmul.f32 v2, v1  }
0xb4: {  	v36 =	vld [tilespmem:s4+$0x22B0];
	v3 =	vmul.f32 v4, v3  }
0xb5: {  	v37 =	vld [tilespmem:s4+$0x62B0];
	(xrf2) =	vadd.scan.msk.f32 $0xffff, v1;
	v1 =	vmul.f32 v6, v5  }
0xb6: {  	v38 =	vld [tilespmem:s4+$0x22C0];
	(xrf2) =	vadd.scan.msk.f32 $0xffff, v3;
	v3 =	vmul.f32 v8, v7  }
0xb7: {  	v39 =	vld [tilespmem:s4+$0x62C0];
	(xrf2) =	vadd.scan.msk.f32 $0xffff, v1;
	v1 =	vmul.f32 v10, v9  }
0xb8: {  	v2 =	vld [tilespmem:s4+$0x22A0];
	(xrf2) =	vadd.scan.msk.f32 $0xffff, v3;
	v3 =	vmul.f32 v12, v11  }
0xb9: {  	v40 =	vld [tilespmem:s4+$0x22D0];
	(xrf2) =	vadd.scan.msk.f32 $0xffff, v1;
	v1 =	vmul.f32 v14, v13  }
0xba: {  	v41 =	vld [tilespmem:s4+$0x62D0];
	(xrf2) =	vadd.scan.msk.f32 $0xffff, v3;
	v3 =	vmul.f32 v16, v15  }
0xbb: {  	v42 =	vld [tilespmem:s4+$0x22E0];
	(xrf2) =	vadd.scan.msk.f32 $0xffff, v1;
	v1 =	vmul.f32 v18, v17  }
0xbc: {  	v43 =	vld [tilespmem:s4+$0x62E0];
	(xrf2) =	vadd.scan.msk.f32 $0xffff, v3;
	v3 =	vmul.f32 v20, v19  }
0xbd: {  	v45 =	vld [tilespmem:s4+$0x62F0];
	(xrf2) =	vadd.scan.msk.f32 $0xffff, v1;
	v1 =	vmul.f32 v35, v2  }
0xbe: {  	v2 =	vmul.f32 v37, v36;
	(xrf2) =	vadd.scan.msk.f32 $0xffff, v3;
	v3 =	vld [tilespmem:s4+$0x22F0]  }
0xbf: {  	v44, _, _ =	vpop (xrf2);
	(xrf2) =	vadd.scan.msk.f32 $0xffff, v1;
	v1 =	vmul.f32 v39, v38  }
0xc0: {  	v47 =	vmul.f32 v41, v40;
	v46, _, _ =	vpop (xrf2);
	(xrf2) =	vadd.scan.msk.f32 $0xffff, v2  }
0xc1: {  	v2 =	vbroadcast v44, $0xF;
	v48, _, _ =	vpop (xrf2);
	(xrf2) =	vadd.scan.msk.f32 $0xffff, v1;
	v1 =	vbroadcast v46, $0xF  }
0xc2: {  	v49 =	vmul.f32 v43, v42;
	v50, _, _ =	vpop (xrf2);
	(xrf2) =	vadd.scan.msk.f32 $0xffff, v47;
	v51 =	vbroadcast v48, $0xF  }
0xc3: {  	v1 =	vsel vm0, v2, v1;
	v2 =	vbroadcast v50, $0xF;
	v52, _, _ =	vpop (xrf2);
	v3 =	vmul.f32 v45, v3  }
0xc4: {  	(xrf2) =	vadd.scan.msk.f32 $0xffff, v49;
	v53, _, _ =	vpop (xrf2);
	v1 =	vsel vm1, v1, v51;
	v54 =	vbroadcast v52, $0xF  }
0xc5: {  	v55, _, _ =	vpop (xrf2);
	v1 =	vsel vm2, v1, v2;
	v2 =	vbroadcast v53, $0xF  }
0xc6: {  	v1 =	vsel vm3, v1, v54;
	v56 =	vbroadcast v55, $0xF;
	v57, _, _ =	vpop (xrf2)  }
0xc7: {  	(xrf2) =	vadd.scan.msk.f32 $0xffff, v3;
	v3, _, _ =	vpop (xrf2);
	v1 =	vsel vm4, v1, v2;
	v2 =	vbroadcast v57, $0xF  }
0xc8: {  	v58, _, _ =	vpop (xrf2);
	v1 =	vsel vm5, v1, v56;
	v3 =	vbroadcast v3, $0xF  }
0xc9: {  	v59, _, _ =	vpop (xrf2);
	v1 =	vsel vm6, v1, v2;
	v2 =	vbroadcast v58, $0xF  }
0xca: {  	v60, _, _ =	vpop (xrf2);
	v1 =	vsel vm7, v1, v3;
	v3 =	vbroadcast v59, $0xF  }
0xcb: {  	v61, _, _ =	vpop (xrf2);
	v1 =	vsel vm8, v1, v2;
	v2 =	vbroadcast v60, $0xF  }
0xcc: {  	v62, _, _ =	vpop (xrf2);
	v1 =	vsel vm9, v1, v3  }
0xcd: {  	v3 =	vbroadcast v61, $0xF;
	v1 =	vsel vm10, v1, v2;
	v2 =	vbroadcast v62, $0xF  }
0xce: {  	p1 =	sne.s32 s31, $0x7C00;
	v63, _, _ =	vpop (xrf2)  }
.Ltmp7:
0xcf: {  	v1 =	vsel vm11, v1, v3;
	v3 =	vbroadcast v63, $0xF;
	(pc) =	sbr.rel @p1 .LBB2_7-.Ltmp7, $4  }
0xd0: {  	v1 =	vsel vm12, v1, v2  }
0xd1: {  	v1 =	vsel vm13, v1, v3;
	v2, _, _ =	vpop (xrf2)  }
0xd2: {  	v1 =	vsel vm14, v1, v2  }
0xd3: {  	s31 =	sadd.s32 $0x400, s31;
	[tilespmem:v0+s0+$0x0] =	vst.idx.msk $0xffff, v1;
	s0 =	sadd.s32 $0x20, s0  }
0xd4: {  	s0 =	sshll.u32 s30, $0xA  }
0xd5: {  	s0 =	sadd.s32 s10, s0  }
0xd6: {  	s0 =	sshrl.u32 s0, $0x3  }
0xd7: {  	s0 =	sadd.s32 s6, s0  }
0xd8: {  	[hbm4b:s0+s2] =	stream.linear.scatter [tilespmem:s26], [sflag:$0x3], $0x400, $0x38;
	[tilespmem:$0x8FC8] =	vst v63  }
0xd9: {  	_ =	swait.ge [sflag:s22], $0x400  }
0xda: {  	[sflag:s22] =	ssyncset.done $0x0  }
0xdb: {  	[sflag:s22] =	ssyncadd.s32 $0xFFFFFC00  }
0xdc: {  	[spmem:s1] =	stream.indirect.scatter.add.f32 [tilespmem:s26], [sflag:$0x3], $0x4, s24, s15, $0xb8;
	[tilespmem:$0x8FC8] =	vst v63  }
0xdd: {  	_ =	swait.ge [sflag:s22], $0x200  }
0xde: {  	[sflag:s22] =	ssyncset.done $0x0  }
0xdf: {  	[sflag:s22] =	ssyncadd.s32 $0xFFFFFE00  }
0xe0: {  	_ =	swait.ge [sflag:s20], $0x2000  }
.Ltmp8:
0xe1: {  	[sflag:s20] =	ssyncset.done $0x0;
	(pc) =	sbr.rel .LBB2_17-.Ltmp8, $4  }
0xe2: {  	[sflag:s20] =	ssyncadd.s32 $0xFFFFE000  }
0xe3: {  	_ =	swait.ge [sflag:s20], $0x2000  }
0xe4: {  	[sflag:s20] =	ssyncset.done $0x0  }
0xe5: {  	[sflag:s20] =	ssyncadd.s32 $0xFFFFE000  }
.LBB2_9:
0xe6: {  	s0 =	sadd.s32 $0xFFFFF64C, s31  }
0xe7: {  	p1 =	sgt.u32 s0, $0xF  }
.Ltmp9:
0xe8: {  	_ = 	snop;
	(pc) =	sbr.rel @p1 .LBB2_17-.Ltmp9, $1  }
0xe9: {  	_ =	sdelay $0x3  }
0xea: {  	s0 =	simm.s32 $0x0;
	s4 =	simm.s32 $0x8200  }
.LBB2_11:
0xeb: {  	s7 =	sshra.s32 s0, $0x2  }
0xec: {  	v1 =	vld [tilespmem:s7+$0x200]  }
0xed: {  	v2 =	vld [tilespmem:s7+$0x4200]  }
0xee: {  	v3 =	vld [tilespmem:s7+$0x210]  }
0xef: {  	v4 =	vld [tilespmem:s7+$0x4210]  }
0xf0: {  	v5 =	vld [tilespmem:s7+$0x220]  }
0xf1: {  	v6 =	vld [tilespmem:s7+$0x4220]  }
0xf2: {  	v7 =	vld [tilespmem:s7+$0x230]  }
0xf3: {  	v8 =	vld [tilespmem:s7+$0x4230]  }
0xf4: {  	v9 =	vld [tilespmem:s7+$0x240]  }
0xf5: {  	v10 =	vld [tilespmem:s7+$0x4240]  }
0xf6: {  	v11 =	vld [tilespmem:s7+$0x250]  }
0xf7: {  	v12 =	vld [tilespmem:s7+$0x4250]  }
0xf8: {  	v13 =	vld [tilespmem:s7+$0x260]  }
0xf9: {  	v14 =	vld [tilespmem:s7+$0x4260]  }
0xfa: {  	v15 =	vld [tilespmem:s7+$0x270]  }
0xfb: {  	v16 =	vld [tilespmem:s7+$0x4270]  }
0xfc: {  	v17 =	vld [tilespmem:s7+$0x280]  }
0xfd: {  	v18 =	vld [tilespmem:s7+$0x4280]  }
0xfe: {  	v19 =	vld [tilespmem:s7+$0x290]  }
0xff: {  	v20 =	vld [tilespmem:s7+$0x4290]  }
0x100: {  	v35 =	vld [tilespmem:s7+$0x42A0];
	v1 =	vmul.f32 v2, v1  }
0x101: {  	v36 =	vld [tilespmem:s7+$0x2B0];
	v3 =	vmul.f32 v4, v3  }
0x102: {  	v37 =	vld [tilespmem:s7+$0x42B0];
	(xrf2) =	vadd.scan.msk.f32 $0xffff, v1;
	v1 =	vmul.f32 v6, v5  }
0x103: {  	v38 =	vld [tilespmem:s7+$0x2C0];
	(xrf2) =	vadd.scan.msk.f32 $0xffff, v3;
	v3 =	vmul.f32 v8, v7  }
0x104: {  	v39 =	vld [tilespmem:s7+$0x42C0];
	(xrf2) =	vadd.scan.msk.f32 $0xffff, v1;
	v1 =	vmul.f32 v10, v9  }
0x105: {  	v2 =	vld [tilespmem:s7+$0x2A0];
	(xrf2) =	vadd.scan.msk.f32 $0xffff, v3;
	v3 =	vmul.f32 v12, v11  }
0x106: {  	v40 =	vld [tilespmem:s7+$0x2D0];
	(xrf2) =	vadd.scan.msk.f32 $0xffff, v1;
	v1 =	vmul.f32 v14, v13  }
0x107: {  	v41 =	vld [tilespmem:s7+$0x42D0];
	(xrf2) =	vadd.scan.msk.f32 $0xffff, v3;
	v3 =	vmul.f32 v16, v15  }
0x108: {  	v42 =	vld [tilespmem:s7+$0x2E0];
	(xrf2) =	vadd.scan.msk.f32 $0xffff, v1;
	v1 =	vmul.f32 v18, v17  }
0x109: {  	v43 =	vld [tilespmem:s7+$0x42E0];
	(xrf2) =	vadd.scan.msk.f32 $0xffff, v3;
	v3 =	vmul.f32 v20, v19  }
0x10a: {  	v45 =	vld [tilespmem:s7+$0x42F0];
	(xrf2) =	vadd.scan.msk.f32 $0xffff, v1;
	v1 =	vmul.f32 v35, v2  }
0x10b: {  	v2 =	vmul.f32 v37, v36;
	(xrf2) =	vadd.scan.msk.f32 $0xffff, v3;
	v3 =	vld [tilespmem:s7+$0x2F0]  }
0x10c: {  	v44, _, _ =	vpop (xrf2);
	(xrf2) =	vadd.scan.msk.f32 $0xffff, v1;
	v1 =	vmul.f32 v39, v38  }
0x10d: {  	v47 =	vmul.f32 v41, v40;
	v46, _, _ =	vpop (xrf2);
	(xrf2) =	vadd.scan.msk.f32 $0xffff, v2  }
0x10e: {  	v2 =	vbroadcast v44, $0xF;
	v48, _, _ =	vpop (xrf2);
	(xrf2) =	vadd.scan.msk.f32 $0xffff, v1;
	v1 =	vbroadcast v46, $0xF  }
0x10f: {  	v49 =	vmul.f32 v43, v42;
	v50, _, _ =	vpop (xrf2);
	(xrf2) =	vadd.scan.msk.f32 $0xffff, v47;
	v51 =	vbroadcast v48, $0xF  }
0x110: {  	v1 =	vsel vm0, v2, v1;
	v2 =	vbroadcast v50, $0xF;
	v52, _, _ =	vpop (xrf2);
	v3 =	vmul.f32 v45, v3  }
0x111: {  	(xrf2) =	vadd.scan.msk.f32 $0xffff, v49;
	v53, _, _ =	vpop (xrf2);
	v1 =	vsel vm1, v1, v51;
	v54 =	vbroadcast v52, $0xF  }
0x112: {  	v55, _, _ =	vpop (xrf2);
	v1 =	vsel vm2, v1, v2;
	v2 =	vbroadcast v53, $0xF  }
0x113: {  	v1 =	vsel vm3, v1, v54;
	v56 =	vbroadcast v55, $0xF;
	v57, _, _ =	vpop (xrf2)  }
0x114: {  	(xrf2) =	vadd.scan.msk.f32 $0xffff, v3;
	v3, _, _ =	vpop (xrf2);
	v1 =	vsel vm4, v1, v2;
	v2 =	vbroadcast v57, $0xF  }
0x115: {  	v58, _, _ =	vpop (xrf2);
	v1 =	vsel vm5, v1, v56;
	v3 =	vbroadcast v3, $0xF  }
0x116: {  	v59, _, _ =	vpop (xrf2);
	v1 =	vsel vm6, v1, v2;
	v2 =	vbroadcast v58, $0xF  }
0x117: {  	v60, _, _ =	vpop (xrf2);
	v1 =	vsel vm7, v1, v3;
	v3 =	vbroadcast v59, $0xF  }
0x118: {  	v61, _, _ =	vpop (xrf2);
	v1 =	vsel vm8, v1, v2;
	v2 =	vbroadcast v60, $0xF  }
0x119: {  	v62, _, _ =	vpop (xrf2);
	v1 =	vsel vm9, v1, v3  }
0x11a: {  	v3 =	vbroadcast v61, $0xF;
	v1 =	vsel vm10, v1, v2;
	v2 =	vbroadcast v62, $0xF  }
0x11b: {  	p1 =	sne.s32 s0, $0x7C00;
	v63, _, _ =	vpop (xrf2)  }
.Ltmp10:
0x11c: {  	v1 =	vsel vm11, v1, v3;
	v3 =	vbroadcast v63, $0xF;
	(pc) =	sbr.rel @p1 .LBB2_11-.Ltmp10, $4  }
0x11d: {  	v1 =	vsel vm12, v1, v2  }
0x11e: {  	v1 =	vsel vm13, v1, v3;
	v2, _, _ =	vpop (xrf2)  }
0x11f: {  	v1 =	vsel vm14, v1, v2  }
0x120: {  	s0 =	sadd.s32 $0x400, s0;
	[tilespmem:v0+s4+$0x0] =	vst.idx.msk $0xffff, v1;
	s4 =	sadd.s32 $0x20, s4  }
.Ltmp11:
0x121: {  	_ = 	snop;
	(pc) =	sbr.rel .LBB2_12-.Ltmp11, $1  }
0x122: {  	_ =	sdelay $0x3  }
.LBB2_13:
0x123: {  	s0 =	sadd.s32 $0xFFFFF65C, s31  }
0x124: {  	p1 =	sgt.u32 s0, $0xF  }
.Ltmp12:
0x125: {  	_ = 	snop;
	(pc) =	sbr.rel @p1 .LBB2_17-.Ltmp12, $1  }
0x126: {  	_ =	sdelay $0x3  }
0x127: {  	s0 =	simm.s32 $0x0;
	s4 =	simm.s32 $0x8200  }
.LBB2_15:
0x128: {  	s7 =	sshra.s32 s0, $0x2  }
0x129: {  	v1 =	vld [tilespmem:s7+$0x2200]  }
0x12a: {  	v2 =	vld [tilespmem:s7+$0x6200]  }
0x12b: {  	v3 =	vld [tilespmem:s7+$0x2210]  }
0x12c: {  	v4 =	vld [tilespmem:s7+$0x6210]  }
0x12d: {  	v5 =	vld [tilespmem:s7+$0x2220]  }
0x12e: {  	v6 =	vld [tilespmem:s7+$0x6220]  }
0x12f: {  	v7 =	vld [tilespmem:s7+$0x2230]  }
0x130: {  	v8 =	vld [tilespmem:s7+$0x6230]  }
0x131: {  	v9 =	vld [tilespmem:s7+$0x2240]  }
0x132: {  	v10 =	vld [tilespmem:s7+$0x6240]  }
0x133: {  	v11 =	vld [tilespmem:s7+$0x2250]  }
0x134: {  	v12 =	vld [tilespmem:s7+$0x6250]  }
0x135: {  	v13 =	vld [tilespmem:s7+$0x2260]  }
0x136: {  	v14 =	vld [tilespmem:s7+$0x6260]  }
0x137: {  	v15 =	vld [tilespmem:s7+$0x2270]  }
0x138: {  	v16 =	vld [tilespmem:s7+$0x6270]  }
0x139: {  	v17 =	vld [tilespmem:s7+$0x2280]  }
0x13a: {  	v18 =	vld [tilespmem:s7+$0x6280]  }
0x13b: {  	v19 =	vld [tilespmem:s7+$0x2290]  }
0x13c: {  	v20 =	vld [tilespmem:s7+$0x6290]  }
0x13d: {  	v35 =	vld [tilespmem:s7+$0x62A0];
	v1 =	vmul.f32 v2, v1  }
0x13e: {  	v36 =	vld [tilespmem:s7+$0x22B0];
	v3 =	vmul.f32 v4, v3  }
0x13f: {  	v37 =	vld [tilespmem:s7+$0x62B0];
	(xrf2) =	vadd.scan.msk.f32 $0xffff, v1;
	v1 =	vmul.f32 v6, v5  }
0x140: {  	v38 =	vld [tilespmem:s7+$0x22C0];
	(xrf2) =	vadd.scan.msk.f32 $0xffff, v3;
	v3 =	vmul.f32 v8, v7  }
0x141: {  	v39 =	vld [tilespmem:s7+$0x62C0];
	(xrf2) =	vadd.scan.msk.f32 $0xffff, v1;
	v1 =	vmul.f32 v10, v9  }
0x142: {  	v2 =	vld [tilespmem:s7+$0x22A0];
	(xrf2) =	vadd.scan.msk.f32 $0xffff, v3;
	v3 =	vmul.f32 v12, v11  }
0x143: {  	v40 =	vld [tilespmem:s7+$0x22D0];
	(xrf2) =	vadd.scan.msk.f32 $0xffff, v1;
	v1 =	vmul.f32 v14, v13  }
0x144: {  	v41 =	vld [tilespmem:s7+$0x62D0];
	(xrf2) =	vadd.scan.msk.f32 $0xffff, v3;
	v3 =	vmul.f32 v16, v15  }
0x145: {  	v42 =	vld [tilespmem:s7+$0x22E0];
	(xrf2) =	vadd.scan.msk.f32 $0xffff, v1;
	v1 =	vmul.f32 v18, v17  }
0x146: {  	v43 =	vld [tilespmem:s7+$0x62E0];
	(xrf2) =	vadd.scan.msk.f32 $0xffff, v3;
	v3 =	vmul.f32 v20, v19  }
0x147: {  	v45 =	vld [tilespmem:s7+$0x62F0];
	(xrf2) =	vadd.scan.msk.f32 $0xffff, v1;
	v1 =	vmul.f32 v35, v2  }
0x148: {  	v2 =	vmul.f32 v37, v36;
	(xrf2) =	vadd.scan.msk.f32 $0xffff, v3;
	v3 =	vld [tilespmem:s7+$0x22F0]  }
0x149: {  	v44, _, _ =	vpop (xrf2);
	(xrf2) =	vadd.scan.msk.f32 $0xffff, v1;
	v1 =	vmul.f32 v39, v38  }
0x14a: {  	v47 =	vmul.f32 v41, v40;
	v46, _, _ =	vpop (xrf2);
	(xrf2) =	vadd.scan.msk.f32 $0xffff, v2  }
0x14b: {  	v2 =	vbroadcast v44, $0xF;
	v48, _, _ =	vpop (xrf2);
	(xrf2) =	vadd.scan.msk.f32 $0xffff, v1;
	v1 =	vbroadcast v46, $0xF  }
0x14c: {  	v49 =	vmul.f32 v43, v42;
	v50, _, _ =	vpop (xrf2);
	(xrf2) =	vadd.scan.msk.f32 $0xffff, v47;
	v51 =	vbroadcast v48, $0xF  }
0x14d: {  	v1 =	vsel vm0, v2, v1;
	v2 =	vbroadcast v50, $0xF;
	v52, _, _ =	vpop (xrf2);
	v3 =	vmul.f32 v45, v3  }
0x14e: {  	(xrf2) =	vadd.scan.msk.f32 $0xffff, v49;
	v53, _, _ =	vpop (xrf2);
	v1 =	vsel vm1, v1, v51;
	v54 =	vbroadcast v52, $0xF  }
0x14f: {  	v55, _, _ =	vpop (xrf2);
	v1 =	vsel vm2, v1, v2;
	v2 =	vbroadcast v53, $0xF  }
0x150: {  	v1 =	vsel vm3, v1, v54;
	v56 =	vbroadcast v55, $0xF;
	v57, _, _ =	vpop (xrf2)  }
0x151: {  	(xrf2) =	vadd.scan.msk.f32 $0xffff, v3;
	v3, _, _ =	vpop (xrf2);
	v1 =	vsel vm4, v1, v2;
	v2 =	vbroadcast v57, $0xF  }
0x152: {  	v58, _, _ =	vpop (xrf2);
	v1 =	vsel vm5, v1, v56;
	v3 =	vbroadcast v3, $0xF  }
0x153: {  	v59, _, _ =	vpop (xrf2);
	v1 =	vsel vm6, v1, v2;
	v2 =	vbroadcast v58, $0xF  }
0x154: {  	v60, _, _ =	vpop (xrf2);
	v1 =	vsel vm7, v1, v3;
	v3 =	vbroadcast v59, $0xF  }
0x155: {  	v61, _, _ =	vpop (xrf2);
	v1 =	vsel vm8, v1, v2;
	v2 =	vbroadcast v60, $0xF  }
0x156: {  	v62, _, _ =	vpop (xrf2);
	v1 =	vsel vm9, v1, v3  }
0x157: {  	v3 =	vbroadcast v61, $0xF;
	v1 =	vsel vm10, v1, v2;
	v2 =	vbroadcast v62, $0xF  }
0x158: {  	p1 =	sne.s32 s0, $0x7C00;
	v63, _, _ =	vpop (xrf2)  }
.Ltmp13:
0x159: {  	v1 =	vsel vm11, v1, v3;
	v3 =	vbroadcast v63, $0xF;
	(pc) =	sbr.rel @p1 .LBB2_15-.Ltmp13, $4  }
0x15a: {  	v1 =	vsel vm12, v1, v2  }
0x15b: {  	v1 =	vsel vm13, v1, v3;
	v2, _, _ =	vpop (xrf2)  }
0x15c: {  	v1 =	vsel vm14, v1, v2  }
0x15d: {  	s0 =	sadd.s32 $0x400, s0;
	[tilespmem:v0+s4+$0x0] =	vst.idx.msk $0xffff, v1;
	s4 =	sadd.s32 $0x20, s4  }
0x15e: {  	s0 =	sshll.u32 s30, $0xA  }
0x15f: {  	s0 =	sadd.s32 s10, s0  }
0x160: {  	s0 =	sshrl.u32 s0, $0x3  }
0x161: {  	s0 =	sadd.s32 s6, s0  }
0x162: {  	[hbm4b:s0+s2] =	stream.linear.scatter [tilespmem:s26], [sflag:$0x3], $0x400, $0x38;
	[tilespmem:$0x8FC8] =	vst v63  }
0x163: {  	_ =	swait.ge [sflag:s22], $0x400  }
0x164: {  	[sflag:s22] =	ssyncset.done $0x0  }
.Ltmp14:
0x165: {  	[sflag:s22] =	ssyncadd.s32 $0xFFFFFC00;
	(pc) =	sbr.rel .LBB2_17-.Ltmp14, $4  }
0x166: {  	[spmem:s1] =	stream.indirect.scatter.add.f32 [tilespmem:s26], [sflag:$0x2], $0x4, s24, s15, $0xb8;
	[tilespmem:$0x8FC8] =	vst v63  }
0x167: {  	_ =	swait.ge [sflag:s17], $0x200  }
0x168: {  	[sflag:s17] =	ssyncset.done $0x0  }
0x169: {  	[sflag:s17] =	ssyncadd.s32 $0xFFFFFE00  }
.LBB2_19:
0x16a: {  	_ =	sfence.sel $0x180000  }
0x16b: {  	[bflag:$0x0] =	sbarrier.arrive $0xFFFF  }
0x16c: {  	_ =	strace $0x90000047  }
0x16d: {  	[bflag:$0x2] =	sbarrier.arrive $0xFFFF  }
0x16e: {  	s0 =	rddreg [dreg:$0x2]  }
0x16f: {  	s0 =	sadd.s32 @!p0 $0x100000, s0  }
0x170: {  	[sflag:s0] =	ssyncadd.tile.s32 @!p0 $0x1;
	_ =	shalt  }
.Lfunc_end2:
_tile_overlayer_lowered:
.L_overlay_start_2:
0x171: {  	(tag) =	ssettag $0x2  }
0x172: {  	s0 =	rddreg [dreg:$0x0];
	s2 =	stileid.u32  }
0x173: {  	s1 =	rddreg [dreg:$0x1];
	p0 =	sne.s32 s2, $0x0  }
0x174: {  	s3 =	rddreg [dreg:$0x2];
	[bflag:$0x3] =	sbarrier.arrive $0xFFFF;
	s2 =	simm.s32 @!p0 $0x1C02  }
0x175: {  	[timem:s3], [sflag:s2] =	dma.local @!p0 [hbm:s0], s1  }
0x176: {  	s0 =	simm.s32 @!p0 $0x2  }
0x177: {  	_ =	swait.ge @!p0 [sflag:s0], s1  }
0x178: {  	s1 =	ssub.s32 @!p0 $0x0, s1;
	[sflag:s0] =	ssyncset.done @!p0 $0x0  }
0x179: {  	[sflag:s0] =	ssyncadd.s32 @!p0 s1  }
0x17a: {  	[bflag:$0x3] =	sbarrier.arrive $0xFFFF  }
0x17b: {  	_ =	shalt  }

</sc_bundles>
